<compile_context>
chip_gen: v7x
topology: tpu7x:2x2x1
jax: 0.10.2.dev20260603
libtpu: 0.0.44.dev20260713+nightly
codegen_flags: <defaults>
</compile_context>

<pallas_src>
import functools

import jax
import jax.numpy as jnp
from jax import lax
from jax.experimental import pallas as pl
from jax.experimental.pallas import tpu as pltpu
from jax.experimental.pallas import tpu_sc as plsc

_NC = 2
_NS = 16
_NW = _NC * _NS
_L = 16
_BLK = 256


def _make_dispatch(N, DIN, Nk, K):
    TPT = N // _NW
    QT = TPT * K
    mesh = plsc.VectorSubcoreMesh(
        core_axis_name="c", subcore_axis_name="s",
        num_cores=_NC, num_subcores=_NS)

    @functools.partial(
        pl.kernel,
        out_type=(jax.ShapeDtypeStruct((Nk, DIN), jnp.float32),
                  jax.ShapeDtypeStruct((Nk,), jnp.int32)),
        mesh=mesh,
        compiler_params=pltpu.CompilerParams(needs_layout_passes=False),
        scratch_types=[
            pltpu.VMEM((Nk,), jnp.int32),
            pltpu.VMEM((K, TPT), jnp.int32),
            pltpu.VMEM((TPT, DIN), jnp.float32),
            pltpu.SemaphoreType.DMA,
        ],
    )
    def dispatch(ssi_hbm, inp_hbm, x_hbm, pos_hbm, ssi_v, r_v, rows_v, sem):
        wid = lax.axis_index("s") * _NC + lax.axis_index("c")
        tb0 = wid * TPT
        qlo = wid * QT
        rd = pltpu.async_copy(inp_hbm.at[pl.ds(tb0, TPT), :], rows_v, sem)
        pltpu.sync_copy(ssi_hbm, ssi_v)

        @pl.loop(0, Nk // _L, unroll=4)
        def _(j):
            rr = j * _L + lax.iota(jnp.int32, _L)
            qv = ssi_v[pl.ds(j * _L, _L)]
            lq = qv - qlo
            m = (lq >= 0) & (lq < QT)
            lqs = jnp.where(m, lq, 0)
            plsc.store_scatter(r_v, [lqs % K, lqs // K], rr, mask=m)

        ps_ = [pltpu.async_copy(r_v.at[s], pos_hbm.at[pl.ds(s * N + tb0, TPT)],
                                sem)
               for s in range(K)]
        rd.wait()
        ds_ = [pltpu.async_copy(rows_v, x_hbm.at[r_v.at[s]], sem)
               for s in range(K)]
        for d in ps_ + ds_:
            d.wait()

    return dispatch


def _make_matmul(T, DIN, DOUT, Nk):
    def body(meta_ref, x_ref, w_ref, y_ref):
        i = pl.program_id(0)
        lo = meta_ref[2, i]
        hi = meta_ref[3, i]
        rows = lax.broadcasted_iota(jnp.int32, (_BLK, 1), 0)
        xm = jnp.where((rows >= lo) & (rows < hi), x_ref[...], 0.0)
        contrib = jnp.dot(xm, w_ref[0], preferred_element_type=jnp.float32)
        is_init = jnp.logical_or(
            i == 0, meta_ref[0, i] != meta_ref[0, jnp.maximum(i - 1, 0)])

        @pl.when(is_init)
        def _():
            y_ref[...] = contrib

        @pl.when(jnp.logical_not(is_init))
        def _():
            y_ref[...] = y_ref[...] + contrib

    grid_spec = pltpu.PrefetchScalarGridSpec(
        num_scalar_prefetch=1,
        grid=(T,),
        in_specs=[
            pl.BlockSpec((_BLK, DIN), lambda i, meta: (meta[0, i], 0)),
            pl.BlockSpec((1, DIN, DOUT), lambda i, meta: (meta[1, i], 0, 0)),
        ],
        out_specs=pl.BlockSpec((_BLK, DOUT), lambda i, meta: (meta[0, i], 0)),
    )
    return pl.pallas_call(
        body, grid_spec=grid_spec,
        out_shape=jax.ShapeDtypeStruct((Nk, DOUT), jnp.float32))


def _make_combine(N, DOUT, K):
    TPT = N // _NW
    TCK = 16
    n_chunk = TPT // TCK
    QC = TCK * K
    QT = TPT * K
    mesh = plsc.VectorSubcoreMesh(
        core_axis_name="c", subcore_axis_name="s",
        num_cores=_NC, num_subcores=_NS)

    @functools.partial(
        pl.kernel,
        out_type=jax.ShapeDtypeStruct((N, DOUT), jnp.float32),
        mesh=mesh,
        compiler_params=pltpu.CompilerParams(needs_layout_passes=False),
        scratch_types=[
            [pltpu.VMEM((QC,), jnp.int32) for _ in range(3)],
            pltpu.VMEM((QT,), jnp.float32),
            [pltpu.VMEM((QC, DOUT), jnp.float32) for _ in range(3)],
            [pltpu.VMEM((TCK, DOUT), jnp.float32) for _ in range(2)],
            pltpu.SemaphoreType.DMA,
            pltpu.SemaphoreType.DMA,
        ],
    )
    def combine(pos_hbm, gates_hbm, y_hbm, out_hbm,
                idx_vs, g_v, y_vs, o_vs, gsem, ssem):
        wid = lax.axis_index("s") * _NC + lax.axis_index("c")
        tb0 = wid * TPT
        qlo = wid * QT
        pltpu.sync_copy(gates_hbm.at[pl.ds(qlo, QT)], g_v)

        def fill_idx(c):
            for s in range(K):
                pltpu.sync_copy(
                    pos_hbm.at[pl.ds(s * N + tb0 + c * TCK, TCK)],
                    idx_vs[c % 3].at[pl.ds(s * TCK, TCK)])

        gd = [None] * n_chunk
        sd = [None] * n_chunk
        for c in range(min(2, n_chunk)):
            fill_idx(c)
            gd[c] = pltpu.async_copy(y_hbm.at[idx_vs[c % 3]], y_vs[c % 3],
                                     gsem)
        for c in range(n_chunk):
            if c + 2 < n_chunk:
                fill_idx(c + 2)
                gd[c + 2] = pltpu.async_copy(
                    y_hbm.at[idx_vs[(c + 2) % 3]], y_vs[(c + 2) % 3], gsem)
            if c >= 2:
                sd[c - 2].wait()
            gd[c].wait()
            ov = o_vs[c % 2]
            yv = y_vs[c % 3]

            @pl.loop(0, TCK)
            def _(t):
                gb = []
                for s in range(K):
                    gb.append(plsc.load_gather(
                        g_v, [jnp.full((_L,), (c * TCK + t) * K + s,
                                       jnp.int32)]))
                for lg in range(DOUT // _L):
                    sl = pl.ds(lg * _L, _L)
                    acc = jnp.zeros((_L,), jnp.float32)
                    for s in range(K):
                        acc = acc + gb[s] * yv[s * TCK + t, sl]
                    ov[t, sl] = acc

            sd[c] = pltpu.async_copy(
                ov, out_hbm.at[pl.ds(tb0 + c * TCK, TCK), :], ssem)
        for c in range(max(0, n_chunk - 2), n_chunk):
            sd[c].wait()

    return combine


def kernel(input, weight, k, sorted_expert_indices, sorted_scattered_indices,
           expert_offsets, gates):
    del sorted_expert_indices, k
    N, DIN = input.shape
    E, _, DOUT = weight.shape
    Nk = sorted_scattered_indices.shape[0]
    K = Nk // N
    NB = Nk // _BLK
    T = NB + E - 1

    gend = expert_offsets.astype(jnp.int32)
    gstart = jnp.concatenate([jnp.zeros((1,), jnp.int32), gend[:-1]])
    bidx = jnp.arange(NB, dtype=jnp.int32)
    e_first = jnp.searchsorted(gend, bidx * _BLK, side="right").astype(jnp.int32)
    e_last = jnp.searchsorted(gend, (bidx + 1) * _BLK - 1,
                              side="right").astype(jnp.int32)
    nt = e_last - e_first + 1
    cnt = jnp.cumsum(nt).astype(jnp.int32)
    tidx = jnp.arange(T, dtype=jnp.int32)
    valid = tidx < cnt[-1]
    b_i = jnp.minimum(jnp.searchsorted(cnt, tidx, side="right"),
                      NB - 1).astype(jnp.int32)
    e_i = jnp.clip(e_first[b_i] + tidx - (cnt[b_i] - nt[b_i]), 0, E - 1)
    lo_i = jnp.clip(jnp.maximum(gstart[e_i], b_i * _BLK) - b_i * _BLK,
                    0, _BLK)
    hi_i = jnp.clip(jnp.minimum(gend[e_i], (b_i + 1) * _BLK) - b_i * _BLK,
                    0, _BLK)
    lo_i = jnp.where(valid, lo_i, 0)
    hi_i = jnp.where(valid, hi_i, 0)
    meta = jnp.stack([b_i, e_i, lo_i, hi_i]).astype(jnp.int32)

    ssi = sorted_scattered_indices.astype(jnp.int32)
    gates_flat = gates.reshape(-1).astype(jnp.float32)

    x_sorted, pos = _make_dispatch(N, DIN, Nk, K)(ssi, input)
    y = _make_matmul(T, DIN, DOUT, Nk)(meta, x_sorted, weight)
    out = _make_combine(N, DOUT, K)(pos, gates_flat, y)
    return out

# --- scband reference (transcript-rebuilt; emitter-appended) ---
"""Pipeline reference for scband-expert-linear-50002009260704 (READ-ONLY COPY).

The authoritative reference and input builder live on the scoring server;
editing this copy changes nothing except your own understanding.
"""

import jax, jax.numpy as jnp
import numpy as np

N = 2048
K = 2
E = 8
DIN = 768
DOUT = 768


def setup_inputs(seed: int = 0) -> dict:
    key = jax.random.key(seed)
    k0, k1, k2, k3 = jax.random.split(key, 4)
    Nk = N * K
    inp = jax.random.normal(k0, (N, DIN), dtype=jnp.float32)
    # each (token, slot) pair gets a random expert; sort by expert like scattermoe
    expert_ids = jax.random.randint(k1, (Nk,), 0, E, dtype=jnp.int32)
    sorted_expert_indices = jnp.sort(expert_ids)
    sorted_scattered_indices = jnp.argsort(expert_ids).astype(jnp.int32)
    expert_offsets = jnp.cumsum(jnp.bincount(expert_ids, length=E)).astype(jnp.int32)
    gates = jax.random.uniform(k2, (N, K), dtype=jnp.float32)
    weight = jax.random.normal(k3, (E, DIN, DOUT), dtype=jnp.float32) * (DIN ** -0.5)
    return {
        "input": inp,
        "weight": weight,
        "k": K,
        "sorted_expert_indices": sorted_expert_indices,
        "sorted_scattered_indices": sorted_scattered_indices,
        "expert_offsets": expert_offsets,
        "gates": gates,
    }


def reference(input, weight, k, sorted_expert_indices, sorted_scattered_indices, expert_offsets, gates):
    # scattered_experts with grouped_in=False, grouped_out=False, gates given:
    # 1) gather input rows in expert-sorted order (token id = scattered_idx // k)
    # 2) per-row matmul with the assigned expert's weight
    # 3) combine back to token order with gate weights (scatter-add)
    Nk = sorted_expert_indices.shape[0]
    token_idx = sorted_scattered_indices // k          # [Nk]
    x = jnp.take(input, token_idx, axis=0)             # [Nk, DIN] gather
    # compute every expert's projection, then select per-row assigned expert
    ys = jnp.einsum("ni,eio->eno", x, weight)          # [E, Nk, DOUT]
    y_sorted = ys[sorted_expert_indices, jnp.arange(Nk)]  # [Nk, DOUT]
    g = jnp.take(gates.reshape(-1), sorted_scattered_indices)  # [Nk]
    out = jnp.zeros((input.shape[0], weight.shape[2]), dtype=input.dtype)
    out = out.at[token_idx].add(g[:, None] * y_sorted)  # scatter-add combine
    return out

if __name__ == "__main__":
    import jax
    _d = setup_inputs()
    print(jax.jit(kernel)(*tuple(_d.values())))

</pallas_src>

<mosaic_0001>
#map = affine_map<(d0, d1) -> (0)>
#map1 = affine_map<(d0, d1) -> (0, 0)>
module attributes {stable_mosaic.version = 14 : i64} {
  func.func @dispatch(%arg0: i32, %arg1: i32, %arg2: memref<4096xi32, #tpu.memory_space<hbm>>, %arg3: memref<2048x768xf32, #tpu.memory_space<hbm>>, %arg4: memref<4096x768xf32, #tpu.memory_space<hbm>>, %arg5: memref<4096xi32, #tpu.memory_space<hbm>>, %arg6: memref<4096xi32, #tpu.memory_space<vmem>>, %arg7: memref<2x64xi32, #tpu.memory_space<vmem>>, %arg8: memref<64x768xf32, #tpu.memory_space<vmem>>, %arg9: memref<!tpu.dma_semaphore, #tpu.memory_space<semaphore_mem>>) attributes {dimension_semantics = [#tpu.dimension_semantics<core_parallel>, #tpu.dimension_semantics<subcore_parallel>], iteration_bounds = array<i64: 2, 16>, scalar_prefetch = 0 : i64, scratch_operands = 4 : i64, tpu.core_type = #tpu.core_type<sc_vector_subcore>, window_params = [{transform_indices = #map}, {transform_indices = #map1}, {transform_indices = #map1}, {transform_indices = #map}]} {
    %mul3A = arith.constant 2 : i32
    %mul3A_0 = arith.muli %arg1, %mul3A : i32
    %add3A = arith.addi %mul3A_0, %arg0 : i32
    %mul3A_1 = arith.constant 64 : i32
    %mul3A_2 = arith.muli %add3A, %mul3A_1 : i32
    %mul3A_3 = arith.constant 128 : i32
    %mul3A_4 = arith.muli %add3A, %mul3A_3 : i32
    %dma_start3A = arith.constant 0 : i32
    %dma_start3A_5 = tpu.memref_slice %arg3[%mul3A_2, %dma_start3A] : memref<2048x768xf32, #tpu.memory_space<hbm>> -> memref<64x768xf32, #tpu.memory_space<hbm>>
    %dma_start3A_6 = arith.constant 0 : i32
    %dma_start3A_7 = tpu.memref_slice %arg3[%mul3A_2, %dma_start3A_6] : memref<2048x768xf32, #tpu.memory_space<hbm>> -> memref<64x768xf32, #tpu.memory_space<hbm>>
    tpu.enqueue_dma source(%dma_start3A_7 : memref<64x768xf32, #tpu.memory_space<hbm>>) target(%arg8 : memref<64x768xf32, #tpu.memory_space<vmem>>) target_semaphore(%arg9 : memref<!tpu.dma_semaphore, #tpu.memory_space<semaphore_mem>>)
    "tpu.region"() ({
      %run_scoped3A = tpu.sem_alloc : memref<!tpu.dma_semaphore, #tpu.memory_space<semaphore_mem>>
      tpu.enqueue_dma source(%arg2 : memref<4096xi32, #tpu.memory_space<hbm>>) target(%arg6 : memref<4096xi32, #tpu.memory_space<vmem>>) target_semaphore(%run_scoped3A : memref<!tpu.dma_semaphore, #tpu.memory_space<semaphore_mem>>)
      tpu.wait_dma2 semaphore(%run_scoped3A : memref<!tpu.dma_semaphore, #tpu.memory_space<semaphore_mem>>) src(%arg2 : memref<4096xi32, #tpu.memory_space<hbm>>) dst(%arg6 : memref<4096xi32, #tpu.memory_space<vmem>>)
      tpu.yield
    }) : () -> ()
    %scan3A = arith.constant 0 : i32
    %scan3A_8 = arith.constant 256 : i32
    %scan3A_9 = arith.addi %scan3A, %scan3A_8 : i32
    %scan3A_10 = arith.constant 4 : i32
    scf.for %scan3A_83 = %scan3A to %scan3A_9 step %scan3A_10  : i32 {
      %mul3A_84 = arith.constant 1 : i32
      %mul3A_85 = arith.muli %scan3A_83, %mul3A_84 : i32
      %add3A_86 = arith.constant 0 : i32
      %add3A_87 = arith.addi %add3A_86, %mul3A_85 : i32
      %mul3A_88 = arith.constant 16 : i32
      %mul3A_89 = arith.muli %add3A_87, %mul3A_88 : i32
      %iota3A = tpu.iota {dimensions = array<i32: 0>} : vector<16xi32>
      %add3A_90 = vector.broadcast %mul3A_89 : i32 to vector<16xi32>
      %add3A_91 = arith.addi %add3A_90, %iota3A : vector<16xi32>
      %mul3A_92 = arith.constant 16 : i32
      %mul3A_93 = arith.muli %add3A_87, %mul3A_92 : i32
      %get3A = arith.index_cast %mul3A_93 : i32 to index
      %get3A_94 = tpu.vector_load %arg6[%get3A] {strides = array<i32>} : memref<4096xi32, #tpu.memory_space<vmem>>, vector<16xi32>,
      %sub3A = vector.broadcast %mul3A_4 : i32 to vector<16xi32>
      %sub3A_95 = arith.subi %get3A_94, %sub3A : vector<16xi32>
      %ge3A = arith.constant 0 : i32
      %ge3A_96 = vector.broadcast %ge3A : i32 to vector<16xi32>
      %ge3A_97 = arith.cmpi sge, %sub3A_95, %ge3A_96 : vector<16xi32>
      %lt3A = arith.constant 128 : i32
      %lt3A_98 = vector.broadcast %lt3A : i32 to vector<16xi32>
      %lt3A_99 = arith.cmpi slt, %sub3A_95, %lt3A_98 : vector<16xi32>
      %and3A = arith.andi %ge3A_97, %lt3A_99 : vector<16xi1>
      %jit3A = arith.constant 0 : i32
      %broadcast_in_dim3A = vector.broadcast %jit3A : i32 to vector<16xi32>
      %select_n3A = arith.select %and3A, %sub3A_95, %broadcast_in_dim3A : vector<16xi1>, vector<16xi32>
      %jit3A_100 = arith.constant 2 : i32
      %eq3A = arith.constant 0 : i32
      %eq3A_101 = arith.cmpi eq, %jit3A_100, %eq3A : i32
      %jit3A_102 = arith.constant 1 : i32
      %select_n3A_103 = arith.select %eq3A_101, %jit3A_102, %jit3A_100 : i32
      %rem3A = vector.broadcast %select_n3A_103 : i32 to vector<16xi32>
      %rem3A_104 = arith.remsi %select_n3A, %rem3A : vector<16xi32>
      %ne3A = arith.constant 0 : i32
      %ne3A_105 = vector.broadcast %ne3A : i32 to vector<16xi32>
      %ne3A_106 = arith.cmpi ne, %rem3A_104, %ne3A_105 : vector<16xi32>
      %lt3A_107 = arith.constant 0 : i32
      %lt3A_108 = vector.broadcast %lt3A_107 : i32 to vector<16xi32>
      %lt3A_109 = arith.cmpi slt, %rem3A_104, %lt3A_108 : vector<16xi32>
      %lt3A_110 = arith.constant 0 : i32
      %lt3A_111 = arith.cmpi slt, %select_n3A_103, %lt3A_110 : i32
      %ne3A_112 = vector.broadcast %lt3A_111 : i1 to vector<16xi1>
      %ne3A_113 = vector.broadcast %ne3A_112 : vector<16xi1> to vector<16xi1>
      %ne3A_114 = arith.xori %lt3A_109, %ne3A_113 : vector<16xi1>
      %and3A_115 = arith.andi %ne3A_114, %ne3A_106 : vector<16xi1>
      %add3A_116 = vector.broadcast %select_n3A_103 : i32 to vector<16xi32>
      %add3A_117 = arith.addi %rem3A_104, %add3A_116 : vector<16xi32>
      %select_n3A_118 = arith.select %and3A_115, %add3A_117, %rem3A_104 : vector<16xi1>, vector<16xi32>
      %jit3A_119 = arith.constant 2 : i32
      %div3A = vector.broadcast %jit3A_119 : i32 to vector<16xi32>
      %div3A_120 = arith.divsi %select_n3A, %div3A : vector<16xi32>
      %sign3A = arith.constant 0 : i32
      %sign3A_121 = vector.broadcast %sign3A : i32 to vector<16xi32>
      %sign3A_122 = arith.cmpi sgt, %select_n3A, %sign3A_121 : vector<16xi32>
      %sign3A_123 = arith.extui %sign3A_122 : vector<16xi1> to vector<16xi32>
      %sign3A_124 = arith.constant 0 : i32
      %sign3A_125 = vector.broadcast %sign3A_124 : i32 to vector<16xi32>
      %sign3A_126 = arith.cmpi slt, %select_n3A, %sign3A_125 : vector<16xi32>
      %sign3A_127 = arith.extui %sign3A_126 : vector<16xi1> to vector<16xi32>
      %sign3A_128 = arith.subi %sign3A_123, %sign3A_127 : vector<16xi32>
      %sign3A_129 = arith.constant 0 : i32
      %sign3A_130 = arith.cmpi sgt, %jit3A_119, %sign3A_129 : i32
      %sign3A_131 = arith.extui %sign3A_130 : i1 to i32
      %sign3A_132 = arith.constant 0 : i32
      %sign3A_133 = arith.cmpi slt, %jit3A_119, %sign3A_132 : i32
      %sign3A_134 = arith.extui %sign3A_133 : i1 to i32
      %sign3A_135 = arith.subi %sign3A_131, %sign3A_134 : i32
      %ne3A_136 = vector.broadcast %sign3A_135 : i32 to vector<16xi32>
      %ne3A_137 = arith.cmpi ne, %sign3A_128, %ne3A_136 : vector<16xi32>
      %rem3A_138 = vector.broadcast %jit3A_119 : i32 to vector<16xi32>
      %rem3A_139 = arith.remsi %select_n3A, %rem3A_138 : vector<16xi32>
      %ne3A_140 = arith.constant 0 : i32
      %ne3A_141 = vector.broadcast %ne3A_140 : i32 to vector<16xi32>
      %ne3A_142 = arith.cmpi ne, %rem3A_139, %ne3A_141 : vector<16xi32>
      %and3A_143 = arith.andi %ne3A_137, %ne3A_142 : vector<16xi1>
      %sub3A_144 = arith.constant 1 : i32
      %sub3A_145 = vector.broadcast %sub3A_144 : i32 to vector<16xi32>
      %sub3A_146 = arith.subi %div3A_120, %sub3A_145 : vector<16xi32>
      %select_n3A_147 = arith.select %and3A_143, %sub3A_146, %div3A_120 : vector<16xi1>, vector<16xi32>
      tpu.vector_store_idx %arg7[%select_n3A_118, %select_n3A_147], %add3A_91 masked %and3A : memref<2x64xi32, #tpu.memory_space<vmem>>[vector<16xi32>, vector<16xi32>], vector<16xi32>, vector<16xi1>
      %scan3A_148 = arith.constant 1 : i32
      %scan3A_149 = arith.addi %scan3A_83, %scan3A_148 : i32
      %mul3A_150 = arith.constant 1 : i32
      %mul3A_151 = arith.muli %scan3A_149, %mul3A_150 : i32
      %add3A_152 = arith.constant 0 : i32
      %add3A_153 = arith.addi %add3A_152, %mul3A_151 : i32
      %mul3A_154 = arith.constant 16 : i32
      %mul3A_155 = arith.muli %add3A_153, %mul3A_154 : i32
      %iota3A_156 = tpu.iota {dimensions = array<i32: 0>} : vector<16xi32>
      %add3A_157 = vector.broadcast %mul3A_155 : i32 to vector<16xi32>
      %add3A_158 = arith.addi %add3A_157, %iota3A_156 : vector<16xi32>
      %mul3A_159 = arith.constant 16 : i32
      %mul3A_160 = arith.muli %add3A_153, %mul3A_159 : i32
      %get3A_161 = arith.index_cast %mul3A_160 : i32 to index
      %get3A_162 = tpu.vector_load %arg6[%get3A_161] {strides = array<i32>} : memref<4096xi32, #tpu.memory_space<vmem>>, vector<16xi32>,
      %sub3A_163 = vector.broadcast %mul3A_4 : i32 to vector<16xi32>
      %sub3A_164 = arith.subi %get3A_162, %sub3A_163 : vector<16xi32>
      %ge3A_165 = arith.constant 0 : i32
      %ge3A_166 = vector.broadcast %ge3A_165 : i32 to vector<16xi32>
      %ge3A_167 = arith.cmpi sge, %sub3A_164, %ge3A_166 : vector<16xi32>
      %lt3A_168 = arith.constant 128 : i32
      %lt3A_169 = vector.broadcast %lt3A_168 : i32 to vector<16xi32>
      %lt3A_170 = arith.cmpi slt, %sub3A_164, %lt3A_169 : vector<16xi32>
      %and3A_171 = arith.andi %ge3A_167, %lt3A_170 : vector<16xi1>
      %jit3A_172 = arith.constant 0 : i32
      %broadcast_in_dim3A_173 = vector.broadcast %jit3A_172 : i32 to vector<16xi32>
      %select_n3A_174 = arith.select %and3A_171, %sub3A_164, %broadcast_in_dim3A_173 : vector<16xi1>, vector<16xi32>
      %jit3A_175 = arith.constant 2 : i32
      %eq3A_176 = arith.constant 0 : i32
      %eq3A_177 = arith.cmpi eq, %jit3A_175, %eq3A_176 : i32
      %jit3A_178 = arith.constant 1 : i32
      %select_n3A_179 = arith.select %eq3A_177, %jit3A_178, %jit3A_175 : i32
      %rem3A_180 = vector.broadcast %select_n3A_179 : i32 to vector<16xi32>
      %rem3A_181 = arith.remsi %select_n3A_174, %rem3A_180 : vector<16xi32>
      %ne3A_182 = arith.constant 0 : i32
      %ne3A_183 = vector.broadcast %ne3A_182 : i32 to vector<16xi32>
      %ne3A_184 = arith.cmpi ne, %rem3A_181, %ne3A_183 : vector<16xi32>
      %lt3A_185 = arith.constant 0 : i32
      %lt3A_186 = vector.broadcast %lt3A_185 : i32 to vector<16xi32>
      %lt3A_187 = arith.cmpi slt, %rem3A_181, %lt3A_186 : vector<16xi32>
      %lt3A_188 = arith.constant 0 : i32
      %lt3A_189 = arith.cmpi slt, %select_n3A_179, %lt3A_188 : i32
      %ne3A_190 = vector.broadcast %lt3A_189 : i1 to vector<16xi1>
      %ne3A_191 = vector.broadcast %ne3A_190 : vector<16xi1> to vector<16xi1>
      %ne3A_192 = arith.xori %lt3A_187, %ne3A_191 : vector<16xi1>
      %and3A_193 = arith.andi %ne3A_192, %ne3A_184 : vector<16xi1>
      %add3A_194 = vector.broadcast %select_n3A_179 : i32 to vector<16xi32>
      %add3A_195 = arith.addi %rem3A_181, %add3A_194 : vector<16xi32>
      %select_n3A_196 = arith.select %and3A_193, %add3A_195, %rem3A_181 : vector<16xi1>, vector<16xi32>
      %jit3A_197 = arith.constant 2 : i32
      %div3A_198 = vector.broadcast %jit3A_197 : i32 to vector<16xi32>
      %div3A_199 = arith.divsi %select_n3A_174, %div3A_198 : vector<16xi32>
      %sign3A_200 = arith.constant 0 : i32
      %sign3A_201 = vector.broadcast %sign3A_200 : i32 to vector<16xi32>
      %sign3A_202 = arith.cmpi sgt, %select_n3A_174, %sign3A_201 : vector<16xi32>
      %sign3A_203 = arith.extui %sign3A_202 : vector<16xi1> to vector<16xi32>
      %sign3A_204 = arith.constant 0 : i32
      %sign3A_205 = vector.broadcast %sign3A_204 : i32 to vector<16xi32>
      %sign3A_206 = arith.cmpi slt, %select_n3A_174, %sign3A_205 : vector<16xi32>
      %sign3A_207 = arith.extui %sign3A_206 : vector<16xi1> to vector<16xi32>
      %sign3A_208 = arith.subi %sign3A_203, %sign3A_207 : vector<16xi32>
      %sign3A_209 = arith.constant 0 : i32
      %sign3A_210 = arith.cmpi sgt, %jit3A_197, %sign3A_209 : i32
      %sign3A_211 = arith.extui %sign3A_210 : i1 to i32
      %sign3A_212 = arith.constant 0 : i32
      %sign3A_213 = arith.cmpi slt, %jit3A_197, %sign3A_212 : i32
      %sign3A_214 = arith.extui %sign3A_213 : i1 to i32
      %sign3A_215 = arith.subi %sign3A_211, %sign3A_214 : i32
      %ne3A_216 = vector.broadcast %sign3A_215 : i32 to vector<16xi32>
      %ne3A_217 = arith.cmpi ne, %sign3A_208, %ne3A_216 : vector<16xi32>
      %rem3A_218 = vector.broadcast %jit3A_197 : i32 to vector<16xi32>
      %rem3A_219 = arith.remsi %select_n3A_174, %rem3A_218 : vector<16xi32>
      %ne3A_220 = arith.constant 0 : i32
      %ne3A_221 = vector.broadcast %ne3A_220 : i32 to vector<16xi32>
      %ne3A_222 = arith.cmpi ne, %rem3A_219, %ne3A_221 : vector<16xi32>
      %and3A_223 = arith.andi %ne3A_217, %ne3A_222 : vector<16xi1>
      %sub3A_224 = arith.constant 1 : i32
      %sub3A_225 = vector.broadcast %sub3A_224 : i32 to vector<16xi32>
      %sub3A_226 = arith.subi %div3A_199, %sub3A_225 : vector<16xi32>
      %select_n3A_227 = arith.select %and3A_223, %sub3A_226, %div3A_199 : vector<16xi1>, vector<16xi32>
      tpu.vector_store_idx %arg7[%select_n3A_196, %select_n3A_227], %add3A_158 masked %and3A_171 : memref<2x64xi32, #tpu.memory_space<vmem>>[vector<16xi32>, vector<16xi32>], vector<16xi32>, vector<16xi1>
      %scan3A_228 = arith.constant 2 : i32
      %scan3A_229 = arith.addi %scan3A_83, %scan3A_228 : i32
      %mul3A_230 = arith.constant 1 : i32
      %mul3A_231 = arith.muli %scan3A_229, %mul3A_230 : i32
      %add3A_232 = arith.constant 0 : i32
      %add3A_233 = arith.addi %add3A_232, %mul3A_231 : i32
      %mul3A_234 = arith.constant 16 : i32
      %mul3A_235 = arith.muli %add3A_233, %mul3A_234 : i32
      %iota3A_236 = tpu.iota {dimensions = array<i32: 0>} : vector<16xi32>
      %add3A_237 = vector.broadcast %mul3A_235 : i32 to vector<16xi32>
      %add3A_238 = arith.addi %add3A_237, %iota3A_236 : vector<16xi32>
      %mul3A_239 = arith.constant 16 : i32
      %mul3A_240 = arith.muli %add3A_233, %mul3A_239 : i32
      %get3A_241 = arith.index_cast %mul3A_240 : i32 to index
      %get3A_242 = tpu.vector_load %arg6[%get3A_241] {strides = array<i32>} : memref<4096xi32, #tpu.memory_space<vmem>>, vector<16xi32>,
      %sub3A_243 = vector.broadcast %mul3A_4 : i32 to vector<16xi32>
      %sub3A_244 = arith.subi %get3A_242, %sub3A_243 : vector<16xi32>
      %ge3A_245 = arith.constant 0 : i32
      %ge3A_246 = vector.broadcast %ge3A_245 : i32 to vector<16xi32>
      %ge3A_247 = arith.cmpi sge, %sub3A_244, %ge3A_246 : vector<16xi32>
      %lt3A_248 = arith.constant 128 : i32
      %lt3A_249 = vector.broadcast %lt3A_248 : i32 to vector<16xi32>
      %lt3A_250 = arith.cmpi slt, %sub3A_244, %lt3A_249 : vector<16xi32>
      %and3A_251 = arith.andi %ge3A_247, %lt3A_250 : vector<16xi1>
      %jit3A_252 = arith.constant 0 : i32
      %broadcast_in_dim3A_253 = vector.broadcast %jit3A_252 : i32 to vector<16xi32>
      %select_n3A_254 = arith.select %and3A_251, %sub3A_244, %broadcast_in_dim3A_253 : vector<16xi1>, vector<16xi32>
      %jit3A_255 = arith.constant 2 : i32
      %eq3A_256 = arith.constant 0 : i32
      %eq3A_257 = arith.cmpi eq, %jit3A_255, %eq3A_256 : i32
      %jit3A_258 = arith.constant 1 : i32
      %select_n3A_259 = arith.select %eq3A_257, %jit3A_258, %jit3A_255 : i32
      %rem3A_260 = vector.broadcast %select_n3A_259 : i32 to vector<16xi32>
      %rem3A_261 = arith.remsi %select_n3A_254, %rem3A_260 : vector<16xi32>
      %ne3A_262 = arith.constant 0 : i32
      %ne3A_263 = vector.broadcast %ne3A_262 : i32 to vector<16xi32>
      %ne3A_264 = arith.cmpi ne, %rem3A_261, %ne3A_263 : vector<16xi32>
      %lt3A_265 = arith.constant 0 : i32
      %lt3A_266 = vector.broadcast %lt3A_265 : i32 to vector<16xi32>
      %lt3A_267 = arith.cmpi slt, %rem3A_261, %lt3A_266 : vector<16xi32>
      %lt3A_268 = arith.constant 0 : i32
      %lt3A_269 = arith.cmpi slt, %select_n3A_259, %lt3A_268 : i32
      %ne3A_270 = vector.broadcast %lt3A_269 : i1 to vector<16xi1>
      %ne3A_271 = vector.broadcast %ne3A_270 : vector<16xi1> to vector<16xi1>
      %ne3A_272 = arith.xori %lt3A_267, %ne3A_271 : vector<16xi1>
      %and3A_273 = arith.andi %ne3A_272, %ne3A_264 : vector<16xi1>
      %add3A_274 = vector.broadcast %select_n3A_259 : i32 to vector<16xi32>
      %add3A_275 = arith.addi %rem3A_261, %add3A_274 : vector<16xi32>
      %select_n3A_276 = arith.select %and3A_273, %add3A_275, %rem3A_261 : vector<16xi1>, vector<16xi32>
      %jit3A_277 = arith.constant 2 : i32
      %div3A_278 = vector.broadcast %jit3A_277 : i32 to vector<16xi32>
      %div3A_279 = arith.divsi %select_n3A_254, %div3A_278 : vector<16xi32>
      %sign3A_280 = arith.constant 0 : i32
      %sign3A_281 = vector.broadcast %sign3A_280 : i32 to vector<16xi32>
      %sign3A_282 = arith.cmpi sgt, %select_n3A_254, %sign3A_281 : vector<16xi32>
      %sign3A_283 = arith.extui %sign3A_282 : vector<16xi1> to vector<16xi32>
      %sign3A_284 = arith.constant 0 : i32
      %sign3A_285 = vector.broadcast %sign3A_284 : i32 to vector<16xi32>
      %sign3A_286 = arith.cmpi slt, %select_n3A_254, %sign3A_285 : vector<16xi32>
      %sign3A_287 = arith.extui %sign3A_286 : vector<16xi1> to vector<16xi32>
      %sign3A_288 = arith.subi %sign3A_283, %sign3A_287 : vector<16xi32>
      %sign3A_289 = arith.constant 0 : i32
      %sign3A_290 = arith.cmpi sgt, %jit3A_277, %sign3A_289 : i32
      %sign3A_291 = arith.extui %sign3A_290 : i1 to i32
      %sign3A_292 = arith.constant 0 : i32
      %sign3A_293 = arith.cmpi slt, %jit3A_277, %sign3A_292 : i32
      %sign3A_294 = arith.extui %sign3A_293 : i1 to i32
      %sign3A_295 = arith.subi %sign3A_291, %sign3A_294 : i32
      %ne3A_296 = vector.broadcast %sign3A_295 : i32 to vector<16xi32>
      %ne3A_297 = arith.cmpi ne, %sign3A_288, %ne3A_296 : vector<16xi32>
      %rem3A_298 = vector.broadcast %jit3A_277 : i32 to vector<16xi32>
      %rem3A_299 = arith.remsi %select_n3A_254, %rem3A_298 : vector<16xi32>
      %ne3A_300 = arith.constant 0 : i32
      %ne3A_301 = vector.broadcast %ne3A_300 : i32 to vector<16xi32>
      %ne3A_302 = arith.cmpi ne, %rem3A_299, %ne3A_301 : vector<16xi32>
      %and3A_303 = arith.andi %ne3A_297, %ne3A_302 : vector<16xi1>
      %sub3A_304 = arith.constant 1 : i32
      %sub3A_305 = vector.broadcast %sub3A_304 : i32 to vector<16xi32>
      %sub3A_306 = arith.subi %div3A_279, %sub3A_305 : vector<16xi32>
      %select_n3A_307 = arith.select %and3A_303, %sub3A_306, %div3A_279 : vector<16xi1>, vector<16xi32>
      tpu.vector_store_idx %arg7[%select_n3A_276, %select_n3A_307], %add3A_238 masked %and3A_251 : memref<2x64xi32, #tpu.memory_space<vmem>>[vector<16xi32>, vector<16xi32>], vector<16xi32>, vector<16xi1>
      %scan3A_308 = arith.constant 3 : i32
      %scan3A_309 = arith.addi %scan3A_83, %scan3A_308 : i32
      %mul3A_310 = arith.constant 1 : i32
      %mul3A_311 = arith.muli %scan3A_309, %mul3A_310 : i32
      %add3A_312 = arith.constant 0 : i32
      %add3A_313 = arith.addi %add3A_312, %mul3A_311 : i32
      %mul3A_314 = arith.constant 16 : i32
      %mul3A_315 = arith.muli %add3A_313, %mul3A_314 : i32
      %iota3A_316 = tpu.iota {dimensions = array<i32: 0>} : vector<16xi32>
      %add3A_317 = vector.broadcast %mul3A_315 : i32 to vector<16xi32>
      %add3A_318 = arith.addi %add3A_317, %iota3A_316 : vector<16xi32>
      %mul3A_319 = arith.constant 16 : i32
      %mul3A_320 = arith.muli %add3A_313, %mul3A_319 : i32
      %get3A_321 = arith.index_cast %mul3A_320 : i32 to index
      %get3A_322 = tpu.vector_load %arg6[%get3A_321] {strides = array<i32>} : memref<4096xi32, #tpu.memory_space<vmem>>, vector<16xi32>,
      %sub3A_323 = vector.broadcast %mul3A_4 : i32 to vector<16xi32>
      %sub3A_324 = arith.subi %get3A_322, %sub3A_323 : vector<16xi32>
      %ge3A_325 = arith.constant 0 : i32
      %ge3A_326 = vector.broadcast %ge3A_325 : i32 to vector<16xi32>
      %ge3A_327 = arith.cmpi sge, %sub3A_324, %ge3A_326 : vector<16xi32>
      %lt3A_328 = arith.constant 128 : i32
      %lt3A_329 = vector.broadcast %lt3A_328 : i32 to vector<16xi32>
      %lt3A_330 = arith.cmpi slt, %sub3A_324, %lt3A_329 : vector<16xi32>
      %and3A_331 = arith.andi %ge3A_327, %lt3A_330 : vector<16xi1>
      %jit3A_332 = arith.constant 0 : i32
      %broadcast_in_dim3A_333 = vector.broadcast %jit3A_332 : i32 to vector<16xi32>
      %select_n3A_334 = arith.select %and3A_331, %sub3A_324, %broadcast_in_dim3A_333 : vector<16xi1>, vector<16xi32>
      %jit3A_335 = arith.constant 2 : i32
      %eq3A_336 = arith.constant 0 : i32
      %eq3A_337 = arith.cmpi eq, %jit3A_335, %eq3A_336 : i32
      %jit3A_338 = arith.constant 1 : i32
      %select_n3A_339 = arith.select %eq3A_337, %jit3A_338, %jit3A_335 : i32
      %rem3A_340 = vector.broadcast %select_n3A_339 : i32 to vector<16xi32>
      %rem3A_341 = arith.remsi %select_n3A_334, %rem3A_340 : vector<16xi32>
      %ne3A_342 = arith.constant 0 : i32
      %ne3A_343 = vector.broadcast %ne3A_342 : i32 to vector<16xi32>
      %ne3A_344 = arith.cmpi ne, %rem3A_341, %ne3A_343 : vector<16xi32>
      %lt3A_345 = arith.constant 0 : i32
      %lt3A_346 = vector.broadcast %lt3A_345 : i32 to vector<16xi32>
      %lt3A_347 = arith.cmpi slt, %rem3A_341, %lt3A_346 : vector<16xi32>
      %lt3A_348 = arith.constant 0 : i32
      %lt3A_349 = arith.cmpi slt, %select_n3A_339, %lt3A_348 : i32
      %ne3A_350 = vector.broadcast %lt3A_349 : i1 to vector<16xi1>
      %ne3A_351 = vector.broadcast %ne3A_350 : vector<16xi1> to vector<16xi1>
      %ne3A_352 = arith.xori %lt3A_347, %ne3A_351 : vector<16xi1>
      %and3A_353 = arith.andi %ne3A_352, %ne3A_344 : vector<16xi1>
      %add3A_354 = vector.broadcast %select_n3A_339 : i32 to vector<16xi32>
      %add3A_355 = arith.addi %rem3A_341, %add3A_354 : vector<16xi32>
      %select_n3A_356 = arith.select %and3A_353, %add3A_355, %rem3A_341 : vector<16xi1>, vector<16xi32>
      %jit3A_357 = arith.constant 2 : i32
      %div3A_358 = vector.broadcast %jit3A_357 : i32 to vector<16xi32>
      %div3A_359 = arith.divsi %select_n3A_334, %div3A_358 : vector<16xi32>
      %sign3A_360 = arith.constant 0 : i32
      %sign3A_361 = vector.broadcast %sign3A_360 : i32 to vector<16xi32>
      %sign3A_362 = arith.cmpi sgt, %select_n3A_334, %sign3A_361 : vector<16xi32>
      %sign3A_363 = arith.extui %sign3A_362 : vector<16xi1> to vector<16xi32>
      %sign3A_364 = arith.constant 0 : i32
      %sign3A_365 = vector.broadcast %sign3A_364 : i32 to vector<16xi32>
      %sign3A_366 = arith.cmpi slt, %select_n3A_334, %sign3A_365 : vector<16xi32>
      %sign3A_367 = arith.extui %sign3A_366 : vector<16xi1> to vector<16xi32>
      %sign3A_368 = arith.subi %sign3A_363, %sign3A_367 : vector<16xi32>
      %sign3A_369 = arith.constant 0 : i32
      %sign3A_370 = arith.cmpi sgt, %jit3A_357, %sign3A_369 : i32
      %sign3A_371 = arith.extui %sign3A_370 : i1 to i32
      %sign3A_372 = arith.constant 0 : i32
      %sign3A_373 = arith.cmpi slt, %jit3A_357, %sign3A_372 : i32
      %sign3A_374 = arith.extui %sign3A_373 : i1 to i32
      %sign3A_375 = arith.subi %sign3A_371, %sign3A_374 : i32
      %ne3A_376 = vector.broadcast %sign3A_375 : i32 to vector<16xi32>
      %ne3A_377 = arith.cmpi ne, %sign3A_368, %ne3A_376 : vector<16xi32>
      %rem3A_378 = vector.broadcast %jit3A_357 : i32 to vector<16xi32>
      %rem3A_379 = arith.remsi %select_n3A_334, %rem3A_378 : vector<16xi32>
      %ne3A_380 = arith.constant 0 : i32
      %ne3A_381 = vector.broadcast %ne3A_380 : i32 to vector<16xi32>
      %ne3A_382 = arith.cmpi ne, %rem3A_379, %ne3A_381 : vector<16xi32>
      %and3A_383 = arith.andi %ne3A_377, %ne3A_382 : vector<16xi1>
      %sub3A_384 = arith.constant 1 : i32
      %sub3A_385 = vector.broadcast %sub3A_384 : i32 to vector<16xi32>
      %sub3A_386 = arith.subi %div3A_359, %sub3A_385 : vector<16xi32>
      %select_n3A_387 = arith.select %and3A_383, %sub3A_386, %div3A_359 : vector<16xi1>, vector<16xi32>
      tpu.vector_store_idx %arg7[%select_n3A_356, %select_n3A_387], %add3A_318 masked %and3A_331 : memref<2x64xi32, #tpu.memory_space<vmem>>[vector<16xi32>, vector<16xi32>], vector<16xi32>, vector<16xi1>
    }
    %scan3A_11 = arith.constant 256 : i32
    %add3A_12 = arith.constant 0 : i32
    %add3A_13 = arith.addi %add3A_12, %mul3A_2 : i32
    %dma_start3A_14 = arith.constant 0 : i32
    %dma_start3A_15 = arith.constant 0 : i32
    %dma_start3A_16 = tpu.memref_slice %arg7[%dma_start3A_14, %dma_start3A_15] : memref<2x64xi32, #tpu.memory_space<vmem>> -> memref<1x64xi32, #tpu.memory_space<vmem>>
    %dma_start3A_17 = tpu.memref_squeeze %dma_start3A_16 : memref<1x64xi32, #tpu.memory_space<vmem>> -> memref<64xi32, #tpu.memory_space<vmem>>
    %dma_start3A_18 = tpu.memref_slice %arg5[%add3A_13] : memref<4096xi32, #tpu.memory_space<hbm>> -> memref<64xi32, #tpu.memory_space<hbm>>
    %dma_start3A_19 = tpu.memref_slice %arg5[%add3A_13] : memref<4096xi32, #tpu.memory_space<hbm>> -> memref<64xi32, #tpu.memory_space<hbm>>
    %dma_start3A_20 = arith.constant 0 : i32
    %dma_start3A_21 = tpu.memref_slice %arg7[%dma_start3A_14, %dma_start3A_20] : memref<2x64xi32, #tpu.memory_space<vmem>> -> memref<1x64xi32, #tpu.memory_space<vmem>>
    %dma_start3A_22 = tpu.memref_squeeze %dma_start3A_21 : memref<1x64xi32, #tpu.memory_space<vmem>> -> memref<64xi32, #tpu.memory_space<vmem>>
    tpu.enqueue_dma source(%dma_start3A_22 : memref<64xi32, #tpu.memory_space<vmem>>) target(%dma_start3A_19 : memref<64xi32, #tpu.memory_space<hbm>>) target_semaphore(%arg9 : memref<!tpu.dma_semaphore, #tpu.memory_space<semaphore_mem>>)
    %add3A_23 = arith.constant 2048 : i32
    %add3A_24 = arith.addi %add3A_23, %mul3A_2 : i32
    %dma_start3A_25 = arith.constant 1 : i32
    %dma_start3A_26 = arith.constant 0 : i32
    %dma_start3A_27 = tpu.memref_slice %arg7[%dma_start3A_25, %dma_start3A_26] : memref<2x64xi32, #tpu.memory_space<vmem>> -> memref<1x64xi32, #tpu.memory_space<vmem>>
    %dma_start3A_28 = tpu.memref_squeeze %dma_start3A_27 : memref<1x64xi32, #tpu.memory_space<vmem>> -> memref<64xi32, #tpu.memory_space<vmem>>
    %dma_start3A_29 = tpu.memref_slice %arg5[%add3A_24] : memref<4096xi32, #tpu.memory_space<hbm>> -> memref<64xi32, #tpu.memory_space<hbm>>
    %dma_start3A_30 = tpu.memref_slice %arg5[%add3A_24] : memref<4096xi32, #tpu.memory_space<hbm>> -> memref<64xi32, #tpu.memory_space<hbm>>
    %dma_start3A_31 = arith.constant 0 : i32
    %dma_start3A_32 = tpu.memref_slice %arg7[%dma_start3A_25, %dma_start3A_31] : memref<2x64xi32, #tpu.memory_space<vmem>> -> memref<1x64xi32, #tpu.memory_space<vmem>>
    %dma_start3A_33 = tpu.memref_squeeze %dma_start3A_32 : memref<1x64xi32, #tpu.memory_space<vmem>> -> memref<64xi32, #tpu.memory_space<vmem>>
    tpu.enqueue_dma source(%dma_start3A_33 : memref<64xi32, #tpu.memory_space<vmem>>) target(%dma_start3A_30 : memref<64xi32, #tpu.memory_space<hbm>>) target_semaphore(%arg9 : memref<!tpu.dma_semaphore, #tpu.memory_space<semaphore_mem>>)
    %dma_wait3A = arith.constant 0 : i32
    %dma_wait3A_34 = tpu.memref_slice %arg3[%mul3A_2, %dma_wait3A] : memref<2048x768xf32, #tpu.memory_space<hbm>> -> memref<64x768xf32, #tpu.memory_space<hbm>>
    %dma_wait3A_35 = arith.constant 0 : i32
    %dma_wait3A_36 = tpu.memref_slice %arg3[%mul3A_2, %dma_wait3A_35] : memref<2048x768xf32, #tpu.memory_space<hbm>> -> memref<64x768xf32, #tpu.memory_space<hbm>>
    tpu.wait_dma2 semaphore(%arg9 : memref<!tpu.dma_semaphore, #tpu.memory_space<semaphore_mem>>) src(%dma_wait3A_36 : memref<64x768xf32, #tpu.memory_space<hbm>>) dst(%arg8 : memref<64x768xf32, #tpu.memory_space<vmem>>)
    %dma_start3A_37 = arith.constant 0 : i32
    %dma_start3A_38 = arith.constant 0 : i32
    %dma_start3A_39 = tpu.memref_slice %arg7[%dma_start3A_37, %dma_start3A_38] : memref<2x64xi32, #tpu.memory_space<vmem>> -> memref<1x64xi32, #tpu.memory_space<vmem>>
    %dma_start3A_40 = tpu.memref_squeeze %dma_start3A_39 : memref<1x64xi32, #tpu.memory_space<vmem>> -> memref<64xi32, #tpu.memory_space<vmem>>
    %dma_start3A_41 = arith.constant 0 : i32
    %dma_start3A_42 = arith.constant 0 : i32
    %dma_start3A_43 = tpu.memref_slice %arg4[%dma_start3A_41, %dma_start3A_42] : memref<4096x768xf32, #tpu.memory_space<hbm>> -> memref<4096x768xf32, #tpu.memory_space<hbm>>
    tpu.enqueue_indirect_dma source(%arg8 : memref<64x768xf32, #tpu.memory_space<vmem>>) target(%dma_start3A_43 : memref<4096x768xf32, #tpu.memory_space<hbm>>) offsets(%dma_start3A_40 : memref<64xi32, #tpu.memory_space<vmem>>) semaphore(%arg9 : memref<!tpu.dma_semaphore, #tpu.memory_space<semaphore_mem>>)
    %dma_start3A_44 = arith.constant 1 : i32
    %dma_start3A_45 = arith.constant 0 : i32
    %dma_start3A_46 = tpu.memref_slice %arg7[%dma_start3A_44, %dma_start3A_45] : memref<2x64xi32, #tpu.memory_space<vmem>> -> memref<1x64xi32, #tpu.memory_space<vmem>>
    %dma_start3A_47 = tpu.memref_squeeze %dma_start3A_46 : memref<1x64xi32, #tpu.memory_space<vmem>> -> memref<64xi32, #tpu.memory_space<vmem>>
    %dma_start3A_48 = arith.constant 0 : i32
    %dma_start3A_49 = arith.constant 0 : i32
    %dma_start3A_50 = tpu.memref_slice %arg4[%dma_start3A_48, %dma_start3A_49] : memref<4096x768xf32, #tpu.memory_space<hbm>> -> memref<4096x768xf32, #tpu.memory_space<hbm>>
    tpu.enqueue_indirect_dma source(%arg8 : memref<64x768xf32, #tpu.memory_space<vmem>>) target(%dma_start3A_50 : memref<4096x768xf32, #tpu.memory_space<hbm>>) offsets(%dma_start3A_47 : memref<64xi32, #tpu.memory_space<vmem>>) semaphore(%arg9 : memref<!tpu.dma_semaphore, #tpu.memory_space<semaphore_mem>>)
    %dma_wait3A_51 = arith.constant 0 : i32
    %dma_wait3A_52 = arith.constant 0 : i32
    %dma_wait3A_53 = tpu.memref_slice %arg7[%dma_wait3A_51, %dma_wait3A_52] : memref<2x64xi32, #tpu.memory_space<vmem>> -> memref<1x64xi32, #tpu.memory_space<vmem>>
    %dma_wait3A_54 = tpu.memref_squeeze %dma_wait3A_53 : memref<1x64xi32, #tpu.memory_space<vmem>> -> memref<64xi32, #tpu.memory_space<vmem>>
    %dma_wait3A_55 = tpu.memref_slice %arg5[%add3A_13] : memref<4096xi32, #tpu.memory_space<hbm>> -> memref<64xi32, #tpu.memory_space<hbm>>
    %dma_wait3A_56 = tpu.memref_slice %arg5[%add3A_13] : memref<4096xi32, #tpu.memory_space<hbm>> -> memref<64xi32, #tpu.memory_space<hbm>>
    %dma_wait3A_57 = arith.constant 0 : i32
    %dma_wait3A_58 = tpu.memref_slice %arg7[%dma_wait3A_51, %dma_wait3A_57] : memref<2x64xi32, #tpu.memory_space<vmem>> -> memref<1x64xi32, #tpu.memory_space<vmem>>
    %dma_wait3A_59 = tpu.memref_squeeze %dma_wait3A_58 : memref<1x64xi32, #tpu.memory_space<vmem>> -> memref<64xi32, #tpu.memory_space<vmem>>
    tpu.wait_dma2 semaphore(%arg9 : memref<!tpu.dma_semaphore, #tpu.memory_space<semaphore_mem>>) src(%dma_wait3A_59 : memref<64xi32, #tpu.memory_space<vmem>>) dst(%dma_wait3A_56 : memref<64xi32, #tpu.memory_space<hbm>>)
    %dma_wait3A_60 = arith.constant 1 : i32
    %dma_wait3A_61 = arith.constant 0 : i32
    %dma_wait3A_62 = tpu.memref_slice %arg7[%dma_wait3A_60, %dma_wait3A_61] : memref<2x64xi32, #tpu.memory_space<vmem>> -> memref<1x64xi32, #tpu.memory_space<vmem>>
    %dma_wait3A_63 = tpu.memref_squeeze %dma_wait3A_62 : memref<1x64xi32, #tpu.memory_space<vmem>> -> memref<64xi32, #tpu.memory_space<vmem>>
    %dma_wait3A_64 = tpu.memref_slice %arg5[%add3A_24] : memref<4096xi32, #tpu.memory_space<hbm>> -> memref<64xi32, #tpu.memory_space<hbm>>
    %dma_wait3A_65 = tpu.memref_slice %arg5[%add3A_24] : memref<4096xi32, #tpu.memory_space<hbm>> -> memref<64xi32, #tpu.memory_space<hbm>>
    %dma_wait3A_66 = arith.constant 0 : i32
    %dma_wait3A_67 = tpu.memref_slice %arg7[%dma_wait3A_60, %dma_wait3A_66] : memref<2x64xi32, #tpu.memory_space<vmem>> -> memref<1x64xi32, #tpu.memory_space<vmem>>
    %dma_wait3A_68 = tpu.memref_squeeze %dma_wait3A_67 : memref<1x64xi32, #tpu.memory_space<vmem>> -> memref<64xi32, #tpu.memory_space<vmem>>
    tpu.wait_dma2 semaphore(%arg9 : memref<!tpu.dma_semaphore, #tpu.memory_space<semaphore_mem>>) src(%dma_wait3A_68 : memref<64xi32, #tpu.memory_space<vmem>>) dst(%dma_wait3A_65 : memref<64xi32, #tpu.memory_space<hbm>>)
    %dma_wait3A_69 = arith.constant 0 : i32
    %dma_wait3A_70 = arith.constant 0 : i32
    %dma_wait3A_71 = tpu.memref_slice %arg7[%dma_wait3A_69, %dma_wait3A_70] : memref<2x64xi32, #tpu.memory_space<vmem>> -> memref<1x64xi32, #tpu.memory_space<vmem>>
    %dma_wait3A_72 = tpu.memref_squeeze %dma_wait3A_71 : memref<1x64xi32, #tpu.memory_space<vmem>> -> memref<64xi32, #tpu.memory_space<vmem>>
    %dma_wait3A_73 = arith.constant 0 : i32
    %dma_wait3A_74 = arith.constant 0 : i32
    %dma_wait3A_75 = tpu.memref_slice %arg4[%dma_wait3A_73, %dma_wait3A_74] : memref<4096x768xf32, #tpu.memory_space<hbm>> -> memref<4096x768xf32, #tpu.memory_space<hbm>>
    tpu.wait_indirect_dma semaphore(%arg9 : memref<!tpu.dma_semaphore, #tpu.memory_space<semaphore_mem>>) src(%arg8 : memref<64x768xf32, #tpu.memory_space<vmem>>) dst(%dma_wait3A_75 : memref<4096x768xf32, #tpu.memory_space<hbm>>)
    %dma_wait3A_76 = arith.constant 1 : i32
    %dma_wait3A_77 = arith.constant 0 : i32
    %dma_wait3A_78 = tpu.memref_slice %arg7[%dma_wait3A_76, %dma_wait3A_77] : memref<2x64xi32, #tpu.memory_space<vmem>> -> memref<1x64xi32, #tpu.memory_space<vmem>>
    %dma_wait3A_79 = tpu.memref_squeeze %dma_wait3A_78 : memref<1x64xi32, #tpu.memory_space<vmem>> -> memref<64xi32, #tpu.memory_space<vmem>>
    %dma_wait3A_80 = arith.constant 0 : i32
    %dma_wait3A_81 = arith.constant 0 : i32
    %dma_wait3A_82 = tpu.memref_slice %arg4[%dma_wait3A_80, %dma_wait3A_81] : memref<4096x768xf32, #tpu.memory_space<hbm>> -> memref<4096x768xf32, #tpu.memory_space<hbm>>
    tpu.wait_indirect_dma semaphore(%arg9 : memref<!tpu.dma_semaphore, #tpu.memory_space<semaphore_mem>>) src(%arg8 : memref<64x768xf32, #tpu.memory_space<vmem>>) dst(%dma_wait3A_82 : memref<4096x768xf32, #tpu.memory_space<hbm>>)
    return
  }
}

#map = affine_map<(d0, d1) -> (0)>
#map1 = affine_map<(d0, d1) -> (0, 0)>
module attributes {stable_mosaic.version = 14 : i64} {
  func.func @combine(%arg0: i32, %arg1: i32, %arg2: memref<4096xi32, #tpu.memory_space<hbm>>, %arg3: memref<4096xf32, #tpu.memory_space<hbm>>, %arg4: memref<4096x768xf32, #tpu.memory_space<hbm>>, %arg5: memref<2048x768xf32, #tpu.memory_space<hbm>>, %arg6: memref<32xi32, #tpu.memory_space<vmem>>, %arg7: memref<32xi32, #tpu.memory_space<vmem>>, %arg8: memref<32xi32, #tpu.memory_space<vmem>>, %arg9: memref<128xf32, #tpu.memory_space<vmem>>, %arg10: memref<32x768xf32, #tpu.memory_space<vmem>>, %arg11: memref<32x768xf32, #tpu.memory_space<vmem>>, %arg12: memref<32x768xf32, #tpu.memory_space<vmem>>, %arg13: memref<16x768xf32, #tpu.memory_space<vmem>>, %arg14: memref<16x768xf32, #tpu.memory_space<vmem>>, %arg15: memref<!tpu.dma_semaphore, #tpu.memory_space<semaphore_mem>>, %arg16: memref<!tpu.dma_semaphore, #tpu.memory_space<semaphore_mem>>) attributes {dimension_semantics = [#tpu.dimension_semantics<core_parallel>, #tpu.dimension_semantics<subcore_parallel>], iteration_bounds = array<i64: 2, 16>, scalar_prefetch = 0 : i64, scratch_operands = 11 : i64, tpu.core_type = #tpu.core_type<sc_vector_subcore>, window_params = [{transform_indices = #map}, {transform_indices = #map}, {transform_indices = #map1}, {transform_indices = #map1}]} {
    %mul3A = arith.constant 2 : i32
    %mul3A_0 = arith.muli %arg1, %mul3A : i32
    %add3A = arith.addi %mul3A_0, %arg0 : i32
    %mul3A_1 = arith.constant 64 : i32
    %mul3A_2 = arith.muli %add3A, %mul3A_1 : i32
    %mul3A_3 = arith.constant 128 : i32
    %mul3A_4 = arith.muli %add3A, %mul3A_3 : i32
    "tpu.region"() ({
      %run_scoped3A = tpu.sem_alloc : memref<!tpu.dma_semaphore, #tpu.memory_space<semaphore_mem>>
      %dma_start3A_118 = tpu.memref_slice %arg3[%mul3A_4] : memref<4096xf32, #tpu.memory_space<hbm>> -> memref<128xf32, #tpu.memory_space<hbm>>
      %dma_start3A_119 = tpu.memref_slice %arg3[%mul3A_4] : memref<4096xf32, #tpu.memory_space<hbm>> -> memref<128xf32, #tpu.memory_space<hbm>>
      tpu.enqueue_dma source(%dma_start3A_119 : memref<128xf32, #tpu.memory_space<hbm>>) target(%arg9 : memref<128xf32, #tpu.memory_space<vmem>>) target_semaphore(%run_scoped3A : memref<!tpu.dma_semaphore, #tpu.memory_space<semaphore_mem>>)
      %dma_wait3A_120 = tpu.memref_slice %arg3[%mul3A_4] : memref<4096xf32, #tpu.memory_space<hbm>> -> memref<128xf32, #tpu.memory_space<hbm>>
      %dma_wait3A_121 = tpu.memref_slice %arg3[%mul3A_4] : memref<4096xf32, #tpu.memory_space<hbm>> -> memref<128xf32, #tpu.memory_space<hbm>>
      tpu.wait_dma2 semaphore(%run_scoped3A : memref<!tpu.dma_semaphore, #tpu.memory_space<semaphore_mem>>) src(%dma_wait3A_121 : memref<128xf32, #tpu.memory_space<hbm>>) dst(%arg9 : memref<128xf32, #tpu.memory_space<vmem>>)
      tpu.yield
    }) : () -> ()
    %add3A_5 = arith.constant 0 : i32
    %add3A_6 = arith.addi %add3A_5, %mul3A_2 : i32
    %add3A_7 = arith.constant 0 : i32
    %add3A_8 = arith.addi %add3A_6, %add3A_7 : i32
    "tpu.region"() ({
      %run_scoped3A = tpu.sem_alloc : memref<!tpu.dma_semaphore, #tpu.memory_space<semaphore_mem>>
      %dma_start3A_118 = arith.constant 0 : i32
      %dma_start3A_119 = tpu.memref_slice %arg6[%dma_start3A_118] : memref<32xi32, #tpu.memory_space<vmem>> -> memref<16xi32, #tpu.memory_space<vmem>>
      %dma_start3A_120 = tpu.memref_slice %arg2[%add3A_8] : memref<4096xi32, #tpu.memory_space<hbm>> -> memref<16xi32, #tpu.memory_space<hbm>>
      %dma_start3A_121 = arith.constant 0 : i32
      %dma_start3A_122 = tpu.memref_slice %arg6[%dma_start3A_121] : memref<32xi32, #tpu.memory_space<vmem>> -> memref<16xi32, #tpu.memory_space<vmem>>
      %dma_start3A_123 = tpu.memref_slice %arg2[%add3A_8] : memref<4096xi32, #tpu.memory_space<hbm>> -> memref<16xi32, #tpu.memory_space<hbm>>
      tpu.enqueue_dma source(%dma_start3A_123 : memref<16xi32, #tpu.memory_space<hbm>>) target(%dma_start3A_122 : memref<16xi32, #tpu.memory_space<vmem>>) target_semaphore(%run_scoped3A : memref<!tpu.dma_semaphore, #tpu.memory_space<semaphore_mem>>)
      %dma_wait3A_124 = arith.constant 0 : i32
      %dma_wait3A_125 = tpu.memref_slice %arg6[%dma_wait3A_124] : memref<32xi32, #tpu.memory_space<vmem>> -> memref<16xi32, #tpu.memory_space<vmem>>
      %dma_wait3A_126 = tpu.memref_slice %arg2[%add3A_8] : memref<4096xi32, #tpu.memory_space<hbm>> -> memref<16xi32, #tpu.memory_space<hbm>>
      %dma_wait3A_127 = arith.constant 0 : i32
      %dma_wait3A_128 = tpu.memref_slice %arg6[%dma_wait3A_127] : memref<32xi32, #tpu.memory_space<vmem>> -> memref<16xi32, #tpu.memory_space<vmem>>
      %dma_wait3A_129 = tpu.memref_slice %arg2[%add3A_8] : memref<4096xi32, #tpu.memory_space<hbm>> -> memref<16xi32, #tpu.memory_space<hbm>>
      tpu.wait_dma2 semaphore(%run_scoped3A : memref<!tpu.dma_semaphore, #tpu.memory_space<semaphore_mem>>) src(%dma_wait3A_129 : memref<16xi32, #tpu.memory_space<hbm>>) dst(%dma_wait3A_128 : memref<16xi32, #tpu.memory_space<vmem>>)
      tpu.yield
    }) : () -> ()
    %add3A_9 = arith.constant 2048 : i32
    %add3A_10 = arith.addi %add3A_9, %mul3A_2 : i32
    %add3A_11 = arith.constant 0 : i32
    %add3A_12 = arith.addi %add3A_10, %add3A_11 : i32
    "tpu.region"() ({
      %run_scoped3A = tpu.sem_alloc : memref<!tpu.dma_semaphore, #tpu.memory_space<semaphore_mem>>
      %dma_start3A_118 = arith.constant 16 : i32
      %dma_start3A_119 = tpu.memref_slice %arg6[%dma_start3A_118] : memref<32xi32, #tpu.memory_space<vmem>> -> memref<16xi32, #tpu.memory_space<vmem>>
      %dma_start3A_120 = tpu.memref_slice %arg2[%add3A_12] : memref<4096xi32, #tpu.memory_space<hbm>> -> memref<16xi32, #tpu.memory_space<hbm>>
      %dma_start3A_121 = arith.constant 16 : i32
      %dma_start3A_122 = tpu.memref_slice %arg6[%dma_start3A_121] : memref<32xi32, #tpu.memory_space<vmem>> -> memref<16xi32, #tpu.memory_space<vmem>>
      %dma_start3A_123 = tpu.memref_slice %arg2[%add3A_12] : memref<4096xi32, #tpu.memory_space<hbm>> -> memref<16xi32, #tpu.memory_space<hbm>>
      tpu.enqueue_dma source(%dma_start3A_123 : memref<16xi32, #tpu.memory_space<hbm>>) target(%dma_start3A_122 : memref<16xi32, #tpu.memory_space<vmem>>) target_semaphore(%run_scoped3A : memref<!tpu.dma_semaphore, #tpu.memory_space<semaphore_mem>>)
      %dma_wait3A_124 = arith.constant 16 : i32
      %dma_wait3A_125 = tpu.memref_slice %arg6[%dma_wait3A_124] : memref<32xi32, #tpu.memory_space<vmem>> -> memref<16xi32, #tpu.memory_space<vmem>>
      %dma_wait3A_126 = tpu.memref_slice %arg2[%add3A_12] : memref<4096xi32, #tpu.memory_space<hbm>> -> memref<16xi32, #tpu.memory_space<hbm>>
      %dma_wait3A_127 = arith.constant 16 : i32
      %dma_wait3A_128 = tpu.memref_slice %arg6[%dma_wait3A_127] : memref<32xi32, #tpu.memory_space<vmem>> -> memref<16xi32, #tpu.memory_space<vmem>>
      %dma_wait3A_129 = tpu.memref_slice %arg2[%add3A_12] : memref<4096xi32, #tpu.memory_space<hbm>> -> memref<16xi32, #tpu.memory_space<hbm>>
      tpu.wait_dma2 semaphore(%run_scoped3A : memref<!tpu.dma_semaphore, #tpu.memory_space<semaphore_mem>>) src(%dma_wait3A_129 : memref<16xi32, #tpu.memory_space<hbm>>) dst(%dma_wait3A_128 : memref<16xi32, #tpu.memory_space<vmem>>)
      tpu.yield
    }) : () -> ()
    %dma_start3A = arith.constant 0 : i32
    %dma_start3A_13 = arith.constant 0 : i32
    %dma_start3A_14 = tpu.memref_slice %arg4[%dma_start3A, %dma_start3A_13] : memref<4096x768xf32, #tpu.memory_space<hbm>> -> memref<4096x768xf32, #tpu.memory_space<hbm>>
    tpu.enqueue_indirect_dma source(%dma_start3A_14 : memref<4096x768xf32, #tpu.memory_space<hbm>>) target(%arg10 : memref<32x768xf32, #tpu.memory_space<vmem>>) offsets(%arg6 : memref<32xi32, #tpu.memory_space<vmem>>) semaphore(%arg15 : memref<!tpu.dma_semaphore, #tpu.memory_space<semaphore_mem>>)
    %add3A_15 = arith.constant 0 : i32
    %add3A_16 = arith.addi %add3A_15, %mul3A_2 : i32
    %add3A_17 = arith.constant 16 : i32
    %add3A_18 = arith.addi %add3A_16, %add3A_17 : i32
    "tpu.region"() ({
      %run_scoped3A = tpu.sem_alloc : memref<!tpu.dma_semaphore, #tpu.memory_space<semaphore_mem>>
      %dma_start3A_118 = arith.constant 0 : i32
      %dma_start3A_119 = tpu.memref_slice %arg7[%dma_start3A_118] : memref<32xi32, #tpu.memory_space<vmem>> -> memref<16xi32, #tpu.memory_space<vmem>>
      %dma_start3A_120 = tpu.memref_slice %arg2[%add3A_18] : memref<4096xi32, #tpu.memory_space<hbm>> -> memref<16xi32, #tpu.memory_space<hbm>>
      %dma_start3A_121 = arith.constant 0 : i32
      %dma_start3A_122 = tpu.memref_slice %arg7[%dma_start3A_121] : memref<32xi32, #tpu.memory_space<vmem>> -> memref<16xi32, #tpu.memory_space<vmem>>
      %dma_start3A_123 = tpu.memref_slice %arg2[%add3A_18] : memref<4096xi32, #tpu.memory_space<hbm>> -> memref<16xi32, #tpu.memory_space<hbm>>
      tpu.enqueue_dma source(%dma_start3A_123 : memref<16xi32, #tpu.memory_space<hbm>>) target(%dma_start3A_122 : memref<16xi32, #tpu.memory_space<vmem>>) target_semaphore(%run_scoped3A : memref<!tpu.dma_semaphore, #tpu.memory_space<semaphore_mem>>)
      %dma_wait3A_124 = arith.constant 0 : i32
      %dma_wait3A_125 = tpu.memref_slice %arg7[%dma_wait3A_124] : memref<32xi32, #tpu.memory_space<vmem>> -> memref<16xi32, #tpu.memory_space<vmem>>
      %dma_wait3A_126 = tpu.memref_slice %arg2[%add3A_18] : memref<4096xi32, #tpu.memory_space<hbm>> -> memref<16xi32, #tpu.memory_space<hbm>>
      %dma_wait3A_127 = arith.constant 0 : i32
      %dma_wait3A_128 = tpu.memref_slice %arg7[%dma_wait3A_127] : memref<32xi32, #tpu.memory_space<vmem>> -> memref<16xi32, #tpu.memory_space<vmem>>
      %dma_wait3A_129 = tpu.memref_slice %arg2[%add3A_18] : memref<4096xi32, #tpu.memory_space<hbm>> -> memref<16xi32, #tpu.memory_space<hbm>>
      tpu.wait_dma2 semaphore(%run_scoped3A : memref<!tpu.dma_semaphore, #tpu.memory_space<semaphore_mem>>) src(%dma_wait3A_129 : memref<16xi32, #tpu.memory_space<hbm>>) dst(%dma_wait3A_128 : memref<16xi32, #tpu.memory_space<vmem>>)
      tpu.yield
    }) : () -> ()
    %add3A_19 = arith.constant 2048 : i32
    %add3A_20 = arith.addi %add3A_19, %mul3A_2 : i32
    %add3A_21 = arith.constant 16 : i32
    %add3A_22 = arith.addi %add3A_20, %add3A_21 : i32
    "tpu.region"() ({
      %run_scoped3A = tpu.sem_alloc : memref<!tpu.dma_semaphore, #tpu.memory_space<semaphore_mem>>
      %dma_start3A_118 = arith.constant 16 : i32
      %dma_start3A_119 = tpu.memref_slice %arg7[%dma_start3A_118] : memref<32xi32, #tpu.memory_space<vmem>> -> memref<16xi32, #tpu.memory_space<vmem>>
      %dma_start3A_120 = tpu.memref_slice %arg2[%add3A_22] : memref<4096xi32, #tpu.memory_space<hbm>> -> memref<16xi32, #tpu.memory_space<hbm>>
      %dma_start3A_121 = arith.constant 16 : i32
      %dma_start3A_122 = tpu.memref_slice %arg7[%dma_start3A_121] : memref<32xi32, #tpu.memory_space<vmem>> -> memref<16xi32, #tpu.memory_space<vmem>>
      %dma_start3A_123 = tpu.memref_slice %arg2[%add3A_22] : memref<4096xi32, #tpu.memory_space<hbm>> -> memref<16xi32, #tpu.memory_space<hbm>>
      tpu.enqueue_dma source(%dma_start3A_123 : memref<16xi32, #tpu.memory_space<hbm>>) target(%dma_start3A_122 : memref<16xi32, #tpu.memory_space<vmem>>) target_semaphore(%run_scoped3A : memref<!tpu.dma_semaphore, #tpu.memory_space<semaphore_mem>>)
      %dma_wait3A_124 = arith.constant 16 : i32
      %dma_wait3A_125 = tpu.memref_slice %arg7[%dma_wait3A_124] : memref<32xi32, #tpu.memory_space<vmem>> -> memref<16xi32, #tpu.memory_space<vmem>>
      %dma_wait3A_126 = tpu.memref_slice %arg2[%add3A_22] : memref<4096xi32, #tpu.memory_space<hbm>> -> memref<16xi32, #tpu.memory_space<hbm>>
      %dma_wait3A_127 = arith.constant 16 : i32
      %dma_wait3A_128 = tpu.memref_slice %arg7[%dma_wait3A_127] : memref<32xi32, #tpu.memory_space<vmem>> -> memref<16xi32, #tpu.memory_space<vmem>>
      %dma_wait3A_129 = tpu.memref_slice %arg2[%add3A_22] : memref<4096xi32, #tpu.memory_space<hbm>> -> memref<16xi32, #tpu.memory_space<hbm>>
      tpu.wait_dma2 semaphore(%run_scoped3A : memref<!tpu.dma_semaphore, #tpu.memory_space<semaphore_mem>>) src(%dma_wait3A_129 : memref<16xi32, #tpu.memory_space<hbm>>) dst(%dma_wait3A_128 : memref<16xi32, #tpu.memory_space<vmem>>)
      tpu.yield
    }) : () -> ()
    %dma_start3A_23 = arith.constant 0 : i32
    %dma_start3A_24 = arith.constant 0 : i32
    %dma_start3A_25 = tpu.memref_slice %arg4[%dma_start3A_23, %dma_start3A_24] : memref<4096x768xf32, #tpu.memory_space<hbm>> -> memref<4096x768xf32, #tpu.memory_space<hbm>>
    tpu.enqueue_indirect_dma source(%dma_start3A_25 : memref<4096x768xf32, #tpu.memory_space<hbm>>) target(%arg11 : memref<32x768xf32, #tpu.memory_space<vmem>>) offsets(%arg7 : memref<32xi32, #tpu.memory_space<vmem>>) semaphore(%arg15 : memref<!tpu.dma_semaphore, #tpu.memory_space<semaphore_mem>>)
    %add3A_26 = arith.constant 0 : i32
    %add3A_27 = arith.addi %add3A_26, %mul3A_2 : i32
    %add3A_28 = arith.constant 32 : i32
    %add3A_29 = arith.addi %add3A_27, %add3A_28 : i32
    "tpu.region"() ({
      %run_scoped3A = tpu.sem_alloc : memref<!tpu.dma_semaphore, #tpu.memory_space<semaphore_mem>>
      %dma_start3A_118 = arith.constant 0 : i32
      %dma_start3A_119 = tpu.memref_slice %arg8[%dma_start3A_118] : memref<32xi32, #tpu.memory_space<vmem>> -> memref<16xi32, #tpu.memory_space<vmem>>
      %dma_start3A_120 = tpu.memref_slice %arg2[%add3A_29] : memref<4096xi32, #tpu.memory_space<hbm>> -> memref<16xi32, #tpu.memory_space<hbm>>
      %dma_start3A_121 = arith.constant 0 : i32
      %dma_start3A_122 = tpu.memref_slice %arg8[%dma_start3A_121] : memref<32xi32, #tpu.memory_space<vmem>> -> memref<16xi32, #tpu.memory_space<vmem>>
      %dma_start3A_123 = tpu.memref_slice %arg2[%add3A_29] : memref<4096xi32, #tpu.memory_space<hbm>> -> memref<16xi32, #tpu.memory_space<hbm>>
      tpu.enqueue_dma source(%dma_start3A_123 : memref<16xi32, #tpu.memory_space<hbm>>) target(%dma_start3A_122 : memref<16xi32, #tpu.memory_space<vmem>>) target_semaphore(%run_scoped3A : memref<!tpu.dma_semaphore, #tpu.memory_space<semaphore_mem>>)
      %dma_wait3A_124 = arith.constant 0 : i32
      %dma_wait3A_125 = tpu.memref_slice %arg8[%dma_wait3A_124] : memref<32xi32, #tpu.memory_space<vmem>> -> memref<16xi32, #tpu.memory_space<vmem>>
      %dma_wait3A_126 = tpu.memref_slice %arg2[%add3A_29] : memref<4096xi32, #tpu.memory_space<hbm>> -> memref<16xi32, #tpu.memory_space<hbm>>
      %dma_wait3A_127 = arith.constant 0 : i32
      %dma_wait3A_128 = tpu.memref_slice %arg8[%dma_wait3A_127] : memref<32xi32, #tpu.memory_space<vmem>> -> memref<16xi32, #tpu.memory_space<vmem>>
      %dma_wait3A_129 = tpu.memref_slice %arg2[%add3A_29] : memref<4096xi32, #tpu.memory_space<hbm>> -> memref<16xi32, #tpu.memory_space<hbm>>
      tpu.wait_dma2 semaphore(%run_scoped3A : memref<!tpu.dma_semaphore, #tpu.memory_space<semaphore_mem>>) src(%dma_wait3A_129 : memref<16xi32, #tpu.memory_space<hbm>>) dst(%dma_wait3A_128 : memref<16xi32, #tpu.memory_space<vmem>>)
      tpu.yield
    }) : () -> ()
    %add3A_30 = arith.constant 2048 : i32
    %add3A_31 = arith.addi %add3A_30, %mul3A_2 : i32
    %add3A_32 = arith.constant 32 : i32
    %add3A_33 = arith.addi %add3A_31, %add3A_32 : i32
    "tpu.region"() ({
      %run_scoped3A = tpu.sem_alloc : memref<!tpu.dma_semaphore, #tpu.memory_space<semaphore_mem>>
      %dma_start3A_118 = arith.constant 16 : i32
      %dma_start3A_119 = tpu.memref_slice %arg8[%dma_start3A_118] : memref<32xi32, #tpu.memory_space<vmem>> -> memref<16xi32, #tpu.memory_space<vmem>>
      %dma_start3A_120 = tpu.memref_slice %arg2[%add3A_33] : memref<4096xi32, #tpu.memory_space<hbm>> -> memref<16xi32, #tpu.memory_space<hbm>>
      %dma_start3A_121 = arith.constant 16 : i32
      %dma_start3A_122 = tpu.memref_slice %arg8[%dma_start3A_121] : memref<32xi32, #tpu.memory_space<vmem>> -> memref<16xi32, #tpu.memory_space<vmem>>
      %dma_start3A_123 = tpu.memref_slice %arg2[%add3A_33] : memref<4096xi32, #tpu.memory_space<hbm>> -> memref<16xi32, #tpu.memory_space<hbm>>
      tpu.enqueue_dma source(%dma_start3A_123 : memref<16xi32, #tpu.memory_space<hbm>>) target(%dma_start3A_122 : memref<16xi32, #tpu.memory_space<vmem>>) target_semaphore(%run_scoped3A : memref<!tpu.dma_semaphore, #tpu.memory_space<semaphore_mem>>)
      %dma_wait3A_124 = arith.constant 16 : i32
      %dma_wait3A_125 = tpu.memref_slice %arg8[%dma_wait3A_124] : memref<32xi32, #tpu.memory_space<vmem>> -> memref<16xi32, #tpu.memory_space<vmem>>
      %dma_wait3A_126 = tpu.memref_slice %arg2[%add3A_33] : memref<4096xi32, #tpu.memory_space<hbm>> -> memref<16xi32, #tpu.memory_space<hbm>>
      %dma_wait3A_127 = arith.constant 16 : i32
      %dma_wait3A_128 = tpu.memref_slice %arg8[%dma_wait3A_127] : memref<32xi32, #tpu.memory_space<vmem>> -> memref<16xi32, #tpu.memory_space<vmem>>
      %dma_wait3A_129 = tpu.memref_slice %arg2[%add3A_33] : memref<4096xi32, #tpu.memory_space<hbm>> -> memref<16xi32, #tpu.memory_space<hbm>>
      tpu.wait_dma2 semaphore(%run_scoped3A : memref<!tpu.dma_semaphore, #tpu.memory_space<semaphore_mem>>) src(%dma_wait3A_129 : memref<16xi32, #tpu.memory_space<hbm>>) dst(%dma_wait3A_128 : memref<16xi32, #tpu.memory_space<vmem>>)
      tpu.yield
    }) : () -> ()
    %dma_start3A_34 = arith.constant 0 : i32
    %dma_start3A_35 = arith.constant 0 : i32
    %dma_start3A_36 = tpu.memref_slice %arg4[%dma_start3A_34, %dma_start3A_35] : memref<4096x768xf32, #tpu.memory_space<hbm>> -> memref<4096x768xf32, #tpu.memory_space<hbm>>
    tpu.enqueue_indirect_dma source(%dma_start3A_36 : memref<4096x768xf32, #tpu.memory_space<hbm>>) target(%arg12 : memref<32x768xf32, #tpu.memory_space<vmem>>) offsets(%arg8 : memref<32xi32, #tpu.memory_space<vmem>>) semaphore(%arg15 : memref<!tpu.dma_semaphore, #tpu.memory_space<semaphore_mem>>)
    %dma_wait3A = arith.constant 0 : i32
    %dma_wait3A_37 = arith.constant 0 : i32
    %dma_wait3A_38 = tpu.memref_slice %arg4[%dma_wait3A, %dma_wait3A_37] : memref<4096x768xf32, #tpu.memory_space<hbm>> -> memref<4096x768xf32, #tpu.memory_space<hbm>>
    tpu.wait_indirect_dma semaphore(%arg15 : memref<!tpu.dma_semaphore, #tpu.memory_space<semaphore_mem>>) src(%dma_wait3A_38 : memref<4096x768xf32, #tpu.memory_space<hbm>>) dst(%arg10 : memref<32x768xf32, #tpu.memory_space<vmem>>)
    %scan3A = arith.constant 0 : i32
    %scan3A_39 = arith.constant 16 : i32
    %scan3A_40 = arith.addi %scan3A, %scan3A_39 : i32
    %scan3A_41 = arith.constant 1 : i32
    scf.for %scan3A_118 = %scan3A to %scan3A_40 step %scan3A_41  : i32 {
      %mul3A_119 = arith.constant 1 : i32
      %mul3A_120 = arith.muli %scan3A_118, %mul3A_119 : i32
      %add3A_121 = arith.constant 0 : i32
      %add3A_122 = arith.addi %add3A_121, %mul3A_120 : i32
      %add3A_123 = arith.constant 0 : i32
      %add3A_124 = arith.addi %add3A_123, %add3A_122 : i32
      %mul3A_125 = arith.constant 2 : i32
      %mul3A_126 = arith.muli %add3A_124, %mul3A_125 : i32
      %add3A_127 = arith.constant 0 : i32
      %add3A_128 = arith.addi %mul3A_126, %add3A_127 : i32
      %broadcast_in_dim3A = vector.broadcast %add3A_128 : i32 to vector<16xi32>
      %gather3A = tpu.vector_load_idx %arg9[%broadcast_in_dim3A] : memref<128xf32, #tpu.memory_space<vmem>>[vector<16xi32>], vector<16xf32>,
      %add3A_129 = arith.constant 0 : i32
      %add3A_130 = arith.addi %add3A_129, %add3A_122 : i32
      %mul3A_131 = arith.constant 2 : i32
      %mul3A_132 = arith.muli %add3A_130, %mul3A_131 : i32
      %add3A_133 = arith.constant 1 : i32
      %add3A_134 = arith.addi %mul3A_132, %add3A_133 : i32
      %broadcast_in_dim3A_135 = vector.broadcast %add3A_134 : i32 to vector<16xi32>
      %gather3A_136 = tpu.vector_load_idx %arg9[%broadcast_in_dim3A_135] : memref<128xf32, #tpu.memory_space<vmem>>[vector<16xi32>], vector<16xf32>,
      %broadcast_in_dim3A_137 = arith.constant 0.000000e+00 : f32
      %broadcast_in_dim3A_138 = vector.broadcast %broadcast_in_dim3A_137 : f32 to vector<16xf32>
      %add3A_139 = arith.constant 0 : i32
      %add3A_140 = arith.addi %add3A_139, %add3A_122 : i32
      %get3A = arith.index_cast %add3A_140 : i32 to index
      %get3A_141 = arith.constant 0 : index
      %get3A_142 = tpu.vector_load %arg10[%get3A, %get3A_141] {strides = array<i32>} : memref<32x768xf32, #tpu.memory_space<vmem>>, vector<16xf32>,
      %mul3A_143 = arith.mulf %gather3A, %get3A_142 : vector<16xf32>
      %add3A_144 = arith.addf %broadcast_in_dim3A_138, %mul3A_143 : vector<16xf32>
      %add3A_145 = arith.constant 16 : i32
      %add3A_146 = arith.addi %add3A_145, %add3A_122 : i32
      %get3A_147 = arith.index_cast %add3A_146 : i32 to index
      %get3A_148 = arith.constant 0 : index
      %get3A_149 = tpu.vector_load %arg10[%get3A_147, %get3A_148] {strides = array<i32>} : memref<32x768xf32, #tpu.memory_space<vmem>>, vector<16xf32>,
      %mul3A_150 = arith.mulf %gather3A_136, %get3A_149 : vector<16xf32>
      %add3A_151 = arith.addf %add3A_144, %mul3A_150 : vector<16xf32>
      %swap3A = arith.index_cast %add3A_122 : i32 to index
      %swap3A_152 = arith.constant 0 : index
      %swap3A_153 = tpu.vector_load %arg13[%swap3A, %swap3A_152] {strides = array<i32>} : memref<16x768xf32, #tpu.memory_space<vmem>>, vector<16xf32>,
      tpu.vector_store %arg13[%swap3A, %swap3A_152], %add3A_151 {strides = array<i32>} : memref<16x768xf32, #tpu.memory_space<vmem>>, vector<16xf32>,
      %broadcast_in_dim3A_154 = arith.constant 0.000000e+00 : f32
      %broadcast_in_dim3A_155 = vector.broadcast %broadcast_in_dim3A_154 : f32 to vector<16xf32>
      %add3A_156 = arith.constant 0 : i32
      %add3A_157 = arith.addi %add3A_156, %add3A_122 : i32
      %get3A_158 = arith.index_cast %add3A_157 : i32 to index
      %get3A_159 = arith.constant 16 : index
      %get3A_160 = tpu.vector_load %arg10[%get3A_158, %get3A_159] {strides = array<i32>} : memref<32x768xf32, #tpu.memory_space<vmem>>, vector<16xf32>,
      %mul3A_161 = arith.mulf %gather3A, %get3A_160 : vector<16xf32>
      %add3A_162 = arith.addf %broadcast_in_dim3A_155, %mul3A_161 : vector<16xf32>
      %add3A_163 = arith.constant 16 : i32
      %add3A_164 = arith.addi %add3A_163, %add3A_122 : i32
      %get3A_165 = arith.index_cast %add3A_164 : i32 to index
      %get3A_166 = arith.constant 16 : index
      %get3A_167 = tpu.vector_load %arg10[%get3A_165, %get3A_166] {strides = array<i32>} : memref<32x768xf32, #tpu.memory_space<vmem>>, vector<16xf32>,
      %mul3A_168 = arith.mulf %gather3A_136, %get3A_167 : vector<16xf32>
      %add3A_169 = arith.addf %add3A_162, %mul3A_168 : vector<16xf32>
      %swap3A_170 = arith.index_cast %add3A_122 : i32 to index
      %swap3A_171 = arith.constant 16 : index
      %swap3A_172 = tpu.vector_load %arg13[%swap3A_170, %swap3A_171] {strides = array<i32>} : memref<16x768xf32, #tpu.memory_space<vmem>>, vector<16xf32>,
      tpu.vector_store %arg13[%swap3A_170, %swap3A_171], %add3A_169 {strides = array<i32>} : memref<16x768xf32, #tpu.memory_space<vmem>>, vector<16xf32>,
      %broadcast_in_dim3A_173 = arith.constant 0.000000e+00 : f32
      %broadcast_in_dim3A_174 = vector.broadcast %broadcast_in_dim3A_173 : f32 to vector<16xf32>
      %add3A_175 = arith.constant 0 : i32
      %add3A_176 = arith.addi %add3A_175, %add3A_122 : i32
      %get3A_177 = arith.index_cast %add3A_176 : i32 to index
      %get3A_178 = arith.constant 32 : index
      %get3A_179 = tpu.vector_load %arg10[%get3A_177, %get3A_178] {strides = array<i32>} : memref<32x768xf32, #tpu.memory_space<vmem>>, vector<16xf32>,
      %mul3A_180 = arith.mulf %gather3A, %get3A_179 : vector<16xf32>
      %add3A_181 = arith.addf %broadcast_in_dim3A_174, %mul3A_180 : vector<16xf32>
      %add3A_182 = arith.constant 16 : i32
      %add3A_183 = arith.addi %add3A_182, %add3A_122 : i32
      %get3A_184 = arith.index_cast %add3A_183 : i32 to index
      %get3A_185 = arith.constant 32 : index
      %get3A_186 = tpu.vector_load %arg10[%get3A_184, %get3A_185] {strides = array<i32>} : memref<32x768xf32, #tpu.memory_space<vmem>>, vector<16xf32>,
      %mul3A_187 = arith.mulf %gather3A_136, %get3A_186 : vector<16xf32>
      %add3A_188 = arith.addf %add3A_181, %mul3A_187 : vector<16xf32>
      %swap3A_189 = arith.index_cast %add3A_122 : i32 to index
      %swap3A_190 = arith.constant 32 : index
      %swap3A_191 = tpu.vector_load %arg13[%swap3A_189, %swap3A_190] {strides = array<i32>} : memref<16x768xf32, #tpu.memory_space<vmem>>, vector<16xf32>,
      tpu.vector_store %arg13[%swap3A_189, %swap3A_190], %add3A_188 {strides = array<i32>} : memref<16x768xf32, #tpu.memory_space<vmem>>, vector<16xf32>,
      %broadcast_in_dim3A_192 = arith.constant 0.000000e+00 : f32
      %broadcast_in_dim3A_193 = vector.broadcast %broadcast_in_dim3A_192 : f32 to vector<16xf32>
      %add3A_194 = arith.constant 0 : i32
      %add3A_195 = arith.addi %add3A_194, %add3A_122 : i32
      %get3A_196 = arith.index_cast %add3A_195 : i32 to index
      %get3A_197 = arith.constant 48 : index
      %get3A_198 = tpu.vector_load %arg10[%get3A_196, %get3A_197] {strides = array<i32>} : memref<32x768xf32, #tpu.memory_space<vmem>>, vector<16xf32>,
      %mul3A_199 = arith.mulf %gather3A, %get3A_198 : vector<16xf32>
      %add3A_200 = arith.addf %broadcast_in_dim3A_193, %mul3A_199 : vector<16xf32>
      %add3A_201 = arith.constant 16 : i32
      %add3A_202 = arith.addi %add3A_201, %add3A_122 : i32
      %get3A_203 = arith.index_cast %add3A_202 : i32 to index
      %get3A_204 = arith.constant 48 : index
      %get3A_205 = tpu.vector_load %arg10[%get3A_203, %get3A_204] {strides = array<i32>} : memref<32x768xf32, #tpu.memory_space<vmem>>, vector<16xf32>,
      %mul3A_206 = arith.mulf %gather3A_136, %get3A_205 : vector<16xf32>
      %add3A_207 = arith.addf %add3A_200, %mul3A_206 : vector<16xf32>
      %swap3A_208 = arith.index_cast %add3A_122 : i32 to index
      %swap3A_209 = arith.constant 48 : index
      %swap3A_210 = tpu.vector_load %arg13[%swap3A_208, %swap3A_209] {strides = array<i32>} : memref<16x768xf32, #tpu.memory_space<vmem>>, vector<16xf32>,
      tpu.vector_store %arg13[%swap3A_208, %swap3A_209], %add3A_207 {strides = array<i32>} : memref<16x768xf32, #tpu.memory_space<vmem>>, vector<16xf32>,
      %broadcast_in_dim3A_211 = arith.constant 0.000000e+00 : f32
      %broadcast_in_dim3A_212 = vector.broadcast %broadcast_in_dim3A_211 : f32 to vector<16xf32>
      %add3A_213 = arith.constant 0 : i32
      %add3A_214 = arith.addi %add3A_213, %add3A_122 : i32
      %get3A_215 = arith.index_cast %add3A_214 : i32 to index
      %get3A_216 = arith.constant 64 : index
      %get3A_217 = tpu.vector_load %arg10[%get3A_215, %get3A_216] {strides = array<i32>} : memref<32x768xf32, #tpu.memory_space<vmem>>, vector<16xf32>,
      %mul3A_218 = arith.mulf %gather3A, %get3A_217 : vector<16xf32>
      %add3A_219 = arith.addf %broadcast_in_dim3A_212, %mul3A_218 : vector<16xf32>
      %add3A_220 = arith.constant 16 : i32
      %add3A_221 = arith.addi %add3A_220, %add3A_122 : i32
      %get3A_222 = arith.index_cast %add3A_221 : i32 to index
      %get3A_223 = arith.constant 64 : index
      %get3A_224 = tpu.vector_load %arg10[%get3A_222, %get3A_223] {strides = array<i32>} : memref<32x768xf32, #tpu.memory_space<vmem>>, vector<16xf32>,
      %mul3A_225 = arith.mulf %gather3A_136, %get3A_224 : vector<16xf32>
      %add3A_226 = arith.addf %add3A_219, %mul3A_225 : vector<16xf32>
      %swap3A_227 = arith.index_cast %add3A_122 : i32 to index
      %swap3A_228 = arith.constant 64 : index
      %swap3A_229 = tpu.vector_load %arg13[%swap3A_227, %swap3A_228] {strides = array<i32>} : memref<16x768xf32, #tpu.memory_space<vmem>>, vector<16xf32>,
      tpu.vector_store %arg13[%swap3A_227, %swap3A_228], %add3A_226 {strides = array<i32>} : memref<16x768xf32, #tpu.memory_space<vmem>>, vector<16xf32>,
      %broadcast_in_dim3A_230 = arith.constant 0.000000e+00 : f32
      %broadcast_in_dim3A_231 = vector.broadcast %broadcast_in_dim3A_230 : f32 to vector<16xf32>
      %add3A_232 = arith.constant 0 : i32
      %add3A_233 = arith.addi %add3A_232, %add3A_122 : i32
      %get3A_234 = arith.index_cast %add3A_233 : i32 to index
      %get3A_235 = arith.constant 80 : index
      %get3A_236 = tpu.vector_load %arg10[%get3A_234, %get3A_235] {strides = array<i32>} : memref<32x768xf32, #tpu.memory_space<vmem>>, vector<16xf32>,
      %mul3A_237 = arith.mulf %gather3A, %get3A_236 : vector<16xf32>
      %add3A_238 = arith.addf %broadcast_in_dim3A_231, %mul3A_237 : vector<16xf32>
      %add3A_239 = arith.constant 16 : i32
      %add3A_240 = arith.addi %add3A_239, %add3A_122 : i32
      %get3A_241 = arith.index_cast %add3A_240 : i32 to index
      %get3A_242 = arith.constant 80 : index
      %get3A_243 = tpu.vector_load %arg10[%get3A_241, %get3A_242] {strides = array<i32>} : memref<32x768xf32, #tpu.memory_space<vmem>>, vector<16xf32>,
      %mul3A_244 = arith.mulf %gather3A_136, %get3A_243 : vector<16xf32>
      %add3A_245 = arith.addf %add3A_238, %mul3A_244 : vector<16xf32>
      %swap3A_246 = arith.index_cast %add3A_122 : i32 to index
      %swap3A_247 = arith.constant 80 : index
      %swap3A_248 = tpu.vector_load %arg13[%swap3A_246, %swap3A_247] {strides = array<i32>} : memref<16x768xf32, #tpu.memory_space<vmem>>, vector<16xf32>,
      tpu.vector_store %arg13[%swap3A_246, %swap3A_247], %add3A_245 {strides = array<i32>} : memref<16x768xf32, #tpu.memory_space<vmem>>, vector<16xf32>,
      %broadcast_in_dim3A_249 = arith.constant 0.000000e+00 : f32
      %broadcast_in_dim3A_250 = vector.broadcast %broadcast_in_dim3A_249 : f32 to vector<16xf32>
      %add3A_251 = arith.constant 0 : i32
      %add3A_252 = arith.addi %add3A_251, %add3A_122 : i32
      %get3A_253 = arith.index_cast %add3A_252 : i32 to index
      %get3A_254 = arith.constant 96 : index
      %get3A_255 = tpu.vector_load %arg10[%get3A_253, %get3A_254] {strides = array<i32>} : memref<32x768xf32, #tpu.memory_space<vmem>>, vector<16xf32>,
      %mul3A_256 = arith.mulf %gather3A, %get3A_255 : vector<16xf32>
      %add3A_257 = arith.addf %broadcast_in_dim3A_250, %mul3A_256 : vector<16xf32>
      %add3A_258 = arith.constant 16 : i32
      %add3A_259 = arith.addi %add3A_258, %add3A_122 : i32
      %get3A_260 = arith.index_cast %add3A_259 : i32 to index
      %get3A_261 = arith.constant 96 : index
      %get3A_262 = tpu.vector_load %arg10[%get3A_260, %get3A_261] {strides = array<i32>} : memref<32x768xf32, #tpu.memory_space<vmem>>, vector<16xf32>,
      %mul3A_263 = arith.mulf %gather3A_136, %get3A_262 : vector<16xf32>
      %add3A_264 = arith.addf %add3A_257, %mul3A_263 : vector<16xf32>
      %swap3A_265 = arith.index_cast %add3A_122 : i32 to index
      %swap3A_266 = arith.constant 96 : index
      %swap3A_267 = tpu.vector_load %arg13[%swap3A_265, %swap3A_266] {strides = array<i32>} : memref<16x768xf32, #tpu.memory_space<vmem>>, vector<16xf32>,
      tpu.vector_store %arg13[%swap3A_265, %swap3A_266], %add3A_264 {strides = array<i32>} : memref<16x768xf32, #tpu.memory_space<vmem>>, vector<16xf32>,
      %broadcast_in_dim3A_268 = arith.constant 0.000000e+00 : f32
      %broadcast_in_dim3A_269 = vector.broadcast %broadcast_in_dim3A_268 : f32 to vector<16xf32>
      %add3A_270 = arith.constant 0 : i32
      %add3A_271 = arith.addi %add3A_270, %add3A_122 : i32
      %get3A_272 = arith.index_cast %add3A_271 : i32 to index
      %get3A_273 = arith.constant 112 : index
      %get3A_274 = tpu.vector_load %arg10[%get3A_272, %get3A_273] {strides = array<i32>} : memref<32x768xf32, #tpu.memory_space<vmem>>, vector<16xf32>,
      %mul3A_275 = arith.mulf %gather3A, %get3A_274 : vector<16xf32>
      %add3A_276 = arith.addf %broadcast_in_dim3A_269, %mul3A_275 : vector<16xf32>
      %add3A_277 = arith.constant 16 : i32
      %add3A_278 = arith.addi %add3A_277, %add3A_122 : i32
      %get3A_279 = arith.index_cast %add3A_278 : i32 to index
      %get3A_280 = arith.constant 112 : index
      %get3A_281 = tpu.vector_load %arg10[%get3A_279, %get3A_280] {strides = array<i32>} : memref<32x768xf32, #tpu.memory_space<vmem>>, vector<16xf32>,
      %mul3A_282 = arith.mulf %gather3A_136, %get3A_281 : vector<16xf32>
      %add3A_283 = arith.addf %add3A_276, %mul3A_282 : vector<16xf32>
      %swap3A_284 = arith.index_cast %add3A_122 : i32 to index
      %swap3A_285 = arith.constant 112 : index
      %swap3A_286 = tpu.vector_load %arg13[%swap3A_284, %swap3A_285] {strides = array<i32>} : memref<16x768xf32, #tpu.memory_space<vmem>>, vector<16xf32>,
      tpu.vector_store %arg13[%swap3A_284, %swap3A_285], %add3A_283 {strides = array<i32>} : memref<16x768xf32, #tpu.memory_space<vmem>>, vector<16xf32>,
      %broadcast_in_dim3A_287 = arith.constant 0.000000e+00 : f32
      %broadcast_in_dim3A_288 = vector.broadcast %broadcast_in_dim3A_287 : f32 to vector<16xf32>
      %add3A_289 = arith.constant 0 : i32
      %add3A_290 = arith.addi %add3A_289, %add3A_122 : i32
      %get3A_291 = arith.index_cast %add3A_290 : i32 to index
      %get3A_292 = arith.constant 128 : index
      %get3A_293 = tpu.vector_load %arg10[%get3A_291, %get3A_292] {strides = array<i32>} : memref<32x768xf32, #tpu.memory_space<vmem>>, vector<16xf32>,
      %mul3A_294 = arith.mulf %gather3A, %get3A_293 : vector<16xf32>
      %add3A_295 = arith.addf %broadcast_in_dim3A_288, %mul3A_294 : vector<16xf32>
      %add3A_296 = arith.constant 16 : i32
      %add3A_297 = arith.addi %add3A_296, %add3A_122 : i32
      %get3A_298 = arith.index_cast %add3A_297 : i32 to index
      %get3A_299 = arith.constant 128 : index
      %get3A_300 = tpu.vector_load %arg10[%get3A_298, %get3A_299] {strides = array<i32>} : memref<32x768xf32, #tpu.memory_space<vmem>>, vector<16xf32>,
      %mul3A_301 = arith.mulf %gather3A_136, %get3A_300 : vector<16xf32>
      %add3A_302 = arith.addf %add3A_295, %mul3A_301 : vector<16xf32>
      %swap3A_303 = arith.index_cast %add3A_122 : i32 to index
      %swap3A_304 = arith.constant 128 : index
      %swap3A_305 = tpu.vector_load %arg13[%swap3A_303, %swap3A_304] {strides = array<i32>} : memref<16x768xf32, #tpu.memory_space<vmem>>, vector<16xf32>,
      tpu.vector_store %arg13[%swap3A_303, %swap3A_304], %add3A_302 {strides = array<i32>} : memref<16x768xf32, #tpu.memory_space<vmem>>, vector<16xf32>,
      %broadcast_in_dim3A_306 = arith.constant 0.000000e+00 : f32
      %broadcast_in_dim3A_307 = vector.broadcast %broadcast_in_dim3A_306 : f32 to vector<16xf32>
      %add3A_308 = arith.constant 0 : i32
      %add3A_309 = arith.addi %add3A_308, %add3A_122 : i32
      %get3A_310 = arith.index_cast %add3A_309 : i32 to index
      %get3A_311 = arith.constant 144 : index
      %get3A_312 = tpu.vector_load %arg10[%get3A_310, %get3A_311] {strides = array<i32>} : memref<32x768xf32, #tpu.memory_space<vmem>>, vector<16xf32>,
      %mul3A_313 = arith.mulf %gather3A, %get3A_312 : vector<16xf32>
      %add3A_314 = arith.addf %broadcast_in_dim3A_307, %mul3A_313 : vector<16xf32>
      %add3A_315 = arith.constant 16 : i32
      %add3A_316 = arith.addi %add3A_315, %add3A_122 : i32
      %get3A_317 = arith.index_cast %add3A_316 : i32 to index
      %get3A_318 = arith.constant 144 : index
      %get3A_319 = tpu.vector_load %arg10[%get3A_317, %get3A_318] {strides = array<i32>} : memref<32x768xf32, #tpu.memory_space<vmem>>, vector<16xf32>,
      %mul3A_320 = arith.mulf %gather3A_136, %get3A_319 : vector<16xf32>
      %add3A_321 = arith.addf %add3A_314, %mul3A_320 : vector<16xf32>
      %swap3A_322 = arith.index_cast %add3A_122 : i32 to index
      %swap3A_323 = arith.constant 144 : index
      %swap3A_324 = tpu.vector_load %arg13[%swap3A_322, %swap3A_323] {strides = array<i32>} : memref<16x768xf32, #tpu.memory_space<vmem>>, vector<16xf32>,
      tpu.vector_store %arg13[%swap3A_322, %swap3A_323], %add3A_321 {strides = array<i32>} : memref<16x768xf32, #tpu.memory_space<vmem>>, vector<16xf32>,
      %broadcast_in_dim3A_325 = arith.constant 0.000000e+00 : f32
      %broadcast_in_dim3A_326 = vector.broadcast %broadcast_in_dim3A_325 : f32 to vector<16xf32>
      %add3A_327 = arith.constant 0 : i32
      %add3A_328 = arith.addi %add3A_327, %add3A_122 : i32
      %get3A_329 = arith.index_cast %add3A_328 : i32 to index
      %get3A_330 = arith.constant 160 : index
      %get3A_331 = tpu.vector_load %arg10[%get3A_329, %get3A_330] {strides = array<i32>} : memref<32x768xf32, #tpu.memory_space<vmem>>, vector<16xf32>,
      %mul3A_332 = arith.mulf %gather3A, %get3A_331 : vector<16xf32>
      %add3A_333 = arith.addf %broadcast_in_dim3A_326, %mul3A_332 : vector<16xf32>
      %add3A_334 = arith.constant 16 : i32
      %add3A_335 = arith.addi %add3A_334, %add3A_122 : i32
      %get3A_336 = arith.index_cast %add3A_335 : i32 to index
      %get3A_337 = arith.constant 160 : index
      %get3A_338 = tpu.vector_load %arg10[%get3A_336, %get3A_337] {strides = array<i32>} : memref<32x768xf32, #tpu.memory_space<vmem>>, vector<16xf32>,
      %mul3A_339 = arith.mulf %gather3A_136, %get3A_338 : vector<16xf32>
      %add3A_340 = arith.addf %add3A_333, %mul3A_339 : vector<16xf32>
      %swap3A_341 = arith.index_cast %add3A_122 : i32 to index
      %swap3A_342 = arith.constant 160 : index
      %swap3A_343 = tpu.vector_load %arg13[%swap3A_341, %swap3A_342] {strides = array<i32>} : memref<16x768xf32, #tpu.memory_space<vmem>>, vector<16xf32>,
      tpu.vector_store %arg13[%swap3A_341, %swap3A_342], %add3A_340 {strides = array<i32>} : memref<16x768xf32, #tpu.memory_space<vmem>>, vector<16xf32>,
      %broadcast_in_dim3A_344 = arith.constant 0.000000e+00 : f32
      %broadcast_in_dim3A_345 = vector.broadcast %broadcast_in_dim3A_344 : f32 to vector<16xf32>
      %add3A_346 = arith.constant 0 : i32
      %add3A_347 = arith.addi %add3A_346, %add3A_122 : i32
      %get3A_348 = arith.index_cast %add3A_347 : i32 to index
      %get3A_349 = arith.constant 176 : index
      %get3A_350 = tpu.vector_load %arg10[%get3A_348, %get3A_349] {strides = array<i32>} : memref<32x768xf32, #tpu.memory_space<vmem>>, vector<16xf32>,
      %mul3A_351 = arith.mulf %gather3A, %get3A_350 : vector<16xf32>
      %add3A_352 = arith.addf %broadcast_in_dim3A_345, %mul3A_351 : vector<16xf32>
      %add3A_353 = arith.constant 16 : i32
      %add3A_354 = arith.addi %add3A_353, %add3A_122 : i32
      %get3A_355 = arith.index_cast %add3A_354 : i32 to index
      %get3A_356 = arith.constant 176 : index
      %get3A_357 = tpu.vector_load %arg10[%get3A_355, %get3A_356] {strides = array<i32>} : memref<32x768xf32, #tpu.memory_space<vmem>>, vector<16xf32>,
      %mul3A_358 = arith.mulf %gather3A_136, %get3A_357 : vector<16xf32>
      %add3A_359 = arith.addf %add3A_352, %mul3A_358 : vector<16xf32>
      %swap3A_360 = arith.index_cast %add3A_122 : i32 to index
      %swap3A_361 = arith.constant 176 : index
      %swap3A_362 = tpu.vector_load %arg13[%swap3A_360, %swap3A_361] {strides = array<i32>} : memref<16x768xf32, #tpu.memory_space<vmem>>, vector<16xf32>,
      tpu.vector_store %arg13[%swap3A_360, %swap3A_361], %add3A_359 {strides = array<i32>} : memref<16x768xf32, #tpu.memory_space<vmem>>, vector<16xf32>,
      %broadcast_in_dim3A_363 = arith.constant 0.000000e+00 : f32
      %broadcast_in_dim3A_364 = vector.broadcast %broadcast_in_dim3A_363 : f32 to vector<16xf32>
      %add3A_365 = arith.constant 0 : i32
      %add3A_366 = arith.addi %add3A_365, %add3A_122 : i32
      %get3A_367 = arith.index_cast %add3A_366 : i32 to index
      %get3A_368 = arith.constant 192 : index
      %get3A_369 = tpu.vector_load %arg10[%get3A_367, %get3A_368] {strides = array<i32>} : memref<32x768xf32, #tpu.memory_space<vmem>>, vector<16xf32>,
      %mul3A_370 = arith.mulf %gather3A, %get3A_369 : vector<16xf32>
      %add3A_371 = arith.addf %broadcast_in_dim3A_364, %mul3A_370 : vector<16xf32>
      %add3A_372 = arith.constant 16 : i32
      %add3A_373 = arith.addi %add3A_372, %add3A_122 : i32
      %get3A_374 = arith.index_cast %add3A_373 : i32 to index
      %get3A_375 = arith.constant 192 : index
      %get3A_376 = tpu.vector_load %arg10[%get3A_374, %get3A_375] {strides = array<i32>} : memref<32x768xf32, #tpu.memory_space<vmem>>, vector<16xf32>,
      %mul3A_377 = arith.mulf %gather3A_136, %get3A_376 : vector<16xf32>
      %add3A_378 = arith.addf %add3A_371, %mul3A_377 : vector<16xf32>
      %swap3A_379 = arith.index_cast %add3A_122 : i32 to index
      %swap3A_380 = arith.constant 192 : index
      %swap3A_381 = tpu.vector_load %arg13[%swap3A_379, %swap3A_380] {strides = array<i32>} : memref<16x768xf32, #tpu.memory_space<vmem>>, vector<16xf32>,
      tpu.vector_store %arg13[%swap3A_379, %swap3A_380], %add3A_378 {strides = array<i32>} : memref<16x768xf32, #tpu.memory_space<vmem>>, vector<16xf32>,
      %broadcast_in_dim3A_382 = arith.constant 0.000000e+00 : f32
      %broadcast_in_dim3A_383 = vector.broadcast %broadcast_in_dim3A_382 : f32 to vector<16xf32>
      %add3A_384 = arith.constant 0 : i32
      %add3A_385 = arith.addi %add3A_384, %add3A_122 : i32
      %get3A_386 = arith.index_cast %add3A_385 : i32 to index
      %get3A_387 = arith.constant 208 : index
      %get3A_388 = tpu.vector_load %arg10[%get3A_386, %get3A_387] {strides = array<i32>} : memref<32x768xf32, #tpu.memory_space<vmem>>, vector<16xf32>,
      %mul3A_389 = arith.mulf %gather3A, %get3A_388 : vector<16xf32>
      %add3A_390 = arith.addf %broadcast_in_dim3A_383, %mul3A_389 : vector<16xf32>
      %add3A_391 = arith.constant 16 : i32
      %add3A_392 = arith.addi %add3A_391, %add3A_122 : i32
      %get3A_393 = arith.index_cast %add3A_392 : i32 to index
      %get3A_394 = arith.constant 208 : index
      %get3A_395 = tpu.vector_load %arg10[%get3A_393, %get3A_394] {strides = array<i32>} : memref<32x768xf32, #tpu.memory_space<vmem>>, vector<16xf32>,
      %mul3A_396 = arith.mulf %gather3A_136, %get3A_395 : vector<16xf32>
      %add3A_397 = arith.addf %add3A_390, %mul3A_396 : vector<16xf32>
      %swap3A_398 = arith.index_cast %add3A_122 : i32 to index
      %swap3A_399 = arith.constant 208 : index
      %swap3A_400 = tpu.vector_load %arg13[%swap3A_398, %swap3A_399] {strides = array<i32>} : memref<16x768xf32, #tpu.memory_space<vmem>>, vector<16xf32>,
      tpu.vector_store %arg13[%swap3A_398, %swap3A_399], %add3A_397 {strides = array<i32>} : memref<16x768xf32, #tpu.memory_space<vmem>>, vector<16xf32>,
      %broadcast_in_dim3A_401 = arith.constant 0.000000e+00 : f32
      %broadcast_in_dim3A_402 = vector.broadcast %broadcast_in_dim3A_401 : f32 to vector<16xf32>
      %add3A_403 = arith.constant 0 : i32
      %add3A_404 = arith.addi %add3A_403, %add3A_122 : i32
      %get3A_405 = arith.index_cast %add3A_404 : i32 to index
      %get3A_406 = arith.constant 224 : index
      %get3A_407 = tpu.vector_load %arg10[%get3A_405, %get3A_406] {strides = array<i32>} : memref<32x768xf32, #tpu.memory_space<vmem>>, vector<16xf32>,
      %mul3A_408 = arith.mulf %gather3A, %get3A_407 : vector<16xf32>
      %add3A_409 = arith.addf %broadcast_in_dim3A_402, %mul3A_408 : vector<16xf32>
      %add3A_410 = arith.constant 16 : i32
      %add3A_411 = arith.addi %add3A_410, %add3A_122 : i32
      %get3A_412 = arith.index_cast %add3A_411 : i32 to index
      %get3A_413 = arith.constant 224 : index
      %get3A_414 = tpu.vector_load %arg10[%get3A_412, %get3A_413] {strides = array<i32>} : memref<32x768xf32, #tpu.memory_space<vmem>>, vector<16xf32>,
      %mul3A_415 = arith.mulf %gather3A_136, %get3A_414 : vector<16xf32>
      %add3A_416 = arith.addf %add3A_409, %mul3A_415 : vector<16xf32>
      %swap3A_417 = arith.index_cast %add3A_122 : i32 to index
      %swap3A_418 = arith.constant 224 : index
      %swap3A_419 = tpu.vector_load %arg13[%swap3A_417, %swap3A_418] {strides = array<i32>} : memref<16x768xf32, #tpu.memory_space<vmem>>, vector<16xf32>,
      tpu.vector_store %arg13[%swap3A_417, %swap3A_418], %add3A_416 {strides = array<i32>} : memref<16x768xf32, #tpu.memory_space<vmem>>, vector<16xf32>,
      %broadcast_in_dim3A_420 = arith.constant 0.000000e+00 : f32
      %broadcast_in_dim3A_421 = vector.broadcast %broadcast_in_dim3A_420 : f32 to vector<16xf32>
      %add3A_422 = arith.constant 0 : i32
      %add3A_423 = arith.addi %add3A_422, %add3A_122 : i32
      %get3A_424 = arith.index_cast %add3A_423 : i32 to index
      %get3A_425 = arith.constant 240 : index
      %get3A_426 = tpu.vector_load %arg10[%get3A_424, %get3A_425] {strides = array<i32>} : memref<32x768xf32, #tpu.memory_space<vmem>>, vector<16xf32>,
      %mul3A_427 = arith.mulf %gather3A, %get3A_426 : vector<16xf32>
      %add3A_428 = arith.addf %broadcast_in_dim3A_421, %mul3A_427 : vector<16xf32>
      %add3A_429 = arith.constant 16 : i32
      %add3A_430 = arith.addi %add3A_429, %add3A_122 : i32
      %get3A_431 = arith.index_cast %add3A_430 : i32 to index
      %get3A_432 = arith.constant 240 : index
      %get3A_433 = tpu.vector_load %arg10[%get3A_431, %get3A_432] {strides = array<i32>} : memref<32x768xf32, #tpu.memory_space<vmem>>, vector<16xf32>,
      %mul3A_434 = arith.mulf %gather3A_136, %get3A_433 : vector<16xf32>
      %add3A_435 = arith.addf %add3A_428, %mul3A_434 : vector<16xf32>
      %swap3A_436 = arith.index_cast %add3A_122 : i32 to index
      %swap3A_437 = arith.constant 240 : index
      %swap3A_438 = tpu.vector_load %arg13[%swap3A_436, %swap3A_437] {strides = array<i32>} : memref<16x768xf32, #tpu.memory_space<vmem>>, vector<16xf32>,
      tpu.vector_store %arg13[%swap3A_436, %swap3A_437], %add3A_435 {strides = array<i32>} : memref<16x768xf32, #tpu.memory_space<vmem>>, vector<16xf32>,
      %broadcast_in_dim3A_439 = arith.constant 0.000000e+00 : f32
      %broadcast_in_dim3A_440 = vector.broadcast %broadcast_in_dim3A_439 : f32 to vector<16xf32>
      %add3A_441 = arith.constant 0 : i32
      %add3A_442 = arith.addi %add3A_441, %add3A_122 : i32
      %get3A_443 = arith.index_cast %add3A_442 : i32 to index
      %get3A_444 = arith.constant 256 : index
      %get3A_445 = tpu.vector_load %arg10[%get3A_443, %get3A_444] {strides = array<i32>} : memref<32x768xf32, #tpu.memory_space<vmem>>, vector<16xf32>,
      %mul3A_446 = arith.mulf %gather3A, %get3A_445 : vector<16xf32>
      %add3A_447 = arith.addf %broadcast_in_dim3A_440, %mul3A_446 : vector<16xf32>
      %add3A_448 = arith.constant 16 : i32
      %add3A_449 = arith.addi %add3A_448, %add3A_122 : i32
      %get3A_450 = arith.index_cast %add3A_449 : i32 to index
      %get3A_451 = arith.constant 256 : index
      %get3A_452 = tpu.vector_load %arg10[%get3A_450, %get3A_451] {strides = array<i32>} : memref<32x768xf32, #tpu.memory_space<vmem>>, vector<16xf32>,
      %mul3A_453 = arith.mulf %gather3A_136, %get3A_452 : vector<16xf32>
      %add3A_454 = arith.addf %add3A_447, %mul3A_453 : vector<16xf32>
      %swap3A_455 = arith.index_cast %add3A_122 : i32 to index
      %swap3A_456 = arith.constant 256 : index
      %swap3A_457 = tpu.vector_load %arg13[%swap3A_455, %swap3A_456] {strides = array<i32>} : memref<16x768xf32, #tpu.memory_space<vmem>>, vector<16xf32>,
      tpu.vector_store %arg13[%swap3A_455, %swap3A_456], %add3A_454 {strides = array<i32>} : memref<16x768xf32, #tpu.memory_space<vmem>>, vector<16xf32>,
      %broadcast_in_dim3A_458 = arith.constant 0.000000e+00 : f32
      %broadcast_in_dim3A_459 = vector.broadcast %broadcast_in_dim3A_458 : f32 to vector<16xf32>
      %add3A_460 = arith.constant 0 : i32
      %add3A_461 = arith.addi %add3A_460, %add3A_122 : i32
      %get3A_462 = arith.index_cast %add3A_461 : i32 to index
      %get3A_463 = arith.constant 272 : index
      %get3A_464 = tpu.vector_load %arg10[%get3A_462, %get3A_463] {strides = array<i32>} : memref<32x768xf32, #tpu.memory_space<vmem>>, vector<16xf32>,
      %mul3A_465 = arith.mulf %gather3A, %get3A_464 : vector<16xf32>
      %add3A_466 = arith.addf %broadcast_in_dim3A_459, %mul3A_465 : vector<16xf32>
      %add3A_467 = arith.constant 16 : i32
      %add3A_468 = arith.addi %add3A_467, %add3A_122 : i32
      %get3A_469 = arith.index_cast %add3A_468 : i32 to index
      %get3A_470 = arith.constant 272 : index
      %get3A_471 = tpu.vector_load %arg10[%get3A_469, %get3A_470] {strides = array<i32>} : memref<32x768xf32, #tpu.memory_space<vmem>>, vector<16xf32>,
      %mul3A_472 = arith.mulf %gather3A_136, %get3A_471 : vector<16xf32>
      %add3A_473 = arith.addf %add3A_466, %mul3A_472 : vector<16xf32>
      %swap3A_474 = arith.index_cast %add3A_122 : i32 to index
      %swap3A_475 = arith.constant 272 : index
      %swap3A_476 = tpu.vector_load %arg13[%swap3A_474, %swap3A_475] {strides = array<i32>} : memref<16x768xf32, #tpu.memory_space<vmem>>, vector<16xf32>,
      tpu.vector_store %arg13[%swap3A_474, %swap3A_475], %add3A_473 {strides = array<i32>} : memref<16x768xf32, #tpu.memory_space<vmem>>, vector<16xf32>,
      %broadcast_in_dim3A_477 = arith.constant 0.000000e+00 : f32
      %broadcast_in_dim3A_478 = vector.broadcast %broadcast_in_dim3A_477 : f32 to vector<16xf32>
      %add3A_479 = arith.constant 0 : i32
      %add3A_480 = arith.addi %add3A_479, %add3A_122 : i32
      %get3A_481 = arith.index_cast %add3A_480 : i32 to index
      %get3A_482 = arith.constant 288 : index
      %get3A_483 = tpu.vector_load %arg10[%get3A_481, %get3A_482] {strides = array<i32>} : memref<32x768xf32, #tpu.memory_space<vmem>>, vector<16xf32>,
      %mul3A_484 = arith.mulf %gather3A, %get3A_483 : vector<16xf32>
      %add3A_485 = arith.addf %broadcast_in_dim3A_478, %mul3A_484 : vector<16xf32>
      %add3A_486 = arith.constant 16 : i32
      %add3A_487 = arith.addi %add3A_486, %add3A_122 : i32
      %get3A_488 = arith.index_cast %add3A_487 : i32 to index
      %get3A_489 = arith.constant 288 : index
      %get3A_490 = tpu.vector_load %arg10[%get3A_488, %get3A_489] {strides = array<i32>} : memref<32x768xf32, #tpu.memory_space<vmem>>, vector<16xf32>,
      %mul3A_491 = arith.mulf %gather3A_136, %get3A_490 : vector<16xf32>
      %add3A_492 = arith.addf %add3A_485, %mul3A_491 : vector<16xf32>
      %swap3A_493 = arith.index_cast %add3A_122 : i32 to index
      %swap3A_494 = arith.constant 288 : index
      %swap3A_495 = tpu.vector_load %arg13[%swap3A_493, %swap3A_494] {strides = array<i32>} : memref<16x768xf32, #tpu.memory_space<vmem>>, vector<16xf32>,
      tpu.vector_store %arg13[%swap3A_493, %swap3A_494], %add3A_492 {strides = array<i32>} : memref<16x768xf32, #tpu.memory_space<vmem>>, vector<16xf32>,
      %broadcast_in_dim3A_496 = arith.constant 0.000000e+00 : f32
      %broadcast_in_dim3A_497 = vector.broadcast %broadcast_in_dim3A_496 : f32 to vector<16xf32>
      %add3A_498 = arith.constant 0 : i32
      %add3A_499 = arith.addi %add3A_498, %add3A_122 : i32
      %get3A_500 = arith.index_cast %add3A_499 : i32 to index
      %get3A_501 = arith.constant 304 : index
      %get3A_502 = tpu.vector_load %arg10[%get3A_500, %get3A_501] {strides = array<i32>} : memref<32x768xf32, #tpu.memory_space<vmem>>, vector<16xf32>,
      %mul3A_503 = arith.mulf %gather3A, %get3A_502 : vector<16xf32>
      %add3A_504 = arith.addf %broadcast_in_dim3A_497, %mul3A_503 : vector<16xf32>
      %add3A_505 = arith.constant 16 : i32
      %add3A_506 = arith.addi %add3A_505, %add3A_122 : i32
      %get3A_507 = arith.index_cast %add3A_506 : i32 to index
      %get3A_508 = arith.constant 304 : index
      %get3A_509 = tpu.vector_load %arg10[%get3A_507, %get3A_508] {strides = array<i32>} : memref<32x768xf32, #tpu.memory_space<vmem>>, vector<16xf32>,
      %mul3A_510 = arith.mulf %gather3A_136, %get3A_509 : vector<16xf32>
      %add3A_511 = arith.addf %add3A_504, %mul3A_510 : vector<16xf32>
      %swap3A_512 = arith.index_cast %add3A_122 : i32 to index
      %swap3A_513 = arith.constant 304 : index
      %swap3A_514 = tpu.vector_load %arg13[%swap3A_512, %swap3A_513] {strides = array<i32>} : memref<16x768xf32, #tpu.memory_space<vmem>>, vector<16xf32>,
      tpu.vector_store %arg13[%swap3A_512, %swap3A_513], %add3A_511 {strides = array<i32>} : memref<16x768xf32, #tpu.memory_space<vmem>>, vector<16xf32>,
      %broadcast_in_dim3A_515 = arith.constant 0.000000e+00 : f32
      %broadcast_in_dim3A_516 = vector.broadcast %broadcast_in_dim3A_515 : f32 to vector<16xf32>
      %add3A_517 = arith.constant 0 : i32
      %add3A_518 = arith.addi %add3A_517, %add3A_122 : i32
      %get3A_519 = arith.index_cast %add3A_518 : i32 to index
      %get3A_520 = arith.constant 320 : index
      %get3A_521 = tpu.vector_load %arg10[%get3A_519, %get3A_520] {strides = array<i32>} : memref<32x768xf32, #tpu.memory_space<vmem>>, vector<16xf32>,
      %mul3A_522 = arith.mulf %gather3A, %get3A_521 : vector<16xf32>
      %add3A_523 = arith.addf %broadcast_in_dim3A_516, %mul3A_522 : vector<16xf32>
      %add3A_524 = arith.constant 16 : i32
      %add3A_525 = arith.addi %add3A_524, %add3A_122 : i32
      %get3A_526 = arith.index_cast %add3A_525 : i32 to index
      %get3A_527 = arith.constant 320 : index
      %get3A_528 = tpu.vector_load %arg10[%get3A_526, %get3A_527] {strides = array<i32>} : memref<32x768xf32, #tpu.memory_space<vmem>>, vector<16xf32>,
      %mul3A_529 = arith.mulf %gather3A_136, %get3A_528 : vector<16xf32>
      %add3A_530 = arith.addf %add3A_523, %mul3A_529 : vector<16xf32>
      %swap3A_531 = arith.index_cast %add3A_122 : i32 to index
      %swap3A_532 = arith.constant 320 : index
      %swap3A_533 = tpu.vector_load %arg13[%swap3A_531, %swap3A_532] {strides = array<i32>} : memref<16x768xf32, #tpu.memory_space<vmem>>, vector<16xf32>,
      tpu.vector_store %arg13[%swap3A_531, %swap3A_532], %add3A_530 {strides = array<i32>} : memref<16x768xf32, #tpu.memory_space<vmem>>, vector<16xf32>,
      %broadcast_in_dim3A_534 = arith.constant 0.000000e+00 : f32
      %broadcast_in_dim3A_535 = vector.broadcast %broadcast_in_dim3A_534 : f32 to vector<16xf32>
      %add3A_536 = arith.constant 0 : i32
      %add3A_537 = arith.addi %add3A_536, %add3A_122 : i32
      %get3A_538 = arith.index_cast %add3A_537 : i32 to index
      %get3A_539 = arith.constant 336 : index
      %get3A_540 = tpu.vector_load %arg10[%get3A_538, %get3A_539] {strides = array<i32>} : memref<32x768xf32, #tpu.memory_space<vmem>>, vector<16xf32>,
      %mul3A_541 = arith.mulf %gather3A, %get3A_540 : vector<16xf32>
      %add3A_542 = arith.addf %broadcast_in_dim3A_535, %mul3A_541 : vector<16xf32>
      %add3A_543 = arith.constant 16 : i32
      %add3A_544 = arith.addi %add3A_543, %add3A_122 : i32
      %get3A_545 = arith.index_cast %add3A_544 : i32 to index
      %get3A_546 = arith.constant 336 : index
      %get3A_547 = tpu.vector_load %arg10[%get3A_545, %get3A_546] {strides = array<i32>} : memref<32x768xf32, #tpu.memory_space<vmem>>, vector<16xf32>,
      %mul3A_548 = arith.mulf %gather3A_136, %get3A_547 : vector<16xf32>
      %add3A_549 = arith.addf %add3A_542, %mul3A_548 : vector<16xf32>
      %swap3A_550 = arith.index_cast %add3A_122 : i32 to index
      %swap3A_551 = arith.constant 336 : index
      %swap3A_552 = tpu.vector_load %arg13[%swap3A_550, %swap3A_551] {strides = array<i32>} : memref<16x768xf32, #tpu.memory_space<vmem>>, vector<16xf32>,
      tpu.vector_store %arg13[%swap3A_550, %swap3A_551], %add3A_549 {strides = array<i32>} : memref<16x768xf32, #tpu.memory_space<vmem>>, vector<16xf32>,
      %broadcast_in_dim3A_553 = arith.constant 0.000000e+00 : f32
      %broadcast_in_dim3A_554 = vector.broadcast %broadcast_in_dim3A_553 : f32 to vector<16xf32>
      %add3A_555 = arith.constant 0 : i32
      %add3A_556 = arith.addi %add3A_555, %add3A_122 : i32
      %get3A_557 = arith.index_cast %add3A_556 : i32 to index
      %get3A_558 = arith.constant 352 : index
      %get3A_559 = tpu.vector_load %arg10[%get3A_557, %get3A_558] {strides = array<i32>} : memref<32x768xf32, #tpu.memory_space<vmem>>, vector<16xf32>,
      %mul3A_560 = arith.mulf %gather3A, %get3A_559 : vector<16xf32>
      %add3A_561 = arith.addf %broadcast_in_dim3A_554, %mul3A_560 : vector<16xf32>
      %add3A_562 = arith.constant 16 : i32
      %add3A_563 = arith.addi %add3A_562, %add3A_122 : i32
      %get3A_564 = arith.index_cast %add3A_563 : i32 to index
      %get3A_565 = arith.constant 352 : index
      %get3A_566 = tpu.vector_load %arg10[%get3A_564, %get3A_565] {strides = array<i32>} : memref<32x768xf32, #tpu.memory_space<vmem>>, vector<16xf32>,
      %mul3A_567 = arith.mulf %gather3A_136, %get3A_566 : vector<16xf32>
      %add3A_568 = arith.addf %add3A_561, %mul3A_567 : vector<16xf32>
      %swap3A_569 = arith.index_cast %add3A_122 : i32 to index
      %swap3A_570 = arith.constant 352 : index
      %swap3A_571 = tpu.vector_load %arg13[%swap3A_569, %swap3A_570] {strides = array<i32>} : memref<16x768xf32, #tpu.memory_space<vmem>>, vector<16xf32>,
      tpu.vector_store %arg13[%swap3A_569, %swap3A_570], %add3A_568 {strides = array<i32>} : memref<16x768xf32, #tpu.memory_space<vmem>>, vector<16xf32>,
      %broadcast_in_dim3A_572 = arith.constant 0.000000e+00 : f32
      %broadcast_in_dim3A_573 = vector.broadcast %broadcast_in_dim3A_572 : f32 to vector<16xf32>
      %add3A_574 = arith.constant 0 : i32
      %add3A_575 = arith.addi %add3A_574, %add3A_122 : i32
      %get3A_576 = arith.index_cast %add3A_575 : i32 to index
      %get3A_577 = arith.constant 368 : index
      %get3A_578 = tpu.vector_load %arg10[%get3A_576, %get3A_577] {strides = array<i32>} : memref<32x768xf32, #tpu.memory_space<vmem>>, vector<16xf32>,
      %mul3A_579 = arith.mulf %gather3A, %get3A_578 : vector<16xf32>
      %add3A_580 = arith.addf %broadcast_in_dim3A_573, %mul3A_579 : vector<16xf32>
      %add3A_581 = arith.constant 16 : i32
      %add3A_582 = arith.addi %add3A_581, %add3A_122 : i32
      %get3A_583 = arith.index_cast %add3A_582 : i32 to index
      %get3A_584 = arith.constant 368 : index
      %get3A_585 = tpu.vector_load %arg10[%get3A_583, %get3A_584] {strides = array<i32>} : memref<32x768xf32, #tpu.memory_space<vmem>>, vector<16xf32>,
      %mul3A_586 = arith.mulf %gather3A_136, %get3A_585 : vector<16xf32>
      %add3A_587 = arith.addf %add3A_580, %mul3A_586 : vector<16xf32>
      %swap3A_588 = arith.index_cast %add3A_122 : i32 to index
      %swap3A_589 = arith.constant 368 : index
      %swap3A_590 = tpu.vector_load %arg13[%swap3A_588, %swap3A_589] {strides = array<i32>} : memref<16x768xf32, #tpu.memory_space<vmem>>, vector<16xf32>,
      tpu.vector_store %arg13[%swap3A_588, %swap3A_589], %add3A_587 {strides = array<i32>} : memref<16x768xf32, #tpu.memory_space<vmem>>, vector<16xf32>,
      %broadcast_in_dim3A_591 = arith.constant 0.000000e+00 : f32
      %broadcast_in_dim3A_592 = vector.broadcast %broadcast_in_dim3A_591 : f32 to vector<16xf32>
      %add3A_593 = arith.constant 0 : i32
      %add3A_594 = arith.addi %add3A_593, %add3A_122 : i32
      %get3A_595 = arith.index_cast %add3A_594 : i32 to index
      %get3A_596 = arith.constant 384 : index
      %get3A_597 = tpu.vector_load %arg10[%get3A_595, %get3A_596] {strides = array<i32>} : memref<32x768xf32, #tpu.memory_space<vmem>>, vector<16xf32>,
      %mul3A_598 = arith.mulf %gather3A, %get3A_597 : vector<16xf32>
      %add3A_599 = arith.addf %broadcast_in_dim3A_592, %mul3A_598 : vector<16xf32>
      %add3A_600 = arith.constant 16 : i32
      %add3A_601 = arith.addi %add3A_600, %add3A_122 : i32
      %get3A_602 = arith.index_cast %add3A_601 : i32 to index
      %get3A_603 = arith.constant 384 : index
      %get3A_604 = tpu.vector_load %arg10[%get3A_602, %get3A_603] {strides = array<i32>} : memref<32x768xf32, #tpu.memory_space<vmem>>, vector<16xf32>,
      %mul3A_605 = arith.mulf %gather3A_136, %get3A_604 : vector<16xf32>
      %add3A_606 = arith.addf %add3A_599, %mul3A_605 : vector<16xf32>
      %swap3A_607 = arith.index_cast %add3A_122 : i32 to index
      %swap3A_608 = arith.constant 384 : index
      %swap3A_609 = tpu.vector_load %arg13[%swap3A_607, %swap3A_608] {strides = array<i32>} : memref<16x768xf32, #tpu.memory_space<vmem>>, vector<16xf32>,
      tpu.vector_store %arg13[%swap3A_607, %swap3A_608], %add3A_606 {strides = array<i32>} : memref<16x768xf32, #tpu.memory_space<vmem>>, vector<16xf32>,
      %broadcast_in_dim3A_610 = arith.constant 0.000000e+00 : f32
      %broadcast_in_dim3A_611 = vector.broadcast %broadcast_in_dim3A_610 : f32 to vector<16xf32>
      %add3A_612 = arith.constant 0 : i32
      %add3A_613 = arith.addi %add3A_612, %add3A_122 : i32
      %get3A_614 = arith.index_cast %add3A_613 : i32 to index
      %get3A_615 = arith.constant 400 : index
      %get3A_616 = tpu.vector_load %arg10[%get3A_614, %get3A_615] {strides = array<i32>} : memref<32x768xf32, #tpu.memory_space<vmem>>, vector<16xf32>,
      %mul3A_617 = arith.mulf %gather3A, %get3A_616 : vector<16xf32>
      %add3A_618 = arith.addf %broadcast_in_dim3A_611, %mul3A_617 : vector<16xf32>
      %add3A_619 = arith.constant 16 : i32
      %add3A_620 = arith.addi %add3A_619, %add3A_122 : i32
      %get3A_621 = arith.index_cast %add3A_620 : i32 to index
      %get3A_622 = arith.constant 400 : index
      %get3A_623 = tpu.vector_load %arg10[%get3A_621, %get3A_622] {strides = array<i32>} : memref<32x768xf32, #tpu.memory_space<vmem>>, vector<16xf32>,
      %mul3A_624 = arith.mulf %gather3A_136, %get3A_623 : vector<16xf32>
      %add3A_625 = arith.addf %add3A_618, %mul3A_624 : vector<16xf32>
      %swap3A_626 = arith.index_cast %add3A_122 : i32 to index
      %swap3A_627 = arith.constant 400 : index
      %swap3A_628 = tpu.vector_load %arg13[%swap3A_626, %swap3A_627] {strides = array<i32>} : memref<16x768xf32, #tpu.memory_space<vmem>>, vector<16xf32>,
      tpu.vector_store %arg13[%swap3A_626, %swap3A_627], %add3A_625 {strides = array<i32>} : memref<16x768xf32, #tpu.memory_space<vmem>>, vector<16xf32>,
      %broadcast_in_dim3A_629 = arith.constant 0.000000e+00 : f32
      %broadcast_in_dim3A_630 = vector.broadcast %broadcast_in_dim3A_629 : f32 to vector<16xf32>
      %add3A_631 = arith.constant 0 : i32
      %add3A_632 = arith.addi %add3A_631, %add3A_122 : i32
      %get3A_633 = arith.index_cast %add3A_632 : i32 to index
      %get3A_634 = arith.constant 416 : index
      %get3A_635 = tpu.vector_load %arg10[%get3A_633, %get3A_634] {strides = array<i32>} : memref<32x768xf32, #tpu.memory_space<vmem>>, vector<16xf32>,
      %mul3A_636 = arith.mulf %gather3A, %get3A_635 : vector<16xf32>
      %add3A_637 = arith.addf %broadcast_in_dim3A_630, %mul3A_636 : vector<16xf32>
      %add3A_638 = arith.constant 16 : i32
      %add3A_639 = arith.addi %add3A_638, %add3A_122 : i32
      %get3A_640 = arith.index_cast %add3A_639 : i32 to index
      %get3A_641 = arith.constant 416 : index
      %get3A_642 = tpu.vector_load %arg10[%get3A_640, %get3A_641] {strides = array<i32>} : memref<32x768xf32, #tpu.memory_space<vmem>>, vector<16xf32>,
      %mul3A_643 = arith.mulf %gather3A_136, %get3A_642 : vector<16xf32>
      %add3A_644 = arith.addf %add3A_637, %mul3A_643 : vector<16xf32>
      %swap3A_645 = arith.index_cast %add3A_122 : i32 to index
      %swap3A_646 = arith.constant 416 : index
      %swap3A_647 = tpu.vector_load %arg13[%swap3A_645, %swap3A_646] {strides = array<i32>} : memref<16x768xf32, #tpu.memory_space<vmem>>, vector<16xf32>,
      tpu.vector_store %arg13[%swap3A_645, %swap3A_646], %add3A_644 {strides = array<i32>} : memref<16x768xf32, #tpu.memory_space<vmem>>, vector<16xf32>,
      %broadcast_in_dim3A_648 = arith.constant 0.000000e+00 : f32
      %broadcast_in_dim3A_649 = vector.broadcast %broadcast_in_dim3A_648 : f32 to vector<16xf32>
      %add3A_650 = arith.constant 0 : i32
      %add3A_651 = arith.addi %add3A_650, %add3A_122 : i32
      %get3A_652 = arith.index_cast %add3A_651 : i32 to index
      %get3A_653 = arith.constant 432 : index
      %get3A_654 = tpu.vector_load %arg10[%get3A_652, %get3A_653] {strides = array<i32>} : memref<32x768xf32, #tpu.memory_space<vmem>>, vector<16xf32>,
      %mul3A_655 = arith.mulf %gather3A, %get3A_654 : vector<16xf32>
      %add3A_656 = arith.addf %broadcast_in_dim3A_649, %mul3A_655 : vector<16xf32>
      %add3A_657 = arith.constant 16 : i32
      %add3A_658 = arith.addi %add3A_657, %add3A_122 : i32
      %get3A_659 = arith.index_cast %add3A_658 : i32 to index
      %get3A_660 = arith.constant 432 : index
      %get3A_661 = tpu.vector_load %arg10[%get3A_659, %get3A_660] {strides = array<i32>} : memref<32x768xf32, #tpu.memory_space<vmem>>, vector<16xf32>,
      %mul3A_662 = arith.mulf %gather3A_136, %get3A_661 : vector<16xf32>
      %add3A_663 = arith.addf %add3A_656, %mul3A_662 : vector<16xf32>
      %swap3A_664 = arith.index_cast %add3A_122 : i32 to index
      %swap3A_665 = arith.constant 432 : index
      %swap3A_666 = tpu.vector_load %arg13[%swap3A_664, %swap3A_665] {strides = array<i32>} : memref<16x768xf32, #tpu.memory_space<vmem>>, vector<16xf32>,
      tpu.vector_store %arg13[%swap3A_664, %swap3A_665], %add3A_663 {strides = array<i32>} : memref<16x768xf32, #tpu.memory_space<vmem>>, vector<16xf32>,
      %broadcast_in_dim3A_667 = arith.constant 0.000000e+00 : f32
      %broadcast_in_dim3A_668 = vector.broadcast %broadcast_in_dim3A_667 : f32 to vector<16xf32>
      %add3A_669 = arith.constant 0 : i32
      %add3A_670 = arith.addi %add3A_669, %add3A_122 : i32
      %get3A_671 = arith.index_cast %add3A_670 : i32 to index
      %get3A_672 = arith.constant 448 : index
      %get3A_673 = tpu.vector_load %arg10[%get3A_671, %get3A_672] {strides = array<i32>} : memref<32x768xf32, #tpu.memory_space<vmem>>, vector<16xf32>,
      %mul3A_674 = arith.mulf %gather3A, %get3A_673 : vector<16xf32>
      %add3A_675 = arith.addf %broadcast_in_dim3A_668, %mul3A_674 : vector<16xf32>
      %add3A_676 = arith.constant 16 : i32
      %add3A_677 = arith.addi %add3A_676, %add3A_122 : i32
      %get3A_678 = arith.index_cast %add3A_677 : i32 to index
      %get3A_679 = arith.constant 448 : index
      %get3A_680 = tpu.vector_load %arg10[%get3A_678, %get3A_679] {strides = array<i32>} : memref<32x768xf32, #tpu.memory_space<vmem>>, vector<16xf32>,
      %mul3A_681 = arith.mulf %gather3A_136, %get3A_680 : vector<16xf32>
      %add3A_682 = arith.addf %add3A_675, %mul3A_681 : vector<16xf32>
      %swap3A_683 = arith.index_cast %add3A_122 : i32 to index
      %swap3A_684 = arith.constant 448 : index
      %swap3A_685 = tpu.vector_load %arg13[%swap3A_683, %swap3A_684] {strides = array<i32>} : memref<16x768xf32, #tpu.memory_space<vmem>>, vector<16xf32>,
      tpu.vector_store %arg13[%swap3A_683, %swap3A_684], %add3A_682 {strides = array<i32>} : memref<16x768xf32, #tpu.memory_space<vmem>>, vector<16xf32>,
      %broadcast_in_dim3A_686 = arith.constant 0.000000e+00 : f32
      %broadcast_in_dim3A_687 = vector.broadcast %broadcast_in_dim3A_686 : f32 to vector<16xf32>
      %add3A_688 = arith.constant 0 : i32
      %add3A_689 = arith.addi %add3A_688, %add3A_122 : i32
      %get3A_690 = arith.index_cast %add3A_689 : i32 to index
      %get3A_691 = arith.constant 464 : index
      %get3A_692 = tpu.vector_load %arg10[%get3A_690, %get3A_691] {strides = array<i32>} : memref<32x768xf32, #tpu.memory_space<vmem>>, vector<16xf32>,
      %mul3A_693 = arith.mulf %gather3A, %get3A_692 : vector<16xf32>
      %add3A_694 = arith.addf %broadcast_in_dim3A_687, %mul3A_693 : vector<16xf32>
      %add3A_695 = arith.constant 16 : i32
      %add3A_696 = arith.addi %add3A_695, %add3A_122 : i32
      %get3A_697 = arith.index_cast %add3A_696 : i32 to index
      %get3A_698 = arith.constant 464 : index
      %get3A_699 = tpu.vector_load %arg10[%get3A_697, %get3A_698] {strides = array<i32>} : memref<32x768xf32, #tpu.memory_space<vmem>>, vector<16xf32>,
      %mul3A_700 = arith.mulf %gather3A_136, %get3A_699 : vector<16xf32>
      %add3A_701 = arith.addf %add3A_694, %mul3A_700 : vector<16xf32>
      %swap3A_702 = arith.index_cast %add3A_122 : i32 to index
      %swap3A_703 = arith.constant 464 : index
      %swap3A_704 = tpu.vector_load %arg13[%swap3A_702, %swap3A_703] {strides = array<i32>} : memref<16x768xf32, #tpu.memory_space<vmem>>, vector<16xf32>,
      tpu.vector_store %arg13[%swap3A_702, %swap3A_703], %add3A_701 {strides = array<i32>} : memref<16x768xf32, #tpu.memory_space<vmem>>, vector<16xf32>,
      %broadcast_in_dim3A_705 = arith.constant 0.000000e+00 : f32
      %broadcast_in_dim3A_706 = vector.broadcast %broadcast_in_dim3A_705 : f32 to vector<16xf32>
      %add3A_707 = arith.constant 0 : i32
      %add3A_708 = arith.addi %add3A_707, %add3A_122 : i32
      %get3A_709 = arith.index_cast %add3A_708 : i32 to index
      %get3A_710 = arith.constant 480 : index
      %get3A_711 = tpu.vector_load %arg10[%get3A_709, %get3A_710] {strides = array<i32>} : memref<32x768xf32, #tpu.memory_space<vmem>>, vector<16xf32>,
      %mul3A_712 = arith.mulf %gather3A, %get3A_711 : vector<16xf32>
      %add3A_713 = arith.addf %broadcast_in_dim3A_706, %mul3A_712 : vector<16xf32>
      %add3A_714 = arith.constant 16 : i32
      %add3A_715 = arith.addi %add3A_714, %add3A_122 : i32
      %get3A_716 = arith.index_cast %add3A_715 : i32 to index
      %get3A_717 = arith.constant 480 : index
      %get3A_718 = tpu.vector_load %arg10[%get3A_716, %get3A_717] {strides = array<i32>} : memref<32x768xf32, #tpu.memory_space<vmem>>, vector<16xf32>,
      %mul3A_719 = arith.mulf %gather3A_136, %get3A_718 : vector<16xf32>
      %add3A_720 = arith.addf %add3A_713, %mul3A_719 : vector<16xf32>
      %swap3A_721 = arith.index_cast %add3A_122 : i32 to index
      %swap3A_722 = arith.constant 480 : index
      %swap3A_723 = tpu.vector_load %arg13[%swap3A_721, %swap3A_722] {strides = array<i32>} : memref<16x768xf32, #tpu.memory_space<vmem>>, vector<16xf32>,
      tpu.vector_store %arg13[%swap3A_721, %swap3A_722], %add3A_720 {strides = array<i32>} : memref<16x768xf32, #tpu.memory_space<vmem>>, vector<16xf32>,
      %broadcast_in_dim3A_724 = arith.constant 0.000000e+00 : f32
      %broadcast_in_dim3A_725 = vector.broadcast %broadcast_in_dim3A_724 : f32 to vector<16xf32>
      %add3A_726 = arith.constant 0 : i32
      %add3A_727 = arith.addi %add3A_726, %add3A_122 : i32
      %get3A_728 = arith.index_cast %add3A_727 : i32 to index
      %get3A_729 = arith.constant 496 : index
      %get3A_730 = tpu.vector_load %arg10[%get3A_728, %get3A_729] {strides = array<i32>} : memref<32x768xf32, #tpu.memory_space<vmem>>, vector<16xf32>,
      %mul3A_731 = arith.mulf %gather3A, %get3A_730 : vector<16xf32>
      %add3A_732 = arith.addf %broadcast_in_dim3A_725, %mul3A_731 : vector<16xf32>
      %add3A_733 = arith.constant 16 : i32
      %add3A_734 = arith.addi %add3A_733, %add3A_122 : i32
      %get3A_735 = arith.index_cast %add3A_734 : i32 to index
      %get3A_736 = arith.constant 496 : index
      %get3A_737 = tpu.vector_load %arg10[%get3A_735, %get3A_736] {strides = array<i32>} : memref<32x768xf32, #tpu.memory_space<vmem>>, vector<16xf32>,
      %mul3A_738 = arith.mulf %gather3A_136, %get3A_737 : vector<16xf32>
      %add3A_739 = arith.addf %add3A_732, %mul3A_738 : vector<16xf32>
      %swap3A_740 = arith.index_cast %add3A_122 : i32 to index
      %swap3A_741 = arith.constant 496 : index
      %swap3A_742 = tpu.vector_load %arg13[%swap3A_740, %swap3A_741] {strides = array<i32>} : memref<16x768xf32, #tpu.memory_space<vmem>>, vector<16xf32>,
      tpu.vector_store %arg13[%swap3A_740, %swap3A_741], %add3A_739 {strides = array<i32>} : memref<16x768xf32, #tpu.memory_space<vmem>>, vector<16xf32>,
      %broadcast_in_dim3A_743 = arith.constant 0.000000e+00 : f32
      %broadcast_in_dim3A_744 = vector.broadcast %broadcast_in_dim3A_743 : f32 to vector<16xf32>
      %add3A_745 = arith.constant 0 : i32
      %add3A_746 = arith.addi %add3A_745, %add3A_122 : i32
      %get3A_747 = arith.index_cast %add3A_746 : i32 to index
      %get3A_748 = arith.constant 512 : index
      %get3A_749 = tpu.vector_load %arg10[%get3A_747, %get3A_748] {strides = array<i32>} : memref<32x768xf32, #tpu.memory_space<vmem>>, vector<16xf32>,
      %mul3A_750 = arith.mulf %gather3A, %get3A_749 : vector<16xf32>
      %add3A_751 = arith.addf %broadcast_in_dim3A_744, %mul3A_750 : vector<16xf32>
      %add3A_752 = arith.constant 16 : i32
      %add3A_753 = arith.addi %add3A_752, %add3A_122 : i32
      %get3A_754 = arith.index_cast %add3A_753 : i32 to index
      %get3A_755 = arith.constant 512 : index
      %get3A_756 = tpu.vector_load %arg10[%get3A_754, %get3A_755] {strides = array<i32>} : memref<32x768xf32, #tpu.memory_space<vmem>>, vector<16xf32>,
      %mul3A_757 = arith.mulf %gather3A_136, %get3A_756 : vector<16xf32>
      %add3A_758 = arith.addf %add3A_751, %mul3A_757 : vector<16xf32>
      %swap3A_759 = arith.index_cast %add3A_122 : i32 to index
      %swap3A_760 = arith.constant 512 : index
      %swap3A_761 = tpu.vector_load %arg13[%swap3A_759, %swap3A_760] {strides = array<i32>} : memref<16x768xf32, #tpu.memory_space<vmem>>, vector<16xf32>,
      tpu.vector_store %arg13[%swap3A_759, %swap3A_760], %add3A_758 {strides = array<i32>} : memref<16x768xf32, #tpu.memory_space<vmem>>, vector<16xf32>,
      %broadcast_in_dim3A_762 = arith.constant 0.000000e+00 : f32
      %broadcast_in_dim3A_763 = vector.broadcast %broadcast_in_dim3A_762 : f32 to vector<16xf32>
      %add3A_764 = arith.constant 0 : i32
      %add3A_765 = arith.addi %add3A_764, %add3A_122 : i32
      %get3A_766 = arith.index_cast %add3A_765 : i32 to index
      %get3A_767 = arith.constant 528 : index
      %get3A_768 = tpu.vector_load %arg10[%get3A_766, %get3A_767] {strides = array<i32>} : memref<32x768xf32, #tpu.memory_space<vmem>>, vector<16xf32>,
      %mul3A_769 = arith.mulf %gather3A, %get3A_768 : vector<16xf32>
      %add3A_770 = arith.addf %broadcast_in_dim3A_763, %mul3A_769 : vector<16xf32>
      %add3A_771 = arith.constant 16 : i32
      %add3A_772 = arith.addi %add3A_771, %add3A_122 : i32
      %get3A_773 = arith.index_cast %add3A_772 : i32 to index
      %get3A_774 = arith.constant 528 : index
      %get3A_775 = tpu.vector_load %arg10[%get3A_773, %get3A_774] {strides = array<i32>} : memref<32x768xf32, #tpu.memory_space<vmem>>, vector<16xf32>,
      %mul3A_776 = arith.mulf %gather3A_136, %get3A_775 : vector<16xf32>
      %add3A_777 = arith.addf %add3A_770, %mul3A_776 : vector<16xf32>
      %swap3A_778 = arith.index_cast %add3A_122 : i32 to index
      %swap3A_779 = arith.constant 528 : index
      %swap3A_780 = tpu.vector_load %arg13[%swap3A_778, %swap3A_779] {strides = array<i32>} : memref<16x768xf32, #tpu.memory_space<vmem>>, vector<16xf32>,
      tpu.vector_store %arg13[%swap3A_778, %swap3A_779], %add3A_777 {strides = array<i32>} : memref<16x768xf32, #tpu.memory_space<vmem>>, vector<16xf32>,
      %broadcast_in_dim3A_781 = arith.constant 0.000000e+00 : f32
      %broadcast_in_dim3A_782 = vector.broadcast %broadcast_in_dim3A_781 : f32 to vector<16xf32>
      %add3A_783 = arith.constant 0 : i32
      %add3A_784 = arith.addi %add3A_783, %add3A_122 : i32
      %get3A_785 = arith.index_cast %add3A_784 : i32 to index
      %get3A_786 = arith.constant 544 : index
      %get3A_787 = tpu.vector_load %arg10[%get3A_785, %get3A_786] {strides = array<i32>} : memref<32x768xf32, #tpu.memory_space<vmem>>, vector<16xf32>,
      %mul3A_788 = arith.mulf %gather3A, %get3A_787 : vector<16xf32>
      %add3A_789 = arith.addf %broadcast_in_dim3A_782, %mul3A_788 : vector<16xf32>
      %add3A_790 = arith.constant 16 : i32
      %add3A_791 = arith.addi %add3A_790, %add3A_122 : i32
      %get3A_792 = arith.index_cast %add3A_791 : i32 to index
      %get3A_793 = arith.constant 544 : index
      %get3A_794 = tpu.vector_load %arg10[%get3A_792, %get3A_793] {strides = array<i32>} : memref<32x768xf32, #tpu.memory_space<vmem>>, vector<16xf32>,
      %mul3A_795 = arith.mulf %gather3A_136, %get3A_794 : vector<16xf32>
      %add3A_796 = arith.addf %add3A_789, %mul3A_795 : vector<16xf32>
      %swap3A_797 = arith.index_cast %add3A_122 : i32 to index
      %swap3A_798 = arith.constant 544 : index
      %swap3A_799 = tpu.vector_load %arg13[%swap3A_797, %swap3A_798] {strides = array<i32>} : memref<16x768xf32, #tpu.memory_space<vmem>>, vector<16xf32>,
      tpu.vector_store %arg13[%swap3A_797, %swap3A_798], %add3A_796 {strides = array<i32>} : memref<16x768xf32, #tpu.memory_space<vmem>>, vector<16xf32>,
      %broadcast_in_dim3A_800 = arith.constant 0.000000e+00 : f32
      %broadcast_in_dim3A_801 = vector.broadcast %broadcast_in_dim3A_800 : f32 to vector<16xf32>
      %add3A_802 = arith.constant 0 : i32
      %add3A_803 = arith.addi %add3A_802, %add3A_122 : i32
      %get3A_804 = arith.index_cast %add3A_803 : i32 to index
      %get3A_805 = arith.constant 560 : index
      %get3A_806 = tpu.vector_load %arg10[%get3A_804, %get3A_805] {strides = array<i32>} : memref<32x768xf32, #tpu.memory_space<vmem>>, vector<16xf32>,
      %mul3A_807 = arith.mulf %gather3A, %get3A_806 : vector<16xf32>
      %add3A_808 = arith.addf %broadcast_in_dim3A_801, %mul3A_807 : vector<16xf32>
      %add3A_809 = arith.constant 16 : i32
      %add3A_810 = arith.addi %add3A_809, %add3A_122 : i32
      %get3A_811 = arith.index_cast %add3A_810 : i32 to index
      %get3A_812 = arith.constant 560 : index
      %get3A_813 = tpu.vector_load %arg10[%get3A_811, %get3A_812] {strides = array<i32>} : memref<32x768xf32, #tpu.memory_space<vmem>>, vector<16xf32>,
      %mul3A_814 = arith.mulf %gather3A_136, %get3A_813 : vector<16xf32>
      %add3A_815 = arith.addf %add3A_808, %mul3A_814 : vector<16xf32>
      %swap3A_816 = arith.index_cast %add3A_122 : i32 to index
      %swap3A_817 = arith.constant 560 : index
      %swap3A_818 = tpu.vector_load %arg13[%swap3A_816, %swap3A_817] {strides = array<i32>} : memref<16x768xf32, #tpu.memory_space<vmem>>, vector<16xf32>,
      tpu.vector_store %arg13[%swap3A_816, %swap3A_817], %add3A_815 {strides = array<i32>} : memref<16x768xf32, #tpu.memory_space<vmem>>, vector<16xf32>,
      %broadcast_in_dim3A_819 = arith.constant 0.000000e+00 : f32
      %broadcast_in_dim3A_820 = vector.broadcast %broadcast_in_dim3A_819 : f32 to vector<16xf32>
      %add3A_821 = arith.constant 0 : i32
      %add3A_822 = arith.addi %add3A_821, %add3A_122 : i32
      %get3A_823 = arith.index_cast %add3A_822 : i32 to index
      %get3A_824 = arith.constant 576 : index
      %get3A_825 = tpu.vector_load %arg10[%get3A_823, %get3A_824] {strides = array<i32>} : memref<32x768xf32, #tpu.memory_space<vmem>>, vector<16xf32>,
      %mul3A_826 = arith.mulf %gather3A, %get3A_825 : vector<16xf32>
      %add3A_827 = arith.addf %broadcast_in_dim3A_820, %mul3A_826 : vector<16xf32>
      %add3A_828 = arith.constant 16 : i32
      %add3A_829 = arith.addi %add3A_828, %add3A_122 : i32
      %get3A_830 = arith.index_cast %add3A_829 : i32 to index
      %get3A_831 = arith.constant 576 : index
      %get3A_832 = tpu.vector_load %arg10[%get3A_830, %get3A_831] {strides = array<i32>} : memref<32x768xf32, #tpu.memory_space<vmem>>, vector<16xf32>,
      %mul3A_833 = arith.mulf %gather3A_136, %get3A_832 : vector<16xf32>
      %add3A_834 = arith.addf %add3A_827, %mul3A_833 : vector<16xf32>
      %swap3A_835 = arith.index_cast %add3A_122 : i32 to index
      %swap3A_836 = arith.constant 576 : index
      %swap3A_837 = tpu.vector_load %arg13[%swap3A_835, %swap3A_836] {strides = array<i32>} : memref<16x768xf32, #tpu.memory_space<vmem>>, vector<16xf32>,
      tpu.vector_store %arg13[%swap3A_835, %swap3A_836], %add3A_834 {strides = array<i32>} : memref<16x768xf32, #tpu.memory_space<vmem>>, vector<16xf32>,
      %broadcast_in_dim3A_838 = arith.constant 0.000000e+00 : f32
      %broadcast_in_dim3A_839 = vector.broadcast %broadcast_in_dim3A_838 : f32 to vector<16xf32>
      %add3A_840 = arith.constant 0 : i32
      %add3A_841 = arith.addi %add3A_840, %add3A_122 : i32
      %get3A_842 = arith.index_cast %add3A_841 : i32 to index
      %get3A_843 = arith.constant 592 : index
      %get3A_844 = tpu.vector_load %arg10[%get3A_842, %get3A_843] {strides = array<i32>} : memref<32x768xf32, #tpu.memory_space<vmem>>, vector<16xf32>,
      %mul3A_845 = arith.mulf %gather3A, %get3A_844 : vector<16xf32>
      %add3A_846 = arith.addf %broadcast_in_dim3A_839, %mul3A_845 : vector<16xf32>
      %add3A_847 = arith.constant 16 : i32
      %add3A_848 = arith.addi %add3A_847, %add3A_122 : i32
      %get3A_849 = arith.index_cast %add3A_848 : i32 to index
      %get3A_850 = arith.constant 592 : index
      %get3A_851 = tpu.vector_load %arg10[%get3A_849, %get3A_850] {strides = array<i32>} : memref<32x768xf32, #tpu.memory_space<vmem>>, vector<16xf32>,
      %mul3A_852 = arith.mulf %gather3A_136, %get3A_851 : vector<16xf32>
      %add3A_853 = arith.addf %add3A_846, %mul3A_852 : vector<16xf32>
      %swap3A_854 = arith.index_cast %add3A_122 : i32 to index
      %swap3A_855 = arith.constant 592 : index
      %swap3A_856 = tpu.vector_load %arg13[%swap3A_854, %swap3A_855] {strides = array<i32>} : memref<16x768xf32, #tpu.memory_space<vmem>>, vector<16xf32>,
      tpu.vector_store %arg13[%swap3A_854, %swap3A_855], %add3A_853 {strides = array<i32>} : memref<16x768xf32, #tpu.memory_space<vmem>>, vector<16xf32>,
      %broadcast_in_dim3A_857 = arith.constant 0.000000e+00 : f32
      %broadcast_in_dim3A_858 = vector.broadcast %broadcast_in_dim3A_857 : f32 to vector<16xf32>
      %add3A_859 = arith.constant 0 : i32
      %add3A_860 = arith.addi %add3A_859, %add3A_122 : i32
      %get3A_861 = arith.index_cast %add3A_860 : i32 to index
      %get3A_862 = arith.constant 608 : index
      %get3A_863 = tpu.vector_load %arg10[%get3A_861, %get3A_862] {strides = array<i32>} : memref<32x768xf32, #tpu.memory_space<vmem>>, vector<16xf32>,
      %mul3A_864 = arith.mulf %gather3A, %get3A_863 : vector<16xf32>
      %add3A_865 = arith.addf %broadcast_in_dim3A_858, %mul3A_864 : vector<16xf32>
      %add3A_866 = arith.constant 16 : i32
      %add3A_867 = arith.addi %add3A_866, %add3A_122 : i32
      %get3A_868 = arith.index_cast %add3A_867 : i32 to index
      %get3A_869 = arith.constant 608 : index
      %get3A_870 = tpu.vector_load %arg10[%get3A_868, %get3A_869] {strides = array<i32>} : memref<32x768xf32, #tpu.memory_space<vmem>>, vector<16xf32>,
      %mul3A_871 = arith.mulf %gather3A_136, %get3A_870 : vector<16xf32>
      %add3A_872 = arith.addf %add3A_865, %mul3A_871 : vector<16xf32>
      %swap3A_873 = arith.index_cast %add3A_122 : i32 to index
      %swap3A_874 = arith.constant 608 : index
      %swap3A_875 = tpu.vector_load %arg13[%swap3A_873, %swap3A_874] {strides = array<i32>} : memref<16x768xf32, #tpu.memory_space<vmem>>, vector<16xf32>,
      tpu.vector_store %arg13[%swap3A_873, %swap3A_874], %add3A_872 {strides = array<i32>} : memref<16x768xf32, #tpu.memory_space<vmem>>, vector<16xf32>,
      %broadcast_in_dim3A_876 = arith.constant 0.000000e+00 : f32
      %broadcast_in_dim3A_877 = vector.broadcast %broadcast_in_dim3A_876 : f32 to vector<16xf32>
      %add3A_878 = arith.constant 0 : i32
      %add3A_879 = arith.addi %add3A_878, %add3A_122 : i32
      %get3A_880 = arith.index_cast %add3A_879 : i32 to index
      %get3A_881 = arith.constant 624 : index
      %get3A_882 = tpu.vector_load %arg10[%get3A_880, %get3A_881] {strides = array<i32>} : memref<32x768xf32, #tpu.memory_space<vmem>>, vector<16xf32>,
      %mul3A_883 = arith.mulf %gather3A, %get3A_882 : vector<16xf32>
      %add3A_884 = arith.addf %broadcast_in_dim3A_877, %mul3A_883 : vector<16xf32>
      %add3A_885 = arith.constant 16 : i32
      %add3A_886 = arith.addi %add3A_885, %add3A_122 : i32
      %get3A_887 = arith.index_cast %add3A_886 : i32 to index
      %get3A_888 = arith.constant 624 : index
      %get3A_889 = tpu.vector_load %arg10[%get3A_887, %get3A_888] {strides = array<i32>} : memref<32x768xf32, #tpu.memory_space<vmem>>, vector<16xf32>,
      %mul3A_890 = arith.mulf %gather3A_136, %get3A_889 : vector<16xf32>
      %add3A_891 = arith.addf %add3A_884, %mul3A_890 : vector<16xf32>
      %swap3A_892 = arith.index_cast %add3A_122 : i32 to index
      %swap3A_893 = arith.constant 624 : index
      %swap3A_894 = tpu.vector_load %arg13[%swap3A_892, %swap3A_893] {strides = array<i32>} : memref<16x768xf32, #tpu.memory_space<vmem>>, vector<16xf32>,
      tpu.vector_store %arg13[%swap3A_892, %swap3A_893], %add3A_891 {strides = array<i32>} : memref<16x768xf32, #tpu.memory_space<vmem>>, vector<16xf32>,
      %broadcast_in_dim3A_895 = arith.constant 0.000000e+00 : f32
      %broadcast_in_dim3A_896 = vector.broadcast %broadcast_in_dim3A_895 : f32 to vector<16xf32>
      %add3A_897 = arith.constant 0 : i32
      %add3A_898 = arith.addi %add3A_897, %add3A_122 : i32
      %get3A_899 = arith.index_cast %add3A_898 : i32 to index
      %get3A_900 = arith.constant 640 : index
      %get3A_901 = tpu.vector_load %arg10[%get3A_899, %get3A_900] {strides = array<i32>} : memref<32x768xf32, #tpu.memory_space<vmem>>, vector<16xf32>,
      %mul3A_902 = arith.mulf %gather3A, %get3A_901 : vector<16xf32>
      %add3A_903 = arith.addf %broadcast_in_dim3A_896, %mul3A_902 : vector<16xf32>
      %add3A_904 = arith.constant 16 : i32
      %add3A_905 = arith.addi %add3A_904, %add3A_122 : i32
      %get3A_906 = arith.index_cast %add3A_905 : i32 to index
      %get3A_907 = arith.constant 640 : index
      %get3A_908 = tpu.vector_load %arg10[%get3A_906, %get3A_907] {strides = array<i32>} : memref<32x768xf32, #tpu.memory_space<vmem>>, vector<16xf32>,
      %mul3A_909 = arith.mulf %gather3A_136, %get3A_908 : vector<16xf32>
      %add3A_910 = arith.addf %add3A_903, %mul3A_909 : vector<16xf32>
      %swap3A_911 = arith.index_cast %add3A_122 : i32 to index
      %swap3A_912 = arith.constant 640 : index
      %swap3A_913 = tpu.vector_load %arg13[%swap3A_911, %swap3A_912] {strides = array<i32>} : memref<16x768xf32, #tpu.memory_space<vmem>>, vector<16xf32>,
      tpu.vector_store %arg13[%swap3A_911, %swap3A_912], %add3A_910 {strides = array<i32>} : memref<16x768xf32, #tpu.memory_space<vmem>>, vector<16xf32>,
      %broadcast_in_dim3A_914 = arith.constant 0.000000e+00 : f32
      %broadcast_in_dim3A_915 = vector.broadcast %broadcast_in_dim3A_914 : f32 to vector<16xf32>
      %add3A_916 = arith.constant 0 : i32
      %add3A_917 = arith.addi %add3A_916, %add3A_122 : i32
      %get3A_918 = arith.index_cast %add3A_917 : i32 to index
      %get3A_919 = arith.constant 656 : index
      %get3A_920 = tpu.vector_load %arg10[%get3A_918, %get3A_919] {strides = array<i32>} : memref<32x768xf32, #tpu.memory_space<vmem>>, vector<16xf32>,
      %mul3A_921 = arith.mulf %gather3A, %get3A_920 : vector<16xf32>
      %add3A_922 = arith.addf %broadcast_in_dim3A_915, %mul3A_921 : vector<16xf32>
      %add3A_923 = arith.constant 16 : i32
      %add3A_924 = arith.addi %add3A_923, %add3A_122 : i32
      %get3A_925 = arith.index_cast %add3A_924 : i32 to index
      %get3A_926 = arith.constant 656 : index
      %get3A_927 = tpu.vector_load %arg10[%get3A_925, %get3A_926] {strides = array<i32>} : memref<32x768xf32, #tpu.memory_space<vmem>>, vector<16xf32>,
      %mul3A_928 = arith.mulf %gather3A_136, %get3A_927 : vector<16xf32>
      %add3A_929 = arith.addf %add3A_922, %mul3A_928 : vector<16xf32>
      %swap3A_930 = arith.index_cast %add3A_122 : i32 to index
      %swap3A_931 = arith.constant 656 : index
      %swap3A_932 = tpu.vector_load %arg13[%swap3A_930, %swap3A_931] {strides = array<i32>} : memref<16x768xf32, #tpu.memory_space<vmem>>, vector<16xf32>,
      tpu.vector_store %arg13[%swap3A_930, %swap3A_931], %add3A_929 {strides = array<i32>} : memref<16x768xf32, #tpu.memory_space<vmem>>, vector<16xf32>,
      %broadcast_in_dim3A_933 = arith.constant 0.000000e+00 : f32
      %broadcast_in_dim3A_934 = vector.broadcast %broadcast_in_dim3A_933 : f32 to vector<16xf32>
      %add3A_935 = arith.constant 0 : i32
      %add3A_936 = arith.addi %add3A_935, %add3A_122 : i32
      %get3A_937 = arith.index_cast %add3A_936 : i32 to index
      %get3A_938 = arith.constant 672 : index
      %get3A_939 = tpu.vector_load %arg10[%get3A_937, %get3A_938] {strides = array<i32>} : memref<32x768xf32, #tpu.memory_space<vmem>>, vector<16xf32>,
      %mul3A_940 = arith.mulf %gather3A, %get3A_939 : vector<16xf32>
      %add3A_941 = arith.addf %broadcast_in_dim3A_934, %mul3A_940 : vector<16xf32>
      %add3A_942 = arith.constant 16 : i32
      %add3A_943 = arith.addi %add3A_942, %add3A_122 : i32
      %get3A_944 = arith.index_cast %add3A_943 : i32 to index
      %get3A_945 = arith.constant 672 : index
      %get3A_946 = tpu.vector_load %arg10[%get3A_944, %get3A_945] {strides = array<i32>} : memref<32x768xf32, #tpu.memory_space<vmem>>, vector<16xf32>,
      %mul3A_947 = arith.mulf %gather3A_136, %get3A_946 : vector<16xf32>
      %add3A_948 = arith.addf %add3A_941, %mul3A_947 : vector<16xf32>
      %swap3A_949 = arith.index_cast %add3A_122 : i32 to index
      %swap3A_950 = arith.constant 672 : index
      %swap3A_951 = tpu.vector_load %arg13[%swap3A_949, %swap3A_950] {strides = array<i32>} : memref<16x768xf32, #tpu.memory_space<vmem>>, vector<16xf32>,
      tpu.vector_store %arg13[%swap3A_949, %swap3A_950], %add3A_948 {strides = array<i32>} : memref<16x768xf32, #tpu.memory_space<vmem>>, vector<16xf32>,
      %broadcast_in_dim3A_952 = arith.constant 0.000000e+00 : f32
      %broadcast_in_dim3A_953 = vector.broadcast %broadcast_in_dim3A_952 : f32 to vector<16xf32>
      %add3A_954 = arith.constant 0 : i32
      %add3A_955 = arith.addi %add3A_954, %add3A_122 : i32
      %get3A_956 = arith.index_cast %add3A_955 : i32 to index
      %get3A_957 = arith.constant 688 : index
      %get3A_958 = tpu.vector_load %arg10[%get3A_956, %get3A_957] {strides = array<i32>} : memref<32x768xf32, #tpu.memory_space<vmem>>, vector<16xf32>,
      %mul3A_959 = arith.mulf %gather3A, %get3A_958 : vector<16xf32>
      %add3A_960 = arith.addf %broadcast_in_dim3A_953, %mul3A_959 : vector<16xf32>
      %add3A_961 = arith.constant 16 : i32
      %add3A_962 = arith.addi %add3A_961, %add3A_122 : i32
      %get3A_963 = arith.index_cast %add3A_962 : i32 to index
      %get3A_964 = arith.constant 688 : index
      %get3A_965 = tpu.vector_load %arg10[%get3A_963, %get3A_964] {strides = array<i32>} : memref<32x768xf32, #tpu.memory_space<vmem>>, vector<16xf32>,
      %mul3A_966 = arith.mulf %gather3A_136, %get3A_965 : vector<16xf32>
      %add3A_967 = arith.addf %add3A_960, %mul3A_966 : vector<16xf32>
      %swap3A_968 = arith.index_cast %add3A_122 : i32 to index
      %swap3A_969 = arith.constant 688 : index
      %swap3A_970 = tpu.vector_load %arg13[%swap3A_968, %swap3A_969] {strides = array<i32>} : memref<16x768xf32, #tpu.memory_space<vmem>>, vector<16xf32>,
      tpu.vector_store %arg13[%swap3A_968, %swap3A_969], %add3A_967 {strides = array<i32>} : memref<16x768xf32, #tpu.memory_space<vmem>>, vector<16xf32>,
      %broadcast_in_dim3A_971 = arith.constant 0.000000e+00 : f32
      %broadcast_in_dim3A_972 = vector.broadcast %broadcast_in_dim3A_971 : f32 to vector<16xf32>
      %add3A_973 = arith.constant 0 : i32
      %add3A_974 = arith.addi %add3A_973, %add3A_122 : i32
      %get3A_975 = arith.index_cast %add3A_974 : i32 to index
      %get3A_976 = arith.constant 704 : index
      %get3A_977 = tpu.vector_load %arg10[%get3A_975, %get3A_976] {strides = array<i32>} : memref<32x768xf32, #tpu.memory_space<vmem>>, vector<16xf32>,
      %mul3A_978 = arith.mulf %gather3A, %get3A_977 : vector<16xf32>
      %add3A_979 = arith.addf %broadcast_in_dim3A_972, %mul3A_978 : vector<16xf32>
      %add3A_980 = arith.constant 16 : i32
      %add3A_981 = arith.addi %add3A_980, %add3A_122 : i32
      %get3A_982 = arith.index_cast %add3A_981 : i32 to index
      %get3A_983 = arith.constant 704 : index
      %get3A_984 = tpu.vector_load %arg10[%get3A_982, %get3A_983] {strides = array<i32>} : memref<32x768xf32, #tpu.memory_space<vmem>>, vector<16xf32>,
      %mul3A_985 = arith.mulf %gather3A_136, %get3A_984 : vector<16xf32>
      %add3A_986 = arith.addf %add3A_979, %mul3A_985 : vector<16xf32>
      %swap3A_987 = arith.index_cast %add3A_122 : i32 to index
      %swap3A_988 = arith.constant 704 : index
      %swap3A_989 = tpu.vector_load %arg13[%swap3A_987, %swap3A_988] {strides = array<i32>} : memref<16x768xf32, #tpu.memory_space<vmem>>, vector<16xf32>,
      tpu.vector_store %arg13[%swap3A_987, %swap3A_988], %add3A_986 {strides = array<i32>} : memref<16x768xf32, #tpu.memory_space<vmem>>, vector<16xf32>,
      %broadcast_in_dim3A_990 = arith.constant 0.000000e+00 : f32
      %broadcast_in_dim3A_991 = vector.broadcast %broadcast_in_dim3A_990 : f32 to vector<16xf32>
      %add3A_992 = arith.constant 0 : i32
      %add3A_993 = arith.addi %add3A_992, %add3A_122 : i32
      %get3A_994 = arith.index_cast %add3A_993 : i32 to index
      %get3A_995 = arith.constant 720 : index
      %get3A_996 = tpu.vector_load %arg10[%get3A_994, %get3A_995] {strides = array<i32>} : memref<32x768xf32, #tpu.memory_space<vmem>>, vector<16xf32>,
      %mul3A_997 = arith.mulf %gather3A, %get3A_996 : vector<16xf32>
      %add3A_998 = arith.addf %broadcast_in_dim3A_991, %mul3A_997 : vector<16xf32>
      %add3A_999 = arith.constant 16 : i32
      %add3A_1000 = arith.addi %add3A_999, %add3A_122 : i32
      %get3A_1001 = arith.index_cast %add3A_1000 : i32 to index
      %get3A_1002 = arith.constant 720 : index
      %get3A_1003 = tpu.vector_load %arg10[%get3A_1001, %get3A_1002] {strides = array<i32>} : memref<32x768xf32, #tpu.memory_space<vmem>>, vector<16xf32>,
      %mul3A_1004 = arith.mulf %gather3A_136, %get3A_1003 : vector<16xf32>
      %add3A_1005 = arith.addf %add3A_998, %mul3A_1004 : vector<16xf32>
      %swap3A_1006 = arith.index_cast %add3A_122 : i32 to index
      %swap3A_1007 = arith.constant 720 : index
      %swap3A_1008 = tpu.vector_load %arg13[%swap3A_1006, %swap3A_1007] {strides = array<i32>} : memref<16x768xf32, #tpu.memory_space<vmem>>, vector<16xf32>,
      tpu.vector_store %arg13[%swap3A_1006, %swap3A_1007], %add3A_1005 {strides = array<i32>} : memref<16x768xf32, #tpu.memory_space<vmem>>, vector<16xf32>,
      %broadcast_in_dim3A_1009 = arith.constant 0.000000e+00 : f32
      %broadcast_in_dim3A_1010 = vector.broadcast %broadcast_in_dim3A_1009 : f32 to vector<16xf32>
      %add3A_1011 = arith.constant 0 : i32
      %add3A_1012 = arith.addi %add3A_1011, %add3A_122 : i32
      %get3A_1013 = arith.index_cast %add3A_1012 : i32 to index
      %get3A_1014 = arith.constant 736 : index
      %get3A_1015 = tpu.vector_load %arg10[%get3A_1013, %get3A_1014] {strides = array<i32>} : memref<32x768xf32, #tpu.memory_space<vmem>>, vector<16xf32>,
      %mul3A_1016 = arith.mulf %gather3A, %get3A_1015 : vector<16xf32>
      %add3A_1017 = arith.addf %broadcast_in_dim3A_1010, %mul3A_1016 : vector<16xf32>
      %add3A_1018 = arith.constant 16 : i32
      %add3A_1019 = arith.addi %add3A_1018, %add3A_122 : i32
      %get3A_1020 = arith.index_cast %add3A_1019 : i32 to index
      %get3A_1021 = arith.constant 736 : index
      %get3A_1022 = tpu.vector_load %arg10[%get3A_1020, %get3A_1021] {strides = array<i32>} : memref<32x768xf32, #tpu.memory_space<vmem>>, vector<16xf32>,
      %mul3A_1023 = arith.mulf %gather3A_136, %get3A_1022 : vector<16xf32>
      %add3A_1024 = arith.addf %add3A_1017, %mul3A_1023 : vector<16xf32>
      %swap3A_1025 = arith.index_cast %add3A_122 : i32 to index
      %swap3A_1026 = arith.constant 736 : index
      %swap3A_1027 = tpu.vector_load %arg13[%swap3A_1025, %swap3A_1026] {strides = array<i32>} : memref<16x768xf32, #tpu.memory_space<vmem>>, vector<16xf32>,
      tpu.vector_store %arg13[%swap3A_1025, %swap3A_1026], %add3A_1024 {strides = array<i32>} : memref<16x768xf32, #tpu.memory_space<vmem>>, vector<16xf32>,
      %broadcast_in_dim3A_1028 = arith.constant 0.000000e+00 : f32
      %broadcast_in_dim3A_1029 = vector.broadcast %broadcast_in_dim3A_1028 : f32 to vector<16xf32>
      %add3A_1030 = arith.constant 0 : i32
      %add3A_1031 = arith.addi %add3A_1030, %add3A_122 : i32
      %get3A_1032 = arith.index_cast %add3A_1031 : i32 to index
      %get3A_1033 = arith.constant 752 : index
      %get3A_1034 = tpu.vector_load %arg10[%get3A_1032, %get3A_1033] {strides = array<i32>} : memref<32x768xf32, #tpu.memory_space<vmem>>, vector<16xf32>,
      %mul3A_1035 = arith.mulf %gather3A, %get3A_1034 : vector<16xf32>
      %add3A_1036 = arith.addf %broadcast_in_dim3A_1029, %mul3A_1035 : vector<16xf32>
      %add3A_1037 = arith.constant 16 : i32
      %add3A_1038 = arith.addi %add3A_1037, %add3A_122 : i32
      %get3A_1039 = arith.index_cast %add3A_1038 : i32 to index
      %get3A_1040 = arith.constant 752 : index
      %get3A_1041 = tpu.vector_load %arg10[%get3A_1039, %get3A_1040] {strides = array<i32>} : memref<32x768xf32, #tpu.memory_space<vmem>>, vector<16xf32>,
      %mul3A_1042 = arith.mulf %gather3A_136, %get3A_1041 : vector<16xf32>
      %add3A_1043 = arith.addf %add3A_1036, %mul3A_1042 : vector<16xf32>
      %swap3A_1044 = arith.index_cast %add3A_122 : i32 to index
      %swap3A_1045 = arith.constant 752 : index
      %swap3A_1046 = tpu.vector_load %arg13[%swap3A_1044, %swap3A_1045] {strides = array<i32>} : memref<16x768xf32, #tpu.memory_space<vmem>>, vector<16xf32>,
      tpu.vector_store %arg13[%swap3A_1044, %swap3A_1045], %add3A_1043 {strides = array<i32>} : memref<16x768xf32, #tpu.memory_space<vmem>>, vector<16xf32>,
    }
    %scan3A_42 = arith.constant 16 : i32
    %add3A_43 = arith.constant 0 : i32
    %add3A_44 = arith.addi %mul3A_2, %add3A_43 : i32
    %dma_start3A_45 = arith.constant 0 : i32
    %dma_start3A_46 = tpu.memref_slice %arg5[%add3A_44, %dma_start3A_45] : memref<2048x768xf32, #tpu.memory_space<hbm>> -> memref<16x768xf32, #tpu.memory_space<hbm>>
    %dma_start3A_47 = arith.constant 0 : i32
    %dma_start3A_48 = tpu.memref_slice %arg5[%add3A_44, %dma_start3A_47] : memref<2048x768xf32, #tpu.memory_space<hbm>> -> memref<16x768xf32, #tpu.memory_space<hbm>>
    tpu.enqueue_dma source(%arg13 : memref<16x768xf32, #tpu.memory_space<vmem>>) target(%dma_start3A_48 : memref<16x768xf32, #tpu.memory_space<hbm>>) target_semaphore(%arg16 : memref<!tpu.dma_semaphore, #tpu.memory_space<semaphore_mem>>)
    %add3A_49 = arith.constant 0 : i32
    %add3A_50 = arith.addi %add3A_49, %mul3A_2 : i32
    %add3A_51 = arith.constant 48 : i32
    %add3A_52 = arith.addi %add3A_50, %add3A_51 : i32
    "tpu.region"() ({
      %run_scoped3A = tpu.sem_alloc : memref<!tpu.dma_semaphore, #tpu.memory_space<semaphore_mem>>
      %dma_start3A_118 = arith.constant 0 : i32
      %dma_start3A_119 = tpu.memref_slice %arg6[%dma_start3A_118] : memref<32xi32, #tpu.memory_space<vmem>> -> memref<16xi32, #tpu.memory_space<vmem>>
      %dma_start3A_120 = tpu.memref_slice %arg2[%add3A_52] : memref<4096xi32, #tpu.memory_space<hbm>> -> memref<16xi32, #tpu.memory_space<hbm>>
      %dma_start3A_121 = arith.constant 0 : i32
      %dma_start3A_122 = tpu.memref_slice %arg6[%dma_start3A_121] : memref<32xi32, #tpu.memory_space<vmem>> -> memref<16xi32, #tpu.memory_space<vmem>>
      %dma_start3A_123 = tpu.memref_slice %arg2[%add3A_52] : memref<4096xi32, #tpu.memory_space<hbm>> -> memref<16xi32, #tpu.memory_space<hbm>>
      tpu.enqueue_dma source(%dma_start3A_123 : memref<16xi32, #tpu.memory_space<hbm>>) target(%dma_start3A_122 : memref<16xi32, #tpu.memory_space<vmem>>) target_semaphore(%run_scoped3A : memref<!tpu.dma_semaphore, #tpu.memory_space<semaphore_mem>>)
      %dma_wait3A_124 = arith.constant 0 : i32
      %dma_wait3A_125 = tpu.memref_slice %arg6[%dma_wait3A_124] : memref<32xi32, #tpu.memory_space<vmem>> -> memref<16xi32, #tpu.memory_space<vmem>>
      %dma_wait3A_126 = tpu.memref_slice %arg2[%add3A_52] : memref<4096xi32, #tpu.memory_space<hbm>> -> memref<16xi32, #tpu.memory_space<hbm>>
      %dma_wait3A_127 = arith.constant 0 : i32
      %dma_wait3A_128 = tpu.memref_slice %arg6[%dma_wait3A_127] : memref<32xi32, #tpu.memory_space<vmem>> -> memref<16xi32, #tpu.memory_space<vmem>>
      %dma_wait3A_129 = tpu.memref_slice %arg2[%add3A_52] : memref<4096xi32, #tpu.memory_space<hbm>> -> memref<16xi32, #tpu.memory_space<hbm>>
      tpu.wait_dma2 semaphore(%run_scoped3A : memref<!tpu.dma_semaphore, #tpu.memory_space<semaphore_mem>>) src(%dma_wait3A_129 : memref<16xi32, #tpu.memory_space<hbm>>) dst(%dma_wait3A_128 : memref<16xi32, #tpu.memory_space<vmem>>)
      tpu.yield
    }) : () -> ()
    %add3A_53 = arith.constant 2048 : i32
    %add3A_54 = arith.addi %add3A_53, %mul3A_2 : i32
    %add3A_55 = arith.constant 48 : i32
    %add3A_56 = arith.addi %add3A_54, %add3A_55 : i32
    "tpu.region"() ({
      %run_scoped3A = tpu.sem_alloc : memref<!tpu.dma_semaphore, #tpu.memory_space<semaphore_mem>>
      %dma_start3A_118 = arith.constant 16 : i32
      %dma_start3A_119 = tpu.memref_slice %arg6[%dma_start3A_118] : memref<32xi32, #tpu.memory_space<vmem>> -> memref<16xi32, #tpu.memory_space<vmem>>
      %dma_start3A_120 = tpu.memref_slice %arg2[%add3A_56] : memref<4096xi32, #tpu.memory_space<hbm>> -> memref<16xi32, #tpu.memory_space<hbm>>
      %dma_start3A_121 = arith.constant 16 : i32
      %dma_start3A_122 = tpu.memref_slice %arg6[%dma_start3A_121] : memref<32xi32, #tpu.memory_space<vmem>> -> memref<16xi32, #tpu.memory_space<vmem>>
      %dma_start3A_123 = tpu.memref_slice %arg2[%add3A_56] : memref<4096xi32, #tpu.memory_space<hbm>> -> memref<16xi32, #tpu.memory_space<hbm>>
      tpu.enqueue_dma source(%dma_start3A_123 : memref<16xi32, #tpu.memory_space<hbm>>) target(%dma_start3A_122 : memref<16xi32, #tpu.memory_space<vmem>>) target_semaphore(%run_scoped3A : memref<!tpu.dma_semaphore, #tpu.memory_space<semaphore_mem>>)
      %dma_wait3A_124 = arith.constant 16 : i32
      %dma_wait3A_125 = tpu.memref_slice %arg6[%dma_wait3A_124] : memref<32xi32, #tpu.memory_space<vmem>> -> memref<16xi32, #tpu.memory_space<vmem>>
      %dma_wait3A_126 = tpu.memref_slice %arg2[%add3A_56] : memref<4096xi32, #tpu.memory_space<hbm>> -> memref<16xi32, #tpu.memory_space<hbm>>
      %dma_wait3A_127 = arith.constant 16 : i32
      %dma_wait3A_128 = tpu.memref_slice %arg6[%dma_wait3A_127] : memref<32xi32, #tpu.memory_space<vmem>> -> memref<16xi32, #tpu.memory_space<vmem>>
      %dma_wait3A_129 = tpu.memref_slice %arg2[%add3A_56] : memref<4096xi32, #tpu.memory_space<hbm>> -> memref<16xi32, #tpu.memory_space<hbm>>
      tpu.wait_dma2 semaphore(%run_scoped3A : memref<!tpu.dma_semaphore, #tpu.memory_space<semaphore_mem>>) src(%dma_wait3A_129 : memref<16xi32, #tpu.memory_space<hbm>>) dst(%dma_wait3A_128 : memref<16xi32, #tpu.memory_space<vmem>>)
      tpu.yield
    }) : () -> ()
    %dma_start3A_57 = arith.constant 0 : i32
    %dma_start3A_58 = arith.constant 0 : i32
    %dma_start3A_59 = tpu.memref_slice %arg4[%dma_start3A_57, %dma_start3A_58] : memref<4096x768xf32, #tpu.memory_space<hbm>> -> memref<4096x768xf32, #tpu.memory_space<hbm>>
    tpu.enqueue_indirect_dma source(%dma_start3A_59 : memref<4096x768xf32, #tpu.memory_space<hbm>>) target(%arg10 : memref<32x768xf32, #tpu.memory_space<vmem>>) offsets(%arg6 : memref<32xi32, #tpu.memory_space<vmem>>) semaphore(%arg15 : memref<!tpu.dma_semaphore, #tpu.memory_space<semaphore_mem>>)
    %dma_wait3A_60 = arith.constant 0 : i32
    %dma_wait3A_61 = arith.constant 0 : i32
    %dma_wait3A_62 = tpu.memref_slice %arg4[%dma_wait3A_60, %dma_wait3A_61] : memref<4096x768xf32, #tpu.memory_space<hbm>> -> memref<4096x768xf32, #tpu.memory_space<hbm>>
    tpu.wait_indirect_dma semaphore(%arg15 : memref<!tpu.dma_semaphore, #tpu.memory_space<semaphore_mem>>) src(%dma_wait3A_62 : memref<4096x768xf32, #tpu.memory_space<hbm>>) dst(%arg11 : memref<32x768xf32, #tpu.memory_space<vmem>>)
    %scan3A_63 = arith.constant 0 : i32
    %scan3A_64 = arith.constant 16 : i32
    %scan3A_65 = arith.addi %scan3A_63, %scan3A_64 : i32
    %scan3A_66 = arith.constant 1 : i32
    scf.for %scan3A_118 = %scan3A_63 to %scan3A_65 step %scan3A_66  : i32 {
      %mul3A_119 = arith.constant 1 : i32
      %mul3A_120 = arith.muli %scan3A_118, %mul3A_119 : i32
      %add3A_121 = arith.constant 0 : i32
      %add3A_122 = arith.addi %add3A_121, %mul3A_120 : i32
      %add3A_123 = arith.constant 16 : i32
      %add3A_124 = arith.addi %add3A_123, %add3A_122 : i32
      %mul3A_125 = arith.constant 2 : i32
      %mul3A_126 = arith.muli %add3A_124, %mul3A_125 : i32
      %add3A_127 = arith.constant 0 : i32
      %add3A_128 = arith.addi %mul3A_126, %add3A_127 : i32
      %broadcast_in_dim3A = vector.broadcast %add3A_128 : i32 to vector<16xi32>
      %gather3A = tpu.vector_load_idx %arg9[%broadcast_in_dim3A] : memref<128xf32, #tpu.memory_space<vmem>>[vector<16xi32>], vector<16xf32>,
      %add3A_129 = arith.constant 16 : i32
      %add3A_130 = arith.addi %add3A_129, %add3A_122 : i32
      %mul3A_131 = arith.constant 2 : i32
      %mul3A_132 = arith.muli %add3A_130, %mul3A_131 : i32
      %add3A_133 = arith.constant 1 : i32
      %add3A_134 = arith.addi %mul3A_132, %add3A_133 : i32
      %broadcast_in_dim3A_135 = vector.broadcast %add3A_134 : i32 to vector<16xi32>
      %gather3A_136 = tpu.vector_load_idx %arg9[%broadcast_in_dim3A_135] : memref<128xf32, #tpu.memory_space<vmem>>[vector<16xi32>], vector<16xf32>,
      %broadcast_in_dim3A_137 = arith.constant 0.000000e+00 : f32
      %broadcast_in_dim3A_138 = vector.broadcast %broadcast_in_dim3A_137 : f32 to vector<16xf32>
      %add3A_139 = arith.constant 0 : i32
      %add3A_140 = arith.addi %add3A_139, %add3A_122 : i32
      %get3A = arith.index_cast %add3A_140 : i32 to index
      %get3A_141 = arith.constant 0 : index
      %get3A_142 = tpu.vector_load %arg11[%get3A, %get3A_141] {strides = array<i32>} : memref<32x768xf32, #tpu.memory_space<vmem>>, vector<16xf32>,
      %mul3A_143 = arith.mulf %gather3A, %get3A_142 : vector<16xf32>
      %add3A_144 = arith.addf %broadcast_in_dim3A_138, %mul3A_143 : vector<16xf32>
      %add3A_145 = arith.constant 16 : i32
      %add3A_146 = arith.addi %add3A_145, %add3A_122 : i32
      %get3A_147 = arith.index_cast %add3A_146 : i32 to index
      %get3A_148 = arith.constant 0 : index
      %get3A_149 = tpu.vector_load %arg11[%get3A_147, %get3A_148] {strides = array<i32>} : memref<32x768xf32, #tpu.memory_space<vmem>>, vector<16xf32>,
      %mul3A_150 = arith.mulf %gather3A_136, %get3A_149 : vector<16xf32>
      %add3A_151 = arith.addf %add3A_144, %mul3A_150 : vector<16xf32>
      %swap3A = arith.index_cast %add3A_122 : i32 to index
      %swap3A_152 = arith.constant 0 : index
      %swap3A_153 = tpu.vector_load %arg14[%swap3A, %swap3A_152] {strides = array<i32>} : memref<16x768xf32, #tpu.memory_space<vmem>>, vector<16xf32>,
      tpu.vector_store %arg14[%swap3A, %swap3A_152], %add3A_151 {strides = array<i32>} : memref<16x768xf32, #tpu.memory_space<vmem>>, vector<16xf32>,
      %broadcast_in_dim3A_154 = arith.constant 0.000000e+00 : f32
      %broadcast_in_dim3A_155 = vector.broadcast %broadcast_in_dim3A_154 : f32 to vector<16xf32>
      %add3A_156 = arith.constant 0 : i32
      %add3A_157 = arith.addi %add3A_156, %add3A_122 : i32
      %get3A_158 = arith.index_cast %add3A_157 : i32 to index
      %get3A_159 = arith.constant 16 : index
      %get3A_160 = tpu.vector_load %arg11[%get3A_158, %get3A_159] {strides = array<i32>} : memref<32x768xf32, #tpu.memory_space<vmem>>, vector<16xf32>,
      %mul3A_161 = arith.mulf %gather3A, %get3A_160 : vector<16xf32>
      %add3A_162 = arith.addf %broadcast_in_dim3A_155, %mul3A_161 : vector<16xf32>
      %add3A_163 = arith.constant 16 : i32
      %add3A_164 = arith.addi %add3A_163, %add3A_122 : i32
      %get3A_165 = arith.index_cast %add3A_164 : i32 to index
      %get3A_166 = arith.constant 16 : index
      %get3A_167 = tpu.vector_load %arg11[%get3A_165, %get3A_166] {strides = array<i32>} : memref<32x768xf32, #tpu.memory_space<vmem>>, vector<16xf32>,
      %mul3A_168 = arith.mulf %gather3A_136, %get3A_167 : vector<16xf32>
      %add3A_169 = arith.addf %add3A_162, %mul3A_168 : vector<16xf32>
      %swap3A_170 = arith.index_cast %add3A_122 : i32 to index
      %swap3A_171 = arith.constant 16 : index
      %swap3A_172 = tpu.vector_load %arg14[%swap3A_170, %swap3A_171] {strides = array<i32>} : memref<16x768xf32, #tpu.memory_space<vmem>>, vector<16xf32>,
      tpu.vector_store %arg14[%swap3A_170, %swap3A_171], %add3A_169 {strides = array<i32>} : memref<16x768xf32, #tpu.memory_space<vmem>>, vector<16xf32>,
      %broadcast_in_dim3A_173 = arith.constant 0.000000e+00 : f32
      %broadcast_in_dim3A_174 = vector.broadcast %broadcast_in_dim3A_173 : f32 to vector<16xf32>
      %add3A_175 = arith.constant 0 : i32
      %add3A_176 = arith.addi %add3A_175, %add3A_122 : i32
      %get3A_177 = arith.index_cast %add3A_176 : i32 to index
      %get3A_178 = arith.constant 32 : index
      %get3A_179 = tpu.vector_load %arg11[%get3A_177, %get3A_178] {strides = array<i32>} : memref<32x768xf32, #tpu.memory_space<vmem>>, vector<16xf32>,
      %mul3A_180 = arith.mulf %gather3A, %get3A_179 : vector<16xf32>
      %add3A_181 = arith.addf %broadcast_in_dim3A_174, %mul3A_180 : vector<16xf32>
      %add3A_182 = arith.constant 16 : i32
      %add3A_183 = arith.addi %add3A_182, %add3A_122 : i32
      %get3A_184 = arith.index_cast %add3A_183 : i32 to index
      %get3A_185 = arith.constant 32 : index
      %get3A_186 = tpu.vector_load %arg11[%get3A_184, %get3A_185] {strides = array<i32>} : memref<32x768xf32, #tpu.memory_space<vmem>>, vector<16xf32>,
      %mul3A_187 = arith.mulf %gather3A_136, %get3A_186 : vector<16xf32>
      %add3A_188 = arith.addf %add3A_181, %mul3A_187 : vector<16xf32>
      %swap3A_189 = arith.index_cast %add3A_122 : i32 to index
      %swap3A_190 = arith.constant 32 : index
      %swap3A_191 = tpu.vector_load %arg14[%swap3A_189, %swap3A_190] {strides = array<i32>} : memref<16x768xf32, #tpu.memory_space<vmem>>, vector<16xf32>,
      tpu.vector_store %arg14[%swap3A_189, %swap3A_190], %add3A_188 {strides = array<i32>} : memref<16x768xf32, #tpu.memory_space<vmem>>, vector<16xf32>,
      %broadcast_in_dim3A_192 = arith.constant 0.000000e+00 : f32
      %broadcast_in_dim3A_193 = vector.broadcast %broadcast_in_dim3A_192 : f32 to vector<16xf32>
      %add3A_194 = arith.constant 0 : i32
      %add3A_195 = arith.addi %add3A_194, %add3A_122 : i32
      %get3A_196 = arith.index_cast %add3A_195 : i32 to index
      %get3A_197 = arith.constant 48 : index
      %get3A_198 = tpu.vector_load %arg11[%get3A_196, %get3A_197] {strides = array<i32>} : memref<32x768xf32, #tpu.memory_space<vmem>>, vector<16xf32>,
      %mul3A_199 = arith.mulf %gather3A, %get3A_198 : vector<16xf32>
      %add3A_200 = arith.addf %broadcast_in_dim3A_193, %mul3A_199 : vector<16xf32>
      %add3A_201 = arith.constant 16 : i32
      %add3A_202 = arith.addi %add3A_201, %add3A_122 : i32
      %get3A_203 = arith.index_cast %add3A_202 : i32 to index
      %get3A_204 = arith.constant 48 : index
      %get3A_205 = tpu.vector_load %arg11[%get3A_203, %get3A_204] {strides = array<i32>} : memref<32x768xf32, #tpu.memory_space<vmem>>, vector<16xf32>,
      %mul3A_206 = arith.mulf %gather3A_136, %get3A_205 : vector<16xf32>
      %add3A_207 = arith.addf %add3A_200, %mul3A_206 : vector<16xf32>
      %swap3A_208 = arith.index_cast %add3A_122 : i32 to index
      %swap3A_209 = arith.constant 48 : index
      %swap3A_210 = tpu.vector_load %arg14[%swap3A_208, %swap3A_209] {strides = array<i32>} : memref<16x768xf32, #tpu.memory_space<vmem>>, vector<16xf32>,
      tpu.vector_store %arg14[%swap3A_208, %swap3A_209], %add3A_207 {strides = array<i32>} : memref<16x768xf32, #tpu.memory_space<vmem>>, vector<16xf32>,
      %broadcast_in_dim3A_211 = arith.constant 0.000000e+00 : f32
      %broadcast_in_dim3A_212 = vector.broadcast %broadcast_in_dim3A_211 : f32 to vector<16xf32>
      %add3A_213 = arith.constant 0 : i32
      %add3A_214 = arith.addi %add3A_213, %add3A_122 : i32
      %get3A_215 = arith.index_cast %add3A_214 : i32 to index
      %get3A_216 = arith.constant 64 : index
      %get3A_217 = tpu.vector_load %arg11[%get3A_215, %get3A_216] {strides = array<i32>} : memref<32x768xf32, #tpu.memory_space<vmem>>, vector<16xf32>,
      %mul3A_218 = arith.mulf %gather3A, %get3A_217 : vector<16xf32>
      %add3A_219 = arith.addf %broadcast_in_dim3A_212, %mul3A_218 : vector<16xf32>
      %add3A_220 = arith.constant 16 : i32
      %add3A_221 = arith.addi %add3A_220, %add3A_122 : i32
      %get3A_222 = arith.index_cast %add3A_221 : i32 to index
      %get3A_223 = arith.constant 64 : index
      %get3A_224 = tpu.vector_load %arg11[%get3A_222, %get3A_223] {strides = array<i32>} : memref<32x768xf32, #tpu.memory_space<vmem>>, vector<16xf32>,
      %mul3A_225 = arith.mulf %gather3A_136, %get3A_224 : vector<16xf32>
      %add3A_226 = arith.addf %add3A_219, %mul3A_225 : vector<16xf32>
      %swap3A_227 = arith.index_cast %add3A_122 : i32 to index
      %swap3A_228 = arith.constant 64 : index
      %swap3A_229 = tpu.vector_load %arg14[%swap3A_227, %swap3A_228] {strides = array<i32>} : memref<16x768xf32, #tpu.memory_space<vmem>>, vector<16xf32>,
      tpu.vector_store %arg14[%swap3A_227, %swap3A_228], %add3A_226 {strides = array<i32>} : memref<16x768xf32, #tpu.memory_space<vmem>>, vector<16xf32>,
      %broadcast_in_dim3A_230 = arith.constant 0.000000e+00 : f32
      %broadcast_in_dim3A_231 = vector.broadcast %broadcast_in_dim3A_230 : f32 to vector<16xf32>
      %add3A_232 = arith.constant 0 : i32
      %add3A_233 = arith.addi %add3A_232, %add3A_122 : i32
      %get3A_234 = arith.index_cast %add3A_233 : i32 to index
      %get3A_235 = arith.constant 80 : index
      %get3A_236 = tpu.vector_load %arg11[%get3A_234, %get3A_235] {strides = array<i32>} : memref<32x768xf32, #tpu.memory_space<vmem>>, vector<16xf32>,
      %mul3A_237 = arith.mulf %gather3A, %get3A_236 : vector<16xf32>
      %add3A_238 = arith.addf %broadcast_in_dim3A_231, %mul3A_237 : vector<16xf32>
      %add3A_239 = arith.constant 16 : i32
      %add3A_240 = arith.addi %add3A_239, %add3A_122 : i32
      %get3A_241 = arith.index_cast %add3A_240 : i32 to index
      %get3A_242 = arith.constant 80 : index
      %get3A_243 = tpu.vector_load %arg11[%get3A_241, %get3A_242] {strides = array<i32>} : memref<32x768xf32, #tpu.memory_space<vmem>>, vector<16xf32>,
      %mul3A_244 = arith.mulf %gather3A_136, %get3A_243 : vector<16xf32>
      %add3A_245 = arith.addf %add3A_238, %mul3A_244 : vector<16xf32>
      %swap3A_246 = arith.index_cast %add3A_122 : i32 to index
      %swap3A_247 = arith.constant 80 : index
      %swap3A_248 = tpu.vector_load %arg14[%swap3A_246, %swap3A_247] {strides = array<i32>} : memref<16x768xf32, #tpu.memory_space<vmem>>, vector<16xf32>,
      tpu.vector_store %arg14[%swap3A_246, %swap3A_247], %add3A_245 {strides = array<i32>} : memref<16x768xf32, #tpu.memory_space<vmem>>, vector<16xf32>,
      %broadcast_in_dim3A_249 = arith.constant 0.000000e+00 : f32
      %broadcast_in_dim3A_250 = vector.broadcast %broadcast_in_dim3A_249 : f32 to vector<16xf32>
      %add3A_251 = arith.constant 0 : i32
      %add3A_252 = arith.addi %add3A_251, %add3A_122 : i32
      %get3A_253 = arith.index_cast %add3A_252 : i32 to index
      %get3A_254 = arith.constant 96 : index
      %get3A_255 = tpu.vector_load %arg11[%get3A_253, %get3A_254] {strides = array<i32>} : memref<32x768xf32, #tpu.memory_space<vmem>>, vector<16xf32>,
      %mul3A_256 = arith.mulf %gather3A, %get3A_255 : vector<16xf32>
      %add3A_257 = arith.addf %broadcast_in_dim3A_250, %mul3A_256 : vector<16xf32>
      %add3A_258 = arith.constant 16 : i32
      %add3A_259 = arith.addi %add3A_258, %add3A_122 : i32
      %get3A_260 = arith.index_cast %add3A_259 : i32 to index
      %get3A_261 = arith.constant 96 : index
      %get3A_262 = tpu.vector_load %arg11[%get3A_260, %get3A_261] {strides = array<i32>} : memref<32x768xf32, #tpu.memory_space<vmem>>, vector<16xf32>,
      %mul3A_263 = arith.mulf %gather3A_136, %get3A_262 : vector<16xf32>
      %add3A_264 = arith.addf %add3A_257, %mul3A_263 : vector<16xf32>
      %swap3A_265 = arith.index_cast %add3A_122 : i32 to index
      %swap3A_266 = arith.constant 96 : index
      %swap3A_267 = tpu.vector_load %arg14[%swap3A_265, %swap3A_266] {strides = array<i32>} : memref<16x768xf32, #tpu.memory_space<vmem>>, vector<16xf32>,
      tpu.vector_store %arg14[%swap3A_265, %swap3A_266], %add3A_264 {strides = array<i32>} : memref<16x768xf32, #tpu.memory_space<vmem>>, vector<16xf32>,
      %broadcast_in_dim3A_268 = arith.constant 0.000000e+00 : f32
      %broadcast_in_dim3A_269 = vector.broadcast %broadcast_in_dim3A_268 : f32 to vector<16xf32>
      %add3A_270 = arith.constant 0 : i32
      %add3A_271 = arith.addi %add3A_270, %add3A_122 : i32
      %get3A_272 = arith.index_cast %add3A_271 : i32 to index
      %get3A_273 = arith.constant 112 : index
      %get3A_274 = tpu.vector_load %arg11[%get3A_272, %get3A_273] {strides = array<i32>} : memref<32x768xf32, #tpu.memory_space<vmem>>, vector<16xf32>,
      %mul3A_275 = arith.mulf %gather3A, %get3A_274 : vector<16xf32>
      %add3A_276 = arith.addf %broadcast_in_dim3A_269, %mul3A_275 : vector<16xf32>
      %add3A_277 = arith.constant 16 : i32
      %add3A_278 = arith.addi %add3A_277, %add3A_122 : i32
      %get3A_279 = arith.index_cast %add3A_278 : i32 to index
      %get3A_280 = arith.constant 112 : index
      %get3A_281 = tpu.vector_load %arg11[%get3A_279, %get3A_280] {strides = array<i32>} : memref<32x768xf32, #tpu.memory_space<vmem>>, vector<16xf32>,
      %mul3A_282 = arith.mulf %gather3A_136, %get3A_281 : vector<16xf32>
      %add3A_283 = arith.addf %add3A_276, %mul3A_282 : vector<16xf32>
      %swap3A_284 = arith.index_cast %add3A_122 : i32 to index
      %swap3A_285 = arith.constant 112 : index
      %swap3A_286 = tpu.vector_load %arg14[%swap3A_284, %swap3A_285] {strides = array<i32>} : memref<16x768xf32, #tpu.memory_space<vmem>>, vector<16xf32>,
      tpu.vector_store %arg14[%swap3A_284, %swap3A_285], %add3A_283 {strides = array<i32>} : memref<16x768xf32, #tpu.memory_space<vmem>>, vector<16xf32>,
      %broadcast_in_dim3A_287 = arith.constant 0.000000e+00 : f32
      %broadcast_in_dim3A_288 = vector.broadcast %broadcast_in_dim3A_287 : f32 to vector<16xf32>
      %add3A_289 = arith.constant 0 : i32
      %add3A_290 = arith.addi %add3A_289, %add3A_122 : i32
      %get3A_291 = arith.index_cast %add3A_290 : i32 to index
      %get3A_292 = arith.constant 128 : index
      %get3A_293 = tpu.vector_load %arg11[%get3A_291, %get3A_292] {strides = array<i32>} : memref<32x768xf32, #tpu.memory_space<vmem>>, vector<16xf32>,
      %mul3A_294 = arith.mulf %gather3A, %get3A_293 : vector<16xf32>
      %add3A_295 = arith.addf %broadcast_in_dim3A_288, %mul3A_294 : vector<16xf32>
      %add3A_296 = arith.constant 16 : i32
      %add3A_297 = arith.addi %add3A_296, %add3A_122 : i32
      %get3A_298 = arith.index_cast %add3A_297 : i32 to index
      %get3A_299 = arith.constant 128 : index
      %get3A_300 = tpu.vector_load %arg11[%get3A_298, %get3A_299] {strides = array<i32>} : memref<32x768xf32, #tpu.memory_space<vmem>>, vector<16xf32>,
      %mul3A_301 = arith.mulf %gather3A_136, %get3A_300 : vector<16xf32>
      %add3A_302 = arith.addf %add3A_295, %mul3A_301 : vector<16xf32>
      %swap3A_303 = arith.index_cast %add3A_122 : i32 to index
      %swap3A_304 = arith.constant 128 : index
      %swap3A_305 = tpu.vector_load %arg14[%swap3A_303, %swap3A_304] {strides = array<i32>} : memref<16x768xf32, #tpu.memory_space<vmem>>, vector<16xf32>,
      tpu.vector_store %arg14[%swap3A_303, %swap3A_304], %add3A_302 {strides = array<i32>} : memref<16x768xf32, #tpu.memory_space<vmem>>, vector<16xf32>,
      %broadcast_in_dim3A_306 = arith.constant 0.000000e+00 : f32
      %broadcast_in_dim3A_307 = vector.broadcast %broadcast_in_dim3A_306 : f32 to vector<16xf32>
      %add3A_308 = arith.constant 0 : i32
      %add3A_309 = arith.addi %add3A_308, %add3A_122 : i32
      %get3A_310 = arith.index_cast %add3A_309 : i32 to index
      %get3A_311 = arith.constant 144 : index
      %get3A_312 = tpu.vector_load %arg11[%get3A_310, %get3A_311] {strides = array<i32>} : memref<32x768xf32, #tpu.memory_space<vmem>>, vector<16xf32>,
      %mul3A_313 = arith.mulf %gather3A, %get3A_312 : vector<16xf32>
      %add3A_314 = arith.addf %broadcast_in_dim3A_307, %mul3A_313 : vector<16xf32>
      %add3A_315 = arith.constant 16 : i32
      %add3A_316 = arith.addi %add3A_315, %add3A_122 : i32
      %get3A_317 = arith.index_cast %add3A_316 : i32 to index
      %get3A_318 = arith.constant 144 : index
      %get3A_319 = tpu.vector_load %arg11[%get3A_317, %get3A_318] {strides = array<i32>} : memref<32x768xf32, #tpu.memory_space<vmem>>, vector<16xf32>,
      %mul3A_320 = arith.mulf %gather3A_136, %get3A_319 : vector<16xf32>
      %add3A_321 = arith.addf %add3A_314, %mul3A_320 : vector<16xf32>
      %swap3A_322 = arith.index_cast %add3A_122 : i32 to index
      %swap3A_323 = arith.constant 144 : index
      %swap3A_324 = tpu.vector_load %arg14[%swap3A_322, %swap3A_323] {strides = array<i32>} : memref<16x768xf32, #tpu.memory_space<vmem>>, vector<16xf32>,
      tpu.vector_store %arg14[%swap3A_322, %swap3A_323], %add3A_321 {strides = array<i32>} : memref<16x768xf32, #tpu.memory_space<vmem>>, vector<16xf32>,
      %broadcast_in_dim3A_325 = arith.constant 0.000000e+00 : f32
      %broadcast_in_dim3A_326 = vector.broadcast %broadcast_in_dim3A_325 : f32 to vector<16xf32>
      %add3A_327 = arith.constant 0 : i32
      %add3A_328 = arith.addi %add3A_327, %add3A_122 : i32
      %get3A_329 = arith.index_cast %add3A_328 : i32 to index
      %get3A_330 = arith.constant 160 : index
      %get3A_331 = tpu.vector_load %arg11[%get3A_329, %get3A_330] {strides = array<i32>} : memref<32x768xf32, #tpu.memory_space<vmem>>, vector<16xf32>,
      %mul3A_332 = arith.mulf %gather3A, %get3A_331 : vector<16xf32>
      %add3A_333 = arith.addf %broadcast_in_dim3A_326, %mul3A_332 : vector<16xf32>
      %add3A_334 = arith.constant 16 : i32
      %add3A_335 = arith.addi %add3A_334, %add3A_122 : i32
      %get3A_336 = arith.index_cast %add3A_335 : i32 to index
      %get3A_337 = arith.constant 160 : index
      %get3A_338 = tpu.vector_load %arg11[%get3A_336, %get3A_337] {strides = array<i32>} : memref<32x768xf32, #tpu.memory_space<vmem>>, vector<16xf32>,
      %mul3A_339 = arith.mulf %gather3A_136, %get3A_338 : vector<16xf32>
      %add3A_340 = arith.addf %add3A_333, %mul3A_339 : vector<16xf32>
      %swap3A_341 = arith.index_cast %add3A_122 : i32 to index
      %swap3A_342 = arith.constant 160 : index
      %swap3A_343 = tpu.vector_load %arg14[%swap3A_341, %swap3A_342] {strides = array<i32>} : memref<16x768xf32, #tpu.memory_space<vmem>>, vector<16xf32>,
      tpu.vector_store %arg14[%swap3A_341, %swap3A_342], %add3A_340 {strides = array<i32>} : memref<16x768xf32, #tpu.memory_space<vmem>>, vector<16xf32>,
      %broadcast_in_dim3A_344 = arith.constant 0.000000e+00 : f32
      %broadcast_in_dim3A_345 = vector.broadcast %broadcast_in_dim3A_344 : f32 to vector<16xf32>
      %add3A_346 = arith.constant 0 : i32
      %add3A_347 = arith.addi %add3A_346, %add3A_122 : i32
      %get3A_348 = arith.index_cast %add3A_347 : i32 to index
      %get3A_349 = arith.constant 176 : index
      %get3A_350 = tpu.vector_load %arg11[%get3A_348, %get3A_349] {strides = array<i32>} : memref<32x768xf32, #tpu.memory_space<vmem>>, vector<16xf32>,
      %mul3A_351 = arith.mulf %gather3A, %get3A_350 : vector<16xf32>
      %add3A_352 = arith.addf %broadcast_in_dim3A_345, %mul3A_351 : vector<16xf32>
      %add3A_353 = arith.constant 16 : i32
      %add3A_354 = arith.addi %add3A_353, %add3A_122 : i32
      %get3A_355 = arith.index_cast %add3A_354 : i32 to index
      %get3A_356 = arith.constant 176 : index
      %get3A_357 = tpu.vector_load %arg11[%get3A_355, %get3A_356] {strides = array<i32>} : memref<32x768xf32, #tpu.memory_space<vmem>>, vector<16xf32>,
      %mul3A_358 = arith.mulf %gather3A_136, %get3A_357 : vector<16xf32>
      %add3A_359 = arith.addf %add3A_352, %mul3A_358 : vector<16xf32>
      %swap3A_360 = arith.index_cast %add3A_122 : i32 to index
      %swap3A_361 = arith.constant 176 : index
      %swap3A_362 = tpu.vector_load %arg14[%swap3A_360, %swap3A_361] {strides = array<i32>} : memref<16x768xf32, #tpu.memory_space<vmem>>, vector<16xf32>,
      tpu.vector_store %arg14[%swap3A_360, %swap3A_361], %add3A_359 {strides = array<i32>} : memref<16x768xf32, #tpu.memory_space<vmem>>, vector<16xf32>,
      %broadcast_in_dim3A_363 = arith.constant 0.000000e+00 : f32
      %broadcast_in_dim3A_364 = vector.broadcast %broadcast_in_dim3A_363 : f32 to vector<16xf32>
      %add3A_365 = arith.constant 0 : i32
      %add3A_366 = arith.addi %add3A_365, %add3A_122 : i32
      %get3A_367 = arith.index_cast %add3A_366 : i32 to index
      %get3A_368 = arith.constant 192 : index
      %get3A_369 = tpu.vector_load %arg11[%get3A_367, %get3A_368] {strides = array<i32>} : memref<32x768xf32, #tpu.memory_space<vmem>>, vector<16xf32>,
      %mul3A_370 = arith.mulf %gather3A, %get3A_369 : vector<16xf32>
      %add3A_371 = arith.addf %broadcast_in_dim3A_364, %mul3A_370 : vector<16xf32>
      %add3A_372 = arith.constant 16 : i32
      %add3A_373 = arith.addi %add3A_372, %add3A_122 : i32
      %get3A_374 = arith.index_cast %add3A_373 : i32 to index
      %get3A_375 = arith.constant 192 : index
      %get3A_376 = tpu.vector_load %arg11[%get3A_374, %get3A_375] {strides = array<i32>} : memref<32x768xf32, #tpu.memory_space<vmem>>, vector<16xf32>,
      %mul3A_377 = arith.mulf %gather3A_136, %get3A_376 : vector<16xf32>
      %add3A_378 = arith.addf %add3A_371, %mul3A_377 : vector<16xf32>
      %swap3A_379 = arith.index_cast %add3A_122 : i32 to index
      %swap3A_380 = arith.constant 192 : index
      %swap3A_381 = tpu.vector_load %arg14[%swap3A_379, %swap3A_380] {strides = array<i32>} : memref<16x768xf32, #tpu.memory_space<vmem>>, vector<16xf32>,
      tpu.vector_store %arg14[%swap3A_379, %swap3A_380], %add3A_378 {strides = array<i32>} : memref<16x768xf32, #tpu.memory_space<vmem>>, vector<16xf32>,
      %broadcast_in_dim3A_382 = arith.constant 0.000000e+00 : f32
      %broadcast_in_dim3A_383 = vector.broadcast %broadcast_in_dim3A_382 : f32 to vector<16xf32>
      %add3A_384 = arith.constant 0 : i32
      %add3A_385 = arith.addi %add3A_384, %add3A_122 : i32
      %get3A_386 = arith.index_cast %add3A_385 : i32 to index
      %get3A_387 = arith.constant 208 : index
      %get3A_388 = tpu.vector_load %arg11[%get3A_386, %get3A_387] {strides = array<i32>} : memref<32x768xf32, #tpu.memory_space<vmem>>, vector<16xf32>,
      %mul3A_389 = arith.mulf %gather3A, %get3A_388 : vector<16xf32>
      %add3A_390 = arith.addf %broadcast_in_dim3A_383, %mul3A_389 : vector<16xf32>
      %add3A_391 = arith.constant 16 : i32
      %add3A_392 = arith.addi %add3A_391, %add3A_122 : i32
      %get3A_393 = arith.index_cast %add3A_392 : i32 to index
      %get3A_394 = arith.constant 208 : index
      %get3A_395 = tpu.vector_load %arg11[%get3A_393, %get3A_394] {strides = array<i32>} : memref<32x768xf32, #tpu.memory_space<vmem>>, vector<16xf32>,
      %mul3A_396 = arith.mulf %gather3A_136, %get3A_395 : vector<16xf32>
      %add3A_397 = arith.addf %add3A_390, %mul3A_396 : vector<16xf32>
      %swap3A_398 = arith.index_cast %add3A_122 : i32 to index
      %swap3A_399 = arith.constant 208 : index
      %swap3A_400 = tpu.vector_load %arg14[%swap3A_398, %swap3A_399] {strides = array<i32>} : memref<16x768xf32, #tpu.memory_space<vmem>>, vector<16xf32>,
      tpu.vector_store %arg14[%swap3A_398, %swap3A_399], %add3A_397 {strides = array<i32>} : memref<16x768xf32, #tpu.memory_space<vmem>>, vector<16xf32>,
      %broadcast_in_dim3A_401 = arith.constant 0.000000e+00 : f32
      %broadcast_in_dim3A_402 = vector.broadcast %broadcast_in_dim3A_401 : f32 to vector<16xf32>
      %add3A_403 = arith.constant 0 : i32
      %add3A_404 = arith.addi %add3A_403, %add3A_122 : i32
      %get3A_405 = arith.index_cast %add3A_404 : i32 to index
      %get3A_406 = arith.constant 224 : index
      %get3A_407 = tpu.vector_load %arg11[%get3A_405, %get3A_406] {strides = array<i32>} : memref<32x768xf32, #tpu.memory_space<vmem>>, vector<16xf32>,
      %mul3A_408 = arith.mulf %gather3A, %get3A_407 : vector<16xf32>
      %add3A_409 = arith.addf %broadcast_in_dim3A_402, %mul3A_408 : vector<16xf32>
      %add3A_410 = arith.constant 16 : i32
      %add3A_411 = arith.addi %add3A_410, %add3A_122 : i32
      %get3A_412 = arith.index_cast %add3A_411 : i32 to index
      %get3A_413 = arith.constant 224 : index
      %get3A_414 = tpu.vector_load %arg11[%get3A_412, %get3A_413] {strides = array<i32>} : memref<32x768xf32, #tpu.memory_space<vmem>>, vector<16xf32>,
      %mul3A_415 = arith.mulf %gather3A_136, %get3A_414 : vector<16xf32>
      %add3A_416 = arith.addf %add3A_409, %mul3A_415 : vector<16xf32>
      %swap3A_417 = arith.index_cast %add3A_122 : i32 to index
      %swap3A_418 = arith.constant 224 : index
      %swap3A_419 = tpu.vector_load %arg14[%swap3A_417, %swap3A_418] {strides = array<i32>} : memref<16x768xf32, #tpu.memory_space<vmem>>, vector<16xf32>,
      tpu.vector_store %arg14[%swap3A_417, %swap3A_418], %add3A_416 {strides = array<i32>} : memref<16x768xf32, #tpu.memory_space<vmem>>, vector<16xf32>,
      %broadcast_in_dim3A_420 = arith.constant 0.000000e+00 : f32
      %broadcast_in_dim3A_421 = vector.broadcast %broadcast_in_dim3A_420 : f32 to vector<16xf32>
      %add3A_422 = arith.constant 0 : i32
      %add3A_423 = arith.addi %add3A_422, %add3A_122 : i32
      %get3A_424 = arith.index_cast %add3A_423 : i32 to index
      %get3A_425 = arith.constant 240 : index
      %get3A_426 = tpu.vector_load %arg11[%get3A_424, %get3A_425] {strides = array<i32>} : memref<32x768xf32, #tpu.memory_space<vmem>>, vector<16xf32>,
      %mul3A_427 = arith.mulf %gather3A, %get3A_426 : vector<16xf32>
      %add3A_428 = arith.addf %broadcast_in_dim3A_421, %mul3A_427 : vector<16xf32>
      %add3A_429 = arith.constant 16 : i32
      %add3A_430 = arith.addi %add3A_429, %add3A_122 : i32
      %get3A_431 = arith.index_cast %add3A_430 : i32 to index
      %get3A_432 = arith.constant 240 : index
      %get3A_433 = tpu.vector_load %arg11[%get3A_431, %get3A_432] {strides = array<i32>} : memref<32x768xf32, #tpu.memory_space<vmem>>, vector<16xf32>,
      %mul3A_434 = arith.mulf %gather3A_136, %get3A_433 : vector<16xf32>
      %add3A_435 = arith.addf %add3A_428, %mul3A_434 : vector<16xf32>
      %swap3A_436 = arith.index_cast %add3A_122 : i32 to index
      %swap3A_437 = arith.constant 240 : index
      %swap3A_438 = tpu.vector_load %arg14[%swap3A_436, %swap3A_437] {strides = array<i32>} : memref<16x768xf32, #tpu.memory_space<vmem>>, vector<16xf32>,
      tpu.vector_store %arg14[%swap3A_436, %swap3A_437], %add3A_435 {strides = array<i32>} : memref<16x768xf32, #tpu.memory_space<vmem>>, vector<16xf32>,
      %broadcast_in_dim3A_439 = arith.constant 0.000000e+00 : f32
      %broadcast_in_dim3A_440 = vector.broadcast %broadcast_in_dim3A_439 : f32 to vector<16xf32>
      %add3A_441 = arith.constant 0 : i32
      %add3A_442 = arith.addi %add3A_441, %add3A_122 : i32
      %get3A_443 = arith.index_cast %add3A_442 : i32 to index
      %get3A_444 = arith.constant 256 : index
      %get3A_445 = tpu.vector_load %arg11[%get3A_443, %get3A_444] {strides = array<i32>} : memref<32x768xf32, #tpu.memory_space<vmem>>, vector<16xf32>,
      %mul3A_446 = arith.mulf %gather3A, %get3A_445 : vector<16xf32>
      %add3A_447 = arith.addf %broadcast_in_dim3A_440, %mul3A_446 : vector<16xf32>
      %add3A_448 = arith.constant 16 : i32
      %add3A_449 = arith.addi %add3A_448, %add3A_122 : i32
      %get3A_450 = arith.index_cast %add3A_449 : i32 to index
      %get3A_451 = arith.constant 256 : index
      %get3A_452 = tpu.vector_load %arg11[%get3A_450, %get3A_451] {strides = array<i32>} : memref<32x768xf32, #tpu.memory_space<vmem>>, vector<16xf32>,
      %mul3A_453 = arith.mulf %gather3A_136, %get3A_452 : vector<16xf32>
      %add3A_454 = arith.addf %add3A_447, %mul3A_453 : vector<16xf32>
      %swap3A_455 = arith.index_cast %add3A_122 : i32 to index
      %swap3A_456 = arith.constant 256 : index
      %swap3A_457 = tpu.vector_load %arg14[%swap3A_455, %swap3A_456] {strides = array<i32>} : memref<16x768xf32, #tpu.memory_space<vmem>>, vector<16xf32>,
      tpu.vector_store %arg14[%swap3A_455, %swap3A_456], %add3A_454 {strides = array<i32>} : memref<16x768xf32, #tpu.memory_space<vmem>>, vector<16xf32>,
      %broadcast_in_dim3A_458 = arith.constant 0.000000e+00 : f32
      %broadcast_in_dim3A_459 = vector.broadcast %broadcast_in_dim3A_458 : f32 to vector<16xf32>
      %add3A_460 = arith.constant 0 : i32
      %add3A_461 = arith.addi %add3A_460, %add3A_122 : i32
      %get3A_462 = arith.index_cast %add3A_461 : i32 to index
      %get3A_463 = arith.constant 272 : index
      %get3A_464 = tpu.vector_load %arg11[%get3A_462, %get3A_463] {strides = array<i32>} : memref<32x768xf32, #tpu.memory_space<vmem>>, vector<16xf32>,
      %mul3A_465 = arith.mulf %gather3A, %get3A_464 : vector<16xf32>
      %add3A_466 = arith.addf %broadcast_in_dim3A_459, %mul3A_465 : vector<16xf32>
      %add3A_467 = arith.constant 16 : i32
      %add3A_468 = arith.addi %add3A_467, %add3A_122 : i32
      %get3A_469 = arith.index_cast %add3A_468 : i32 to index
      %get3A_470 = arith.constant 272 : index
      %get3A_471 = tpu.vector_load %arg11[%get3A_469, %get3A_470] {strides = array<i32>} : memref<32x768xf32, #tpu.memory_space<vmem>>, vector<16xf32>,
      %mul3A_472 = arith.mulf %gather3A_136, %get3A_471 : vector<16xf32>
      %add3A_473 = arith.addf %add3A_466, %mul3A_472 : vector<16xf32>
      %swap3A_474 = arith.index_cast %add3A_122 : i32 to index
      %swap3A_475 = arith.constant 272 : index
      %swap3A_476 = tpu.vector_load %arg14[%swap3A_474, %swap3A_475] {strides = array<i32>} : memref<16x768xf32, #tpu.memory_space<vmem>>, vector<16xf32>,
      tpu.vector_store %arg14[%swap3A_474, %swap3A_475], %add3A_473 {strides = array<i32>} : memref<16x768xf32, #tpu.memory_space<vmem>>, vector<16xf32>,
      %broadcast_in_dim3A_477 = arith.constant 0.000000e+00 : f32
      %broadcast_in_dim3A_478 = vector.broadcast %broadcast_in_dim3A_477 : f32 to vector<16xf32>
      %add3A_479 = arith.constant 0 : i32
      %add3A_480 = arith.addi %add3A_479, %add3A_122 : i32
      %get3A_481 = arith.index_cast %add3A_480 : i32 to index
      %get3A_482 = arith.constant 288 : index
      %get3A_483 = tpu.vector_load %arg11[%get3A_481, %get3A_482] {strides = array<i32>} : memref<32x768xf32, #tpu.memory_space<vmem>>, vector<16xf32>,
      %mul3A_484 = arith.mulf %gather3A, %get3A_483 : vector<16xf32>
      %add3A_485 = arith.addf %broadcast_in_dim3A_478, %mul3A_484 : vector<16xf32>
      %add3A_486 = arith.constant 16 : i32
      %add3A_487 = arith.addi %add3A_486, %add3A_122 : i32
      %get3A_488 = arith.index_cast %add3A_487 : i32 to index
      %get3A_489 = arith.constant 288 : index
      %get3A_490 = tpu.vector_load %arg11[%get3A_488, %get3A_489] {strides = array<i32>} : memref<32x768xf32, #tpu.memory_space<vmem>>, vector<16xf32>,
      %mul3A_491 = arith.mulf %gather3A_136, %get3A_490 : vector<16xf32>
      %add3A_492 = arith.addf %add3A_485, %mul3A_491 : vector<16xf32>
      %swap3A_493 = arith.index_cast %add3A_122 : i32 to index
      %swap3A_494 = arith.constant 288 : index
      %swap3A_495 = tpu.vector_load %arg14[%swap3A_493, %swap3A_494] {strides = array<i32>} : memref<16x768xf32, #tpu.memory_space<vmem>>, vector<16xf32>,
      tpu.vector_store %arg14[%swap3A_493, %swap3A_494], %add3A_492 {strides = array<i32>} : memref<16x768xf32, #tpu.memory_space<vmem>>, vector<16xf32>,
      %broadcast_in_dim3A_496 = arith.constant 0.000000e+00 : f32
      %broadcast_in_dim3A_497 = vector.broadcast %broadcast_in_dim3A_496 : f32 to vector<16xf32>
      %add3A_498 = arith.constant 0 : i32
      %add3A_499 = arith.addi %add3A_498, %add3A_122 : i32
      %get3A_500 = arith.index_cast %add3A_499 : i32 to index
      %get3A_501 = arith.constant 304 : index
      %get3A_502 = tpu.vector_load %arg11[%get3A_500, %get3A_501] {strides = array<i32>} : memref<32x768xf32, #tpu.memory_space<vmem>>, vector<16xf32>,
      %mul3A_503 = arith.mulf %gather3A, %get3A_502 : vector<16xf32>
      %add3A_504 = arith.addf %broadcast_in_dim3A_497, %mul3A_503 : vector<16xf32>
      %add3A_505 = arith.constant 16 : i32
      %add3A_506 = arith.addi %add3A_505, %add3A_122 : i32
      %get3A_507 = arith.index_cast %add3A_506 : i32 to index
      %get3A_508 = arith.constant 304 : index
      %get3A_509 = tpu.vector_load %arg11[%get3A_507, %get3A_508] {strides = array<i32>} : memref<32x768xf32, #tpu.memory_space<vmem>>, vector<16xf32>,
      %mul3A_510 = arith.mulf %gather3A_136, %get3A_509 : vector<16xf32>
      %add3A_511 = arith.addf %add3A_504, %mul3A_510 : vector<16xf32>
      %swap3A_512 = arith.index_cast %add3A_122 : i32 to index
      %swap3A_513 = arith.constant 304 : index
      %swap3A_514 = tpu.vector_load %arg14[%swap3A_512, %swap3A_513] {strides = array<i32>} : memref<16x768xf32, #tpu.memory_space<vmem>>, vector<16xf32>,
      tpu.vector_store %arg14[%swap3A_512, %swap3A_513], %add3A_511 {strides = array<i32>} : memref<16x768xf32, #tpu.memory_space<vmem>>, vector<16xf32>,
      %broadcast_in_dim3A_515 = arith.constant 0.000000e+00 : f32
      %broadcast_in_dim3A_516 = vector.broadcast %broadcast_in_dim3A_515 : f32 to vector<16xf32>
      %add3A_517 = arith.constant 0 : i32
      %add3A_518 = arith.addi %add3A_517, %add3A_122 : i32
      %get3A_519 = arith.index_cast %add3A_518 : i32 to index
      %get3A_520 = arith.constant 320 : index
      %get3A_521 = tpu.vector_load %arg11[%get3A_519, %get3A_520] {strides = array<i32>} : memref<32x768xf32, #tpu.memory_space<vmem>>, vector<16xf32>,
      %mul3A_522 = arith.mulf %gather3A, %get3A_521 : vector<16xf32>
      %add3A_523 = arith.addf %broadcast_in_dim3A_516, %mul3A_522 : vector<16xf32>
      %add3A_524 = arith.constant 16 : i32
      %add3A_525 = arith.addi %add3A_524, %add3A_122 : i32
      %get3A_526 = arith.index_cast %add3A_525 : i32 to index
      %get3A_527 = arith.constant 320 : index
      %get3A_528 = tpu.vector_load %arg11[%get3A_526, %get3A_527] {strides = array<i32>} : memref<32x768xf32, #tpu.memory_space<vmem>>, vector<16xf32>,
      %mul3A_529 = arith.mulf %gather3A_136, %get3A_528 : vector<16xf32>
      %add3A_530 = arith.addf %add3A_523, %mul3A_529 : vector<16xf32>
      %swap3A_531 = arith.index_cast %add3A_122 : i32 to index
      %swap3A_532 = arith.constant 320 : index
      %swap3A_533 = tpu.vector_load %arg14[%swap3A_531, %swap3A_532] {strides = array<i32>} : memref<16x768xf32, #tpu.memory_space<vmem>>, vector<16xf32>,
      tpu.vector_store %arg14[%swap3A_531, %swap3A_532], %add3A_530 {strides = array<i32>} : memref<16x768xf32, #tpu.memory_space<vmem>>, vector<16xf32>,
      %broadcast_in_dim3A_534 = arith.constant 0.000000e+00 : f32
      %broadcast_in_dim3A_535 = vector.broadcast %broadcast_in_dim3A_534 : f32 to vector<16xf32>
      %add3A_536 = arith.constant 0 : i32
      %add3A_537 = arith.addi %add3A_536, %add3A_122 : i32
      %get3A_538 = arith.index_cast %add3A_537 : i32 to index
      %get3A_539 = arith.constant 336 : index
      %get3A_540 = tpu.vector_load %arg11[%get3A_538, %get3A_539] {strides = array<i32>} : memref<32x768xf32, #tpu.memory_space<vmem>>, vector<16xf32>,
      %mul3A_541 = arith.mulf %gather3A, %get3A_540 : vector<16xf32>
      %add3A_542 = arith.addf %broadcast_in_dim3A_535, %mul3A_541 : vector<16xf32>
      %add3A_543 = arith.constant 16 : i32
      %add3A_544 = arith.addi %add3A_543, %add3A_122 : i32
      %get3A_545 = arith.index_cast %add3A_544 : i32 to index
      %get3A_546 = arith.constant 336 : index
      %get3A_547 = tpu.vector_load %arg11[%get3A_545, %get3A_546] {strides = array<i32>} : memref<32x768xf32, #tpu.memory_space<vmem>>, vector<16xf32>,
      %mul3A_548 = arith.mulf %gather3A_136, %get3A_547 : vector<16xf32>
      %add3A_549 = arith.addf %add3A_542, %mul3A_548 : vector<16xf32>
      %swap3A_550 = arith.index_cast %add3A_122 : i32 to index
      %swap3A_551 = arith.constant 336 : index
      %swap3A_552 = tpu.vector_load %arg14[%swap3A_550, %swap3A_551] {strides = array<i32>} : memref<16x768xf32, #tpu.memory_space<vmem>>, vector<16xf32>,
      tpu.vector_store %arg14[%swap3A_550, %swap3A_551], %add3A_549 {strides = array<i32>} : memref<16x768xf32, #tpu.memory_space<vmem>>, vector<16xf32>,
      %broadcast_in_dim3A_553 = arith.constant 0.000000e+00 : f32
      %broadcast_in_dim3A_554 = vector.broadcast %broadcast_in_dim3A_553 : f32 to vector<16xf32>
      %add3A_555 = arith.constant 0 : i32
      %add3A_556 = arith.addi %add3A_555, %add3A_122 : i32
      %get3A_557 = arith.index_cast %add3A_556 : i32 to index
      %get3A_558 = arith.constant 352 : index
      %get3A_559 = tpu.vector_load %arg11[%get3A_557, %get3A_558] {strides = array<i32>} : memref<32x768xf32, #tpu.memory_space<vmem>>, vector<16xf32>,
      %mul3A_560 = arith.mulf %gather3A, %get3A_559 : vector<16xf32>
      %add3A_561 = arith.addf %broadcast_in_dim3A_554, %mul3A_560 : vector<16xf32>
      %add3A_562 = arith.constant 16 : i32
      %add3A_563 = arith.addi %add3A_562, %add3A_122 : i32
      %get3A_564 = arith.index_cast %add3A_563 : i32 to index
      %get3A_565 = arith.constant 352 : index
      %get3A_566 = tpu.vector_load %arg11[%get3A_564, %get3A_565] {strides = array<i32>} : memref<32x768xf32, #tpu.memory_space<vmem>>, vector<16xf32>,
      %mul3A_567 = arith.mulf %gather3A_136, %get3A_566 : vector<16xf32>
      %add3A_568 = arith.addf %add3A_561, %mul3A_567 : vector<16xf32>
      %swap3A_569 = arith.index_cast %add3A_122 : i32 to index
      %swap3A_570 = arith.constant 352 : index
      %swap3A_571 = tpu.vector_load %arg14[%swap3A_569, %swap3A_570] {strides = array<i32>} : memref<16x768xf32, #tpu.memory_space<vmem>>, vector<16xf32>,
      tpu.vector_store %arg14[%swap3A_569, %swap3A_570], %add3A_568 {strides = array<i32>} : memref<16x768xf32, #tpu.memory_space<vmem>>, vector<16xf32>,
      %broadcast_in_dim3A_572 = arith.constant 0.000000e+00 : f32
      %broadcast_in_dim3A_573 = vector.broadcast %broadcast_in_dim3A_572 : f32 to vector<16xf32>
      %add3A_574 = arith.constant 0 : i32
      %add3A_575 = arith.addi %add3A_574, %add3A_122 : i32
      %get3A_576 = arith.index_cast %add3A_575 : i32 to index
      %get3A_577 = arith.constant 368 : index
      %get3A_578 = tpu.vector_load %arg11[%get3A_576, %get3A_577] {strides = array<i32>} : memref<32x768xf32, #tpu.memory_space<vmem>>, vector<16xf32>,
      %mul3A_579 = arith.mulf %gather3A, %get3A_578 : vector<16xf32>
      %add3A_580 = arith.addf %broadcast_in_dim3A_573, %mul3A_579 : vector<16xf32>
      %add3A_581 = arith.constant 16 : i32
      %add3A_582 = arith.addi %add3A_581, %add3A_122 : i32
      %get3A_583 = arith.index_cast %add3A_582 : i32 to index
      %get3A_584 = arith.constant 368 : index
      %get3A_585 = tpu.vector_load %arg11[%get3A_583, %get3A_584] {strides = array<i32>} : memref<32x768xf32, #tpu.memory_space<vmem>>, vector<16xf32>,
      %mul3A_586 = arith.mulf %gather3A_136, %get3A_585 : vector<16xf32>
      %add3A_587 = arith.addf %add3A_580, %mul3A_586 : vector<16xf32>
      %swap3A_588 = arith.index_cast %add3A_122 : i32 to index
      %swap3A_589 = arith.constant 368 : index
      %swap3A_590 = tpu.vector_load %arg14[%swap3A_588, %swap3A_589] {strides = array<i32>} : memref<16x768xf32, #tpu.memory_space<vmem>>, vector<16xf32>,
      tpu.vector_store %arg14[%swap3A_588, %swap3A_589], %add3A_587 {strides = array<i32>} : memref<16x768xf32, #tpu.memory_space<vmem>>, vector<16xf32>,
      %broadcast_in_dim3A_591 = arith.constant 0.000000e+00 : f32
      %broadcast_in_dim3A_592 = vector.broadcast %broadcast_in_dim3A_591 : f32 to vector<16xf32>
      %add3A_593 = arith.constant 0 : i32
      %add3A_594 = arith.addi %add3A_593, %add3A_122 : i32
      %get3A_595 = arith.index_cast %add3A_594 : i32 to index
      %get3A_596 = arith.constant 384 : index
      %get3A_597 = tpu.vector_load %arg11[%get3A_595, %get3A_596] {strides = array<i32>} : memref<32x768xf32, #tpu.memory_space<vmem>>, vector<16xf32>,
      %mul3A_598 = arith.mulf %gather3A, %get3A_597 : vector<16xf32>
      %add3A_599 = arith.addf %broadcast_in_dim3A_592, %mul3A_598 : vector<16xf32>
      %add3A_600 = arith.constant 16 : i32
      %add3A_601 = arith.addi %add3A_600, %add3A_122 : i32
      %get3A_602 = arith.index_cast %add3A_601 : i32 to index
      %get3A_603 = arith.constant 384 : index
      %get3A_604 = tpu.vector_load %arg11[%get3A_602, %get3A_603] {strides = array<i32>} : memref<32x768xf32, #tpu.memory_space<vmem>>, vector<16xf32>,
      %mul3A_605 = arith.mulf %gather3A_136, %get3A_604 : vector<16xf32>
      %add3A_606 = arith.addf %add3A_599, %mul3A_605 : vector<16xf32>
      %swap3A_607 = arith.index_cast %add3A_122 : i32 to index
      %swap3A_608 = arith.constant 384 : index
      %swap3A_609 = tpu.vector_load %arg14[%swap3A_607, %swap3A_608] {strides = array<i32>} : memref<16x768xf32, #tpu.memory_space<vmem>>, vector<16xf32>,
      tpu.vector_store %arg14[%swap3A_607, %swap3A_608], %add3A_606 {strides = array<i32>} : memref<16x768xf32, #tpu.memory_space<vmem>>, vector<16xf32>,
      %broadcast_in_dim3A_610 = arith.constant 0.000000e+00 : f32
      %broadcast_in_dim3A_611 = vector.broadcast %broadcast_in_dim3A_610 : f32 to vector<16xf32>
      %add3A_612 = arith.constant 0 : i32
      %add3A_613 = arith.addi %add3A_612, %add3A_122 : i32
      %get3A_614 = arith.index_cast %add3A_613 : i32 to index
      %get3A_615 = arith.constant 400 : index
      %get3A_616 = tpu.vector_load %arg11[%get3A_614, %get3A_615] {strides = array<i32>} : memref<32x768xf32, #tpu.memory_space<vmem>>, vector<16xf32>,
      %mul3A_617 = arith.mulf %gather3A, %get3A_616 : vector<16xf32>
      %add3A_618 = arith.addf %broadcast_in_dim3A_611, %mul3A_617 : vector<16xf32>
      %add3A_619 = arith.constant 16 : i32
      %add3A_620 = arith.addi %add3A_619, %add3A_122 : i32
      %get3A_621 = arith.index_cast %add3A_620 : i32 to index
      %get3A_622 = arith.constant 400 : index
      %get3A_623 = tpu.vector_load %arg11[%get3A_621, %get3A_622] {strides = array<i32>} : memref<32x768xf32, #tpu.memory_space<vmem>>, vector<16xf32>,
      %mul3A_624 = arith.mulf %gather3A_136, %get3A_623 : vector<16xf32>
      %add3A_625 = arith.addf %add3A_618, %mul3A_624 : vector<16xf32>
      %swap3A_626 = arith.index_cast %add3A_122 : i32 to index
      %swap3A_627 = arith.constant 400 : index
      %swap3A_628 = tpu.vector_load %arg14[%swap3A_626, %swap3A_627] {strides = array<i32>} : memref<16x768xf32, #tpu.memory_space<vmem>>, vector<16xf32>,
      tpu.vector_store %arg14[%swap3A_626, %swap3A_627], %add3A_625 {strides = array<i32>} : memref<16x768xf32, #tpu.memory_space<vmem>>, vector<16xf32>,
      %broadcast_in_dim3A_629 = arith.constant 0.000000e+00 : f32
      %broadcast_in_dim3A_630 = vector.broadcast %broadcast_in_dim3A_629 : f32 to vector<16xf32>
      %add3A_631 = arith.constant 0 : i32
      %add3A_632 = arith.addi %add3A_631, %add3A_122 : i32
      %get3A_633 = arith.index_cast %add3A_632 : i32 to index
      %get3A_634 = arith.constant 416 : index
      %get3A_635 = tpu.vector_load %arg11[%get3A_633, %get3A_634] {strides = array<i32>} : memref<32x768xf32, #tpu.memory_space<vmem>>, vector<16xf32>,
      %mul3A_636 = arith.mulf %gather3A, %get3A_635 : vector<16xf32>
      %add3A_637 = arith.addf %broadcast_in_dim3A_630, %mul3A_636 : vector<16xf32>
      %add3A_638 = arith.constant 16 : i32
      %add3A_639 = arith.addi %add3A_638, %add3A_122 : i32
      %get3A_640 = arith.index_cast %add3A_639 : i32 to index
      %get3A_641 = arith.constant 416 : index
      %get3A_642 = tpu.vector_load %arg11[%get3A_640, %get3A_641] {strides = array<i32>} : memref<32x768xf32, #tpu.memory_space<vmem>>, vector<16xf32>,
      %mul3A_643 = arith.mulf %gather3A_136, %get3A_642 : vector<16xf32>
      %add3A_644 = arith.addf %add3A_637, %mul3A_643 : vector<16xf32>
      %swap3A_645 = arith.index_cast %add3A_122 : i32 to index
      %swap3A_646 = arith.constant 416 : index
      %swap3A_647 = tpu.vector_load %arg14[%swap3A_645, %swap3A_646] {strides = array<i32>} : memref<16x768xf32, #tpu.memory_space<vmem>>, vector<16xf32>,
      tpu.vector_store %arg14[%swap3A_645, %swap3A_646], %add3A_644 {strides = array<i32>} : memref<16x768xf32, #tpu.memory_space<vmem>>, vector<16xf32>,
      %broadcast_in_dim3A_648 = arith.constant 0.000000e+00 : f32
      %broadcast_in_dim3A_649 = vector.broadcast %broadcast_in_dim3A_648 : f32 to vector<16xf32>
      %add3A_650 = arith.constant 0 : i32
      %add3A_651 = arith.addi %add3A_650, %add3A_122 : i32
      %get3A_652 = arith.index_cast %add3A_651 : i32 to index
      %get3A_653 = arith.constant 432 : index
      %get3A_654 = tpu.vector_load %arg11[%get3A_652, %get3A_653] {strides = array<i32>} : memref<32x768xf32, #tpu.memory_space<vmem>>, vector<16xf32>,
      %mul3A_655 = arith.mulf %gather3A, %get3A_654 : vector<16xf32>
      %add3A_656 = arith.addf %broadcast_in_dim3A_649, %mul3A_655 : vector<16xf32>
      %add3A_657 = arith.constant 16 : i32
      %add3A_658 = arith.addi %add3A_657, %add3A_122 : i32
      %get3A_659 = arith.index_cast %add3A_658 : i32 to index
      %get3A_660 = arith.constant 432 : index
      %get3A_661 = tpu.vector_load %arg11[%get3A_659, %get3A_660] {strides = array<i32>} : memref<32x768xf32, #tpu.memory_space<vmem>>, vector<16xf32>,
      %mul3A_662 = arith.mulf %gather3A_136, %get3A_661 : vector<16xf32>
      %add3A_663 = arith.addf %add3A_656, %mul3A_662 : vector<16xf32>
      %swap3A_664 = arith.index_cast %add3A_122 : i32 to index
      %swap3A_665 = arith.constant 432 : index
      %swap3A_666 = tpu.vector_load %arg14[%swap3A_664, %swap3A_665] {strides = array<i32>} : memref<16x768xf32, #tpu.memory_space<vmem>>, vector<16xf32>,
      tpu.vector_store %arg14[%swap3A_664, %swap3A_665], %add3A_663 {strides = array<i32>} : memref<16x768xf32, #tpu.memory_space<vmem>>, vector<16xf32>,
      %broadcast_in_dim3A_667 = arith.constant 0.000000e+00 : f32
      %broadcast_in_dim3A_668 = vector.broadcast %broadcast_in_dim3A_667 : f32 to vector<16xf32>
      %add3A_669 = arith.constant 0 : i32
      %add3A_670 = arith.addi %add3A_669, %add3A_122 : i32
      %get3A_671 = arith.index_cast %add3A_670 : i32 to index
      %get3A_672 = arith.constant 448 : index
      %get3A_673 = tpu.vector_load %arg11[%get3A_671, %get3A_672] {strides = array<i32>} : memref<32x768xf32, #tpu.memory_space<vmem>>, vector<16xf32>,
      %mul3A_674 = arith.mulf %gather3A, %get3A_673 : vector<16xf32>
      %add3A_675 = arith.addf %broadcast_in_dim3A_668, %mul3A_674 : vector<16xf32>
      %add3A_676 = arith.constant 16 : i32
      %add3A_677 = arith.addi %add3A_676, %add3A_122 : i32
      %get3A_678 = arith.index_cast %add3A_677 : i32 to index
      %get3A_679 = arith.constant 448 : index
      %get3A_680 = tpu.vector_load %arg11[%get3A_678, %get3A_679] {strides = array<i32>} : memref<32x768xf32, #tpu.memory_space<vmem>>, vector<16xf32>,
      %mul3A_681 = arith.mulf %gather3A_136, %get3A_680 : vector<16xf32>
      %add3A_682 = arith.addf %add3A_675, %mul3A_681 : vector<16xf32>
      %swap3A_683 = arith.index_cast %add3A_122 : i32 to index
      %swap3A_684 = arith.constant 448 : index
      %swap3A_685 = tpu.vector_load %arg14[%swap3A_683, %swap3A_684] {strides = array<i32>} : memref<16x768xf32, #tpu.memory_space<vmem>>, vector<16xf32>,
      tpu.vector_store %arg14[%swap3A_683, %swap3A_684], %add3A_682 {strides = array<i32>} : memref<16x768xf32, #tpu.memory_space<vmem>>, vector<16xf32>,
      %broadcast_in_dim3A_686 = arith.constant 0.000000e+00 : f32
      %broadcast_in_dim3A_687 = vector.broadcast %broadcast_in_dim3A_686 : f32 to vector<16xf32>
      %add3A_688 = arith.constant 0 : i32
      %add3A_689 = arith.addi %add3A_688, %add3A_122 : i32
      %get3A_690 = arith.index_cast %add3A_689 : i32 to index
      %get3A_691 = arith.constant 464 : index
      %get3A_692 = tpu.vector_load %arg11[%get3A_690, %get3A_691] {strides = array<i32>} : memref<32x768xf32, #tpu.memory_space<vmem>>, vector<16xf32>,
      %mul3A_693 = arith.mulf %gather3A, %get3A_692 : vector<16xf32>
      %add3A_694 = arith.addf %broadcast_in_dim3A_687, %mul3A_693 : vector<16xf32>
      %add3A_695 = arith.constant 16 : i32
      %add3A_696 = arith.addi %add3A_695, %add3A_122 : i32
      %get3A_697 = arith.index_cast %add3A_696 : i32 to index
      %get3A_698 = arith.constant 464 : index
      %get3A_699 = tpu.vector_load %arg11[%get3A_697, %get3A_698] {strides = array<i32>} : memref<32x768xf32, #tpu.memory_space<vmem>>, vector<16xf32>,
      %mul3A_700 = arith.mulf %gather3A_136, %get3A_699 : vector<16xf32>
      %add3A_701 = arith.addf %add3A_694, %mul3A_700 : vector<16xf32>
      %swap3A_702 = arith.index_cast %add3A_122 : i32 to index
      %swap3A_703 = arith.constant 464 : index
      %swap3A_704 = tpu.vector_load %arg14[%swap3A_702, %swap3A_703] {strides = array<i32>} : memref<16x768xf32, #tpu.memory_space<vmem>>, vector<16xf32>,
      tpu.vector_store %arg14[%swap3A_702, %swap3A_703], %add3A_701 {strides = array<i32>} : memref<16x768xf32, #tpu.memory_space<vmem>>, vector<16xf32>,
      %broadcast_in_dim3A_705 = arith.constant 0.000000e+00 : f32
      %broadcast_in_dim3A_706 = vector.broadcast %broadcast_in_dim3A_705 : f32 to vector<16xf32>
      %add3A_707 = arith.constant 0 : i32
      %add3A_708 = arith.addi %add3A_707, %add3A_122 : i32
      %get3A_709 = arith.index_cast %add3A_708 : i32 to index
      %get3A_710 = arith.constant 480 : index
      %get3A_711 = tpu.vector_load %arg11[%get3A_709, %get3A_710] {strides = array<i32>} : memref<32x768xf32, #tpu.memory_space<vmem>>, vector<16xf32>,
      %mul3A_712 = arith.mulf %gather3A, %get3A_711 : vector<16xf32>
      %add3A_713 = arith.addf %broadcast_in_dim3A_706, %mul3A_712 : vector<16xf32>
      %add3A_714 = arith.constant 16 : i32
      %add3A_715 = arith.addi %add3A_714, %add3A_122 : i32
      %get3A_716 = arith.index_cast %add3A_715 : i32 to index
      %get3A_717 = arith.constant 480 : index
      %get3A_718 = tpu.vector_load %arg11[%get3A_716, %get3A_717] {strides = array<i32>} : memref<32x768xf32, #tpu.memory_space<vmem>>, vector<16xf32>,
      %mul3A_719 = arith.mulf %gather3A_136, %get3A_718 : vector<16xf32>
      %add3A_720 = arith.addf %add3A_713, %mul3A_719 : vector<16xf32>
      %swap3A_721 = arith.index_cast %add3A_122 : i32 to index
      %swap3A_722 = arith.constant 480 : index
      %swap3A_723 = tpu.vector_load %arg14[%swap3A_721, %swap3A_722] {strides = array<i32>} : memref<16x768xf32, #tpu.memory_space<vmem>>, vector<16xf32>,
      tpu.vector_store %arg14[%swap3A_721, %swap3A_722], %add3A_720 {strides = array<i32>} : memref<16x768xf32, #tpu.memory_space<vmem>>, vector<16xf32>,
      %broadcast_in_dim3A_724 = arith.constant 0.000000e+00 : f32
      %broadcast_in_dim3A_725 = vector.broadcast %broadcast_in_dim3A_724 : f32 to vector<16xf32>
      %add3A_726 = arith.constant 0 : i32
      %add3A_727 = arith.addi %add3A_726, %add3A_122 : i32
      %get3A_728 = arith.index_cast %add3A_727 : i32 to index
      %get3A_729 = arith.constant 496 : index
      %get3A_730 = tpu.vector_load %arg11[%get3A_728, %get3A_729] {strides = array<i32>} : memref<32x768xf32, #tpu.memory_space<vmem>>, vector<16xf32>,
      %mul3A_731 = arith.mulf %gather3A, %get3A_730 : vector<16xf32>
      %add3A_732 = arith.addf %broadcast_in_dim3A_725, %mul3A_731 : vector<16xf32>
      %add3A_733 = arith.constant 16 : i32
      %add3A_734 = arith.addi %add3A_733, %add3A_122 : i32
      %get3A_735 = arith.index_cast %add3A_734 : i32 to index
      %get3A_736 = arith.constant 496 : index
      %get3A_737 = tpu.vector_load %arg11[%get3A_735, %get3A_736] {strides = array<i32>} : memref<32x768xf32, #tpu.memory_space<vmem>>, vector<16xf32>,
      %mul3A_738 = arith.mulf %gather3A_136, %get3A_737 : vector<16xf32>
      %add3A_739 = arith.addf %add3A_732, %mul3A_738 : vector<16xf32>
      %swap3A_740 = arith.index_cast %add3A_122 : i32 to index
      %swap3A_741 = arith.constant 496 : index
      %swap3A_742 = tpu.vector_load %arg14[%swap3A_740, %swap3A_741] {strides = array<i32>} : memref<16x768xf32, #tpu.memory_space<vmem>>, vector<16xf32>,
      tpu.vector_store %arg14[%swap3A_740, %swap3A_741], %add3A_739 {strides = array<i32>} : memref<16x768xf32, #tpu.memory_space<vmem>>, vector<16xf32>,
      %broadcast_in_dim3A_743 = arith.constant 0.000000e+00 : f32
      %broadcast_in_dim3A_744 = vector.broadcast %broadcast_in_dim3A_743 : f32 to vector<16xf32>
      %add3A_745 = arith.constant 0 : i32
      %add3A_746 = arith.addi %add3A_745, %add3A_122 : i32
      %get3A_747 = arith.index_cast %add3A_746 : i32 to index
      %get3A_748 = arith.constant 512 : index
      %get3A_749 = tpu.vector_load %arg11[%get3A_747, %get3A_748] {strides = array<i32>} : memref<32x768xf32, #tpu.memory_space<vmem>>, vector<16xf32>,
      %mul3A_750 = arith.mulf %gather3A, %get3A_749 : vector<16xf32>
      %add3A_751 = arith.addf %broadcast_in_dim3A_744, %mul3A_750 : vector<16xf32>
      %add3A_752 = arith.constant 16 : i32
      %add3A_753 = arith.addi %add3A_752, %add3A_122 : i32
      %get3A_754 = arith.index_cast %add3A_753 : i32 to index
      %get3A_755 = arith.constant 512 : index
      %get3A_756 = tpu.vector_load %arg11[%get3A_754, %get3A_755] {strides = array<i32>} : memref<32x768xf32, #tpu.memory_space<vmem>>, vector<16xf32>,
      %mul3A_757 = arith.mulf %gather3A_136, %get3A_756 : vector<16xf32>
      %add3A_758 = arith.addf %add3A_751, %mul3A_757 : vector<16xf32>
      %swap3A_759 = arith.index_cast %add3A_122 : i32 to index
      %swap3A_760 = arith.constant 512 : index
      %swap3A_761 = tpu.vector_load %arg14[%swap3A_759, %swap3A_760] {strides = array<i32>} : memref<16x768xf32, #tpu.memory_space<vmem>>, vector<16xf32>,
      tpu.vector_store %arg14[%swap3A_759, %swap3A_760], %add3A_758 {strides = array<i32>} : memref<16x768xf32, #tpu.memory_space<vmem>>, vector<16xf32>,
      %broadcast_in_dim3A_762 = arith.constant 0.000000e+00 : f32
      %broadcast_in_dim3A_763 = vector.broadcast %broadcast_in_dim3A_762 : f32 to vector<16xf32>
      %add3A_764 = arith.constant 0 : i32
      %add3A_765 = arith.addi %add3A_764, %add3A_122 : i32
      %get3A_766 = arith.index_cast %add3A_765 : i32 to index
      %get3A_767 = arith.constant 528 : index
      %get3A_768 = tpu.vector_load %arg11[%get3A_766, %get3A_767] {strides = array<i32>} : memref<32x768xf32, #tpu.memory_space<vmem>>, vector<16xf32>,
      %mul3A_769 = arith.mulf %gather3A, %get3A_768 : vector<16xf32>
      %add3A_770 = arith.addf %broadcast_in_dim3A_763, %mul3A_769 : vector<16xf32>
      %add3A_771 = arith.constant 16 : i32
      %add3A_772 = arith.addi %add3A_771, %add3A_122 : i32
      %get3A_773 = arith.index_cast %add3A_772 : i32 to index
      %get3A_774 = arith.constant 528 : index
      %get3A_775 = tpu.vector_load %arg11[%get3A_773, %get3A_774] {strides = array<i32>} : memref<32x768xf32, #tpu.memory_space<vmem>>, vector<16xf32>,
      %mul3A_776 = arith.mulf %gather3A_136, %get3A_775 : vector<16xf32>
      %add3A_777 = arith.addf %add3A_770, %mul3A_776 : vector<16xf32>
      %swap3A_778 = arith.index_cast %add3A_122 : i32 to index
      %swap3A_779 = arith.constant 528 : index
      %swap3A_780 = tpu.vector_load %arg14[%swap3A_778, %swap3A_779] {strides = array<i32>} : memref<16x768xf32, #tpu.memory_space<vmem>>, vector<16xf32>,
      tpu.vector_store %arg14[%swap3A_778, %swap3A_779], %add3A_777 {strides = array<i32>} : memref<16x768xf32, #tpu.memory_space<vmem>>, vector<16xf32>,
      %broadcast_in_dim3A_781 = arith.constant 0.000000e+00 : f32
      %broadcast_in_dim3A_782 = vector.broadcast %broadcast_in_dim3A_781 : f32 to vector<16xf32>
      %add3A_783 = arith.constant 0 : i32
      %add3A_784 = arith.addi %add3A_783, %add3A_122 : i32
      %get3A_785 = arith.index_cast %add3A_784 : i32 to index
      %get3A_786 = arith.constant 544 : index
      %get3A_787 = tpu.vector_load %arg11[%get3A_785, %get3A_786] {strides = array<i32>} : memref<32x768xf32, #tpu.memory_space<vmem>>, vector<16xf32>,
      %mul3A_788 = arith.mulf %gather3A, %get3A_787 : vector<16xf32>
      %add3A_789 = arith.addf %broadcast_in_dim3A_782, %mul3A_788 : vector<16xf32>
      %add3A_790 = arith.constant 16 : i32
      %add3A_791 = arith.addi %add3A_790, %add3A_122 : i32
      %get3A_792 = arith.index_cast %add3A_791 : i32 to index
      %get3A_793 = arith.constant 544 : index
      %get3A_794 = tpu.vector_load %arg11[%get3A_792, %get3A_793] {strides = array<i32>} : memref<32x768xf32, #tpu.memory_space<vmem>>, vector<16xf32>,
      %mul3A_795 = arith.mulf %gather3A_136, %get3A_794 : vector<16xf32>
      %add3A_796 = arith.addf %add3A_789, %mul3A_795 : vector<16xf32>
      %swap3A_797 = arith.index_cast %add3A_122 : i32 to index
      %swap3A_798 = arith.constant 544 : index
      %swap3A_799 = tpu.vector_load %arg14[%swap3A_797, %swap3A_798] {strides = array<i32>} : memref<16x768xf32, #tpu.memory_space<vmem>>, vector<16xf32>,
      tpu.vector_store %arg14[%swap3A_797, %swap3A_798], %add3A_796 {strides = array<i32>} : memref<16x768xf32, #tpu.memory_space<vmem>>, vector<16xf32>,
      %broadcast_in_dim3A_800 = arith.constant 0.000000e+00 : f32
      %broadcast_in_dim3A_801 = vector.broadcast %broadcast_in_dim3A_800 : f32 to vector<16xf32>
      %add3A_802 = arith.constant 0 : i32
      %add3A_803 = arith.addi %add3A_802, %add3A_122 : i32
      %get3A_804 = arith.index_cast %add3A_803 : i32 to index
      %get3A_805 = arith.constant 560 : index
      %get3A_806 = tpu.vector_load %arg11[%get3A_804, %get3A_805] {strides = array<i32>} : memref<32x768xf32, #tpu.memory_space<vmem>>, vector<16xf32>,
      %mul3A_807 = arith.mulf %gather3A, %get3A_806 : vector<16xf32>
      %add3A_808 = arith.addf %broadcast_in_dim3A_801, %mul3A_807 : vector<16xf32>
      %add3A_809 = arith.constant 16 : i32
      %add3A_810 = arith.addi %add3A_809, %add3A_122 : i32
      %get3A_811 = arith.index_cast %add3A_810 : i32 to index
      %get3A_812 = arith.constant 560 : index
      %get3A_813 = tpu.vector_load %arg11[%get3A_811, %get3A_812] {strides = array<i32>} : memref<32x768xf32, #tpu.memory_space<vmem>>, vector<16xf32>,
      %mul3A_814 = arith.mulf %gather3A_136, %get3A_813 : vector<16xf32>
      %add3A_815 = arith.addf %add3A_808, %mul3A_814 : vector<16xf32>
      %swap3A_816 = arith.index_cast %add3A_122 : i32 to index
      %swap3A_817 = arith.constant 560 : index
      %swap3A_818 = tpu.vector_load %arg14[%swap3A_816, %swap3A_817] {strides = array<i32>} : memref<16x768xf32, #tpu.memory_space<vmem>>, vector<16xf32>,
      tpu.vector_store %arg14[%swap3A_816, %swap3A_817], %add3A_815 {strides = array<i32>} : memref<16x768xf32, #tpu.memory_space<vmem>>, vector<16xf32>,
      %broadcast_in_dim3A_819 = arith.constant 0.000000e+00 : f32
      %broadcast_in_dim3A_820 = vector.broadcast %broadcast_in_dim3A_819 : f32 to vector<16xf32>
      %add3A_821 = arith.constant 0 : i32
      %add3A_822 = arith.addi %add3A_821, %add3A_122 : i32
      %get3A_823 = arith.index_cast %add3A_822 : i32 to index
      %get3A_824 = arith.constant 576 : index
      %get3A_825 = tpu.vector_load %arg11[%get3A_823, %get3A_824] {strides = array<i32>} : memref<32x768xf32, #tpu.memory_space<vmem>>, vector<16xf32>,
      %mul3A_826 = arith.mulf %gather3A, %get3A_825 : vector<16xf32>
      %add3A_827 = arith.addf %broadcast_in_dim3A_820, %mul3A_826 : vector<16xf32>
      %add3A_828 = arith.constant 16 : i32
      %add3A_829 = arith.addi %add3A_828, %add3A_122 : i32
      %get3A_830 = arith.index_cast %add3A_829 : i32 to index
      %get3A_831 = arith.constant 576 : index
      %get3A_832 = tpu.vector_load %arg11[%get3A_830, %get3A_831] {strides = array<i32>} : memref<32x768xf32, #tpu.memory_space<vmem>>, vector<16xf32>,
      %mul3A_833 = arith.mulf %gather3A_136, %get3A_832 : vector<16xf32>
      %add3A_834 = arith.addf %add3A_827, %mul3A_833 : vector<16xf32>
      %swap3A_835 = arith.index_cast %add3A_122 : i32 to index
      %swap3A_836 = arith.constant 576 : index
      %swap3A_837 = tpu.vector_load %arg14[%swap3A_835, %swap3A_836] {strides = array<i32>} : memref<16x768xf32, #tpu.memory_space<vmem>>, vector<16xf32>,
      tpu.vector_store %arg14[%swap3A_835, %swap3A_836], %add3A_834 {strides = array<i32>} : memref<16x768xf32, #tpu.memory_space<vmem>>, vector<16xf32>,
      %broadcast_in_dim3A_838 = arith.constant 0.000000e+00 : f32
      %broadcast_in_dim3A_839 = vector.broadcast %broadcast_in_dim3A_838 : f32 to vector<16xf32>
      %add3A_840 = arith.constant 0 : i32
      %add3A_841 = arith.addi %add3A_840, %add3A_122 : i32
      %get3A_842 = arith.index_cast %add3A_841 : i32 to index
      %get3A_843 = arith.constant 592 : index
      %get3A_844 = tpu.vector_load %arg11[%get3A_842, %get3A_843] {strides = array<i32>} : memref<32x768xf32, #tpu.memory_space<vmem>>, vector<16xf32>,
      %mul3A_845 = arith.mulf %gather3A, %get3A_844 : vector<16xf32>
      %add3A_846 = arith.addf %broadcast_in_dim3A_839, %mul3A_845 : vector<16xf32>
      %add3A_847 = arith.constant 16 : i32
      %add3A_848 = arith.addi %add3A_847, %add3A_122 : i32
      %get3A_849 = arith.index_cast %add3A_848 : i32 to index
      %get3A_850 = arith.constant 592 : index
      %get3A_851 = tpu.vector_load %arg11[%get3A_849, %get3A_850] {strides = array<i32>} : memref<32x768xf32, #tpu.memory_space<vmem>>, vector<16xf32>,
      %mul3A_852 = arith.mulf %gather3A_136, %get3A_851 : vector<16xf32>
      %add3A_853 = arith.addf %add3A_846, %mul3A_852 : vector<16xf32>
      %swap3A_854 = arith.index_cast %add3A_122 : i32 to index
      %swap3A_855 = arith.constant 592 : index
      %swap3A_856 = tpu.vector_load %arg14[%swap3A_854, %swap3A_855] {strides = array<i32>} : memref<16x768xf32, #tpu.memory_space<vmem>>, vector<16xf32>,
      tpu.vector_store %arg14[%swap3A_854, %swap3A_855], %add3A_853 {strides = array<i32>} : memref<16x768xf32, #tpu.memory_space<vmem>>, vector<16xf32>,
      %broadcast_in_dim3A_857 = arith.constant 0.000000e+00 : f32
      %broadcast_in_dim3A_858 = vector.broadcast %broadcast_in_dim3A_857 : f32 to vector<16xf32>
      %add3A_859 = arith.constant 0 : i32
      %add3A_860 = arith.addi %add3A_859, %add3A_122 : i32
      %get3A_861 = arith.index_cast %add3A_860 : i32 to index
      %get3A_862 = arith.constant 608 : index
      %get3A_863 = tpu.vector_load %arg11[%get3A_861, %get3A_862] {strides = array<i32>} : memref<32x768xf32, #tpu.memory_space<vmem>>, vector<16xf32>,
      %mul3A_864 = arith.mulf %gather3A, %get3A_863 : vector<16xf32>
      %add3A_865 = arith.addf %broadcast_in_dim3A_858, %mul3A_864 : vector<16xf32>
      %add3A_866 = arith.constant 16 : i32
      %add3A_867 = arith.addi %add3A_866, %add3A_122 : i32
      %get3A_868 = arith.index_cast %add3A_867 : i32 to index
      %get3A_869 = arith.constant 608 : index
      %get3A_870 = tpu.vector_load %arg11[%get3A_868, %get3A_869] {strides = array<i32>} : memref<32x768xf32, #tpu.memory_space<vmem>>, vector<16xf32>,
      %mul3A_871 = arith.mulf %gather3A_136, %get3A_870 : vector<16xf32>
      %add3A_872 = arith.addf %add3A_865, %mul3A_871 : vector<16xf32>
      %swap3A_873 = arith.index_cast %add3A_122 : i32 to index
      %swap3A_874 = arith.constant 608 : index
      %swap3A_875 = tpu.vector_load %arg14[%swap3A_873, %swap3A_874] {strides = array<i32>} : memref<16x768xf32, #tpu.memory_space<vmem>>, vector<16xf32>,
      tpu.vector_store %arg14[%swap3A_873, %swap3A_874], %add3A_872 {strides = array<i32>} : memref<16x768xf32, #tpu.memory_space<vmem>>, vector<16xf32>,
      %broadcast_in_dim3A_876 = arith.constant 0.000000e+00 : f32
      %broadcast_in_dim3A_877 = vector.broadcast %broadcast_in_dim3A_876 : f32 to vector<16xf32>
      %add3A_878 = arith.constant 0 : i32
      %add3A_879 = arith.addi %add3A_878, %add3A_122 : i32
      %get3A_880 = arith.index_cast %add3A_879 : i32 to index
      %get3A_881 = arith.constant 624 : index
      %get3A_882 = tpu.vector_load %arg11[%get3A_880, %get3A_881] {strides = array<i32>} : memref<32x768xf32, #tpu.memory_space<vmem>>, vector<16xf32>,
      %mul3A_883 = arith.mulf %gather3A, %get3A_882 : vector<16xf32>
      %add3A_884 = arith.addf %broadcast_in_dim3A_877, %mul3A_883 : vector<16xf32>
      %add3A_885 = arith.constant 16 : i32
      %add3A_886 = arith.addi %add3A_885, %add3A_122 : i32
      %get3A_887 = arith.index_cast %add3A_886 : i32 to index
      %get3A_888 = arith.constant 624 : index
      %get3A_889 = tpu.vector_load %arg11[%get3A_887, %get3A_888] {strides = array<i32>} : memref<32x768xf32, #tpu.memory_space<vmem>>, vector<16xf32>,
      %mul3A_890 = arith.mulf %gather3A_136, %get3A_889 : vector<16xf32>
      %add3A_891 = arith.addf %add3A_884, %mul3A_890 : vector<16xf32>
      %swap3A_892 = arith.index_cast %add3A_122 : i32 to index
      %swap3A_893 = arith.constant 624 : index
      %swap3A_894 = tpu.vector_load %arg14[%swap3A_892, %swap3A_893] {strides = array<i32>} : memref<16x768xf32, #tpu.memory_space<vmem>>, vector<16xf32>,
      tpu.vector_store %arg14[%swap3A_892, %swap3A_893], %add3A_891 {strides = array<i32>} : memref<16x768xf32, #tpu.memory_space<vmem>>, vector<16xf32>,
      %broadcast_in_dim3A_895 = arith.constant 0.000000e+00 : f32
      %broadcast_in_dim3A_896 = vector.broadcast %broadcast_in_dim3A_895 : f32 to vector<16xf32>
      %add3A_897 = arith.constant 0 : i32
      %add3A_898 = arith.addi %add3A_897, %add3A_122 : i32
      %get3A_899 = arith.index_cast %add3A_898 : i32 to index
      %get3A_900 = arith.constant 640 : index
      %get3A_901 = tpu.vector_load %arg11[%get3A_899, %get3A_900] {strides = array<i32>} : memref<32x768xf32, #tpu.memory_space<vmem>>, vector<16xf32>,
      %mul3A_902 = arith.mulf %gather3A, %get3A_901 : vector<16xf32>
      %add3A_903 = arith.addf %broadcast_in_dim3A_896, %mul3A_902 : vector<16xf32>
      %add3A_904 = arith.constant 16 : i32
      %add3A_905 = arith.addi %add3A_904, %add3A_122 : i32
      %get3A_906 = arith.index_cast %add3A_905 : i32 to index
      %get3A_907 = arith.constant 640 : index
      %get3A_908 = tpu.vector_load %arg11[%get3A_906, %get3A_907] {strides = array<i32>} : memref<32x768xf32, #tpu.memory_space<vmem>>, vector<16xf32>,
      %mul3A_909 = arith.mulf %gather3A_136, %get3A_908 : vector<16xf32>
      %add3A_910 = arith.addf %add3A_903, %mul3A_909 : vector<16xf32>
      %swap3A_911 = arith.index_cast %add3A_122 : i32 to index
      %swap3A_912 = arith.constant 640 : index
      %swap3A_913 = tpu.vector_load %arg14[%swap3A_911, %swap3A_912] {strides = array<i32>} : memref<16x768xf32, #tpu.memory_space<vmem>>, vector<16xf32>,
      tpu.vector_store %arg14[%swap3A_911, %swap3A_912], %add3A_910 {strides = array<i32>} : memref<16x768xf32, #tpu.memory_space<vmem>>, vector<16xf32>,
      %broadcast_in_dim3A_914 = arith.constant 0.000000e+00 : f32
      %broadcast_in_dim3A_915 = vector.broadcast %broadcast_in_dim3A_914 : f32 to vector<16xf32>
      %add3A_916 = arith.constant 0 : i32
      %add3A_917 = arith.addi %add3A_916, %add3A_122 : i32
      %get3A_918 = arith.index_cast %add3A_917 : i32 to index
      %get3A_919 = arith.constant 656 : index
      %get3A_920 = tpu.vector_load %arg11[%get3A_918, %get3A_919] {strides = array<i32>} : memref<32x768xf32, #tpu.memory_space<vmem>>, vector<16xf32>,
      %mul3A_921 = arith.mulf %gather3A, %get3A_920 : vector<16xf32>
      %add3A_922 = arith.addf %broadcast_in_dim3A_915, %mul3A_921 : vector<16xf32>
      %add3A_923 = arith.constant 16 : i32
      %add3A_924 = arith.addi %add3A_923, %add3A_122 : i32
      %get3A_925 = arith.index_cast %add3A_924 : i32 to index
      %get3A_926 = arith.constant 656 : index
      %get3A_927 = tpu.vector_load %arg11[%get3A_925, %get3A_926] {strides = array<i32>} : memref<32x768xf32, #tpu.memory_space<vmem>>, vector<16xf32>,
      %mul3A_928 = arith.mulf %gather3A_136, %get3A_927 : vector<16xf32>
      %add3A_929 = arith.addf %add3A_922, %mul3A_928 : vector<16xf32>
      %swap3A_930 = arith.index_cast %add3A_122 : i32 to index
      %swap3A_931 = arith.constant 656 : index
      %swap3A_932 = tpu.vector_load %arg14[%swap3A_930, %swap3A_931] {strides = array<i32>} : memref<16x768xf32, #tpu.memory_space<vmem>>, vector<16xf32>,
      tpu.vector_store %arg14[%swap3A_930, %swap3A_931], %add3A_929 {strides = array<i32>} : memref<16x768xf32, #tpu.memory_space<vmem>>, vector<16xf32>,
      %broadcast_in_dim3A_933 = arith.constant 0.000000e+00 : f32
      %broadcast_in_dim3A_934 = vector.broadcast %broadcast_in_dim3A_933 : f32 to vector<16xf32>
      %add3A_935 = arith.constant 0 : i32
      %add3A_936 = arith.addi %add3A_935, %add3A_122 : i32
      %get3A_937 = arith.index_cast %add3A_936 : i32 to index
      %get3A_938 = arith.constant 672 : index
      %get3A_939 = tpu.vector_load %arg11[%get3A_937, %get3A_938] {strides = array<i32>} : memref<32x768xf32, #tpu.memory_space<vmem>>, vector<16xf32>,
      %mul3A_940 = arith.mulf %gather3A, %get3A_939 : vector<16xf32>
      %add3A_941 = arith.addf %broadcast_in_dim3A_934, %mul3A_940 : vector<16xf32>
      %add3A_942 = arith.constant 16 : i32
      %add3A_943 = arith.addi %add3A_942, %add3A_122 : i32
      %get3A_944 = arith.index_cast %add3A_943 : i32 to index
      %get3A_945 = arith.constant 672 : index
      %get3A_946 = tpu.vector_load %arg11[%get3A_944, %get3A_945] {strides = array<i32>} : memref<32x768xf32, #tpu.memory_space<vmem>>, vector<16xf32>,
      %mul3A_947 = arith.mulf %gather3A_136, %get3A_946 : vector<16xf32>
      %add3A_948 = arith.addf %add3A_941, %mul3A_947 : vector<16xf32>
      %swap3A_949 = arith.index_cast %add3A_122 : i32 to index
      %swap3A_950 = arith.constant 672 : index
      %swap3A_951 = tpu.vector_load %arg14[%swap3A_949, %swap3A_950] {strides = array<i32>} : memref<16x768xf32, #tpu.memory_space<vmem>>, vector<16xf32>,
      tpu.vector_store %arg14[%swap3A_949, %swap3A_950], %add3A_948 {strides = array<i32>} : memref<16x768xf32, #tpu.memory_space<vmem>>, vector<16xf32>,
      %broadcast_in_dim3A_952 = arith.constant 0.000000e+00 : f32
      %broadcast_in_dim3A_953 = vector.broadcast %broadcast_in_dim3A_952 : f32 to vector<16xf32>
      %add3A_954 = arith.constant 0 : i32
      %add3A_955 = arith.addi %add3A_954, %add3A_122 : i32
      %get3A_956 = arith.index_cast %add3A_955 : i32 to index
      %get3A_957 = arith.constant 688 : index
      %get3A_958 = tpu.vector_load %arg11[%get3A_956, %get3A_957] {strides = array<i32>} : memref<32x768xf32, #tpu.memory_space<vmem>>, vector<16xf32>,
      %mul3A_959 = arith.mulf %gather3A, %get3A_958 : vector<16xf32>
      %add3A_960 = arith.addf %broadcast_in_dim3A_953, %mul3A_959 : vector<16xf32>
      %add3A_961 = arith.constant 16 : i32
      %add3A_962 = arith.addi %add3A_961, %add3A_122 : i32
      %get3A_963 = arith.index_cast %add3A_962 : i32 to index
      %get3A_964 = arith.constant 688 : index
      %get3A_965 = tpu.vector_load %arg11[%get3A_963, %get3A_964] {strides = array<i32>} : memref<32x768xf32, #tpu.memory_space<vmem>>, vector<16xf32>,
      %mul3A_966 = arith.mulf %gather3A_136, %get3A_965 : vector<16xf32>
      %add3A_967 = arith.addf %add3A_960, %mul3A_966 : vector<16xf32>
      %swap3A_968 = arith.index_cast %add3A_122 : i32 to index
      %swap3A_969 = arith.constant 688 : index
      %swap3A_970 = tpu.vector_load %arg14[%swap3A_968, %swap3A_969] {strides = array<i32>} : memref<16x768xf32, #tpu.memory_space<vmem>>, vector<16xf32>,
      tpu.vector_store %arg14[%swap3A_968, %swap3A_969], %add3A_967 {strides = array<i32>} : memref<16x768xf32, #tpu.memory_space<vmem>>, vector<16xf32>,
      %broadcast_in_dim3A_971 = arith.constant 0.000000e+00 : f32
      %broadcast_in_dim3A_972 = vector.broadcast %broadcast_in_dim3A_971 : f32 to vector<16xf32>
      %add3A_973 = arith.constant 0 : i32
      %add3A_974 = arith.addi %add3A_973, %add3A_122 : i32
      %get3A_975 = arith.index_cast %add3A_974 : i32 to index
      %get3A_976 = arith.constant 704 : index
      %get3A_977 = tpu.vector_load %arg11[%get3A_975, %get3A_976] {strides = array<i32>} : memref<32x768xf32, #tpu.memory_space<vmem>>, vector<16xf32>,
      %mul3A_978 = arith.mulf %gather3A, %get3A_977 : vector<16xf32>
      %add3A_979 = arith.addf %broadcast_in_dim3A_972, %mul3A_978 : vector<16xf32>
      %add3A_980 = arith.constant 16 : i32
      %add3A_981 = arith.addi %add3A_980, %add3A_122 : i32
      %get3A_982 = arith.index_cast %add3A_981 : i32 to index
      %get3A_983 = arith.constant 704 : index
      %get3A_984 = tpu.vector_load %arg11[%get3A_982, %get3A_983] {strides = array<i32>} : memref<32x768xf32, #tpu.memory_space<vmem>>, vector<16xf32>,
      %mul3A_985 = arith.mulf %gather3A_136, %get3A_984 : vector<16xf32>
      %add3A_986 = arith.addf %add3A_979, %mul3A_985 : vector<16xf32>
      %swap3A_987 = arith.index_cast %add3A_122 : i32 to index
      %swap3A_988 = arith.constant 704 : index
      %swap3A_989 = tpu.vector_load %arg14[%swap3A_987, %swap3A_988] {strides = array<i32>} : memref<16x768xf32, #tpu.memory_space<vmem>>, vector<16xf32>,
      tpu.vector_store %arg14[%swap3A_987, %swap3A_988], %add3A_986 {strides = array<i32>} : memref<16x768xf32, #tpu.memory_space<vmem>>, vector<16xf32>,
      %broadcast_in_dim3A_990 = arith.constant 0.000000e+00 : f32
      %broadcast_in_dim3A_991 = vector.broadcast %broadcast_in_dim3A_990 : f32 to vector<16xf32>
      %add3A_992 = arith.constant 0 : i32
      %add3A_993 = arith.addi %add3A_992, %add3A_122 : i32
      %get3A_994 = arith.index_cast %add3A_993 : i32 to index
      %get3A_995 = arith.constant 720 : index
      %get3A_996 = tpu.vector_load %arg11[%get3A_994, %get3A_995] {strides = array<i32>} : memref<32x768xf32, #tpu.memory_space<vmem>>, vector<16xf32>,
      %mul3A_997 = arith.mulf %gather3A, %get3A_996 : vector<16xf32>
      %add3A_998 = arith.addf %broadcast_in_dim3A_991, %mul3A_997 : vector<16xf32>
      %add3A_999 = arith.constant 16 : i32
      %add3A_1000 = arith.addi %add3A_999, %add3A_122 : i32
      %get3A_1001 = arith.index_cast %add3A_1000 : i32 to index
      %get3A_1002 = arith.constant 720 : index
      %get3A_1003 = tpu.vector_load %arg11[%get3A_1001, %get3A_1002] {strides = array<i32>} : memref<32x768xf32, #tpu.memory_space<vmem>>, vector<16xf32>,
      %mul3A_1004 = arith.mulf %gather3A_136, %get3A_1003 : vector<16xf32>
      %add3A_1005 = arith.addf %add3A_998, %mul3A_1004 : vector<16xf32>
      %swap3A_1006 = arith.index_cast %add3A_122 : i32 to index
      %swap3A_1007 = arith.constant 720 : index
      %swap3A_1008 = tpu.vector_load %arg14[%swap3A_1006, %swap3A_1007] {strides = array<i32>} : memref<16x768xf32, #tpu.memory_space<vmem>>, vector<16xf32>,
      tpu.vector_store %arg14[%swap3A_1006, %swap3A_1007], %add3A_1005 {strides = array<i32>} : memref<16x768xf32, #tpu.memory_space<vmem>>, vector<16xf32>,
      %broadcast_in_dim3A_1009 = arith.constant 0.000000e+00 : f32
      %broadcast_in_dim3A_1010 = vector.broadcast %broadcast_in_dim3A_1009 : f32 to vector<16xf32>
      %add3A_1011 = arith.constant 0 : i32
      %add3A_1012 = arith.addi %add3A_1011, %add3A_122 : i32
      %get3A_1013 = arith.index_cast %add3A_1012 : i32 to index
      %get3A_1014 = arith.constant 736 : index
      %get3A_1015 = tpu.vector_load %arg11[%get3A_1013, %get3A_1014] {strides = array<i32>} : memref<32x768xf32, #tpu.memory_space<vmem>>, vector<16xf32>,
      %mul3A_1016 = arith.mulf %gather3A, %get3A_1015 : vector<16xf32>
      %add3A_1017 = arith.addf %broadcast_in_dim3A_1010, %mul3A_1016 : vector<16xf32>
      %add3A_1018 = arith.constant 16 : i32
      %add3A_1019 = arith.addi %add3A_1018, %add3A_122 : i32
      %get3A_1020 = arith.index_cast %add3A_1019 : i32 to index
      %get3A_1021 = arith.constant 736 : index
      %get3A_1022 = tpu.vector_load %arg11[%get3A_1020, %get3A_1021] {strides = array<i32>} : memref<32x768xf32, #tpu.memory_space<vmem>>, vector<16xf32>,
      %mul3A_1023 = arith.mulf %gather3A_136, %get3A_1022 : vector<16xf32>
      %add3A_1024 = arith.addf %add3A_1017, %mul3A_1023 : vector<16xf32>
      %swap3A_1025 = arith.index_cast %add3A_122 : i32 to index
      %swap3A_1026 = arith.constant 736 : index
      %swap3A_1027 = tpu.vector_load %arg14[%swap3A_1025, %swap3A_1026] {strides = array<i32>} : memref<16x768xf32, #tpu.memory_space<vmem>>, vector<16xf32>,
      tpu.vector_store %arg14[%swap3A_1025, %swap3A_1026], %add3A_1024 {strides = array<i32>} : memref<16x768xf32, #tpu.memory_space<vmem>>, vector<16xf32>,
      %broadcast_in_dim3A_1028 = arith.constant 0.000000e+00 : f32
      %broadcast_in_dim3A_1029 = vector.broadcast %broadcast_in_dim3A_1028 : f32 to vector<16xf32>
      %add3A_1030 = arith.constant 0 : i32
      %add3A_1031 = arith.addi %add3A_1030, %add3A_122 : i32
      %get3A_1032 = arith.index_cast %add3A_1031 : i32 to index
      %get3A_1033 = arith.constant 752 : index
      %get3A_1034 = tpu.vector_load %arg11[%get3A_1032, %get3A_1033] {strides = array<i32>} : memref<32x768xf32, #tpu.memory_space<vmem>>, vector<16xf32>,
      %mul3A_1035 = arith.mulf %gather3A, %get3A_1034 : vector<16xf32>
      %add3A_1036 = arith.addf %broadcast_in_dim3A_1029, %mul3A_1035 : vector<16xf32>
      %add3A_1037 = arith.constant 16 : i32
      %add3A_1038 = arith.addi %add3A_1037, %add3A_122 : i32
      %get3A_1039 = arith.index_cast %add3A_1038 : i32 to index
      %get3A_1040 = arith.constant 752 : index
      %get3A_1041 = tpu.vector_load %arg11[%get3A_1039, %get3A_1040] {strides = array<i32>} : memref<32x768xf32, #tpu.memory_space<vmem>>, vector<16xf32>,
      %mul3A_1042 = arith.mulf %gather3A_136, %get3A_1041 : vector<16xf32>
      %add3A_1043 = arith.addf %add3A_1036, %mul3A_1042 : vector<16xf32>
      %swap3A_1044 = arith.index_cast %add3A_122 : i32 to index
      %swap3A_1045 = arith.constant 752 : index
      %swap3A_1046 = tpu.vector_load %arg14[%swap3A_1044, %swap3A_1045] {strides = array<i32>} : memref<16x768xf32, #tpu.memory_space<vmem>>, vector<16xf32>,
      tpu.vector_store %arg14[%swap3A_1044, %swap3A_1045], %add3A_1043 {strides = array<i32>} : memref<16x768xf32, #tpu.memory_space<vmem>>, vector<16xf32>,
    }
    %scan3A_67 = arith.constant 16 : i32
    %add3A_68 = arith.constant 16 : i32
    %add3A_69 = arith.addi %mul3A_2, %add3A_68 : i32
    %dma_start3A_70 = arith.constant 0 : i32
    %dma_start3A_71 = tpu.memref_slice %arg5[%add3A_69, %dma_start3A_70] : memref<2048x768xf32, #tpu.memory_space<hbm>> -> memref<16x768xf32, #tpu.memory_space<hbm>>
    %dma_start3A_72 = arith.constant 0 : i32
    %dma_start3A_73 = tpu.memref_slice %arg5[%add3A_69, %dma_start3A_72] : memref<2048x768xf32, #tpu.memory_space<hbm>> -> memref<16x768xf32, #tpu.memory_space<hbm>>
    tpu.enqueue_dma source(%arg14 : memref<16x768xf32, #tpu.memory_space<vmem>>) target(%dma_start3A_73 : memref<16x768xf32, #tpu.memory_space<hbm>>) target_semaphore(%arg16 : memref<!tpu.dma_semaphore, #tpu.memory_space<semaphore_mem>>)
    %dma_wait3A_74 = arith.constant 0 : i32
    %dma_wait3A_75 = tpu.memref_slice %arg5[%add3A_44, %dma_wait3A_74] : memref<2048x768xf32, #tpu.memory_space<hbm>> -> memref<16x768xf32, #tpu.memory_space<hbm>>
    %dma_wait3A_76 = arith.constant 0 : i32
    %dma_wait3A_77 = tpu.memref_slice %arg5[%add3A_44, %dma_wait3A_76] : memref<2048x768xf32, #tpu.memory_space<hbm>> -> memref<16x768xf32, #tpu.memory_space<hbm>>
    tpu.wait_dma2 semaphore(%arg16 : memref<!tpu.dma_semaphore, #tpu.memory_space<semaphore_mem>>) src(%arg13 : memref<16x768xf32, #tpu.memory_space<vmem>>) dst(%dma_wait3A_77 : memref<16x768xf32, #tpu.memory_space<hbm>>)
    %dma_wait3A_78 = arith.constant 0 : i32
    %dma_wait3A_79 = arith.constant 0 : i32
    %dma_wait3A_80 = tpu.memref_slice %arg4[%dma_wait3A_78, %dma_wait3A_79] : memref<4096x768xf32, #tpu.memory_space<hbm>> -> memref<4096x768xf32, #tpu.memory_space<hbm>>
    tpu.wait_indirect_dma semaphore(%arg15 : memref<!tpu.dma_semaphore, #tpu.memory_space<semaphore_mem>>) src(%dma_wait3A_80 : memref<4096x768xf32, #tpu.memory_space<hbm>>) dst(%arg12 : memref<32x768xf32, #tpu.memory_space<vmem>>)
    %scan3A_81 = arith.constant 0 : i32
    %scan3A_82 = arith.constant 16 : i32
    %scan3A_83 = arith.addi %scan3A_81, %scan3A_82 : i32
    %scan3A_84 = arith.constant 1 : i32
    scf.for %scan3A_118 = %scan3A_81 to %scan3A_83 step %scan3A_84  : i32 {
      %mul3A_119 = arith.constant 1 : i32
      %mul3A_120 = arith.muli %scan3A_118, %mul3A_119 : i32
      %add3A_121 = arith.constant 0 : i32
      %add3A_122 = arith.addi %add3A_121, %mul3A_120 : i32
      %add3A_123 = arith.constant 32 : i32
      %add3A_124 = arith.addi %add3A_123, %add3A_122 : i32
      %mul3A_125 = arith.constant 2 : i32
      %mul3A_126 = arith.muli %add3A_124, %mul3A_125 : i32
      %add3A_127 = arith.constant 0 : i32
      %add3A_128 = arith.addi %mul3A_126, %add3A_127 : i32
      %broadcast_in_dim3A = vector.broadcast %add3A_128 : i32 to vector<16xi32>
      %gather3A = tpu.vector_load_idx %arg9[%broadcast_in_dim3A] : memref<128xf32, #tpu.memory_space<vmem>>[vector<16xi32>], vector<16xf32>,
      %add3A_129 = arith.constant 32 : i32
      %add3A_130 = arith.addi %add3A_129, %add3A_122 : i32
      %mul3A_131 = arith.constant 2 : i32
      %mul3A_132 = arith.muli %add3A_130, %mul3A_131 : i32
      %add3A_133 = arith.constant 1 : i32
      %add3A_134 = arith.addi %mul3A_132, %add3A_133 : i32
      %broadcast_in_dim3A_135 = vector.broadcast %add3A_134 : i32 to vector<16xi32>
      %gather3A_136 = tpu.vector_load_idx %arg9[%broadcast_in_dim3A_135] : memref<128xf32, #tpu.memory_space<vmem>>[vector<16xi32>], vector<16xf32>,
      %broadcast_in_dim3A_137 = arith.constant 0.000000e+00 : f32
      %broadcast_in_dim3A_138 = vector.broadcast %broadcast_in_dim3A_137 : f32 to vector<16xf32>
      %add3A_139 = arith.constant 0 : i32
      %add3A_140 = arith.addi %add3A_139, %add3A_122 : i32
      %get3A = arith.index_cast %add3A_140 : i32 to index
      %get3A_141 = arith.constant 0 : index
      %get3A_142 = tpu.vector_load %arg12[%get3A, %get3A_141] {strides = array<i32>} : memref<32x768xf32, #tpu.memory_space<vmem>>, vector<16xf32>,
      %mul3A_143 = arith.mulf %gather3A, %get3A_142 : vector<16xf32>
      %add3A_144 = arith.addf %broadcast_in_dim3A_138, %mul3A_143 : vector<16xf32>
      %add3A_145 = arith.constant 16 : i32
      %add3A_146 = arith.addi %add3A_145, %add3A_122 : i32
      %get3A_147 = arith.index_cast %add3A_146 : i32 to index
      %get3A_148 = arith.constant 0 : index
      %get3A_149 = tpu.vector_load %arg12[%get3A_147, %get3A_148] {strides = array<i32>} : memref<32x768xf32, #tpu.memory_space<vmem>>, vector<16xf32>,
      %mul3A_150 = arith.mulf %gather3A_136, %get3A_149 : vector<16xf32>
      %add3A_151 = arith.addf %add3A_144, %mul3A_150 : vector<16xf32>
      %swap3A = arith.index_cast %add3A_122 : i32 to index
      %swap3A_152 = arith.constant 0 : index
      %swap3A_153 = tpu.vector_load %arg13[%swap3A, %swap3A_152] {strides = array<i32>} : memref<16x768xf32, #tpu.memory_space<vmem>>, vector<16xf32>,
      tpu.vector_store %arg13[%swap3A, %swap3A_152], %add3A_151 {strides = array<i32>} : memref<16x768xf32, #tpu.memory_space<vmem>>, vector<16xf32>,
      %broadcast_in_dim3A_154 = arith.constant 0.000000e+00 : f32
      %broadcast_in_dim3A_155 = vector.broadcast %broadcast_in_dim3A_154 : f32 to vector<16xf32>
      %add3A_156 = arith.constant 0 : i32
      %add3A_157 = arith.addi %add3A_156, %add3A_122 : i32
      %get3A_158 = arith.index_cast %add3A_157 : i32 to index
      %get3A_159 = arith.constant 16 : index
      %get3A_160 = tpu.vector_load %arg12[%get3A_158, %get3A_159] {strides = array<i32>} : memref<32x768xf32, #tpu.memory_space<vmem>>, vector<16xf32>,
      %mul3A_161 = arith.mulf %gather3A, %get3A_160 : vector<16xf32>
      %add3A_162 = arith.addf %broadcast_in_dim3A_155, %mul3A_161 : vector<16xf32>
      %add3A_163 = arith.constant 16 : i32
      %add3A_164 = arith.addi %add3A_163, %add3A_122 : i32
      %get3A_165 = arith.index_cast %add3A_164 : i32 to index
      %get3A_166 = arith.constant 16 : index
      %get3A_167 = tpu.vector_load %arg12[%get3A_165, %get3A_166] {strides = array<i32>} : memref<32x768xf32, #tpu.memory_space<vmem>>, vector<16xf32>,
      %mul3A_168 = arith.mulf %gather3A_136, %get3A_167 : vector<16xf32>
      %add3A_169 = arith.addf %add3A_162, %mul3A_168 : vector<16xf32>
      %swap3A_170 = arith.index_cast %add3A_122 : i32 to index
      %swap3A_171 = arith.constant 16 : index
      %swap3A_172 = tpu.vector_load %arg13[%swap3A_170, %swap3A_171] {strides = array<i32>} : memref<16x768xf32, #tpu.memory_space<vmem>>, vector<16xf32>,
      tpu.vector_store %arg13[%swap3A_170, %swap3A_171], %add3A_169 {strides = array<i32>} : memref<16x768xf32, #tpu.memory_space<vmem>>, vector<16xf32>,
      %broadcast_in_dim3A_173 = arith.constant 0.000000e+00 : f32
      %broadcast_in_dim3A_174 = vector.broadcast %broadcast_in_dim3A_173 : f32 to vector<16xf32>
      %add3A_175 = arith.constant 0 : i32
      %add3A_176 = arith.addi %add3A_175, %add3A_122 : i32
      %get3A_177 = arith.index_cast %add3A_176 : i32 to index
      %get3A_178 = arith.constant 32 : index
      %get3A_179 = tpu.vector_load %arg12[%get3A_177, %get3A_178] {strides = array<i32>} : memref<32x768xf32, #tpu.memory_space<vmem>>, vector<16xf32>,
      %mul3A_180 = arith.mulf %gather3A, %get3A_179 : vector<16xf32>
      %add3A_181 = arith.addf %broadcast_in_dim3A_174, %mul3A_180 : vector<16xf32>
      %add3A_182 = arith.constant 16 : i32
      %add3A_183 = arith.addi %add3A_182, %add3A_122 : i32
      %get3A_184 = arith.index_cast %add3A_183 : i32 to index
      %get3A_185 = arith.constant 32 : index
      %get3A_186 = tpu.vector_load %arg12[%get3A_184, %get3A_185] {strides = array<i32>} : memref<32x768xf32, #tpu.memory_space<vmem>>, vector<16xf32>,
      %mul3A_187 = arith.mulf %gather3A_136, %get3A_186 : vector<16xf32>
      %add3A_188 = arith.addf %add3A_181, %mul3A_187 : vector<16xf32>
      %swap3A_189 = arith.index_cast %add3A_122 : i32 to index
      %swap3A_190 = arith.constant 32 : index
      %swap3A_191 = tpu.vector_load %arg13[%swap3A_189, %swap3A_190] {strides = array<i32>} : memref<16x768xf32, #tpu.memory_space<vmem>>, vector<16xf32>,
      tpu.vector_store %arg13[%swap3A_189, %swap3A_190], %add3A_188 {strides = array<i32>} : memref<16x768xf32, #tpu.memory_space<vmem>>, vector<16xf32>,
      %broadcast_in_dim3A_192 = arith.constant 0.000000e+00 : f32
      %broadcast_in_dim3A_193 = vector.broadcast %broadcast_in_dim3A_192 : f32 to vector<16xf32>
      %add3A_194 = arith.constant 0 : i32
      %add3A_195 = arith.addi %add3A_194, %add3A_122 : i32
      %get3A_196 = arith.index_cast %add3A_195 : i32 to index
      %get3A_197 = arith.constant 48 : index
      %get3A_198 = tpu.vector_load %arg12[%get3A_196, %get3A_197] {strides = array<i32>} : memref<32x768xf32, #tpu.memory_space<vmem>>, vector<16xf32>,
      %mul3A_199 = arith.mulf %gather3A, %get3A_198 : vector<16xf32>
      %add3A_200 = arith.addf %broadcast_in_dim3A_193, %mul3A_199 : vector<16xf32>
      %add3A_201 = arith.constant 16 : i32
      %add3A_202 = arith.addi %add3A_201, %add3A_122 : i32
      %get3A_203 = arith.index_cast %add3A_202 : i32 to index
      %get3A_204 = arith.constant 48 : index
      %get3A_205 = tpu.vector_load %arg12[%get3A_203, %get3A_204] {strides = array<i32>} : memref<32x768xf32, #tpu.memory_space<vmem>>, vector<16xf32>,
      %mul3A_206 = arith.mulf %gather3A_136, %get3A_205 : vector<16xf32>
      %add3A_207 = arith.addf %add3A_200, %mul3A_206 : vector<16xf32>
      %swap3A_208 = arith.index_cast %add3A_122 : i32 to index
      %swap3A_209 = arith.constant 48 : index
      %swap3A_210 = tpu.vector_load %arg13[%swap3A_208, %swap3A_209] {strides = array<i32>} : memref<16x768xf32, #tpu.memory_space<vmem>>, vector<16xf32>,
      tpu.vector_store %arg13[%swap3A_208, %swap3A_209], %add3A_207 {strides = array<i32>} : memref<16x768xf32, #tpu.memory_space<vmem>>, vector<16xf32>,
      %broadcast_in_dim3A_211 = arith.constant 0.000000e+00 : f32
      %broadcast_in_dim3A_212 = vector.broadcast %broadcast_in_dim3A_211 : f32 to vector<16xf32>
      %add3A_213 = arith.constant 0 : i32
      %add3A_214 = arith.addi %add3A_213, %add3A_122 : i32
      %get3A_215 = arith.index_cast %add3A_214 : i32 to index
      %get3A_216 = arith.constant 64 : index
      %get3A_217 = tpu.vector_load %arg12[%get3A_215, %get3A_216] {strides = array<i32>} : memref<32x768xf32, #tpu.memory_space<vmem>>, vector<16xf32>,
      %mul3A_218 = arith.mulf %gather3A, %get3A_217 : vector<16xf32>
      %add3A_219 = arith.addf %broadcast_in_dim3A_212, %mul3A_218 : vector<16xf32>
      %add3A_220 = arith.constant 16 : i32
      %add3A_221 = arith.addi %add3A_220, %add3A_122 : i32
      %get3A_222 = arith.index_cast %add3A_221 : i32 to index
      %get3A_223 = arith.constant 64 : index
      %get3A_224 = tpu.vector_load %arg12[%get3A_222, %get3A_223] {strides = array<i32>} : memref<32x768xf32, #tpu.memory_space<vmem>>, vector<16xf32>,
      %mul3A_225 = arith.mulf %gather3A_136, %get3A_224 : vector<16xf32>
      %add3A_226 = arith.addf %add3A_219, %mul3A_225 : vector<16xf32>
      %swap3A_227 = arith.index_cast %add3A_122 : i32 to index
      %swap3A_228 = arith.constant 64 : index
      %swap3A_229 = tpu.vector_load %arg13[%swap3A_227, %swap3A_228] {strides = array<i32>} : memref<16x768xf32, #tpu.memory_space<vmem>>, vector<16xf32>,
      tpu.vector_store %arg13[%swap3A_227, %swap3A_228], %add3A_226 {strides = array<i32>} : memref<16x768xf32, #tpu.memory_space<vmem>>, vector<16xf32>,
      %broadcast_in_dim3A_230 = arith.constant 0.000000e+00 : f32
      %broadcast_in_dim3A_231 = vector.broadcast %broadcast_in_dim3A_230 : f32 to vector<16xf32>
      %add3A_232 = arith.constant 0 : i32
      %add3A_233 = arith.addi %add3A_232, %add3A_122 : i32
      %get3A_234 = arith.index_cast %add3A_233 : i32 to index
      %get3A_235 = arith.constant 80 : index
      %get3A_236 = tpu.vector_load %arg12[%get3A_234, %get3A_235] {strides = array<i32>} : memref<32x768xf32, #tpu.memory_space<vmem>>, vector<16xf32>,
      %mul3A_237 = arith.mulf %gather3A, %get3A_236 : vector<16xf32>
      %add3A_238 = arith.addf %broadcast_in_dim3A_231, %mul3A_237 : vector<16xf32>
      %add3A_239 = arith.constant 16 : i32
      %add3A_240 = arith.addi %add3A_239, %add3A_122 : i32
      %get3A_241 = arith.index_cast %add3A_240 : i32 to index
      %get3A_242 = arith.constant 80 : index
      %get3A_243 = tpu.vector_load %arg12[%get3A_241, %get3A_242] {strides = array<i32>} : memref<32x768xf32, #tpu.memory_space<vmem>>, vector<16xf32>,
      %mul3A_244 = arith.mulf %gather3A_136, %get3A_243 : vector<16xf32>
      %add3A_245 = arith.addf %add3A_238, %mul3A_244 : vector<16xf32>
      %swap3A_246 = arith.index_cast %add3A_122 : i32 to index
      %swap3A_247 = arith.constant 80 : index
      %swap3A_248 = tpu.vector_load %arg13[%swap3A_246, %swap3A_247] {strides = array<i32>} : memref<16x768xf32, #tpu.memory_space<vmem>>, vector<16xf32>,
      tpu.vector_store %arg13[%swap3A_246, %swap3A_247], %add3A_245 {strides = array<i32>} : memref<16x768xf32, #tpu.memory_space<vmem>>, vector<16xf32>,
      %broadcast_in_dim3A_249 = arith.constant 0.000000e+00 : f32
      %broadcast_in_dim3A_250 = vector.broadcast %broadcast_in_dim3A_249 : f32 to vector<16xf32>
      %add3A_251 = arith.constant 0 : i32
      %add3A_252 = arith.addi %add3A_251, %add3A_122 : i32
      %get3A_253 = arith.index_cast %add3A_252 : i32 to index
      %get3A_254 = arith.constant 96 : index
      %get3A_255 = tpu.vector_load %arg12[%get3A_253, %get3A_254] {strides = array<i32>} : memref<32x768xf32, #tpu.memory_space<vmem>>, vector<16xf32>,
      %mul3A_256 = arith.mulf %gather3A, %get3A_255 : vector<16xf32>
      %add3A_257 = arith.addf %broadcast_in_dim3A_250, %mul3A_256 : vector<16xf32>
      %add3A_258 = arith.constant 16 : i32
      %add3A_259 = arith.addi %add3A_258, %add3A_122 : i32
      %get3A_260 = arith.index_cast %add3A_259 : i32 to index
      %get3A_261 = arith.constant 96 : index
      %get3A_262 = tpu.vector_load %arg12[%get3A_260, %get3A_261] {strides = array<i32>} : memref<32x768xf32, #tpu.memory_space<vmem>>, vector<16xf32>,
      %mul3A_263 = arith.mulf %gather3A_136, %get3A_262 : vector<16xf32>
      %add3A_264 = arith.addf %add3A_257, %mul3A_263 : vector<16xf32>
      %swap3A_265 = arith.index_cast %add3A_122 : i32 to index
      %swap3A_266 = arith.constant 96 : index
      %swap3A_267 = tpu.vector_load %arg13[%swap3A_265, %swap3A_266] {strides = array<i32>} : memref<16x768xf32, #tpu.memory_space<vmem>>, vector<16xf32>,
      tpu.vector_store %arg13[%swap3A_265, %swap3A_266], %add3A_264 {strides = array<i32>} : memref<16x768xf32, #tpu.memory_space<vmem>>, vector<16xf32>,
      %broadcast_in_dim3A_268 = arith.constant 0.000000e+00 : f32
      %broadcast_in_dim3A_269 = vector.broadcast %broadcast_in_dim3A_268 : f32 to vector<16xf32>
      %add3A_270 = arith.constant 0 : i32
      %add3A_271 = arith.addi %add3A_270, %add3A_122 : i32
      %get3A_272 = arith.index_cast %add3A_271 : i32 to index
      %get3A_273 = arith.constant 112 : index
      %get3A_274 = tpu.vector_load %arg12[%get3A_272, %get3A_273] {strides = array<i32>} : memref<32x768xf32, #tpu.memory_space<vmem>>, vector<16xf32>,
      %mul3A_275 = arith.mulf %gather3A, %get3A_274 : vector<16xf32>
      %add3A_276 = arith.addf %broadcast_in_dim3A_269, %mul3A_275 : vector<16xf32>
      %add3A_277 = arith.constant 16 : i32
      %add3A_278 = arith.addi %add3A_277, %add3A_122 : i32
      %get3A_279 = arith.index_cast %add3A_278 : i32 to index
      %get3A_280 = arith.constant 112 : index
      %get3A_281 = tpu.vector_load %arg12[%get3A_279, %get3A_280] {strides = array<i32>} : memref<32x768xf32, #tpu.memory_space<vmem>>, vector<16xf32>,
      %mul3A_282 = arith.mulf %gather3A_136, %get3A_281 : vector<16xf32>
      %add3A_283 = arith.addf %add3A_276, %mul3A_282 : vector<16xf32>
      %swap3A_284 = arith.index_cast %add3A_122 : i32 to index
      %swap3A_285 = arith.constant 112 : index
      %swap3A_286 = tpu.vector_load %arg13[%swap3A_284, %swap3A_285] {strides = array<i32>} : memref<16x768xf32, #tpu.memory_space<vmem>>, vector<16xf32>,
      tpu.vector_store %arg13[%swap3A_284, %swap3A_285], %add3A_283 {strides = array<i32>} : memref<16x768xf32, #tpu.memory_space<vmem>>, vector<16xf32>,
      %broadcast_in_dim3A_287 = arith.constant 0.000000e+00 : f32
      %broadcast_in_dim3A_288 = vector.broadcast %broadcast_in_dim3A_287 : f32 to vector<16xf32>
      %add3A_289 = arith.constant 0 : i32
      %add3A_290 = arith.addi %add3A_289, %add3A_122 : i32
      %get3A_291 = arith.index_cast %add3A_290 : i32 to index
      %get3A_292 = arith.constant 128 : index
      %get3A_293 = tpu.vector_load %arg12[%get3A_291, %get3A_292] {strides = array<i32>} : memref<32x768xf32, #tpu.memory_space<vmem>>, vector<16xf32>,
      %mul3A_294 = arith.mulf %gather3A, %get3A_293 : vector<16xf32>
      %add3A_295 = arith.addf %broadcast_in_dim3A_288, %mul3A_294 : vector<16xf32>
      %add3A_296 = arith.constant 16 : i32
      %add3A_297 = arith.addi %add3A_296, %add3A_122 : i32
      %get3A_298 = arith.index_cast %add3A_297 : i32 to index
      %get3A_299 = arith.constant 128 : index
      %get3A_300 = tpu.vector_load %arg12[%get3A_298, %get3A_299] {strides = array<i32>} : memref<32x768xf32, #tpu.memory_space<vmem>>, vector<16xf32>,
      %mul3A_301 = arith.mulf %gather3A_136, %get3A_300 : vector<16xf32>
      %add3A_302 = arith.addf %add3A_295, %mul3A_301 : vector<16xf32>
      %swap3A_303 = arith.index_cast %add3A_122 : i32 to index
      %swap3A_304 = arith.constant 128 : index
      %swap3A_305 = tpu.vector_load %arg13[%swap3A_303, %swap3A_304] {strides = array<i32>} : memref<16x768xf32, #tpu.memory_space<vmem>>, vector<16xf32>,
      tpu.vector_store %arg13[%swap3A_303, %swap3A_304], %add3A_302 {strides = array<i32>} : memref<16x768xf32, #tpu.memory_space<vmem>>, vector<16xf32>,
      %broadcast_in_dim3A_306 = arith.constant 0.000000e+00 : f32
      %broadcast_in_dim3A_307 = vector.broadcast %broadcast_in_dim3A_306 : f32 to vector<16xf32>
      %add3A_308 = arith.constant 0 : i32
      %add3A_309 = arith.addi %add3A_308, %add3A_122 : i32
      %get3A_310 = arith.index_cast %add3A_309 : i32 to index
      %get3A_311 = arith.constant 144 : index
      %get3A_312 = tpu.vector_load %arg12[%get3A_310, %get3A_311] {strides = array<i32>} : memref<32x768xf32, #tpu.memory_space<vmem>>, vector<16xf32>,
      %mul3A_313 = arith.mulf %gather3A, %get3A_312 : vector<16xf32>
      %add3A_314 = arith.addf %broadcast_in_dim3A_307, %mul3A_313 : vector<16xf32>
      %add3A_315 = arith.constant 16 : i32
      %add3A_316 = arith.addi %add3A_315, %add3A_122 : i32
      %get3A_317 = arith.index_cast %add3A_316 : i32 to index
      %get3A_318 = arith.constant 144 : index
      %get3A_319 = tpu.vector_load %arg12[%get3A_317, %get3A_318] {strides = array<i32>} : memref<32x768xf32, #tpu.memory_space<vmem>>, vector<16xf32>,
      %mul3A_320 = arith.mulf %gather3A_136, %get3A_319 : vector<16xf32>
      %add3A_321 = arith.addf %add3A_314, %mul3A_320 : vector<16xf32>
      %swap3A_322 = arith.index_cast %add3A_122 : i32 to index
      %swap3A_323 = arith.constant 144 : index
      %swap3A_324 = tpu.vector_load %arg13[%swap3A_322, %swap3A_323] {strides = array<i32>} : memref<16x768xf32, #tpu.memory_space<vmem>>, vector<16xf32>,
      tpu.vector_store %arg13[%swap3A_322, %swap3A_323], %add3A_321 {strides = array<i32>} : memref<16x768xf32, #tpu.memory_space<vmem>>, vector<16xf32>,
      %broadcast_in_dim3A_325 = arith.constant 0.000000e+00 : f32
      %broadcast_in_dim3A_326 = vector.broadcast %broadcast_in_dim3A_325 : f32 to vector<16xf32>
      %add3A_327 = arith.constant 0 : i32
      %add3A_328 = arith.addi %add3A_327, %add3A_122 : i32
      %get3A_329 = arith.index_cast %add3A_328 : i32 to index
      %get3A_330 = arith.constant 160 : index
      %get3A_331 = tpu.vector_load %arg12[%get3A_329, %get3A_330] {strides = array<i32>} : memref<32x768xf32, #tpu.memory_space<vmem>>, vector<16xf32>,
      %mul3A_332 = arith.mulf %gather3A, %get3A_331 : vector<16xf32>
      %add3A_333 = arith.addf %broadcast_in_dim3A_326, %mul3A_332 : vector<16xf32>
      %add3A_334 = arith.constant 16 : i32
      %add3A_335 = arith.addi %add3A_334, %add3A_122 : i32
      %get3A_336 = arith.index_cast %add3A_335 : i32 to index
      %get3A_337 = arith.constant 160 : index
      %get3A_338 = tpu.vector_load %arg12[%get3A_336, %get3A_337] {strides = array<i32>} : memref<32x768xf32, #tpu.memory_space<vmem>>, vector<16xf32>,
      %mul3A_339 = arith.mulf %gather3A_136, %get3A_338 : vector<16xf32>
      %add3A_340 = arith.addf %add3A_333, %mul3A_339 : vector<16xf32>
      %swap3A_341 = arith.index_cast %add3A_122 : i32 to index
      %swap3A_342 = arith.constant 160 : index
      %swap3A_343 = tpu.vector_load %arg13[%swap3A_341, %swap3A_342] {strides = array<i32>} : memref<16x768xf32, #tpu.memory_space<vmem>>, vector<16xf32>,
      tpu.vector_store %arg13[%swap3A_341, %swap3A_342], %add3A_340 {strides = array<i32>} : memref<16x768xf32, #tpu.memory_space<vmem>>, vector<16xf32>,
      %broadcast_in_dim3A_344 = arith.constant 0.000000e+00 : f32
      %broadcast_in_dim3A_345 = vector.broadcast %broadcast_in_dim3A_344 : f32 to vector<16xf32>
      %add3A_346 = arith.constant 0 : i32
      %add3A_347 = arith.addi %add3A_346, %add3A_122 : i32
      %get3A_348 = arith.index_cast %add3A_347 : i32 to index
      %get3A_349 = arith.constant 176 : index
      %get3A_350 = tpu.vector_load %arg12[%get3A_348, %get3A_349] {strides = array<i32>} : memref<32x768xf32, #tpu.memory_space<vmem>>, vector<16xf32>,
      %mul3A_351 = arith.mulf %gather3A, %get3A_350 : vector<16xf32>
      %add3A_352 = arith.addf %broadcast_in_dim3A_345, %mul3A_351 : vector<16xf32>
      %add3A_353 = arith.constant 16 : i32
      %add3A_354 = arith.addi %add3A_353, %add3A_122 : i32
      %get3A_355 = arith.index_cast %add3A_354 : i32 to index
      %get3A_356 = arith.constant 176 : index
      %get3A_357 = tpu.vector_load %arg12[%get3A_355, %get3A_356] {strides = array<i32>} : memref<32x768xf32, #tpu.memory_space<vmem>>, vector<16xf32>,
      %mul3A_358 = arith.mulf %gather3A_136, %get3A_357 : vector<16xf32>
      %add3A_359 = arith.addf %add3A_352, %mul3A_358 : vector<16xf32>
      %swap3A_360 = arith.index_cast %add3A_122 : i32 to index
      %swap3A_361 = arith.constant 176 : index
      %swap3A_362 = tpu.vector_load %arg13[%swap3A_360, %swap3A_361] {strides = array<i32>} : memref<16x768xf32, #tpu.memory_space<vmem>>, vector<16xf32>,
      tpu.vector_store %arg13[%swap3A_360, %swap3A_361], %add3A_359 {strides = array<i32>} : memref<16x768xf32, #tpu.memory_space<vmem>>, vector<16xf32>,
      %broadcast_in_dim3A_363 = arith.constant 0.000000e+00 : f32
      %broadcast_in_dim3A_364 = vector.broadcast %broadcast_in_dim3A_363 : f32 to vector<16xf32>
      %add3A_365 = arith.constant 0 : i32
      %add3A_366 = arith.addi %add3A_365, %add3A_122 : i32
      %get3A_367 = arith.index_cast %add3A_366 : i32 to index
      %get3A_368 = arith.constant 192 : index
      %get3A_369 = tpu.vector_load %arg12[%get3A_367, %get3A_368] {strides = array<i32>} : memref<32x768xf32, #tpu.memory_space<vmem>>, vector<16xf32>,
      %mul3A_370 = arith.mulf %gather3A, %get3A_369 : vector<16xf32>
      %add3A_371 = arith.addf %broadcast_in_dim3A_364, %mul3A_370 : vector<16xf32>
      %add3A_372 = arith.constant 16 : i32
      %add3A_373 = arith.addi %add3A_372, %add3A_122 : i32
      %get3A_374 = arith.index_cast %add3A_373 : i32 to index
      %get3A_375 = arith.constant 192 : index
      %get3A_376 = tpu.vector_load %arg12[%get3A_374, %get3A_375] {strides = array<i32>} : memref<32x768xf32, #tpu.memory_space<vmem>>, vector<16xf32>,
      %mul3A_377 = arith.mulf %gather3A_136, %get3A_376 : vector<16xf32>
      %add3A_378 = arith.addf %add3A_371, %mul3A_377 : vector<16xf32>
      %swap3A_379 = arith.index_cast %add3A_122 : i32 to index
      %swap3A_380 = arith.constant 192 : index
      %swap3A_381 = tpu.vector_load %arg13[%swap3A_379, %swap3A_380] {strides = array<i32>} : memref<16x768xf32, #tpu.memory_space<vmem>>, vector<16xf32>,
      tpu.vector_store %arg13[%swap3A_379, %swap3A_380], %add3A_378 {strides = array<i32>} : memref<16x768xf32, #tpu.memory_space<vmem>>, vector<16xf32>,
      %broadcast_in_dim3A_382 = arith.constant 0.000000e+00 : f32
      %broadcast_in_dim3A_383 = vector.broadcast %broadcast_in_dim3A_382 : f32 to vector<16xf32>
      %add3A_384 = arith.constant 0 : i32
      %add3A_385 = arith.addi %add3A_384, %add3A_122 : i32
      %get3A_386 = arith.index_cast %add3A_385 : i32 to index
      %get3A_387 = arith.constant 208 : index
      %get3A_388 = tpu.vector_load %arg12[%get3A_386, %get3A_387] {strides = array<i32>} : memref<32x768xf32, #tpu.memory_space<vmem>>, vector<16xf32>,
      %mul3A_389 = arith.mulf %gather3A, %get3A_388 : vector<16xf32>
      %add3A_390 = arith.addf %broadcast_in_dim3A_383, %mul3A_389 : vector<16xf32>
      %add3A_391 = arith.constant 16 : i32
      %add3A_392 = arith.addi %add3A_391, %add3A_122 : i32
      %get3A_393 = arith.index_cast %add3A_392 : i32 to index
      %get3A_394 = arith.constant 208 : index
      %get3A_395 = tpu.vector_load %arg12[%get3A_393, %get3A_394] {strides = array<i32>} : memref<32x768xf32, #tpu.memory_space<vmem>>, vector<16xf32>,
      %mul3A_396 = arith.mulf %gather3A_136, %get3A_395 : vector<16xf32>
      %add3A_397 = arith.addf %add3A_390, %mul3A_396 : vector<16xf32>
      %swap3A_398 = arith.index_cast %add3A_122 : i32 to index
      %swap3A_399 = arith.constant 208 : index
      %swap3A_400 = tpu.vector_load %arg13[%swap3A_398, %swap3A_399] {strides = array<i32>} : memref<16x768xf32, #tpu.memory_space<vmem>>, vector<16xf32>,
      tpu.vector_store %arg13[%swap3A_398, %swap3A_399], %add3A_397 {strides = array<i32>} : memref<16x768xf32, #tpu.memory_space<vmem>>, vector<16xf32>,
      %broadcast_in_dim3A_401 = arith.constant 0.000000e+00 : f32
      %broadcast_in_dim3A_402 = vector.broadcast %broadcast_in_dim3A_401 : f32 to vector<16xf32>
      %add3A_403 = arith.constant 0 : i32
      %add3A_404 = arith.addi %add3A_403, %add3A_122 : i32
      %get3A_405 = arith.index_cast %add3A_404 : i32 to index
      %get3A_406 = arith.constant 224 : index
      %get3A_407 = tpu.vector_load %arg12[%get3A_405, %get3A_406] {strides = array<i32>} : memref<32x768xf32, #tpu.memory_space<vmem>>, vector<16xf32>,
      %mul3A_408 = arith.mulf %gather3A, %get3A_407 : vector<16xf32>
      %add3A_409 = arith.addf %broadcast_in_dim3A_402, %mul3A_408 : vector<16xf32>
      %add3A_410 = arith.constant 16 : i32
      %add3A_411 = arith.addi %add3A_410, %add3A_122 : i32
      %get3A_412 = arith.index_cast %add3A_411 : i32 to index
      %get3A_413 = arith.constant 224 : index
      %get3A_414 = tpu.vector_load %arg12[%get3A_412, %get3A_413] {strides = array<i32>} : memref<32x768xf32, #tpu.memory_space<vmem>>, vector<16xf32>,
      %mul3A_415 = arith.mulf %gather3A_136, %get3A_414 : vector<16xf32>
      %add3A_416 = arith.addf %add3A_409, %mul3A_415 : vector<16xf32>
      %swap3A_417 = arith.index_cast %add3A_122 : i32 to index
      %swap3A_418 = arith.constant 224 : index
      %swap3A_419 = tpu.vector_load %arg13[%swap3A_417, %swap3A_418] {strides = array<i32>} : memref<16x768xf32, #tpu.memory_space<vmem>>, vector<16xf32>,
      tpu.vector_store %arg13[%swap3A_417, %swap3A_418], %add3A_416 {strides = array<i32>} : memref<16x768xf32, #tpu.memory_space<vmem>>, vector<16xf32>,
      %broadcast_in_dim3A_420 = arith.constant 0.000000e+00 : f32
      %broadcast_in_dim3A_421 = vector.broadcast %broadcast_in_dim3A_420 : f32 to vector<16xf32>
      %add3A_422 = arith.constant 0 : i32
      %add3A_423 = arith.addi %add3A_422, %add3A_122 : i32
      %get3A_424 = arith.index_cast %add3A_423 : i32 to index
      %get3A_425 = arith.constant 240 : index
      %get3A_426 = tpu.vector_load %arg12[%get3A_424, %get3A_425] {strides = array<i32>} : memref<32x768xf32, #tpu.memory_space<vmem>>, vector<16xf32>,
      %mul3A_427 = arith.mulf %gather3A, %get3A_426 : vector<16xf32>
      %add3A_428 = arith.addf %broadcast_in_dim3A_421, %mul3A_427 : vector<16xf32>
      %add3A_429 = arith.constant 16 : i32
      %add3A_430 = arith.addi %add3A_429, %add3A_122 : i32
      %get3A_431 = arith.index_cast %add3A_430 : i32 to index
      %get3A_432 = arith.constant 240 : index
      %get3A_433 = tpu.vector_load %arg12[%get3A_431, %get3A_432] {strides = array<i32>} : memref<32x768xf32, #tpu.memory_space<vmem>>, vector<16xf32>,
      %mul3A_434 = arith.mulf %gather3A_136, %get3A_433 : vector<16xf32>
      %add3A_435 = arith.addf %add3A_428, %mul3A_434 : vector<16xf32>
      %swap3A_436 = arith.index_cast %add3A_122 : i32 to index
      %swap3A_437 = arith.constant 240 : index
      %swap3A_438 = tpu.vector_load %arg13[%swap3A_436, %swap3A_437] {strides = array<i32>} : memref<16x768xf32, #tpu.memory_space<vmem>>, vector<16xf32>,
      tpu.vector_store %arg13[%swap3A_436, %swap3A_437], %add3A_435 {strides = array<i32>} : memref<16x768xf32, #tpu.memory_space<vmem>>, vector<16xf32>,
      %broadcast_in_dim3A_439 = arith.constant 0.000000e+00 : f32
      %broadcast_in_dim3A_440 = vector.broadcast %broadcast_in_dim3A_439 : f32 to vector<16xf32>
      %add3A_441 = arith.constant 0 : i32
      %add3A_442 = arith.addi %add3A_441, %add3A_122 : i32
      %get3A_443 = arith.index_cast %add3A_442 : i32 to index
      %get3A_444 = arith.constant 256 : index
      %get3A_445 = tpu.vector_load %arg12[%get3A_443, %get3A_444] {strides = array<i32>} : memref<32x768xf32, #tpu.memory_space<vmem>>, vector<16xf32>,
      %mul3A_446 = arith.mulf %gather3A, %get3A_445 : vector<16xf32>
      %add3A_447 = arith.addf %broadcast_in_dim3A_440, %mul3A_446 : vector<16xf32>
      %add3A_448 = arith.constant 16 : i32
      %add3A_449 = arith.addi %add3A_448, %add3A_122 : i32
      %get3A_450 = arith.index_cast %add3A_449 : i32 to index
      %get3A_451 = arith.constant 256 : index
      %get3A_452 = tpu.vector_load %arg12[%get3A_450, %get3A_451] {strides = array<i32>} : memref<32x768xf32, #tpu.memory_space<vmem>>, vector<16xf32>,
      %mul3A_453 = arith.mulf %gather3A_136, %get3A_452 : vector<16xf32>
      %add3A_454 = arith.addf %add3A_447, %mul3A_453 : vector<16xf32>
      %swap3A_455 = arith.index_cast %add3A_122 : i32 to index
      %swap3A_456 = arith.constant 256 : index
      %swap3A_457 = tpu.vector_load %arg13[%swap3A_455, %swap3A_456] {strides = array<i32>} : memref<16x768xf32, #tpu.memory_space<vmem>>, vector<16xf32>,
      tpu.vector_store %arg13[%swap3A_455, %swap3A_456], %add3A_454 {strides = array<i32>} : memref<16x768xf32, #tpu.memory_space<vmem>>, vector<16xf32>,
      %broadcast_in_dim3A_458 = arith.constant 0.000000e+00 : f32
      %broadcast_in_dim3A_459 = vector.broadcast %broadcast_in_dim3A_458 : f32 to vector<16xf32>
      %add3A_460 = arith.constant 0 : i32
      %add3A_461 = arith.addi %add3A_460, %add3A_122 : i32
      %get3A_462 = arith.index_cast %add3A_461 : i32 to index
      %get3A_463 = arith.constant 272 : index
      %get3A_464 = tpu.vector_load %arg12[%get3A_462, %get3A_463] {strides = array<i32>} : memref<32x768xf32, #tpu.memory_space<vmem>>, vector<16xf32>,
      %mul3A_465 = arith.mulf %gather3A, %get3A_464 : vector<16xf32>
      %add3A_466 = arith.addf %broadcast_in_dim3A_459, %mul3A_465 : vector<16xf32>
      %add3A_467 = arith.constant 16 : i32
      %add3A_468 = arith.addi %add3A_467, %add3A_122 : i32
      %get3A_469 = arith.index_cast %add3A_468 : i32 to index
      %get3A_470 = arith.constant 272 : index
      %get3A_471 = tpu.vector_load %arg12[%get3A_469, %get3A_470] {strides = array<i32>} : memref<32x768xf32, #tpu.memory_space<vmem>>, vector<16xf32>,
      %mul3A_472 = arith.mulf %gather3A_136, %get3A_471 : vector<16xf32>
      %add3A_473 = arith.addf %add3A_466, %mul3A_472 : vector<16xf32>
      %swap3A_474 = arith.index_cast %add3A_122 : i32 to index
      %swap3A_475 = arith.constant 272 : index
      %swap3A_476 = tpu.vector_load %arg13[%swap3A_474, %swap3A_475] {strides = array<i32>} : memref<16x768xf32, #tpu.memory_space<vmem>>, vector<16xf32>,
      tpu.vector_store %arg13[%swap3A_474, %swap3A_475], %add3A_473 {strides = array<i32>} : memref<16x768xf32, #tpu.memory_space<vmem>>, vector<16xf32>,
      %broadcast_in_dim3A_477 = arith.constant 0.000000e+00 : f32
      %broadcast_in_dim3A_478 = vector.broadcast %broadcast_in_dim3A_477 : f32 to vector<16xf32>
      %add3A_479 = arith.constant 0 : i32
      %add3A_480 = arith.addi %add3A_479, %add3A_122 : i32
      %get3A_481 = arith.index_cast %add3A_480 : i32 to index
      %get3A_482 = arith.constant 288 : index
      %get3A_483 = tpu.vector_load %arg12[%get3A_481, %get3A_482] {strides = array<i32>} : memref<32x768xf32, #tpu.memory_space<vmem>>, vector<16xf32>,
      %mul3A_484 = arith.mulf %gather3A, %get3A_483 : vector<16xf32>
      %add3A_485 = arith.addf %broadcast_in_dim3A_478, %mul3A_484 : vector<16xf32>
      %add3A_486 = arith.constant 16 : i32
      %add3A_487 = arith.addi %add3A_486, %add3A_122 : i32
      %get3A_488 = arith.index_cast %add3A_487 : i32 to index
      %get3A_489 = arith.constant 288 : index
      %get3A_490 = tpu.vector_load %arg12[%get3A_488, %get3A_489] {strides = array<i32>} : memref<32x768xf32, #tpu.memory_space<vmem>>, vector<16xf32>,
      %mul3A_491 = arith.mulf %gather3A_136, %get3A_490 : vector<16xf32>
      %add3A_492 = arith.addf %add3A_485, %mul3A_491 : vector<16xf32>
      %swap3A_493 = arith.index_cast %add3A_122 : i32 to index
      %swap3A_494 = arith.constant 288 : index
      %swap3A_495 = tpu.vector_load %arg13[%swap3A_493, %swap3A_494] {strides = array<i32>} : memref<16x768xf32, #tpu.memory_space<vmem>>, vector<16xf32>,
      tpu.vector_store %arg13[%swap3A_493, %swap3A_494], %add3A_492 {strides = array<i32>} : memref<16x768xf32, #tpu.memory_space<vmem>>, vector<16xf32>,
      %broadcast_in_dim3A_496 = arith.constant 0.000000e+00 : f32
      %broadcast_in_dim3A_497 = vector.broadcast %broadcast_in_dim3A_496 : f32 to vector<16xf32>
      %add3A_498 = arith.constant 0 : i32
      %add3A_499 = arith.addi %add3A_498, %add3A_122 : i32
      %get3A_500 = arith.index_cast %add3A_499 : i32 to index
      %get3A_501 = arith.constant 304 : index
      %get3A_502 = tpu.vector_load %arg12[%get3A_500, %get3A_501] {strides = array<i32>} : memref<32x768xf32, #tpu.memory_space<vmem>>, vector<16xf32>,
      %mul3A_503 = arith.mulf %gather3A, %get3A_502 : vector<16xf32>
      %add3A_504 = arith.addf %broadcast_in_dim3A_497, %mul3A_503 : vector<16xf32>
      %add3A_505 = arith.constant 16 : i32
      %add3A_506 = arith.addi %add3A_505, %add3A_122 : i32
      %get3A_507 = arith.index_cast %add3A_506 : i32 to index
      %get3A_508 = arith.constant 304 : index
      %get3A_509 = tpu.vector_load %arg12[%get3A_507, %get3A_508] {strides = array<i32>} : memref<32x768xf32, #tpu.memory_space<vmem>>, vector<16xf32>,
      %mul3A_510 = arith.mulf %gather3A_136, %get3A_509 : vector<16xf32>
      %add3A_511 = arith.addf %add3A_504, %mul3A_510 : vector<16xf32>
      %swap3A_512 = arith.index_cast %add3A_122 : i32 to index
      %swap3A_513 = arith.constant 304 : index
      %swap3A_514 = tpu.vector_load %arg13[%swap3A_512, %swap3A_513] {strides = array<i32>} : memref<16x768xf32, #tpu.memory_space<vmem>>, vector<16xf32>,
      tpu.vector_store %arg13[%swap3A_512, %swap3A_513], %add3A_511 {strides = array<i32>} : memref<16x768xf32, #tpu.memory_space<vmem>>, vector<16xf32>,
      %broadcast_in_dim3A_515 = arith.constant 0.000000e+00 : f32
      %broadcast_in_dim3A_516 = vector.broadcast %broadcast_in_dim3A_515 : f32 to vector<16xf32>
      %add3A_517 = arith.constant 0 : i32
      %add3A_518 = arith.addi %add3A_517, %add3A_122 : i32
      %get3A_519 = arith.index_cast %add3A_518 : i32 to index
      %get3A_520 = arith.constant 320 : index
      %get3A_521 = tpu.vector_load %arg12[%get3A_519, %get3A_520] {strides = array<i32>} : memref<32x768xf32, #tpu.memory_space<vmem>>, vector<16xf32>,
      %mul3A_522 = arith.mulf %gather3A, %get3A_521 : vector<16xf32>
      %add3A_523 = arith.addf %broadcast_in_dim3A_516, %mul3A_522 : vector<16xf32>
      %add3A_524 = arith.constant 16 : i32
      %add3A_525 = arith.addi %add3A_524, %add3A_122 : i32
      %get3A_526 = arith.index_cast %add3A_525 : i32 to index
      %get3A_527 = arith.constant 320 : index
      %get3A_528 = tpu.vector_load %arg12[%get3A_526, %get3A_527] {strides = array<i32>} : memref<32x768xf32, #tpu.memory_space<vmem>>, vector<16xf32>,
      %mul3A_529 = arith.mulf %gather3A_136, %get3A_528 : vector<16xf32>
      %add3A_530 = arith.addf %add3A_523, %mul3A_529 : vector<16xf32>
      %swap3A_531 = arith.index_cast %add3A_122 : i32 to index
      %swap3A_532 = arith.constant 320 : index
      %swap3A_533 = tpu.vector_load %arg13[%swap3A_531, %swap3A_532] {strides = array<i32>} : memref<16x768xf32, #tpu.memory_space<vmem>>, vector<16xf32>,
      tpu.vector_store %arg13[%swap3A_531, %swap3A_532], %add3A_530 {strides = array<i32>} : memref<16x768xf32, #tpu.memory_space<vmem>>, vector<16xf32>,
      %broadcast_in_dim3A_534 = arith.constant 0.000000e+00 : f32
      %broadcast_in_dim3A_535 = vector.broadcast %broadcast_in_dim3A_534 : f32 to vector<16xf32>
      %add3A_536 = arith.constant 0 : i32
      %add3A_537 = arith.addi %add3A_536, %add3A_122 : i32
      %get3A_538 = arith.index_cast %add3A_537 : i32 to index
      %get3A_539 = arith.constant 336 : index
      %get3A_540 = tpu.vector_load %arg12[%get3A_538, %get3A_539] {strides = array<i32>} : memref<32x768xf32, #tpu.memory_space<vmem>>, vector<16xf32>,
      %mul3A_541 = arith.mulf %gather3A, %get3A_540 : vector<16xf32>
      %add3A_542 = arith.addf %broadcast_in_dim3A_535, %mul3A_541 : vector<16xf32>
      %add3A_543 = arith.constant 16 : i32
      %add3A_544 = arith.addi %add3A_543, %add3A_122 : i32
      %get3A_545 = arith.index_cast %add3A_544 : i32 to index
      %get3A_546 = arith.constant 336 : index
      %get3A_547 = tpu.vector_load %arg12[%get3A_545, %get3A_546] {strides = array<i32>} : memref<32x768xf32, #tpu.memory_space<vmem>>, vector<16xf32>,
      %mul3A_548 = arith.mulf %gather3A_136, %get3A_547 : vector<16xf32>
      %add3A_549 = arith.addf %add3A_542, %mul3A_548 : vector<16xf32>
      %swap3A_550 = arith.index_cast %add3A_122 : i32 to index
      %swap3A_551 = arith.constant 336 : index
      %swap3A_552 = tpu.vector_load %arg13[%swap3A_550, %swap3A_551] {strides = array<i32>} : memref<16x768xf32, #tpu.memory_space<vmem>>, vector<16xf32>,
      tpu.vector_store %arg13[%swap3A_550, %swap3A_551], %add3A_549 {strides = array<i32>} : memref<16x768xf32, #tpu.memory_space<vmem>>, vector<16xf32>,
      %broadcast_in_dim3A_553 = arith.constant 0.000000e+00 : f32
      %broadcast_in_dim3A_554 = vector.broadcast %broadcast_in_dim3A_553 : f32 to vector<16xf32>
      %add3A_555 = arith.constant 0 : i32
      %add3A_556 = arith.addi %add3A_555, %add3A_122 : i32
      %get3A_557 = arith.index_cast %add3A_556 : i32 to index
      %get3A_558 = arith.constant 352 : index
      %get3A_559 = tpu.vector_load %arg12[%get3A_557, %get3A_558] {strides = array<i32>} : memref<32x768xf32, #tpu.memory_space<vmem>>, vector<16xf32>,
      %mul3A_560 = arith.mulf %gather3A, %get3A_559 : vector<16xf32>
      %add3A_561 = arith.addf %broadcast_in_dim3A_554, %mul3A_560 : vector<16xf32>
      %add3A_562 = arith.constant 16 : i32
      %add3A_563 = arith.addi %add3A_562, %add3A_122 : i32
      %get3A_564 = arith.index_cast %add3A_563 : i32 to index
      %get3A_565 = arith.constant 352 : index
      %get3A_566 = tpu.vector_load %arg12[%get3A_564, %get3A_565] {strides = array<i32>} : memref<32x768xf32, #tpu.memory_space<vmem>>, vector<16xf32>,
      %mul3A_567 = arith.mulf %gather3A_136, %get3A_566 : vector<16xf32>
      %add3A_568 = arith.addf %add3A_561, %mul3A_567 : vector<16xf32>
      %swap3A_569 = arith.index_cast %add3A_122 : i32 to index
      %swap3A_570 = arith.constant 352 : index
      %swap3A_571 = tpu.vector_load %arg13[%swap3A_569, %swap3A_570] {strides = array<i32>} : memref<16x768xf32, #tpu.memory_space<vmem>>, vector<16xf32>,
      tpu.vector_store %arg13[%swap3A_569, %swap3A_570], %add3A_568 {strides = array<i32>} : memref<16x768xf32, #tpu.memory_space<vmem>>, vector<16xf32>,
      %broadcast_in_dim3A_572 = arith.constant 0.000000e+00 : f32
      %broadcast_in_dim3A_573 = vector.broadcast %broadcast_in_dim3A_572 : f32 to vector<16xf32>
      %add3A_574 = arith.constant 0 : i32
      %add3A_575 = arith.addi %add3A_574, %add3A_122 : i32
      %get3A_576 = arith.index_cast %add3A_575 : i32 to index
      %get3A_577 = arith.constant 368 : index
      %get3A_578 = tpu.vector_load %arg12[%get3A_576, %get3A_577] {strides = array<i32>} : memref<32x768xf32, #tpu.memory_space<vmem>>, vector<16xf32>,
      %mul3A_579 = arith.mulf %gather3A, %get3A_578 : vector<16xf32>
      %add3A_580 = arith.addf %broadcast_in_dim3A_573, %mul3A_579 : vector<16xf32>
      %add3A_581 = arith.constant 16 : i32
      %add3A_582 = arith.addi %add3A_581, %add3A_122 : i32
      %get3A_583 = arith.index_cast %add3A_582 : i32 to index
      %get3A_584 = arith.constant 368 : index
      %get3A_585 = tpu.vector_load %arg12[%get3A_583, %get3A_584] {strides = array<i32>} : memref<32x768xf32, #tpu.memory_space<vmem>>, vector<16xf32>,
      %mul3A_586 = arith.mulf %gather3A_136, %get3A_585 : vector<16xf32>
      %add3A_587 = arith.addf %add3A_580, %mul3A_586 : vector<16xf32>
      %swap3A_588 = arith.index_cast %add3A_122 : i32 to index
      %swap3A_589 = arith.constant 368 : index
      %swap3A_590 = tpu.vector_load %arg13[%swap3A_588, %swap3A_589] {strides = array<i32>} : memref<16x768xf32, #tpu.memory_space<vmem>>, vector<16xf32>,
      tpu.vector_store %arg13[%swap3A_588, %swap3A_589], %add3A_587 {strides = array<i32>} : memref<16x768xf32, #tpu.memory_space<vmem>>, vector<16xf32>,
      %broadcast_in_dim3A_591 = arith.constant 0.000000e+00 : f32
      %broadcast_in_dim3A_592 = vector.broadcast %broadcast_in_dim3A_591 : f32 to vector<16xf32>
      %add3A_593 = arith.constant 0 : i32
      %add3A_594 = arith.addi %add3A_593, %add3A_122 : i32
      %get3A_595 = arith.index_cast %add3A_594 : i32 to index
      %get3A_596 = arith.constant 384 : index
      %get3A_597 = tpu.vector_load %arg12[%get3A_595, %get3A_596] {strides = array<i32>} : memref<32x768xf32, #tpu.memory_space<vmem>>, vector<16xf32>,
      %mul3A_598 = arith.mulf %gather3A, %get3A_597 : vector<16xf32>
      %add3A_599 = arith.addf %broadcast_in_dim3A_592, %mul3A_598 : vector<16xf32>
      %add3A_600 = arith.constant 16 : i32
      %add3A_601 = arith.addi %add3A_600, %add3A_122 : i32
      %get3A_602 = arith.index_cast %add3A_601 : i32 to index
      %get3A_603 = arith.constant 384 : index
      %get3A_604 = tpu.vector_load %arg12[%get3A_602, %get3A_603] {strides = array<i32>} : memref<32x768xf32, #tpu.memory_space<vmem>>, vector<16xf32>,
      %mul3A_605 = arith.mulf %gather3A_136, %get3A_604 : vector<16xf32>
      %add3A_606 = arith.addf %add3A_599, %mul3A_605 : vector<16xf32>
      %swap3A_607 = arith.index_cast %add3A_122 : i32 to index
      %swap3A_608 = arith.constant 384 : index
      %swap3A_609 = tpu.vector_load %arg13[%swap3A_607, %swap3A_608] {strides = array<i32>} : memref<16x768xf32, #tpu.memory_space<vmem>>, vector<16xf32>,
      tpu.vector_store %arg13[%swap3A_607, %swap3A_608], %add3A_606 {strides = array<i32>} : memref<16x768xf32, #tpu.memory_space<vmem>>, vector<16xf32>,
      %broadcast_in_dim3A_610 = arith.constant 0.000000e+00 : f32
      %broadcast_in_dim3A_611 = vector.broadcast %broadcast_in_dim3A_610 : f32 to vector<16xf32>
      %add3A_612 = arith.constant 0 : i32
      %add3A_613 = arith.addi %add3A_612, %add3A_122 : i32
      %get3A_614 = arith.index_cast %add3A_613 : i32 to index
      %get3A_615 = arith.constant 400 : index
      %get3A_616 = tpu.vector_load %arg12[%get3A_614, %get3A_615] {strides = array<i32>} : memref<32x768xf32, #tpu.memory_space<vmem>>, vector<16xf32>,
      %mul3A_617 = arith.mulf %gather3A, %get3A_616 : vector<16xf32>
      %add3A_618 = arith.addf %broadcast_in_dim3A_611, %mul3A_617 : vector<16xf32>
      %add3A_619 = arith.constant 16 : i32
      %add3A_620 = arith.addi %add3A_619, %add3A_122 : i32
      %get3A_621 = arith.index_cast %add3A_620 : i32 to index
      %get3A_622 = arith.constant 400 : index
      %get3A_623 = tpu.vector_load %arg12[%get3A_621, %get3A_622] {strides = array<i32>} : memref<32x768xf32, #tpu.memory_space<vmem>>, vector<16xf32>,
      %mul3A_624 = arith.mulf %gather3A_136, %get3A_623 : vector<16xf32>
      %add3A_625 = arith.addf %add3A_618, %mul3A_624 : vector<16xf32>
      %swap3A_626 = arith.index_cast %add3A_122 : i32 to index
      %swap3A_627 = arith.constant 400 : index
      %swap3A_628 = tpu.vector_load %arg13[%swap3A_626, %swap3A_627] {strides = array<i32>} : memref<16x768xf32, #tpu.memory_space<vmem>>, vector<16xf32>,
      tpu.vector_store %arg13[%swap3A_626, %swap3A_627], %add3A_625 {strides = array<i32>} : memref<16x768xf32, #tpu.memory_space<vmem>>, vector<16xf32>,
      %broadcast_in_dim3A_629 = arith.constant 0.000000e+00 : f32
      %broadcast_in_dim3A_630 = vector.broadcast %broadcast_in_dim3A_629 : f32 to vector<16xf32>
      %add3A_631 = arith.constant 0 : i32
      %add3A_632 = arith.addi %add3A_631, %add3A_122 : i32
      %get3A_633 = arith.index_cast %add3A_632 : i32 to index
      %get3A_634 = arith.constant 416 : index
      %get3A_635 = tpu.vector_load %arg12[%get3A_633, %get3A_634] {strides = array<i32>} : memref<32x768xf32, #tpu.memory_space<vmem>>, vector<16xf32>,
      %mul3A_636 = arith.mulf %gather3A, %get3A_635 : vector<16xf32>
      %add3A_637 = arith.addf %broadcast_in_dim3A_630, %mul3A_636 : vector<16xf32>
      %add3A_638 = arith.constant 16 : i32
      %add3A_639 = arith.addi %add3A_638, %add3A_122 : i32
      %get3A_640 = arith.index_cast %add3A_639 : i32 to index
      %get3A_641 = arith.constant 416 : index
      %get3A_642 = tpu.vector_load %arg12[%get3A_640, %get3A_641] {strides = array<i32>} : memref<32x768xf32, #tpu.memory_space<vmem>>, vector<16xf32>,
      %mul3A_643 = arith.mulf %gather3A_136, %get3A_642 : vector<16xf32>
      %add3A_644 = arith.addf %add3A_637, %mul3A_643 : vector<16xf32>
      %swap3A_645 = arith.index_cast %add3A_122 : i32 to index
      %swap3A_646 = arith.constant 416 : index
      %swap3A_647 = tpu.vector_load %arg13[%swap3A_645, %swap3A_646] {strides = array<i32>} : memref<16x768xf32, #tpu.memory_space<vmem>>, vector<16xf32>,
      tpu.vector_store %arg13[%swap3A_645, %swap3A_646], %add3A_644 {strides = array<i32>} : memref<16x768xf32, #tpu.memory_space<vmem>>, vector<16xf32>,
      %broadcast_in_dim3A_648 = arith.constant 0.000000e+00 : f32
      %broadcast_in_dim3A_649 = vector.broadcast %broadcast_in_dim3A_648 : f32 to vector<16xf32>
      %add3A_650 = arith.constant 0 : i32
      %add3A_651 = arith.addi %add3A_650, %add3A_122 : i32
      %get3A_652 = arith.index_cast %add3A_651 : i32 to index
      %get3A_653 = arith.constant 432 : index
      %get3A_654 = tpu.vector_load %arg12[%get3A_652, %get3A_653] {strides = array<i32>} : memref<32x768xf32, #tpu.memory_space<vmem>>, vector<16xf32>,
      %mul3A_655 = arith.mulf %gather3A, %get3A_654 : vector<16xf32>
      %add3A_656 = arith.addf %broadcast_in_dim3A_649, %mul3A_655 : vector<16xf32>
      %add3A_657 = arith.constant 16 : i32
      %add3A_658 = arith.addi %add3A_657, %add3A_122 : i32
      %get3A_659 = arith.index_cast %add3A_658 : i32 to index
      %get3A_660 = arith.constant 432 : index
      %get3A_661 = tpu.vector_load %arg12[%get3A_659, %get3A_660] {strides = array<i32>} : memref<32x768xf32, #tpu.memory_space<vmem>>, vector<16xf32>,
      %mul3A_662 = arith.mulf %gather3A_136, %get3A_661 : vector<16xf32>
      %add3A_663 = arith.addf %add3A_656, %mul3A_662 : vector<16xf32>
      %swap3A_664 = arith.index_cast %add3A_122 : i32 to index
      %swap3A_665 = arith.constant 432 : index
      %swap3A_666 = tpu.vector_load %arg13[%swap3A_664, %swap3A_665] {strides = array<i32>} : memref<16x768xf32, #tpu.memory_space<vmem>>, vector<16xf32>,
      tpu.vector_store %arg13[%swap3A_664, %swap3A_665], %add3A_663 {strides = array<i32>} : memref<16x768xf32, #tpu.memory_space<vmem>>, vector<16xf32>,
      %broadcast_in_dim3A_667 = arith.constant 0.000000e+00 : f32
      %broadcast_in_dim3A_668 = vector.broadcast %broadcast_in_dim3A_667 : f32 to vector<16xf32>
      %add3A_669 = arith.constant 0 : i32
      %add3A_670 = arith.addi %add3A_669, %add3A_122 : i32
      %get3A_671 = arith.index_cast %add3A_670 : i32 to index
      %get3A_672 = arith.constant 448 : index
      %get3A_673 = tpu.vector_load %arg12[%get3A_671, %get3A_672] {strides = array<i32>} : memref<32x768xf32, #tpu.memory_space<vmem>>, vector<16xf32>,
      %mul3A_674 = arith.mulf %gather3A, %get3A_673 : vector<16xf32>
      %add3A_675 = arith.addf %broadcast_in_dim3A_668, %mul3A_674 : vector<16xf32>
      %add3A_676 = arith.constant 16 : i32
      %add3A_677 = arith.addi %add3A_676, %add3A_122 : i32
      %get3A_678 = arith.index_cast %add3A_677 : i32 to index
      %get3A_679 = arith.constant 448 : index
      %get3A_680 = tpu.vector_load %arg12[%get3A_678, %get3A_679] {strides = array<i32>} : memref<32x768xf32, #tpu.memory_space<vmem>>, vector<16xf32>,
      %mul3A_681 = arith.mulf %gather3A_136, %get3A_680 : vector<16xf32>
      %add3A_682 = arith.addf %add3A_675, %mul3A_681 : vector<16xf32>
      %swap3A_683 = arith.index_cast %add3A_122 : i32 to index
      %swap3A_684 = arith.constant 448 : index
      %swap3A_685 = tpu.vector_load %arg13[%swap3A_683, %swap3A_684] {strides = array<i32>} : memref<16x768xf32, #tpu.memory_space<vmem>>, vector<16xf32>,
      tpu.vector_store %arg13[%swap3A_683, %swap3A_684], %add3A_682 {strides = array<i32>} : memref<16x768xf32, #tpu.memory_space<vmem>>, vector<16xf32>,
      %broadcast_in_dim3A_686 = arith.constant 0.000000e+00 : f32
      %broadcast_in_dim3A_687 = vector.broadcast %broadcast_in_dim3A_686 : f32 to vector<16xf32>
      %add3A_688 = arith.constant 0 : i32
      %add3A_689 = arith.addi %add3A_688, %add3A_122 : i32
      %get3A_690 = arith.index_cast %add3A_689 : i32 to index
      %get3A_691 = arith.constant 464 : index
      %get3A_692 = tpu.vector_load %arg12[%get3A_690, %get3A_691] {strides = array<i32>} : memref<32x768xf32, #tpu.memory_space<vmem>>, vector<16xf32>,
      %mul3A_693 = arith.mulf %gather3A, %get3A_692 : vector<16xf32>
      %add3A_694 = arith.addf %broadcast_in_dim3A_687, %mul3A_693 : vector<16xf32>
      %add3A_695 = arith.constant 16 : i32
      %add3A_696 = arith.addi %add3A_695, %add3A_122 : i32
      %get3A_697 = arith.index_cast %add3A_696 : i32 to index
      %get3A_698 = arith.constant 464 : index
      %get3A_699 = tpu.vector_load %arg12[%get3A_697, %get3A_698] {strides = array<i32>} : memref<32x768xf32, #tpu.memory_space<vmem>>, vector<16xf32>,
      %mul3A_700 = arith.mulf %gather3A_136, %get3A_699 : vector<16xf32>
      %add3A_701 = arith.addf %add3A_694, %mul3A_700 : vector<16xf32>
      %swap3A_702 = arith.index_cast %add3A_122 : i32 to index
      %swap3A_703 = arith.constant 464 : index
      %swap3A_704 = tpu.vector_load %arg13[%swap3A_702, %swap3A_703] {strides = array<i32>} : memref<16x768xf32, #tpu.memory_space<vmem>>, vector<16xf32>,
      tpu.vector_store %arg13[%swap3A_702, %swap3A_703], %add3A_701 {strides = array<i32>} : memref<16x768xf32, #tpu.memory_space<vmem>>, vector<16xf32>,
      %broadcast_in_dim3A_705 = arith.constant 0.000000e+00 : f32
      %broadcast_in_dim3A_706 = vector.broadcast %broadcast_in_dim3A_705 : f32 to vector<16xf32>
      %add3A_707 = arith.constant 0 : i32
      %add3A_708 = arith.addi %add3A_707, %add3A_122 : i32
      %get3A_709 = arith.index_cast %add3A_708 : i32 to index
      %get3A_710 = arith.constant 480 : index
      %get3A_711 = tpu.vector_load %arg12[%get3A_709, %get3A_710] {strides = array<i32>} : memref<32x768xf32, #tpu.memory_space<vmem>>, vector<16xf32>,
      %mul3A_712 = arith.mulf %gather3A, %get3A_711 : vector<16xf32>
      %add3A_713 = arith.addf %broadcast_in_dim3A_706, %mul3A_712 : vector<16xf32>
      %add3A_714 = arith.constant 16 : i32
      %add3A_715 = arith.addi %add3A_714, %add3A_122 : i32
      %get3A_716 = arith.index_cast %add3A_715 : i32 to index
      %get3A_717 = arith.constant 480 : index
      %get3A_718 = tpu.vector_load %arg12[%get3A_716, %get3A_717] {strides = array<i32>} : memref<32x768xf32, #tpu.memory_space<vmem>>, vector<16xf32>,
      %mul3A_719 = arith.mulf %gather3A_136, %get3A_718 : vector<16xf32>
      %add3A_720 = arith.addf %add3A_713, %mul3A_719 : vector<16xf32>
      %swap3A_721 = arith.index_cast %add3A_122 : i32 to index
      %swap3A_722 = arith.constant 480 : index
      %swap3A_723 = tpu.vector_load %arg13[%swap3A_721, %swap3A_722] {strides = array<i32>} : memref<16x768xf32, #tpu.memory_space<vmem>>, vector<16xf32>,
      tpu.vector_store %arg13[%swap3A_721, %swap3A_722], %add3A_720 {strides = array<i32>} : memref<16x768xf32, #tpu.memory_space<vmem>>, vector<16xf32>,
      %broadcast_in_dim3A_724 = arith.constant 0.000000e+00 : f32
      %broadcast_in_dim3A_725 = vector.broadcast %broadcast_in_dim3A_724 : f32 to vector<16xf32>
      %add3A_726 = arith.constant 0 : i32
      %add3A_727 = arith.addi %add3A_726, %add3A_122 : i32
      %get3A_728 = arith.index_cast %add3A_727 : i32 to index
      %get3A_729 = arith.constant 496 : index
      %get3A_730 = tpu.vector_load %arg12[%get3A_728, %get3A_729] {strides = array<i32>} : memref<32x768xf32, #tpu.memory_space<vmem>>, vector<16xf32>,
      %mul3A_731 = arith.mulf %gather3A, %get3A_730 : vector<16xf32>
      %add3A_732 = arith.addf %broadcast_in_dim3A_725, %mul3A_731 : vector<16xf32>
      %add3A_733 = arith.constant 16 : i32
      %add3A_734 = arith.addi %add3A_733, %add3A_122 : i32
      %get3A_735 = arith.index_cast %add3A_734 : i32 to index
      %get3A_736 = arith.constant 496 : index
      %get3A_737 = tpu.vector_load %arg12[%get3A_735, %get3A_736] {strides = array<i32>} : memref<32x768xf32, #tpu.memory_space<vmem>>, vector<16xf32>,
      %mul3A_738 = arith.mulf %gather3A_136, %get3A_737 : vector<16xf32>
      %add3A_739 = arith.addf %add3A_732, %mul3A_738 : vector<16xf32>
      %swap3A_740 = arith.index_cast %add3A_122 : i32 to index
      %swap3A_741 = arith.constant 496 : index
      %swap3A_742 = tpu.vector_load %arg13[%swap3A_740, %swap3A_741] {strides = array<i32>} : memref<16x768xf32, #tpu.memory_space<vmem>>, vector<16xf32>,
      tpu.vector_store %arg13[%swap3A_740, %swap3A_741], %add3A_739 {strides = array<i32>} : memref<16x768xf32, #tpu.memory_space<vmem>>, vector<16xf32>,
      %broadcast_in_dim3A_743 = arith.constant 0.000000e+00 : f32
      %broadcast_in_dim3A_744 = vector.broadcast %broadcast_in_dim3A_743 : f32 to vector<16xf32>
      %add3A_745 = arith.constant 0 : i32
      %add3A_746 = arith.addi %add3A_745, %add3A_122 : i32
      %get3A_747 = arith.index_cast %add3A_746 : i32 to index
      %get3A_748 = arith.constant 512 : index
      %get3A_749 = tpu.vector_load %arg12[%get3A_747, %get3A_748] {strides = array<i32>} : memref<32x768xf32, #tpu.memory_space<vmem>>, vector<16xf32>,
      %mul3A_750 = arith.mulf %gather3A, %get3A_749 : vector<16xf32>
      %add3A_751 = arith.addf %broadcast_in_dim3A_744, %mul3A_750 : vector<16xf32>
      %add3A_752 = arith.constant 16 : i32
      %add3A_753 = arith.addi %add3A_752, %add3A_122 : i32
      %get3A_754 = arith.index_cast %add3A_753 : i32 to index
      %get3A_755 = arith.constant 512 : index
      %get3A_756 = tpu.vector_load %arg12[%get3A_754, %get3A_755] {strides = array<i32>} : memref<32x768xf32, #tpu.memory_space<vmem>>, vector<16xf32>,
      %mul3A_757 = arith.mulf %gather3A_136, %get3A_756 : vector<16xf32>
      %add3A_758 = arith.addf %add3A_751, %mul3A_757 : vector<16xf32>
      %swap3A_759 = arith.index_cast %add3A_122 : i32 to index
      %swap3A_760 = arith.constant 512 : index
      %swap3A_761 = tpu.vector_load %arg13[%swap3A_759, %swap3A_760] {strides = array<i32>} : memref<16x768xf32, #tpu.memory_space<vmem>>, vector<16xf32>,
      tpu.vector_store %arg13[%swap3A_759, %swap3A_760], %add3A_758 {strides = array<i32>} : memref<16x768xf32, #tpu.memory_space<vmem>>, vector<16xf32>,
      %broadcast_in_dim3A_762 = arith.constant 0.000000e+00 : f32
      %broadcast_in_dim3A_763 = vector.broadcast %broadcast_in_dim3A_762 : f32 to vector<16xf32>
      %add3A_764 = arith.constant 0 : i32
      %add3A_765 = arith.addi %add3A_764, %add3A_122 : i32
      %get3A_766 = arith.index_cast %add3A_765 : i32 to index
      %get3A_767 = arith.constant 528 : index
      %get3A_768 = tpu.vector_load %arg12[%get3A_766, %get3A_767] {strides = array<i32>} : memref<32x768xf32, #tpu.memory_space<vmem>>, vector<16xf32>,
      %mul3A_769 = arith.mulf %gather3A, %get3A_768 : vector<16xf32>
      %add3A_770 = arith.addf %broadcast_in_dim3A_763, %mul3A_769 : vector<16xf32>
      %add3A_771 = arith.constant 16 : i32
      %add3A_772 = arith.addi %add3A_771, %add3A_122 : i32
      %get3A_773 = arith.index_cast %add3A_772 : i32 to index
      %get3A_774 = arith.constant 528 : index
      %get3A_775 = tpu.vector_load %arg12[%get3A_773, %get3A_774] {strides = array<i32>} : memref<32x768xf32, #tpu.memory_space<vmem>>, vector<16xf32>,
      %mul3A_776 = arith.mulf %gather3A_136, %get3A_775 : vector<16xf32>
      %add3A_777 = arith.addf %add3A_770, %mul3A_776 : vector<16xf32>
      %swap3A_778 = arith.index_cast %add3A_122 : i32 to index
      %swap3A_779 = arith.constant 528 : index
      %swap3A_780 = tpu.vector_load %arg13[%swap3A_778, %swap3A_779] {strides = array<i32>} : memref<16x768xf32, #tpu.memory_space<vmem>>, vector<16xf32>,
      tpu.vector_store %arg13[%swap3A_778, %swap3A_779], %add3A_777 {strides = array<i32>} : memref<16x768xf32, #tpu.memory_space<vmem>>, vector<16xf32>,
      %broadcast_in_dim3A_781 = arith.constant 0.000000e+00 : f32
      %broadcast_in_dim3A_782 = vector.broadcast %broadcast_in_dim3A_781 : f32 to vector<16xf32>
      %add3A_783 = arith.constant 0 : i32
      %add3A_784 = arith.addi %add3A_783, %add3A_122 : i32
      %get3A_785 = arith.index_cast %add3A_784 : i32 to index
      %get3A_786 = arith.constant 544 : index
      %get3A_787 = tpu.vector_load %arg12[%get3A_785, %get3A_786] {strides = array<i32>} : memref<32x768xf32, #tpu.memory_space<vmem>>, vector<16xf32>,
      %mul3A_788 = arith.mulf %gather3A, %get3A_787 : vector<16xf32>
      %add3A_789 = arith.addf %broadcast_in_dim3A_782, %mul3A_788 : vector<16xf32>
      %add3A_790 = arith.constant 16 : i32
      %add3A_791 = arith.addi %add3A_790, %add3A_122 : i32
      %get3A_792 = arith.index_cast %add3A_791 : i32 to index
      %get3A_793 = arith.constant 544 : index
      %get3A_794 = tpu.vector_load %arg12[%get3A_792, %get3A_793] {strides = array<i32>} : memref<32x768xf32, #tpu.memory_space<vmem>>, vector<16xf32>,
      %mul3A_795 = arith.mulf %gather3A_136, %get3A_794 : vector<16xf32>
      %add3A_796 = arith.addf %add3A_789, %mul3A_795 : vector<16xf32>
      %swap3A_797 = arith.index_cast %add3A_122 : i32 to index
      %swap3A_798 = arith.constant 544 : index
      %swap3A_799 = tpu.vector_load %arg13[%swap3A_797, %swap3A_798] {strides = array<i32>} : memref<16x768xf32, #tpu.memory_space<vmem>>, vector<16xf32>,
      tpu.vector_store %arg13[%swap3A_797, %swap3A_798], %add3A_796 {strides = array<i32>} : memref<16x768xf32, #tpu.memory_space<vmem>>, vector<16xf32>,
      %broadcast_in_dim3A_800 = arith.constant 0.000000e+00 : f32
      %broadcast_in_dim3A_801 = vector.broadcast %broadcast_in_dim3A_800 : f32 to vector<16xf32>
      %add3A_802 = arith.constant 0 : i32
      %add3A_803 = arith.addi %add3A_802, %add3A_122 : i32
      %get3A_804 = arith.index_cast %add3A_803 : i32 to index
      %get3A_805 = arith.constant 560 : index
      %get3A_806 = tpu.vector_load %arg12[%get3A_804, %get3A_805] {strides = array<i32>} : memref<32x768xf32, #tpu.memory_space<vmem>>, vector<16xf32>,
      %mul3A_807 = arith.mulf %gather3A, %get3A_806 : vector<16xf32>
      %add3A_808 = arith.addf %broadcast_in_dim3A_801, %mul3A_807 : vector<16xf32>
      %add3A_809 = arith.constant 16 : i32
      %add3A_810 = arith.addi %add3A_809, %add3A_122 : i32
      %get3A_811 = arith.index_cast %add3A_810 : i32 to index
      %get3A_812 = arith.constant 560 : index
      %get3A_813 = tpu.vector_load %arg12[%get3A_811, %get3A_812] {strides = array<i32>} : memref<32x768xf32, #tpu.memory_space<vmem>>, vector<16xf32>,
      %mul3A_814 = arith.mulf %gather3A_136, %get3A_813 : vector<16xf32>
      %add3A_815 = arith.addf %add3A_808, %mul3A_814 : vector<16xf32>
      %swap3A_816 = arith.index_cast %add3A_122 : i32 to index
      %swap3A_817 = arith.constant 560 : index
      %swap3A_818 = tpu.vector_load %arg13[%swap3A_816, %swap3A_817] {strides = array<i32>} : memref<16x768xf32, #tpu.memory_space<vmem>>, vector<16xf32>,
      tpu.vector_store %arg13[%swap3A_816, %swap3A_817], %add3A_815 {strides = array<i32>} : memref<16x768xf32, #tpu.memory_space<vmem>>, vector<16xf32>,
      %broadcast_in_dim3A_819 = arith.constant 0.000000e+00 : f32
      %broadcast_in_dim3A_820 = vector.broadcast %broadcast_in_dim3A_819 : f32 to vector<16xf32>
      %add3A_821 = arith.constant 0 : i32
      %add3A_822 = arith.addi %add3A_821, %add3A_122 : i32
      %get3A_823 = arith.index_cast %add3A_822 : i32 to index
      %get3A_824 = arith.constant 576 : index
      %get3A_825 = tpu.vector_load %arg12[%get3A_823, %get3A_824] {strides = array<i32>} : memref<32x768xf32, #tpu.memory_space<vmem>>, vector<16xf32>,
      %mul3A_826 = arith.mulf %gather3A, %get3A_825 : vector<16xf32>
      %add3A_827 = arith.addf %broadcast_in_dim3A_820, %mul3A_826 : vector<16xf32>
      %add3A_828 = arith.constant 16 : i32
      %add3A_829 = arith.addi %add3A_828, %add3A_122 : i32
      %get3A_830 = arith.index_cast %add3A_829 : i32 to index
      %get3A_831 = arith.constant 576 : index
      %get3A_832 = tpu.vector_load %arg12[%get3A_830, %get3A_831] {strides = array<i32>} : memref<32x768xf32, #tpu.memory_space<vmem>>, vector<16xf32>,
      %mul3A_833 = arith.mulf %gather3A_136, %get3A_832 : vector<16xf32>
      %add3A_834 = arith.addf %add3A_827, %mul3A_833 : vector<16xf32>
      %swap3A_835 = arith.index_cast %add3A_122 : i32 to index
      %swap3A_836 = arith.constant 576 : index
      %swap3A_837 = tpu.vector_load %arg13[%swap3A_835, %swap3A_836] {strides = array<i32>} : memref<16x768xf32, #tpu.memory_space<vmem>>, vector<16xf32>,
      tpu.vector_store %arg13[%swap3A_835, %swap3A_836], %add3A_834 {strides = array<i32>} : memref<16x768xf32, #tpu.memory_space<vmem>>, vector<16xf32>,
      %broadcast_in_dim3A_838 = arith.constant 0.000000e+00 : f32
      %broadcast_in_dim3A_839 = vector.broadcast %broadcast_in_dim3A_838 : f32 to vector<16xf32>
      %add3A_840 = arith.constant 0 : i32
      %add3A_841 = arith.addi %add3A_840, %add3A_122 : i32
      %get3A_842 = arith.index_cast %add3A_841 : i32 to index
      %get3A_843 = arith.constant 592 : index
      %get3A_844 = tpu.vector_load %arg12[%get3A_842, %get3A_843] {strides = array<i32>} : memref<32x768xf32, #tpu.memory_space<vmem>>, vector<16xf32>,
      %mul3A_845 = arith.mulf %gather3A, %get3A_844 : vector<16xf32>
      %add3A_846 = arith.addf %broadcast_in_dim3A_839, %mul3A_845 : vector<16xf32>
      %add3A_847 = arith.constant 16 : i32
      %add3A_848 = arith.addi %add3A_847, %add3A_122 : i32
      %get3A_849 = arith.index_cast %add3A_848 : i32 to index
      %get3A_850 = arith.constant 592 : index
      %get3A_851 = tpu.vector_load %arg12[%get3A_849, %get3A_850] {strides = array<i32>} : memref<32x768xf32, #tpu.memory_space<vmem>>, vector<16xf32>,
      %mul3A_852 = arith.mulf %gather3A_136, %get3A_851 : vector<16xf32>
      %add3A_853 = arith.addf %add3A_846, %mul3A_852 : vector<16xf32>
      %swap3A_854 = arith.index_cast %add3A_122 : i32 to index
      %swap3A_855 = arith.constant 592 : index
      %swap3A_856 = tpu.vector_load %arg13[%swap3A_854, %swap3A_855] {strides = array<i32>} : memref<16x768xf32, #tpu.memory_space<vmem>>, vector<16xf32>,
      tpu.vector_store %arg13[%swap3A_854, %swap3A_855], %add3A_853 {strides = array<i32>} : memref<16x768xf32, #tpu.memory_space<vmem>>, vector<16xf32>,
      %broadcast_in_dim3A_857 = arith.constant 0.000000e+00 : f32
      %broadcast_in_dim3A_858 = vector.broadcast %broadcast_in_dim3A_857 : f32 to vector<16xf32>
      %add3A_859 = arith.constant 0 : i32
      %add3A_860 = arith.addi %add3A_859, %add3A_122 : i32
      %get3A_861 = arith.index_cast %add3A_860 : i32 to index
      %get3A_862 = arith.constant 608 : index
      %get3A_863 = tpu.vector_load %arg12[%get3A_861, %get3A_862] {strides = array<i32>} : memref<32x768xf32, #tpu.memory_space<vmem>>, vector<16xf32>,
      %mul3A_864 = arith.mulf %gather3A, %get3A_863 : vector<16xf32>
      %add3A_865 = arith.addf %broadcast_in_dim3A_858, %mul3A_864 : vector<16xf32>
      %add3A_866 = arith.constant 16 : i32
      %add3A_867 = arith.addi %add3A_866, %add3A_122 : i32
      %get3A_868 = arith.index_cast %add3A_867 : i32 to index
      %get3A_869 = arith.constant 608 : index
      %get3A_870 = tpu.vector_load %arg12[%get3A_868, %get3A_869] {strides = array<i32>} : memref<32x768xf32, #tpu.memory_space<vmem>>, vector<16xf32>,
      %mul3A_871 = arith.mulf %gather3A_136, %get3A_870 : vector<16xf32>
      %add3A_872 = arith.addf %add3A_865, %mul3A_871 : vector<16xf32>
      %swap3A_873 = arith.index_cast %add3A_122 : i32 to index
      %swap3A_874 = arith.constant 608 : index
      %swap3A_875 = tpu.vector_load %arg13[%swap3A_873, %swap3A_874] {strides = array<i32>} : memref<16x768xf32, #tpu.memory_space<vmem>>, vector<16xf32>,
      tpu.vector_store %arg13[%swap3A_873, %swap3A_874], %add3A_872 {strides = array<i32>} : memref<16x768xf32, #tpu.memory_space<vmem>>, vector<16xf32>,
      %broadcast_in_dim3A_876 = arith.constant 0.000000e+00 : f32
      %broadcast_in_dim3A_877 = vector.broadcast %broadcast_in_dim3A_876 : f32 to vector<16xf32>
      %add3A_878 = arith.constant 0 : i32
      %add3A_879 = arith.addi %add3A_878, %add3A_122 : i32
      %get3A_880 = arith.index_cast %add3A_879 : i32 to index
      %get3A_881 = arith.constant 624 : index
      %get3A_882 = tpu.vector_load %arg12[%get3A_880, %get3A_881] {strides = array<i32>} : memref<32x768xf32, #tpu.memory_space<vmem>>, vector<16xf32>,
      %mul3A_883 = arith.mulf %gather3A, %get3A_882 : vector<16xf32>
      %add3A_884 = arith.addf %broadcast_in_dim3A_877, %mul3A_883 : vector<16xf32>
      %add3A_885 = arith.constant 16 : i32
      %add3A_886 = arith.addi %add3A_885, %add3A_122 : i32
      %get3A_887 = arith.index_cast %add3A_886 : i32 to index
      %get3A_888 = arith.constant 624 : index
      %get3A_889 = tpu.vector_load %arg12[%get3A_887, %get3A_888] {strides = array<i32>} : memref<32x768xf32, #tpu.memory_space<vmem>>, vector<16xf32>,
      %mul3A_890 = arith.mulf %gather3A_136, %get3A_889 : vector<16xf32>
      %add3A_891 = arith.addf %add3A_884, %mul3A_890 : vector<16xf32>
      %swap3A_892 = arith.index_cast %add3A_122 : i32 to index
      %swap3A_893 = arith.constant 624 : index
      %swap3A_894 = tpu.vector_load %arg13[%swap3A_892, %swap3A_893] {strides = array<i32>} : memref<16x768xf32, #tpu.memory_space<vmem>>, vector<16xf32>,
      tpu.vector_store %arg13[%swap3A_892, %swap3A_893], %add3A_891 {strides = array<i32>} : memref<16x768xf32, #tpu.memory_space<vmem>>, vector<16xf32>,
      %broadcast_in_dim3A_895 = arith.constant 0.000000e+00 : f32
      %broadcast_in_dim3A_896 = vector.broadcast %broadcast_in_dim3A_895 : f32 to vector<16xf32>
      %add3A_897 = arith.constant 0 : i32
      %add3A_898 = arith.addi %add3A_897, %add3A_122 : i32
      %get3A_899 = arith.index_cast %add3A_898 : i32 to index
      %get3A_900 = arith.constant 640 : index
      %get3A_901 = tpu.vector_load %arg12[%get3A_899, %get3A_900] {strides = array<i32>} : memref<32x768xf32, #tpu.memory_space<vmem>>, vector<16xf32>,
      %mul3A_902 = arith.mulf %gather3A, %get3A_901 : vector<16xf32>
      %add3A_903 = arith.addf %broadcast_in_dim3A_896, %mul3A_902 : vector<16xf32>
      %add3A_904 = arith.constant 16 : i32
      %add3A_905 = arith.addi %add3A_904, %add3A_122 : i32
      %get3A_906 = arith.index_cast %add3A_905 : i32 to index
      %get3A_907 = arith.constant 640 : index
      %get3A_908 = tpu.vector_load %arg12[%get3A_906, %get3A_907] {strides = array<i32>} : memref<32x768xf32, #tpu.memory_space<vmem>>, vector<16xf32>,
      %mul3A_909 = arith.mulf %gather3A_136, %get3A_908 : vector<16xf32>
      %add3A_910 = arith.addf %add3A_903, %mul3A_909 : vector<16xf32>
      %swap3A_911 = arith.index_cast %add3A_122 : i32 to index
      %swap3A_912 = arith.constant 640 : index
      %swap3A_913 = tpu.vector_load %arg13[%swap3A_911, %swap3A_912] {strides = array<i32>} : memref<16x768xf32, #tpu.memory_space<vmem>>, vector<16xf32>,
      tpu.vector_store %arg13[%swap3A_911, %swap3A_912], %add3A_910 {strides = array<i32>} : memref<16x768xf32, #tpu.memory_space<vmem>>, vector<16xf32>,
      %broadcast_in_dim3A_914 = arith.constant 0.000000e+00 : f32
      %broadcast_in_dim3A_915 = vector.broadcast %broadcast_in_dim3A_914 : f32 to vector<16xf32>
      %add3A_916 = arith.constant 0 : i32
      %add3A_917 = arith.addi %add3A_916, %add3A_122 : i32
      %get3A_918 = arith.index_cast %add3A_917 : i32 to index
      %get3A_919 = arith.constant 656 : index
      %get3A_920 = tpu.vector_load %arg12[%get3A_918, %get3A_919] {strides = array<i32>} : memref<32x768xf32, #tpu.memory_space<vmem>>, vector<16xf32>,
      %mul3A_921 = arith.mulf %gather3A, %get3A_920 : vector<16xf32>
      %add3A_922 = arith.addf %broadcast_in_dim3A_915, %mul3A_921 : vector<16xf32>
      %add3A_923 = arith.constant 16 : i32
      %add3A_924 = arith.addi %add3A_923, %add3A_122 : i32
      %get3A_925 = arith.index_cast %add3A_924 : i32 to index
      %get3A_926 = arith.constant 656 : index
      %get3A_927 = tpu.vector_load %arg12[%get3A_925, %get3A_926] {strides = array<i32>} : memref<32x768xf32, #tpu.memory_space<vmem>>, vector<16xf32>,
      %mul3A_928 = arith.mulf %gather3A_136, %get3A_927 : vector<16xf32>
      %add3A_929 = arith.addf %add3A_922, %mul3A_928 : vector<16xf32>
      %swap3A_930 = arith.index_cast %add3A_122 : i32 to index
      %swap3A_931 = arith.constant 656 : index
      %swap3A_932 = tpu.vector_load %arg13[%swap3A_930, %swap3A_931] {strides = array<i32>} : memref<16x768xf32, #tpu.memory_space<vmem>>, vector<16xf32>,
      tpu.vector_store %arg13[%swap3A_930, %swap3A_931], %add3A_929 {strides = array<i32>} : memref<16x768xf32, #tpu.memory_space<vmem>>, vector<16xf32>,
      %broadcast_in_dim3A_933 = arith.constant 0.000000e+00 : f32
      %broadcast_in_dim3A_934 = vector.broadcast %broadcast_in_dim3A_933 : f32 to vector<16xf32>
      %add3A_935 = arith.constant 0 : i32
      %add3A_936 = arith.addi %add3A_935, %add3A_122 : i32
      %get3A_937 = arith.index_cast %add3A_936 : i32 to index
      %get3A_938 = arith.constant 672 : index
      %get3A_939 = tpu.vector_load %arg12[%get3A_937, %get3A_938] {strides = array<i32>} : memref<32x768xf32, #tpu.memory_space<vmem>>, vector<16xf32>,
      %mul3A_940 = arith.mulf %gather3A, %get3A_939 : vector<16xf32>
      %add3A_941 = arith.addf %broadcast_in_dim3A_934, %mul3A_940 : vector<16xf32>
      %add3A_942 = arith.constant 16 : i32
      %add3A_943 = arith.addi %add3A_942, %add3A_122 : i32
      %get3A_944 = arith.index_cast %add3A_943 : i32 to index
      %get3A_945 = arith.constant 672 : index
      %get3A_946 = tpu.vector_load %arg12[%get3A_944, %get3A_945] {strides = array<i32>} : memref<32x768xf32, #tpu.memory_space<vmem>>, vector<16xf32>,
      %mul3A_947 = arith.mulf %gather3A_136, %get3A_946 : vector<16xf32>
      %add3A_948 = arith.addf %add3A_941, %mul3A_947 : vector<16xf32>
      %swap3A_949 = arith.index_cast %add3A_122 : i32 to index
      %swap3A_950 = arith.constant 672 : index
      %swap3A_951 = tpu.vector_load %arg13[%swap3A_949, %swap3A_950] {strides = array<i32>} : memref<16x768xf32, #tpu.memory_space<vmem>>, vector<16xf32>,
      tpu.vector_store %arg13[%swap3A_949, %swap3A_950], %add3A_948 {strides = array<i32>} : memref<16x768xf32, #tpu.memory_space<vmem>>, vector<16xf32>,
      %broadcast_in_dim3A_952 = arith.constant 0.000000e+00 : f32
      %broadcast_in_dim3A_953 = vector.broadcast %broadcast_in_dim3A_952 : f32 to vector<16xf32>
      %add3A_954 = arith.constant 0 : i32
      %add3A_955 = arith.addi %add3A_954, %add3A_122 : i32
      %get3A_956 = arith.index_cast %add3A_955 : i32 to index
      %get3A_957 = arith.constant 688 : index
      %get3A_958 = tpu.vector_load %arg12[%get3A_956, %get3A_957] {strides = array<i32>} : memref<32x768xf32, #tpu.memory_space<vmem>>, vector<16xf32>,
      %mul3A_959 = arith.mulf %gather3A, %get3A_958 : vector<16xf32>
      %add3A_960 = arith.addf %broadcast_in_dim3A_953, %mul3A_959 : vector<16xf32>
      %add3A_961 = arith.constant 16 : i32
      %add3A_962 = arith.addi %add3A_961, %add3A_122 : i32
      %get3A_963 = arith.index_cast %add3A_962 : i32 to index
      %get3A_964 = arith.constant 688 : index
      %get3A_965 = tpu.vector_load %arg12[%get3A_963, %get3A_964] {strides = array<i32>} : memref<32x768xf32, #tpu.memory_space<vmem>>, vector<16xf32>,
      %mul3A_966 = arith.mulf %gather3A_136, %get3A_965 : vector<16xf32>
      %add3A_967 = arith.addf %add3A_960, %mul3A_966 : vector<16xf32>
      %swap3A_968 = arith.index_cast %add3A_122 : i32 to index
      %swap3A_969 = arith.constant 688 : index
      %swap3A_970 = tpu.vector_load %arg13[%swap3A_968, %swap3A_969] {strides = array<i32>} : memref<16x768xf32, #tpu.memory_space<vmem>>, vector<16xf32>,
      tpu.vector_store %arg13[%swap3A_968, %swap3A_969], %add3A_967 {strides = array<i32>} : memref<16x768xf32, #tpu.memory_space<vmem>>, vector<16xf32>,
      %broadcast_in_dim3A_971 = arith.constant 0.000000e+00 : f32
      %broadcast_in_dim3A_972 = vector.broadcast %broadcast_in_dim3A_971 : f32 to vector<16xf32>
      %add3A_973 = arith.constant 0 : i32
      %add3A_974 = arith.addi %add3A_973, %add3A_122 : i32
      %get3A_975 = arith.index_cast %add3A_974 : i32 to index
      %get3A_976 = arith.constant 704 : index
      %get3A_977 = tpu.vector_load %arg12[%get3A_975, %get3A_976] {strides = array<i32>} : memref<32x768xf32, #tpu.memory_space<vmem>>, vector<16xf32>,
      %mul3A_978 = arith.mulf %gather3A, %get3A_977 : vector<16xf32>
      %add3A_979 = arith.addf %broadcast_in_dim3A_972, %mul3A_978 : vector<16xf32>
      %add3A_980 = arith.constant 16 : i32
      %add3A_981 = arith.addi %add3A_980, %add3A_122 : i32
      %get3A_982 = arith.index_cast %add3A_981 : i32 to index
      %get3A_983 = arith.constant 704 : index
      %get3A_984 = tpu.vector_load %arg12[%get3A_982, %get3A_983] {strides = array<i32>} : memref<32x768xf32, #tpu.memory_space<vmem>>, vector<16xf32>,
      %mul3A_985 = arith.mulf %gather3A_136, %get3A_984 : vector<16xf32>
      %add3A_986 = arith.addf %add3A_979, %mul3A_985 : vector<16xf32>
      %swap3A_987 = arith.index_cast %add3A_122 : i32 to index
      %swap3A_988 = arith.constant 704 : index
      %swap3A_989 = tpu.vector_load %arg13[%swap3A_987, %swap3A_988] {strides = array<i32>} : memref<16x768xf32, #tpu.memory_space<vmem>>, vector<16xf32>,
      tpu.vector_store %arg13[%swap3A_987, %swap3A_988], %add3A_986 {strides = array<i32>} : memref<16x768xf32, #tpu.memory_space<vmem>>, vector<16xf32>,
      %broadcast_in_dim3A_990 = arith.constant 0.000000e+00 : f32
      %broadcast_in_dim3A_991 = vector.broadcast %broadcast_in_dim3A_990 : f32 to vector<16xf32>
      %add3A_992 = arith.constant 0 : i32
      %add3A_993 = arith.addi %add3A_992, %add3A_122 : i32
      %get3A_994 = arith.index_cast %add3A_993 : i32 to index
      %get3A_995 = arith.constant 720 : index
      %get3A_996 = tpu.vector_load %arg12[%get3A_994, %get3A_995] {strides = array<i32>} : memref<32x768xf32, #tpu.memory_space<vmem>>, vector<16xf32>,
      %mul3A_997 = arith.mulf %gather3A, %get3A_996 : vector<16xf32>
      %add3A_998 = arith.addf %broadcast_in_dim3A_991, %mul3A_997 : vector<16xf32>
      %add3A_999 = arith.constant 16 : i32
      %add3A_1000 = arith.addi %add3A_999, %add3A_122 : i32
      %get3A_1001 = arith.index_cast %add3A_1000 : i32 to index
      %get3A_1002 = arith.constant 720 : index
      %get3A_1003 = tpu.vector_load %arg12[%get3A_1001, %get3A_1002] {strides = array<i32>} : memref<32x768xf32, #tpu.memory_space<vmem>>, vector<16xf32>,
      %mul3A_1004 = arith.mulf %gather3A_136, %get3A_1003 : vector<16xf32>
      %add3A_1005 = arith.addf %add3A_998, %mul3A_1004 : vector<16xf32>
      %swap3A_1006 = arith.index_cast %add3A_122 : i32 to index
      %swap3A_1007 = arith.constant 720 : index
      %swap3A_1008 = tpu.vector_load %arg13[%swap3A_1006, %swap3A_1007] {strides = array<i32>} : memref<16x768xf32, #tpu.memory_space<vmem>>, vector<16xf32>,
      tpu.vector_store %arg13[%swap3A_1006, %swap3A_1007], %add3A_1005 {strides = array<i32>} : memref<16x768xf32, #tpu.memory_space<vmem>>, vector<16xf32>,
      %broadcast_in_dim3A_1009 = arith.constant 0.000000e+00 : f32
      %broadcast_in_dim3A_1010 = vector.broadcast %broadcast_in_dim3A_1009 : f32 to vector<16xf32>
      %add3A_1011 = arith.constant 0 : i32
      %add3A_1012 = arith.addi %add3A_1011, %add3A_122 : i32
      %get3A_1013 = arith.index_cast %add3A_1012 : i32 to index
      %get3A_1014 = arith.constant 736 : index
      %get3A_1015 = tpu.vector_load %arg12[%get3A_1013, %get3A_1014] {strides = array<i32>} : memref<32x768xf32, #tpu.memory_space<vmem>>, vector<16xf32>,
      %mul3A_1016 = arith.mulf %gather3A, %get3A_1015 : vector<16xf32>
      %add3A_1017 = arith.addf %broadcast_in_dim3A_1010, %mul3A_1016 : vector<16xf32>
      %add3A_1018 = arith.constant 16 : i32
      %add3A_1019 = arith.addi %add3A_1018, %add3A_122 : i32
      %get3A_1020 = arith.index_cast %add3A_1019 : i32 to index
      %get3A_1021 = arith.constant 736 : index
      %get3A_1022 = tpu.vector_load %arg12[%get3A_1020, %get3A_1021] {strides = array<i32>} : memref<32x768xf32, #tpu.memory_space<vmem>>, vector<16xf32>,
      %mul3A_1023 = arith.mulf %gather3A_136, %get3A_1022 : vector<16xf32>
      %add3A_1024 = arith.addf %add3A_1017, %mul3A_1023 : vector<16xf32>
      %swap3A_1025 = arith.index_cast %add3A_122 : i32 to index
      %swap3A_1026 = arith.constant 736 : index
      %swap3A_1027 = tpu.vector_load %arg13[%swap3A_1025, %swap3A_1026] {strides = array<i32>} : memref<16x768xf32, #tpu.memory_space<vmem>>, vector<16xf32>,
      tpu.vector_store %arg13[%swap3A_1025, %swap3A_1026], %add3A_1024 {strides = array<i32>} : memref<16x768xf32, #tpu.memory_space<vmem>>, vector<16xf32>,
      %broadcast_in_dim3A_1028 = arith.constant 0.000000e+00 : f32
      %broadcast_in_dim3A_1029 = vector.broadcast %broadcast_in_dim3A_1028 : f32 to vector<16xf32>
      %add3A_1030 = arith.constant 0 : i32
      %add3A_1031 = arith.addi %add3A_1030, %add3A_122 : i32
      %get3A_1032 = arith.index_cast %add3A_1031 : i32 to index
      %get3A_1033 = arith.constant 752 : index
      %get3A_1034 = tpu.vector_load %arg12[%get3A_1032, %get3A_1033] {strides = array<i32>} : memref<32x768xf32, #tpu.memory_space<vmem>>, vector<16xf32>,
      %mul3A_1035 = arith.mulf %gather3A, %get3A_1034 : vector<16xf32>
      %add3A_1036 = arith.addf %broadcast_in_dim3A_1029, %mul3A_1035 : vector<16xf32>
      %add3A_1037 = arith.constant 16 : i32
      %add3A_1038 = arith.addi %add3A_1037, %add3A_122 : i32
      %get3A_1039 = arith.index_cast %add3A_1038 : i32 to index
      %get3A_1040 = arith.constant 752 : index
      %get3A_1041 = tpu.vector_load %arg12[%get3A_1039, %get3A_1040] {strides = array<i32>} : memref<32x768xf32, #tpu.memory_space<vmem>>, vector<16xf32>,
      %mul3A_1042 = arith.mulf %gather3A_136, %get3A_1041 : vector<16xf32>
      %add3A_1043 = arith.addf %add3A_1036, %mul3A_1042 : vector<16xf32>
      %swap3A_1044 = arith.index_cast %add3A_122 : i32 to index
      %swap3A_1045 = arith.constant 752 : index
      %swap3A_1046 = tpu.vector_load %arg13[%swap3A_1044, %swap3A_1045] {strides = array<i32>} : memref<16x768xf32, #tpu.memory_space<vmem>>, vector<16xf32>,
      tpu.vector_store %arg13[%swap3A_1044, %swap3A_1045], %add3A_1043 {strides = array<i32>} : memref<16x768xf32, #tpu.memory_space<vmem>>, vector<16xf32>,
    }
    %scan3A_85 = arith.constant 16 : i32
    %add3A_86 = arith.constant 32 : i32
    %add3A_87 = arith.addi %mul3A_2, %add3A_86 : i32
    %dma_start3A_88 = arith.constant 0 : i32
    %dma_start3A_89 = tpu.memref_slice %arg5[%add3A_87, %dma_start3A_88] : memref<2048x768xf32, #tpu.memory_space<hbm>> -> memref<16x768xf32, #tpu.memory_space<hbm>>
    %dma_start3A_90 = arith.constant 0 : i32
    %dma_start3A_91 = tpu.memref_slice %arg5[%add3A_87, %dma_start3A_90] : memref<2048x768xf32, #tpu.memory_space<hbm>> -> memref<16x768xf32, #tpu.memory_space<hbm>>
    tpu.enqueue_dma source(%arg13 : memref<16x768xf32, #tpu.memory_space<vmem>>) target(%dma_start3A_91 : memref<16x768xf32, #tpu.memory_space<hbm>>) target_semaphore(%arg16 : memref<!tpu.dma_semaphore, #tpu.memory_space<semaphore_mem>>)
    %dma_wait3A_92 = arith.constant 0 : i32
    %dma_wait3A_93 = tpu.memref_slice %arg5[%add3A_69, %dma_wait3A_92] : memref<2048x768xf32, #tpu.memory_space<hbm>> -> memref<16x768xf32, #tpu.memory_space<hbm>>
    %dma_wait3A_94 = arith.constant 0 : i32
    %dma_wait3A_95 = tpu.memref_slice %arg5[%add3A_69, %dma_wait3A_94] : memref<2048x768xf32, #tpu.memory_space<hbm>> -> memref<16x768xf32, #tpu.memory_space<hbm>>
    tpu.wait_dma2 semaphore(%arg16 : memref<!tpu.dma_semaphore, #tpu.memory_space<semaphore_mem>>) src(%arg14 : memref<16x768xf32, #tpu.memory_space<vmem>>) dst(%dma_wait3A_95 : memref<16x768xf32, #tpu.memory_space<hbm>>)
    %dma_wait3A_96 = arith.constant 0 : i32
    %dma_wait3A_97 = arith.constant 0 : i32
    %dma_wait3A_98 = tpu.memref_slice %arg4[%dma_wait3A_96, %dma_wait3A_97] : memref<4096x768xf32, #tpu.memory_space<hbm>> -> memref<4096x768xf32, #tpu.memory_space<hbm>>
    tpu.wait_indirect_dma semaphore(%arg15 : memref<!tpu.dma_semaphore, #tpu.memory_space<semaphore_mem>>) src(%dma_wait3A_98 : memref<4096x768xf32, #tpu.memory_space<hbm>>) dst(%arg10 : memref<32x768xf32, #tpu.memory_space<vmem>>)
    %scan3A_99 = arith.constant 0 : i32
    %scan3A_100 = arith.constant 16 : i32
    %scan3A_101 = arith.addi %scan3A_99, %scan3A_100 : i32
    %scan3A_102 = arith.constant 1 : i32
    scf.for %scan3A_118 = %scan3A_99 to %scan3A_101 step %scan3A_102  : i32 {
      %mul3A_119 = arith.constant 1 : i32
      %mul3A_120 = arith.muli %scan3A_118, %mul3A_119 : i32
      %add3A_121 = arith.constant 0 : i32
      %add3A_122 = arith.addi %add3A_121, %mul3A_120 : i32
      %add3A_123 = arith.constant 48 : i32
      %add3A_124 = arith.addi %add3A_123, %add3A_122 : i32
      %mul3A_125 = arith.constant 2 : i32
      %mul3A_126 = arith.muli %add3A_124, %mul3A_125 : i32
      %add3A_127 = arith.constant 0 : i32
      %add3A_128 = arith.addi %mul3A_126, %add3A_127 : i32
      %broadcast_in_dim3A = vector.broadcast %add3A_128 : i32 to vector<16xi32>
      %gather3A = tpu.vector_load_idx %arg9[%broadcast_in_dim3A] : memref<128xf32, #tpu.memory_space<vmem>>[vector<16xi32>], vector<16xf32>,
      %add3A_129 = arith.constant 48 : i32
      %add3A_130 = arith.addi %add3A_129, %add3A_122 : i32
      %mul3A_131 = arith.constant 2 : i32
      %mul3A_132 = arith.muli %add3A_130, %mul3A_131 : i32
      %add3A_133 = arith.constant 1 : i32
      %add3A_134 = arith.addi %mul3A_132, %add3A_133 : i32
      %broadcast_in_dim3A_135 = vector.broadcast %add3A_134 : i32 to vector<16xi32>
      %gather3A_136 = tpu.vector_load_idx %arg9[%broadcast_in_dim3A_135] : memref<128xf32, #tpu.memory_space<vmem>>[vector<16xi32>], vector<16xf32>,
      %broadcast_in_dim3A_137 = arith.constant 0.000000e+00 : f32
      %broadcast_in_dim3A_138 = vector.broadcast %broadcast_in_dim3A_137 : f32 to vector<16xf32>
      %add3A_139 = arith.constant 0 : i32
      %add3A_140 = arith.addi %add3A_139, %add3A_122 : i32
      %get3A = arith.index_cast %add3A_140 : i32 to index
      %get3A_141 = arith.constant 0 : index
      %get3A_142 = tpu.vector_load %arg10[%get3A, %get3A_141] {strides = array<i32>} : memref<32x768xf32, #tpu.memory_space<vmem>>, vector<16xf32>,
      %mul3A_143 = arith.mulf %gather3A, %get3A_142 : vector<16xf32>
      %add3A_144 = arith.addf %broadcast_in_dim3A_138, %mul3A_143 : vector<16xf32>
      %add3A_145 = arith.constant 16 : i32
      %add3A_146 = arith.addi %add3A_145, %add3A_122 : i32
      %get3A_147 = arith.index_cast %add3A_146 : i32 to index
      %get3A_148 = arith.constant 0 : index
      %get3A_149 = tpu.vector_load %arg10[%get3A_147, %get3A_148] {strides = array<i32>} : memref<32x768xf32, #tpu.memory_space<vmem>>, vector<16xf32>,
      %mul3A_150 = arith.mulf %gather3A_136, %get3A_149 : vector<16xf32>
      %add3A_151 = arith.addf %add3A_144, %mul3A_150 : vector<16xf32>
      %swap3A = arith.index_cast %add3A_122 : i32 to index
      %swap3A_152 = arith.constant 0 : index
      %swap3A_153 = tpu.vector_load %arg14[%swap3A, %swap3A_152] {strides = array<i32>} : memref<16x768xf32, #tpu.memory_space<vmem>>, vector<16xf32>,
      tpu.vector_store %arg14[%swap3A, %swap3A_152], %add3A_151 {strides = array<i32>} : memref<16x768xf32, #tpu.memory_space<vmem>>, vector<16xf32>,
      %broadcast_in_dim3A_154 = arith.constant 0.000000e+00 : f32
      %broadcast_in_dim3A_155 = vector.broadcast %broadcast_in_dim3A_154 : f32 to vector<16xf32>
      %add3A_156 = arith.constant 0 : i32
      %add3A_157 = arith.addi %add3A_156, %add3A_122 : i32
      %get3A_158 = arith.index_cast %add3A_157 : i32 to index
      %get3A_159 = arith.constant 16 : index
      %get3A_160 = tpu.vector_load %arg10[%get3A_158, %get3A_159] {strides = array<i32>} : memref<32x768xf32, #tpu.memory_space<vmem>>, vector<16xf32>,
      %mul3A_161 = arith.mulf %gather3A, %get3A_160 : vector<16xf32>
      %add3A_162 = arith.addf %broadcast_in_dim3A_155, %mul3A_161 : vector<16xf32>
      %add3A_163 = arith.constant 16 : i32
      %add3A_164 = arith.addi %add3A_163, %add3A_122 : i32
      %get3A_165 = arith.index_cast %add3A_164 : i32 to index
      %get3A_166 = arith.constant 16 : index
      %get3A_167 = tpu.vector_load %arg10[%get3A_165, %get3A_166] {strides = array<i32>} : memref<32x768xf32, #tpu.memory_space<vmem>>, vector<16xf32>,
      %mul3A_168 = arith.mulf %gather3A_136, %get3A_167 : vector<16xf32>
      %add3A_169 = arith.addf %add3A_162, %mul3A_168 : vector<16xf32>
      %swap3A_170 = arith.index_cast %add3A_122 : i32 to index
      %swap3A_171 = arith.constant 16 : index
      %swap3A_172 = tpu.vector_load %arg14[%swap3A_170, %swap3A_171] {strides = array<i32>} : memref<16x768xf32, #tpu.memory_space<vmem>>, vector<16xf32>,
      tpu.vector_store %arg14[%swap3A_170, %swap3A_171], %add3A_169 {strides = array<i32>} : memref<16x768xf32, #tpu.memory_space<vmem>>, vector<16xf32>,
      %broadcast_in_dim3A_173 = arith.constant 0.000000e+00 : f32
      %broadcast_in_dim3A_174 = vector.broadcast %broadcast_in_dim3A_173 : f32 to vector<16xf32>
      %add3A_175 = arith.constant 0 : i32
      %add3A_176 = arith.addi %add3A_175, %add3A_122 : i32
      %get3A_177 = arith.index_cast %add3A_176 : i32 to index
      %get3A_178 = arith.constant 32 : index
      %get3A_179 = tpu.vector_load %arg10[%get3A_177, %get3A_178] {strides = array<i32>} : memref<32x768xf32, #tpu.memory_space<vmem>>, vector<16xf32>,
      %mul3A_180 = arith.mulf %gather3A, %get3A_179 : vector<16xf32>
      %add3A_181 = arith.addf %broadcast_in_dim3A_174, %mul3A_180 : vector<16xf32>
      %add3A_182 = arith.constant 16 : i32
      %add3A_183 = arith.addi %add3A_182, %add3A_122 : i32
      %get3A_184 = arith.index_cast %add3A_183 : i32 to index
      %get3A_185 = arith.constant 32 : index
      %get3A_186 = tpu.vector_load %arg10[%get3A_184, %get3A_185] {strides = array<i32>} : memref<32x768xf32, #tpu.memory_space<vmem>>, vector<16xf32>,
      %mul3A_187 = arith.mulf %gather3A_136, %get3A_186 : vector<16xf32>
      %add3A_188 = arith.addf %add3A_181, %mul3A_187 : vector<16xf32>
      %swap3A_189 = arith.index_cast %add3A_122 : i32 to index
      %swap3A_190 = arith.constant 32 : index
      %swap3A_191 = tpu.vector_load %arg14[%swap3A_189, %swap3A_190] {strides = array<i32>} : memref<16x768xf32, #tpu.memory_space<vmem>>, vector<16xf32>,
      tpu.vector_store %arg14[%swap3A_189, %swap3A_190], %add3A_188 {strides = array<i32>} : memref<16x768xf32, #tpu.memory_space<vmem>>, vector<16xf32>,
      %broadcast_in_dim3A_192 = arith.constant 0.000000e+00 : f32
      %broadcast_in_dim3A_193 = vector.broadcast %broadcast_in_dim3A_192 : f32 to vector<16xf32>
      %add3A_194 = arith.constant 0 : i32
      %add3A_195 = arith.addi %add3A_194, %add3A_122 : i32
      %get3A_196 = arith.index_cast %add3A_195 : i32 to index
      %get3A_197 = arith.constant 48 : index
      %get3A_198 = tpu.vector_load %arg10[%get3A_196, %get3A_197] {strides = array<i32>} : memref<32x768xf32, #tpu.memory_space<vmem>>, vector<16xf32>,
      %mul3A_199 = arith.mulf %gather3A, %get3A_198 : vector<16xf32>
      %add3A_200 = arith.addf %broadcast_in_dim3A_193, %mul3A_199 : vector<16xf32>
      %add3A_201 = arith.constant 16 : i32
      %add3A_202 = arith.addi %add3A_201, %add3A_122 : i32
      %get3A_203 = arith.index_cast %add3A_202 : i32 to index
      %get3A_204 = arith.constant 48 : index
      %get3A_205 = tpu.vector_load %arg10[%get3A_203, %get3A_204] {strides = array<i32>} : memref<32x768xf32, #tpu.memory_space<vmem>>, vector<16xf32>,
      %mul3A_206 = arith.mulf %gather3A_136, %get3A_205 : vector<16xf32>
      %add3A_207 = arith.addf %add3A_200, %mul3A_206 : vector<16xf32>
      %swap3A_208 = arith.index_cast %add3A_122 : i32 to index
      %swap3A_209 = arith.constant 48 : index
      %swap3A_210 = tpu.vector_load %arg14[%swap3A_208, %swap3A_209] {strides = array<i32>} : memref<16x768xf32, #tpu.memory_space<vmem>>, vector<16xf32>,
      tpu.vector_store %arg14[%swap3A_208, %swap3A_209], %add3A_207 {strides = array<i32>} : memref<16x768xf32, #tpu.memory_space<vmem>>, vector<16xf32>,
      %broadcast_in_dim3A_211 = arith.constant 0.000000e+00 : f32
      %broadcast_in_dim3A_212 = vector.broadcast %broadcast_in_dim3A_211 : f32 to vector<16xf32>
      %add3A_213 = arith.constant 0 : i32
      %add3A_214 = arith.addi %add3A_213, %add3A_122 : i32
      %get3A_215 = arith.index_cast %add3A_214 : i32 to index
      %get3A_216 = arith.constant 64 : index
      %get3A_217 = tpu.vector_load %arg10[%get3A_215, %get3A_216] {strides = array<i32>} : memref<32x768xf32, #tpu.memory_space<vmem>>, vector<16xf32>,
      %mul3A_218 = arith.mulf %gather3A, %get3A_217 : vector<16xf32>
      %add3A_219 = arith.addf %broadcast_in_dim3A_212, %mul3A_218 : vector<16xf32>
      %add3A_220 = arith.constant 16 : i32
      %add3A_221 = arith.addi %add3A_220, %add3A_122 : i32
      %get3A_222 = arith.index_cast %add3A_221 : i32 to index
      %get3A_223 = arith.constant 64 : index
      %get3A_224 = tpu.vector_load %arg10[%get3A_222, %get3A_223] {strides = array<i32>} : memref<32x768xf32, #tpu.memory_space<vmem>>, vector<16xf32>,
      %mul3A_225 = arith.mulf %gather3A_136, %get3A_224 : vector<16xf32>
      %add3A_226 = arith.addf %add3A_219, %mul3A_225 : vector<16xf32>
      %swap3A_227 = arith.index_cast %add3A_122 : i32 to index
      %swap3A_228 = arith.constant 64 : index
      %swap3A_229 = tpu.vector_load %arg14[%swap3A_227, %swap3A_228] {strides = array<i32>} : memref<16x768xf32, #tpu.memory_space<vmem>>, vector<16xf32>,
      tpu.vector_store %arg14[%swap3A_227, %swap3A_228], %add3A_226 {strides = array<i32>} : memref<16x768xf32, #tpu.memory_space<vmem>>, vector<16xf32>,
      %broadcast_in_dim3A_230 = arith.constant 0.000000e+00 : f32
      %broadcast_in_dim3A_231 = vector.broadcast %broadcast_in_dim3A_230 : f32 to vector<16xf32>
      %add3A_232 = arith.constant 0 : i32
      %add3A_233 = arith.addi %add3A_232, %add3A_122 : i32
      %get3A_234 = arith.index_cast %add3A_233 : i32 to index
      %get3A_235 = arith.constant 80 : index
      %get3A_236 = tpu.vector_load %arg10[%get3A_234, %get3A_235] {strides = array<i32>} : memref<32x768xf32, #tpu.memory_space<vmem>>, vector<16xf32>,
      %mul3A_237 = arith.mulf %gather3A, %get3A_236 : vector<16xf32>
      %add3A_238 = arith.addf %broadcast_in_dim3A_231, %mul3A_237 : vector<16xf32>
      %add3A_239 = arith.constant 16 : i32
      %add3A_240 = arith.addi %add3A_239, %add3A_122 : i32
      %get3A_241 = arith.index_cast %add3A_240 : i32 to index
      %get3A_242 = arith.constant 80 : index
      %get3A_243 = tpu.vector_load %arg10[%get3A_241, %get3A_242] {strides = array<i32>} : memref<32x768xf32, #tpu.memory_space<vmem>>, vector<16xf32>,
      %mul3A_244 = arith.mulf %gather3A_136, %get3A_243 : vector<16xf32>
      %add3A_245 = arith.addf %add3A_238, %mul3A_244 : vector<16xf32>
      %swap3A_246 = arith.index_cast %add3A_122 : i32 to index
      %swap3A_247 = arith.constant 80 : index
      %swap3A_248 = tpu.vector_load %arg14[%swap3A_246, %swap3A_247] {strides = array<i32>} : memref<16x768xf32, #tpu.memory_space<vmem>>, vector<16xf32>,
      tpu.vector_store %arg14[%swap3A_246, %swap3A_247], %add3A_245 {strides = array<i32>} : memref<16x768xf32, #tpu.memory_space<vmem>>, vector<16xf32>,
      %broadcast_in_dim3A_249 = arith.constant 0.000000e+00 : f32
      %broadcast_in_dim3A_250 = vector.broadcast %broadcast_in_dim3A_249 : f32 to vector<16xf32>
      %add3A_251 = arith.constant 0 : i32
      %add3A_252 = arith.addi %add3A_251, %add3A_122 : i32
      %get3A_253 = arith.index_cast %add3A_252 : i32 to index
      %get3A_254 = arith.constant 96 : index
      %get3A_255 = tpu.vector_load %arg10[%get3A_253, %get3A_254] {strides = array<i32>} : memref<32x768xf32, #tpu.memory_space<vmem>>, vector<16xf32>,
      %mul3A_256 = arith.mulf %gather3A, %get3A_255 : vector<16xf32>
      %add3A_257 = arith.addf %broadcast_in_dim3A_250, %mul3A_256 : vector<16xf32>
      %add3A_258 = arith.constant 16 : i32
      %add3A_259 = arith.addi %add3A_258, %add3A_122 : i32
      %get3A_260 = arith.index_cast %add3A_259 : i32 to index
      %get3A_261 = arith.constant 96 : index
      %get3A_262 = tpu.vector_load %arg10[%get3A_260, %get3A_261] {strides = array<i32>} : memref<32x768xf32, #tpu.memory_space<vmem>>, vector<16xf32>,
      %mul3A_263 = arith.mulf %gather3A_136, %get3A_262 : vector<16xf32>
      %add3A_264 = arith.addf %add3A_257, %mul3A_263 : vector<16xf32>
      %swap3A_265 = arith.index_cast %add3A_122 : i32 to index
      %swap3A_266 = arith.constant 96 : index
      %swap3A_267 = tpu.vector_load %arg14[%swap3A_265, %swap3A_266] {strides = array<i32>} : memref<16x768xf32, #tpu.memory_space<vmem>>, vector<16xf32>,
      tpu.vector_store %arg14[%swap3A_265, %swap3A_266], %add3A_264 {strides = array<i32>} : memref<16x768xf32, #tpu.memory_space<vmem>>, vector<16xf32>,
      %broadcast_in_dim3A_268 = arith.constant 0.000000e+00 : f32
      %broadcast_in_dim3A_269 = vector.broadcast %broadcast_in_dim3A_268 : f32 to vector<16xf32>
      %add3A_270 = arith.constant 0 : i32
      %add3A_271 = arith.addi %add3A_270, %add3A_122 : i32
      %get3A_272 = arith.index_cast %add3A_271 : i32 to index
      %get3A_273 = arith.constant 112 : index
      %get3A_274 = tpu.vector_load %arg10[%get3A_272, %get3A_273] {strides = array<i32>} : memref<32x768xf32, #tpu.memory_space<vmem>>, vector<16xf32>,
      %mul3A_275 = arith.mulf %gather3A, %get3A_274 : vector<16xf32>
      %add3A_276 = arith.addf %broadcast_in_dim3A_269, %mul3A_275 : vector<16xf32>
      %add3A_277 = arith.constant 16 : i32
      %add3A_278 = arith.addi %add3A_277, %add3A_122 : i32
      %get3A_279 = arith.index_cast %add3A_278 : i32 to index
      %get3A_280 = arith.constant 112 : index
      %get3A_281 = tpu.vector_load %arg10[%get3A_279, %get3A_280] {strides = array<i32>} : memref<32x768xf32, #tpu.memory_space<vmem>>, vector<16xf32>,
      %mul3A_282 = arith.mulf %gather3A_136, %get3A_281 : vector<16xf32>
      %add3A_283 = arith.addf %add3A_276, %mul3A_282 : vector<16xf32>
      %swap3A_284 = arith.index_cast %add3A_122 : i32 to index
      %swap3A_285 = arith.constant 112 : index
      %swap3A_286 = tpu.vector_load %arg14[%swap3A_284, %swap3A_285] {strides = array<i32>} : memref<16x768xf32, #tpu.memory_space<vmem>>, vector<16xf32>,
      tpu.vector_store %arg14[%swap3A_284, %swap3A_285], %add3A_283 {strides = array<i32>} : memref<16x768xf32, #tpu.memory_space<vmem>>, vector<16xf32>,
      %broadcast_in_dim3A_287 = arith.constant 0.000000e+00 : f32
      %broadcast_in_dim3A_288 = vector.broadcast %broadcast_in_dim3A_287 : f32 to vector<16xf32>
      %add3A_289 = arith.constant 0 : i32
      %add3A_290 = arith.addi %add3A_289, %add3A_122 : i32
      %get3A_291 = arith.index_cast %add3A_290 : i32 to index
      %get3A_292 = arith.constant 128 : index
      %get3A_293 = tpu.vector_load %arg10[%get3A_291, %get3A_292] {strides = array<i32>} : memref<32x768xf32, #tpu.memory_space<vmem>>, vector<16xf32>,
      %mul3A_294 = arith.mulf %gather3A, %get3A_293 : vector<16xf32>
      %add3A_295 = arith.addf %broadcast_in_dim3A_288, %mul3A_294 : vector<16xf32>
      %add3A_296 = arith.constant 16 : i32
      %add3A_297 = arith.addi %add3A_296, %add3A_122 : i32
      %get3A_298 = arith.index_cast %add3A_297 : i32 to index
      %get3A_299 = arith.constant 128 : index
      %get3A_300 = tpu.vector_load %arg10[%get3A_298, %get3A_299] {strides = array<i32>} : memref<32x768xf32, #tpu.memory_space<vmem>>, vector<16xf32>,
      %mul3A_301 = arith.mulf %gather3A_136, %get3A_300 : vector<16xf32>
      %add3A_302 = arith.addf %add3A_295, %mul3A_301 : vector<16xf32>
      %swap3A_303 = arith.index_cast %add3A_122 : i32 to index
      %swap3A_304 = arith.constant 128 : index
      %swap3A_305 = tpu.vector_load %arg14[%swap3A_303, %swap3A_304] {strides = array<i32>} : memref<16x768xf32, #tpu.memory_space<vmem>>, vector<16xf32>,
      tpu.vector_store %arg14[%swap3A_303, %swap3A_304], %add3A_302 {strides = array<i32>} : memref<16x768xf32, #tpu.memory_space<vmem>>, vector<16xf32>,
      %broadcast_in_dim3A_306 = arith.constant 0.000000e+00 : f32
      %broadcast_in_dim3A_307 = vector.broadcast %broadcast_in_dim3A_306 : f32 to vector<16xf32>
      %add3A_308 = arith.constant 0 : i32
      %add3A_309 = arith.addi %add3A_308, %add3A_122 : i32
      %get3A_310 = arith.index_cast %add3A_309 : i32 to index
      %get3A_311 = arith.constant 144 : index
      %get3A_312 = tpu.vector_load %arg10[%get3A_310, %get3A_311] {strides = array<i32>} : memref<32x768xf32, #tpu.memory_space<vmem>>, vector<16xf32>,
      %mul3A_313 = arith.mulf %gather3A, %get3A_312 : vector<16xf32>
      %add3A_314 = arith.addf %broadcast_in_dim3A_307, %mul3A_313 : vector<16xf32>
      %add3A_315 = arith.constant 16 : i32
      %add3A_316 = arith.addi %add3A_315, %add3A_122 : i32
      %get3A_317 = arith.index_cast %add3A_316 : i32 to index
      %get3A_318 = arith.constant 144 : index
      %get3A_319 = tpu.vector_load %arg10[%get3A_317, %get3A_318] {strides = array<i32>} : memref<32x768xf32, #tpu.memory_space<vmem>>, vector<16xf32>,
      %mul3A_320 = arith.mulf %gather3A_136, %get3A_319 : vector<16xf32>
      %add3A_321 = arith.addf %add3A_314, %mul3A_320 : vector<16xf32>
      %swap3A_322 = arith.index_cast %add3A_122 : i32 to index
      %swap3A_323 = arith.constant 144 : index
      %swap3A_324 = tpu.vector_load %arg14[%swap3A_322, %swap3A_323] {strides = array<i32>} : memref<16x768xf32, #tpu.memory_space<vmem>>, vector<16xf32>,
      tpu.vector_store %arg14[%swap3A_322, %swap3A_323], %add3A_321 {strides = array<i32>} : memref<16x768xf32, #tpu.memory_space<vmem>>, vector<16xf32>,
      %broadcast_in_dim3A_325 = arith.constant 0.000000e+00 : f32
      %broadcast_in_dim3A_326 = vector.broadcast %broadcast_in_dim3A_325 : f32 to vector<16xf32>
      %add3A_327 = arith.constant 0 : i32
      %add3A_328 = arith.addi %add3A_327, %add3A_122 : i32
      %get3A_329 = arith.index_cast %add3A_328 : i32 to index
      %get3A_330 = arith.constant 160 : index
      %get3A_331 = tpu.vector_load %arg10[%get3A_329, %get3A_330] {strides = array<i32>} : memref<32x768xf32, #tpu.memory_space<vmem>>, vector<16xf32>,
      %mul3A_332 = arith.mulf %gather3A, %get3A_331 : vector<16xf32>
      %add3A_333 = arith.addf %broadcast_in_dim3A_326, %mul3A_332 : vector<16xf32>
      %add3A_334 = arith.constant 16 : i32
      %add3A_335 = arith.addi %add3A_334, %add3A_122 : i32
      %get3A_336 = arith.index_cast %add3A_335 : i32 to index
      %get3A_337 = arith.constant 160 : index
      %get3A_338 = tpu.vector_load %arg10[%get3A_336, %get3A_337] {strides = array<i32>} : memref<32x768xf32, #tpu.memory_space<vmem>>, vector<16xf32>,
      %mul3A_339 = arith.mulf %gather3A_136, %get3A_338 : vector<16xf32>
      %add3A_340 = arith.addf %add3A_333, %mul3A_339 : vector<16xf32>
      %swap3A_341 = arith.index_cast %add3A_122 : i32 to index
      %swap3A_342 = arith.constant 160 : index
      %swap3A_343 = tpu.vector_load %arg14[%swap3A_341, %swap3A_342] {strides = array<i32>} : memref<16x768xf32, #tpu.memory_space<vmem>>, vector<16xf32>,
      tpu.vector_store %arg14[%swap3A_341, %swap3A_342], %add3A_340 {strides = array<i32>} : memref<16x768xf32, #tpu.memory_space<vmem>>, vector<16xf32>,
      %broadcast_in_dim3A_344 = arith.constant 0.000000e+00 : f32
      %broadcast_in_dim3A_345 = vector.broadcast %broadcast_in_dim3A_344 : f32 to vector<16xf32>
      %add3A_346 = arith.constant 0 : i32
      %add3A_347 = arith.addi %add3A_346, %add3A_122 : i32
      %get3A_348 = arith.index_cast %add3A_347 : i32 to index
      %get3A_349 = arith.constant 176 : index
      %get3A_350 = tpu.vector_load %arg10[%get3A_348, %get3A_349] {strides = array<i32>} : memref<32x768xf32, #tpu.memory_space<vmem>>, vector<16xf32>,
      %mul3A_351 = arith.mulf %gather3A, %get3A_350 : vector<16xf32>
      %add3A_352 = arith.addf %broadcast_in_dim3A_345, %mul3A_351 : vector<16xf32>
      %add3A_353 = arith.constant 16 : i32
      %add3A_354 = arith.addi %add3A_353, %add3A_122 : i32
      %get3A_355 = arith.index_cast %add3A_354 : i32 to index
      %get3A_356 = arith.constant 176 : index
      %get3A_357 = tpu.vector_load %arg10[%get3A_355, %get3A_356] {strides = array<i32>} : memref<32x768xf32, #tpu.memory_space<vmem>>, vector<16xf32>,
      %mul3A_358 = arith.mulf %gather3A_136, %get3A_357 : vector<16xf32>
      %add3A_359 = arith.addf %add3A_352, %mul3A_358 : vector<16xf32>
      %swap3A_360 = arith.index_cast %add3A_122 : i32 to index
      %swap3A_361 = arith.constant 176 : index
      %swap3A_362 = tpu.vector_load %arg14[%swap3A_360, %swap3A_361] {strides = array<i32>} : memref<16x768xf32, #tpu.memory_space<vmem>>, vector<16xf32>,
      tpu.vector_store %arg14[%swap3A_360, %swap3A_361], %add3A_359 {strides = array<i32>} : memref<16x768xf32, #tpu.memory_space<vmem>>, vector<16xf32>,
      %broadcast_in_dim3A_363 = arith.constant 0.000000e+00 : f32
      %broadcast_in_dim3A_364 = vector.broadcast %broadcast_in_dim3A_363 : f32 to vector<16xf32>
      %add3A_365 = arith.constant 0 : i32
      %add3A_366 = arith.addi %add3A_365, %add3A_122 : i32
      %get3A_367 = arith.index_cast %add3A_366 : i32 to index
      %get3A_368 = arith.constant 192 : index
      %get3A_369 = tpu.vector_load %arg10[%get3A_367, %get3A_368] {strides = array<i32>} : memref<32x768xf32, #tpu.memory_space<vmem>>, vector<16xf32>,
      %mul3A_370 = arith.mulf %gather3A, %get3A_369 : vector<16xf32>
      %add3A_371 = arith.addf %broadcast_in_dim3A_364, %mul3A_370 : vector<16xf32>
      %add3A_372 = arith.constant 16 : i32
      %add3A_373 = arith.addi %add3A_372, %add3A_122 : i32
      %get3A_374 = arith.index_cast %add3A_373 : i32 to index
      %get3A_375 = arith.constant 192 : index
      %get3A_376 = tpu.vector_load %arg10[%get3A_374, %get3A_375] {strides = array<i32>} : memref<32x768xf32, #tpu.memory_space<vmem>>, vector<16xf32>,
      %mul3A_377 = arith.mulf %gather3A_136, %get3A_376 : vector<16xf32>
      %add3A_378 = arith.addf %add3A_371, %mul3A_377 : vector<16xf32>
      %swap3A_379 = arith.index_cast %add3A_122 : i32 to index
      %swap3A_380 = arith.constant 192 : index
      %swap3A_381 = tpu.vector_load %arg14[%swap3A_379, %swap3A_380] {strides = array<i32>} : memref<16x768xf32, #tpu.memory_space<vmem>>, vector<16xf32>,
      tpu.vector_store %arg14[%swap3A_379, %swap3A_380], %add3A_378 {strides = array<i32>} : memref<16x768xf32, #tpu.memory_space<vmem>>, vector<16xf32>,
      %broadcast_in_dim3A_382 = arith.constant 0.000000e+00 : f32
      %broadcast_in_dim3A_383 = vector.broadcast %broadcast_in_dim3A_382 : f32 to vector<16xf32>
      %add3A_384 = arith.constant 0 : i32
      %add3A_385 = arith.addi %add3A_384, %add3A_122 : i32
      %get3A_386 = arith.index_cast %add3A_385 : i32 to index
      %get3A_387 = arith.constant 208 : index
      %get3A_388 = tpu.vector_load %arg10[%get3A_386, %get3A_387] {strides = array<i32>} : memref<32x768xf32, #tpu.memory_space<vmem>>, vector<16xf32>,
      %mul3A_389 = arith.mulf %gather3A, %get3A_388 : vector<16xf32>
      %add3A_390 = arith.addf %broadcast_in_dim3A_383, %mul3A_389 : vector<16xf32>
      %add3A_391 = arith.constant 16 : i32
      %add3A_392 = arith.addi %add3A_391, %add3A_122 : i32
      %get3A_393 = arith.index_cast %add3A_392 : i32 to index
      %get3A_394 = arith.constant 208 : index
      %get3A_395 = tpu.vector_load %arg10[%get3A_393, %get3A_394] {strides = array<i32>} : memref<32x768xf32, #tpu.memory_space<vmem>>, vector<16xf32>,
      %mul3A_396 = arith.mulf %gather3A_136, %get3A_395 : vector<16xf32>
      %add3A_397 = arith.addf %add3A_390, %mul3A_396 : vector<16xf32>
      %swap3A_398 = arith.index_cast %add3A_122 : i32 to index
      %swap3A_399 = arith.constant 208 : index
      %swap3A_400 = tpu.vector_load %arg14[%swap3A_398, %swap3A_399] {strides = array<i32>} : memref<16x768xf32, #tpu.memory_space<vmem>>, vector<16xf32>,
      tpu.vector_store %arg14[%swap3A_398, %swap3A_399], %add3A_397 {strides = array<i32>} : memref<16x768xf32, #tpu.memory_space<vmem>>, vector<16xf32>,
      %broadcast_in_dim3A_401 = arith.constant 0.000000e+00 : f32
      %broadcast_in_dim3A_402 = vector.broadcast %broadcast_in_dim3A_401 : f32 to vector<16xf32>
      %add3A_403 = arith.constant 0 : i32
      %add3A_404 = arith.addi %add3A_403, %add3A_122 : i32
      %get3A_405 = arith.index_cast %add3A_404 : i32 to index
      %get3A_406 = arith.constant 224 : index
      %get3A_407 = tpu.vector_load %arg10[%get3A_405, %get3A_406] {strides = array<i32>} : memref<32x768xf32, #tpu.memory_space<vmem>>, vector<16xf32>,
      %mul3A_408 = arith.mulf %gather3A, %get3A_407 : vector<16xf32>
      %add3A_409 = arith.addf %broadcast_in_dim3A_402, %mul3A_408 : vector<16xf32>
      %add3A_410 = arith.constant 16 : i32
      %add3A_411 = arith.addi %add3A_410, %add3A_122 : i32
      %get3A_412 = arith.index_cast %add3A_411 : i32 to index
      %get3A_413 = arith.constant 224 : index
      %get3A_414 = tpu.vector_load %arg10[%get3A_412, %get3A_413] {strides = array<i32>} : memref<32x768xf32, #tpu.memory_space<vmem>>, vector<16xf32>,
      %mul3A_415 = arith.mulf %gather3A_136, %get3A_414 : vector<16xf32>
      %add3A_416 = arith.addf %add3A_409, %mul3A_415 : vector<16xf32>
      %swap3A_417 = arith.index_cast %add3A_122 : i32 to index
      %swap3A_418 = arith.constant 224 : index
      %swap3A_419 = tpu.vector_load %arg14[%swap3A_417, %swap3A_418] {strides = array<i32>} : memref<16x768xf32, #tpu.memory_space<vmem>>, vector<16xf32>,
      tpu.vector_store %arg14[%swap3A_417, %swap3A_418], %add3A_416 {strides = array<i32>} : memref<16x768xf32, #tpu.memory_space<vmem>>, vector<16xf32>,
      %broadcast_in_dim3A_420 = arith.constant 0.000000e+00 : f32
      %broadcast_in_dim3A_421 = vector.broadcast %broadcast_in_dim3A_420 : f32 to vector<16xf32>
      %add3A_422 = arith.constant 0 : i32
      %add3A_423 = arith.addi %add3A_422, %add3A_122 : i32
      %get3A_424 = arith.index_cast %add3A_423 : i32 to index
      %get3A_425 = arith.constant 240 : index
      %get3A_426 = tpu.vector_load %arg10[%get3A_424, %get3A_425] {strides = array<i32>} : memref<32x768xf32, #tpu.memory_space<vmem>>, vector<16xf32>,
      %mul3A_427 = arith.mulf %gather3A, %get3A_426 : vector<16xf32>
      %add3A_428 = arith.addf %broadcast_in_dim3A_421, %mul3A_427 : vector<16xf32>
      %add3A_429 = arith.constant 16 : i32
      %add3A_430 = arith.addi %add3A_429, %add3A_122 : i32
      %get3A_431 = arith.index_cast %add3A_430 : i32 to index
      %get3A_432 = arith.constant 240 : index
      %get3A_433 = tpu.vector_load %arg10[%get3A_431, %get3A_432] {strides = array<i32>} : memref<32x768xf32, #tpu.memory_space<vmem>>, vector<16xf32>,
      %mul3A_434 = arith.mulf %gather3A_136, %get3A_433 : vector<16xf32>
      %add3A_435 = arith.addf %add3A_428, %mul3A_434 : vector<16xf32>
      %swap3A_436 = arith.index_cast %add3A_122 : i32 to index
      %swap3A_437 = arith.constant 240 : index
      %swap3A_438 = tpu.vector_load %arg14[%swap3A_436, %swap3A_437] {strides = array<i32>} : memref<16x768xf32, #tpu.memory_space<vmem>>, vector<16xf32>,
      tpu.vector_store %arg14[%swap3A_436, %swap3A_437], %add3A_435 {strides = array<i32>} : memref<16x768xf32, #tpu.memory_space<vmem>>, vector<16xf32>,
      %broadcast_in_dim3A_439 = arith.constant 0.000000e+00 : f32
      %broadcast_in_dim3A_440 = vector.broadcast %broadcast_in_dim3A_439 : f32 to vector<16xf32>
      %add3A_441 = arith.constant 0 : i32
      %add3A_442 = arith.addi %add3A_441, %add3A_122 : i32
      %get3A_443 = arith.index_cast %add3A_442 : i32 to index
      %get3A_444 = arith.constant 256 : index
      %get3A_445 = tpu.vector_load %arg10[%get3A_443, %get3A_444] {strides = array<i32>} : memref<32x768xf32, #tpu.memory_space<vmem>>, vector<16xf32>,
      %mul3A_446 = arith.mulf %gather3A, %get3A_445 : vector<16xf32>
      %add3A_447 = arith.addf %broadcast_in_dim3A_440, %mul3A_446 : vector<16xf32>
      %add3A_448 = arith.constant 16 : i32
      %add3A_449 = arith.addi %add3A_448, %add3A_122 : i32
      %get3A_450 = arith.index_cast %add3A_449 : i32 to index
      %get3A_451 = arith.constant 256 : index
      %get3A_452 = tpu.vector_load %arg10[%get3A_450, %get3A_451] {strides = array<i32>} : memref<32x768xf32, #tpu.memory_space<vmem>>, vector<16xf32>,
      %mul3A_453 = arith.mulf %gather3A_136, %get3A_452 : vector<16xf32>
      %add3A_454 = arith.addf %add3A_447, %mul3A_453 : vector<16xf32>
      %swap3A_455 = arith.index_cast %add3A_122 : i32 to index
      %swap3A_456 = arith.constant 256 : index
      %swap3A_457 = tpu.vector_load %arg14[%swap3A_455, %swap3A_456] {strides = array<i32>} : memref<16x768xf32, #tpu.memory_space<vmem>>, vector<16xf32>,
      tpu.vector_store %arg14[%swap3A_455, %swap3A_456], %add3A_454 {strides = array<i32>} : memref<16x768xf32, #tpu.memory_space<vmem>>, vector<16xf32>,
      %broadcast_in_dim3A_458 = arith.constant 0.000000e+00 : f32
      %broadcast_in_dim3A_459 = vector.broadcast %broadcast_in_dim3A_458 : f32 to vector<16xf32>
      %add3A_460 = arith.constant 0 : i32
      %add3A_461 = arith.addi %add3A_460, %add3A_122 : i32
      %get3A_462 = arith.index_cast %add3A_461 : i32 to index
      %get3A_463 = arith.constant 272 : index
      %get3A_464 = tpu.vector_load %arg10[%get3A_462, %get3A_463] {strides = array<i32>} : memref<32x768xf32, #tpu.memory_space<vmem>>, vector<16xf32>,
      %mul3A_465 = arith.mulf %gather3A, %get3A_464 : vector<16xf32>
      %add3A_466 = arith.addf %broadcast_in_dim3A_459, %mul3A_465 : vector<16xf32>
      %add3A_467 = arith.constant 16 : i32
      %add3A_468 = arith.addi %add3A_467, %add3A_122 : i32
      %get3A_469 = arith.index_cast %add3A_468 : i32 to index
      %get3A_470 = arith.constant 272 : index
      %get3A_471 = tpu.vector_load %arg10[%get3A_469, %get3A_470] {strides = array<i32>} : memref<32x768xf32, #tpu.memory_space<vmem>>, vector<16xf32>,
      %mul3A_472 = arith.mulf %gather3A_136, %get3A_471 : vector<16xf32>
      %add3A_473 = arith.addf %add3A_466, %mul3A_472 : vector<16xf32>
      %swap3A_474 = arith.index_cast %add3A_122 : i32 to index
      %swap3A_475 = arith.constant 272 : index
      %swap3A_476 = tpu.vector_load %arg14[%swap3A_474, %swap3A_475] {strides = array<i32>} : memref<16x768xf32, #tpu.memory_space<vmem>>, vector<16xf32>,
      tpu.vector_store %arg14[%swap3A_474, %swap3A_475], %add3A_473 {strides = array<i32>} : memref<16x768xf32, #tpu.memory_space<vmem>>, vector<16xf32>,
      %broadcast_in_dim3A_477 = arith.constant 0.000000e+00 : f32
      %broadcast_in_dim3A_478 = vector.broadcast %broadcast_in_dim3A_477 : f32 to vector<16xf32>
      %add3A_479 = arith.constant 0 : i32
      %add3A_480 = arith.addi %add3A_479, %add3A_122 : i32
      %get3A_481 = arith.index_cast %add3A_480 : i32 to index
      %get3A_482 = arith.constant 288 : index
      %get3A_483 = tpu.vector_load %arg10[%get3A_481, %get3A_482] {strides = array<i32>} : memref<32x768xf32, #tpu.memory_space<vmem>>, vector<16xf32>,
      %mul3A_484 = arith.mulf %gather3A, %get3A_483 : vector<16xf32>
      %add3A_485 = arith.addf %broadcast_in_dim3A_478, %mul3A_484 : vector<16xf32>
      %add3A_486 = arith.constant 16 : i32
      %add3A_487 = arith.addi %add3A_486, %add3A_122 : i32
      %get3A_488 = arith.index_cast %add3A_487 : i32 to index
      %get3A_489 = arith.constant 288 : index
      %get3A_490 = tpu.vector_load %arg10[%get3A_488, %get3A_489] {strides = array<i32>} : memref<32x768xf32, #tpu.memory_space<vmem>>, vector<16xf32>,
      %mul3A_491 = arith.mulf %gather3A_136, %get3A_490 : vector<16xf32>
      %add3A_492 = arith.addf %add3A_485, %mul3A_491 : vector<16xf32>
      %swap3A_493 = arith.index_cast %add3A_122 : i32 to index
      %swap3A_494 = arith.constant 288 : index
      %swap3A_495 = tpu.vector_load %arg14[%swap3A_493, %swap3A_494] {strides = array<i32>} : memref<16x768xf32, #tpu.memory_space<vmem>>, vector<16xf32>,
      tpu.vector_store %arg14[%swap3A_493, %swap3A_494], %add3A_492 {strides = array<i32>} : memref<16x768xf32, #tpu.memory_space<vmem>>, vector<16xf32>,
      %broadcast_in_dim3A_496 = arith.constant 0.000000e+00 : f32
      %broadcast_in_dim3A_497 = vector.broadcast %broadcast_in_dim3A_496 : f32 to vector<16xf32>
      %add3A_498 = arith.constant 0 : i32
      %add3A_499 = arith.addi %add3A_498, %add3A_122 : i32
      %get3A_500 = arith.index_cast %add3A_499 : i32 to index
      %get3A_501 = arith.constant 304 : index
      %get3A_502 = tpu.vector_load %arg10[%get3A_500, %get3A_501] {strides = array<i32>} : memref<32x768xf32, #tpu.memory_space<vmem>>, vector<16xf32>,
      %mul3A_503 = arith.mulf %gather3A, %get3A_502 : vector<16xf32>
      %add3A_504 = arith.addf %broadcast_in_dim3A_497, %mul3A_503 : vector<16xf32>
      %add3A_505 = arith.constant 16 : i32
      %add3A_506 = arith.addi %add3A_505, %add3A_122 : i32
      %get3A_507 = arith.index_cast %add3A_506 : i32 to index
      %get3A_508 = arith.constant 304 : index
      %get3A_509 = tpu.vector_load %arg10[%get3A_507, %get3A_508] {strides = array<i32>} : memref<32x768xf32, #tpu.memory_space<vmem>>, vector<16xf32>,
      %mul3A_510 = arith.mulf %gather3A_136, %get3A_509 : vector<16xf32>
      %add3A_511 = arith.addf %add3A_504, %mul3A_510 : vector<16xf32>
      %swap3A_512 = arith.index_cast %add3A_122 : i32 to index
      %swap3A_513 = arith.constant 304 : index
      %swap3A_514 = tpu.vector_load %arg14[%swap3A_512, %swap3A_513] {strides = array<i32>} : memref<16x768xf32, #tpu.memory_space<vmem>>, vector<16xf32>,
      tpu.vector_store %arg14[%swap3A_512, %swap3A_513], %add3A_511 {strides = array<i32>} : memref<16x768xf32, #tpu.memory_space<vmem>>, vector<16xf32>,
      %broadcast_in_dim3A_515 = arith.constant 0.000000e+00 : f32
      %broadcast_in_dim3A_516 = vector.broadcast %broadcast_in_dim3A_515 : f32 to vector<16xf32>
      %add3A_517 = arith.constant 0 : i32
      %add3A_518 = arith.addi %add3A_517, %add3A_122 : i32
      %get3A_519 = arith.index_cast %add3A_518 : i32 to index
      %get3A_520 = arith.constant 320 : index
      %get3A_521 = tpu.vector_load %arg10[%get3A_519, %get3A_520] {strides = array<i32>} : memref<32x768xf32, #tpu.memory_space<vmem>>, vector<16xf32>,
      %mul3A_522 = arith.mulf %gather3A, %get3A_521 : vector<16xf32>
      %add3A_523 = arith.addf %broadcast_in_dim3A_516, %mul3A_522 : vector<16xf32>
      %add3A_524 = arith.constant 16 : i32
      %add3A_525 = arith.addi %add3A_524, %add3A_122 : i32
      %get3A_526 = arith.index_cast %add3A_525 : i32 to index
      %get3A_527 = arith.constant 320 : index
      %get3A_528 = tpu.vector_load %arg10[%get3A_526, %get3A_527] {strides = array<i32>} : memref<32x768xf32, #tpu.memory_space<vmem>>, vector<16xf32>,
      %mul3A_529 = arith.mulf %gather3A_136, %get3A_528 : vector<16xf32>
      %add3A_530 = arith.addf %add3A_523, %mul3A_529 : vector<16xf32>
      %swap3A_531 = arith.index_cast %add3A_122 : i32 to index
      %swap3A_532 = arith.constant 320 : index
      %swap3A_533 = tpu.vector_load %arg14[%swap3A_531, %swap3A_532] {strides = array<i32>} : memref<16x768xf32, #tpu.memory_space<vmem>>, vector<16xf32>,
      tpu.vector_store %arg14[%swap3A_531, %swap3A_532], %add3A_530 {strides = array<i32>} : memref<16x768xf32, #tpu.memory_space<vmem>>, vector<16xf32>,
      %broadcast_in_dim3A_534 = arith.constant 0.000000e+00 : f32
      %broadcast_in_dim3A_535 = vector.broadcast %broadcast_in_dim3A_534 : f32 to vector<16xf32>
      %add3A_536 = arith.constant 0 : i32
      %add3A_537 = arith.addi %add3A_536, %add3A_122 : i32
      %get3A_538 = arith.index_cast %add3A_537 : i32 to index
      %get3A_539 = arith.constant 336 : index
      %get3A_540 = tpu.vector_load %arg10[%get3A_538, %get3A_539] {strides = array<i32>} : memref<32x768xf32, #tpu.memory_space<vmem>>, vector<16xf32>,
      %mul3A_541 = arith.mulf %gather3A, %get3A_540 : vector<16xf32>
      %add3A_542 = arith.addf %broadcast_in_dim3A_535, %mul3A_541 : vector<16xf32>
      %add3A_543 = arith.constant 16 : i32
      %add3A_544 = arith.addi %add3A_543, %add3A_122 : i32
      %get3A_545 = arith.index_cast %add3A_544 : i32 to index
      %get3A_546 = arith.constant 336 : index
      %get3A_547 = tpu.vector_load %arg10[%get3A_545, %get3A_546] {strides = array<i32>} : memref<32x768xf32, #tpu.memory_space<vmem>>, vector<16xf32>,
      %mul3A_548 = arith.mulf %gather3A_136, %get3A_547 : vector<16xf32>
      %add3A_549 = arith.addf %add3A_542, %mul3A_548 : vector<16xf32>
      %swap3A_550 = arith.index_cast %add3A_122 : i32 to index
      %swap3A_551 = arith.constant 336 : index
      %swap3A_552 = tpu.vector_load %arg14[%swap3A_550, %swap3A_551] {strides = array<i32>} : memref<16x768xf32, #tpu.memory_space<vmem>>, vector<16xf32>,
      tpu.vector_store %arg14[%swap3A_550, %swap3A_551], %add3A_549 {strides = array<i32>} : memref<16x768xf32, #tpu.memory_space<vmem>>, vector<16xf32>,
      %broadcast_in_dim3A_553 = arith.constant 0.000000e+00 : f32
      %broadcast_in_dim3A_554 = vector.broadcast %broadcast_in_dim3A_553 : f32 to vector<16xf32>
      %add3A_555 = arith.constant 0 : i32
      %add3A_556 = arith.addi %add3A_555, %add3A_122 : i32
      %get3A_557 = arith.index_cast %add3A_556 : i32 to index
      %get3A_558 = arith.constant 352 : index
      %get3A_559 = tpu.vector_load %arg10[%get3A_557, %get3A_558] {strides = array<i32>} : memref<32x768xf32, #tpu.memory_space<vmem>>, vector<16xf32>,
      %mul3A_560 = arith.mulf %gather3A, %get3A_559 : vector<16xf32>
      %add3A_561 = arith.addf %broadcast_in_dim3A_554, %mul3A_560 : vector<16xf32>
      %add3A_562 = arith.constant 16 : i32
      %add3A_563 = arith.addi %add3A_562, %add3A_122 : i32
      %get3A_564 = arith.index_cast %add3A_563 : i32 to index
      %get3A_565 = arith.constant 352 : index
      %get3A_566 = tpu.vector_load %arg10[%get3A_564, %get3A_565] {strides = array<i32>} : memref<32x768xf32, #tpu.memory_space<vmem>>, vector<16xf32>,
      %mul3A_567 = arith.mulf %gather3A_136, %get3A_566 : vector<16xf32>
      %add3A_568 = arith.addf %add3A_561, %mul3A_567 : vector<16xf32>
      %swap3A_569 = arith.index_cast %add3A_122 : i32 to index
      %swap3A_570 = arith.constant 352 : index
      %swap3A_571 = tpu.vector_load %arg14[%swap3A_569, %swap3A_570] {strides = array<i32>} : memref<16x768xf32, #tpu.memory_space<vmem>>, vector<16xf32>,
      tpu.vector_store %arg14[%swap3A_569, %swap3A_570], %add3A_568 {strides = array<i32>} : memref<16x768xf32, #tpu.memory_space<vmem>>, vector<16xf32>,
      %broadcast_in_dim3A_572 = arith.constant 0.000000e+00 : f32
      %broadcast_in_dim3A_573 = vector.broadcast %broadcast_in_dim3A_572 : f32 to vector<16xf32>
      %add3A_574 = arith.constant 0 : i32
      %add3A_575 = arith.addi %add3A_574, %add3A_122 : i32
      %get3A_576 = arith.index_cast %add3A_575 : i32 to index
      %get3A_577 = arith.constant 368 : index
      %get3A_578 = tpu.vector_load %arg10[%get3A_576, %get3A_577] {strides = array<i32>} : memref<32x768xf32, #tpu.memory_space<vmem>>, vector<16xf32>,
      %mul3A_579 = arith.mulf %gather3A, %get3A_578 : vector<16xf32>
      %add3A_580 = arith.addf %broadcast_in_dim3A_573, %mul3A_579 : vector<16xf32>
      %add3A_581 = arith.constant 16 : i32
      %add3A_582 = arith.addi %add3A_581, %add3A_122 : i32
      %get3A_583 = arith.index_cast %add3A_582 : i32 to index
      %get3A_584 = arith.constant 368 : index
      %get3A_585 = tpu.vector_load %arg10[%get3A_583, %get3A_584] {strides = array<i32>} : memref<32x768xf32, #tpu.memory_space<vmem>>, vector<16xf32>,
      %mul3A_586 = arith.mulf %gather3A_136, %get3A_585 : vector<16xf32>
      %add3A_587 = arith.addf %add3A_580, %mul3A_586 : vector<16xf32>
      %swap3A_588 = arith.index_cast %add3A_122 : i32 to index
      %swap3A_589 = arith.constant 368 : index
      %swap3A_590 = tpu.vector_load %arg14[%swap3A_588, %swap3A_589] {strides = array<i32>} : memref<16x768xf32, #tpu.memory_space<vmem>>, vector<16xf32>,
      tpu.vector_store %arg14[%swap3A_588, %swap3A_589], %add3A_587 {strides = array<i32>} : memref<16x768xf32, #tpu.memory_space<vmem>>, vector<16xf32>,
      %broadcast_in_dim3A_591 = arith.constant 0.000000e+00 : f32
      %broadcast_in_dim3A_592 = vector.broadcast %broadcast_in_dim3A_591 : f32 to vector<16xf32>
      %add3A_593 = arith.constant 0 : i32
      %add3A_594 = arith.addi %add3A_593, %add3A_122 : i32
      %get3A_595 = arith.index_cast %add3A_594 : i32 to index
      %get3A_596 = arith.constant 384 : index
      %get3A_597 = tpu.vector_load %arg10[%get3A_595, %get3A_596] {strides = array<i32>} : memref<32x768xf32, #tpu.memory_space<vmem>>, vector<16xf32>,
      %mul3A_598 = arith.mulf %gather3A, %get3A_597 : vector<16xf32>
      %add3A_599 = arith.addf %broadcast_in_dim3A_592, %mul3A_598 : vector<16xf32>
      %add3A_600 = arith.constant 16 : i32
      %add3A_601 = arith.addi %add3A_600, %add3A_122 : i32
      %get3A_602 = arith.index_cast %add3A_601 : i32 to index
      %get3A_603 = arith.constant 384 : index
      %get3A_604 = tpu.vector_load %arg10[%get3A_602, %get3A_603] {strides = array<i32>} : memref<32x768xf32, #tpu.memory_space<vmem>>, vector<16xf32>,
      %mul3A_605 = arith.mulf %gather3A_136, %get3A_604 : vector<16xf32>
      %add3A_606 = arith.addf %add3A_599, %mul3A_605 : vector<16xf32>
      %swap3A_607 = arith.index_cast %add3A_122 : i32 to index
      %swap3A_608 = arith.constant 384 : index
      %swap3A_609 = tpu.vector_load %arg14[%swap3A_607, %swap3A_608] {strides = array<i32>} : memref<16x768xf32, #tpu.memory_space<vmem>>, vector<16xf32>,
      tpu.vector_store %arg14[%swap3A_607, %swap3A_608], %add3A_606 {strides = array<i32>} : memref<16x768xf32, #tpu.memory_space<vmem>>, vector<16xf32>,
      %broadcast_in_dim3A_610 = arith.constant 0.000000e+00 : f32
      %broadcast_in_dim3A_611 = vector.broadcast %broadcast_in_dim3A_610 : f32 to vector<16xf32>
      %add3A_612 = arith.constant 0 : i32
      %add3A_613 = arith.addi %add3A_612, %add3A_122 : i32
      %get3A_614 = arith.index_cast %add3A_613 : i32 to index
      %get3A_615 = arith.constant 400 : index
      %get3A_616 = tpu.vector_load %arg10[%get3A_614, %get3A_615] {strides = array<i32>} : memref<32x768xf32, #tpu.memory_space<vmem>>, vector<16xf32>,
      %mul3A_617 = arith.mulf %gather3A, %get3A_616 : vector<16xf32>
      %add3A_618 = arith.addf %broadcast_in_dim3A_611, %mul3A_617 : vector<16xf32>
      %add3A_619 = arith.constant 16 : i32
      %add3A_620 = arith.addi %add3A_619, %add3A_122 : i32
      %get3A_621 = arith.index_cast %add3A_620 : i32 to index
      %get3A_622 = arith.constant 400 : index
      %get3A_623 = tpu.vector_load %arg10[%get3A_621, %get3A_622] {strides = array<i32>} : memref<32x768xf32, #tpu.memory_space<vmem>>, vector<16xf32>,
      %mul3A_624 = arith.mulf %gather3A_136, %get3A_623 : vector<16xf32>
      %add3A_625 = arith.addf %add3A_618, %mul3A_624 : vector<16xf32>
      %swap3A_626 = arith.index_cast %add3A_122 : i32 to index
      %swap3A_627 = arith.constant 400 : index
      %swap3A_628 = tpu.vector_load %arg14[%swap3A_626, %swap3A_627] {strides = array<i32>} : memref<16x768xf32, #tpu.memory_space<vmem>>, vector<16xf32>,
      tpu.vector_store %arg14[%swap3A_626, %swap3A_627], %add3A_625 {strides = array<i32>} : memref<16x768xf32, #tpu.memory_space<vmem>>, vector<16xf32>,
      %broadcast_in_dim3A_629 = arith.constant 0.000000e+00 : f32
      %broadcast_in_dim3A_630 = vector.broadcast %broadcast_in_dim3A_629 : f32 to vector<16xf32>
      %add3A_631 = arith.constant 0 : i32
      %add3A_632 = arith.addi %add3A_631, %add3A_122 : i32
      %get3A_633 = arith.index_cast %add3A_632 : i32 to index
      %get3A_634 = arith.constant 416 : index
      %get3A_635 = tpu.vector_load %arg10[%get3A_633, %get3A_634] {strides = array<i32>} : memref<32x768xf32, #tpu.memory_space<vmem>>, vector<16xf32>,
      %mul3A_636 = arith.mulf %gather3A, %get3A_635 : vector<16xf32>
      %add3A_637 = arith.addf %broadcast_in_dim3A_630, %mul3A_636 : vector<16xf32>
      %add3A_638 = arith.constant 16 : i32
      %add3A_639 = arith.addi %add3A_638, %add3A_122 : i32
      %get3A_640 = arith.index_cast %add3A_639 : i32 to index
      %get3A_641 = arith.constant 416 : index
      %get3A_642 = tpu.vector_load %arg10[%get3A_640, %get3A_641] {strides = array<i32>} : memref<32x768xf32, #tpu.memory_space<vmem>>, vector<16xf32>,
      %mul3A_643 = arith.mulf %gather3A_136, %get3A_642 : vector<16xf32>
      %add3A_644 = arith.addf %add3A_637, %mul3A_643 : vector<16xf32>
      %swap3A_645 = arith.index_cast %add3A_122 : i32 to index
      %swap3A_646 = arith.constant 416 : index
      %swap3A_647 = tpu.vector_load %arg14[%swap3A_645, %swap3A_646] {strides = array<i32>} : memref<16x768xf32, #tpu.memory_space<vmem>>, vector<16xf32>,
      tpu.vector_store %arg14[%swap3A_645, %swap3A_646], %add3A_644 {strides = array<i32>} : memref<16x768xf32, #tpu.memory_space<vmem>>, vector<16xf32>,
      %broadcast_in_dim3A_648 = arith.constant 0.000000e+00 : f32
      %broadcast_in_dim3A_649 = vector.broadcast %broadcast_in_dim3A_648 : f32 to vector<16xf32>
      %add3A_650 = arith.constant 0 : i32
      %add3A_651 = arith.addi %add3A_650, %add3A_122 : i32
      %get3A_652 = arith.index_cast %add3A_651 : i32 to index
      %get3A_653 = arith.constant 432 : index
      %get3A_654 = tpu.vector_load %arg10[%get3A_652, %get3A_653] {strides = array<i32>} : memref<32x768xf32, #tpu.memory_space<vmem>>, vector<16xf32>,
      %mul3A_655 = arith.mulf %gather3A, %get3A_654 : vector<16xf32>
      %add3A_656 = arith.addf %broadcast_in_dim3A_649, %mul3A_655 : vector<16xf32>
      %add3A_657 = arith.constant 16 : i32
      %add3A_658 = arith.addi %add3A_657, %add3A_122 : i32
      %get3A_659 = arith.index_cast %add3A_658 : i32 to index
      %get3A_660 = arith.constant 432 : index
      %get3A_661 = tpu.vector_load %arg10[%get3A_659, %get3A_660] {strides = array<i32>} : memref<32x768xf32, #tpu.memory_space<vmem>>, vector<16xf32>,
      %mul3A_662 = arith.mulf %gather3A_136, %get3A_661 : vector<16xf32>
      %add3A_663 = arith.addf %add3A_656, %mul3A_662 : vector<16xf32>
      %swap3A_664 = arith.index_cast %add3A_122 : i32 to index
      %swap3A_665 = arith.constant 432 : index
      %swap3A_666 = tpu.vector_load %arg14[%swap3A_664, %swap3A_665] {strides = array<i32>} : memref<16x768xf32, #tpu.memory_space<vmem>>, vector<16xf32>,
      tpu.vector_store %arg14[%swap3A_664, %swap3A_665], %add3A_663 {strides = array<i32>} : memref<16x768xf32, #tpu.memory_space<vmem>>, vector<16xf32>,
      %broadcast_in_dim3A_667 = arith.constant 0.000000e+00 : f32
      %broadcast_in_dim3A_668 = vector.broadcast %broadcast_in_dim3A_667 : f32 to vector<16xf32>
      %add3A_669 = arith.constant 0 : i32
      %add3A_670 = arith.addi %add3A_669, %add3A_122 : i32
      %get3A_671 = arith.index_cast %add3A_670 : i32 to index
      %get3A_672 = arith.constant 448 : index
      %get3A_673 = tpu.vector_load %arg10[%get3A_671, %get3A_672] {strides = array<i32>} : memref<32x768xf32, #tpu.memory_space<vmem>>, vector<16xf32>,
      %mul3A_674 = arith.mulf %gather3A, %get3A_673 : vector<16xf32>
      %add3A_675 = arith.addf %broadcast_in_dim3A_668, %mul3A_674 : vector<16xf32>
      %add3A_676 = arith.constant 16 : i32
      %add3A_677 = arith.addi %add3A_676, %add3A_122 : i32
      %get3A_678 = arith.index_cast %add3A_677 : i32 to index
      %get3A_679 = arith.constant 448 : index
      %get3A_680 = tpu.vector_load %arg10[%get3A_678, %get3A_679] {strides = array<i32>} : memref<32x768xf32, #tpu.memory_space<vmem>>, vector<16xf32>,
      %mul3A_681 = arith.mulf %gather3A_136, %get3A_680 : vector<16xf32>
      %add3A_682 = arith.addf %add3A_675, %mul3A_681 : vector<16xf32>
      %swap3A_683 = arith.index_cast %add3A_122 : i32 to index
      %swap3A_684 = arith.constant 448 : index
      %swap3A_685 = tpu.vector_load %arg14[%swap3A_683, %swap3A_684] {strides = array<i32>} : memref<16x768xf32, #tpu.memory_space<vmem>>, vector<16xf32>,
      tpu.vector_store %arg14[%swap3A_683, %swap3A_684], %add3A_682 {strides = array<i32>} : memref<16x768xf32, #tpu.memory_space<vmem>>, vector<16xf32>,
      %broadcast_in_dim3A_686 = arith.constant 0.000000e+00 : f32
      %broadcast_in_dim3A_687 = vector.broadcast %broadcast_in_dim3A_686 : f32 to vector<16xf32>
      %add3A_688 = arith.constant 0 : i32
      %add3A_689 = arith.addi %add3A_688, %add3A_122 : i32
      %get3A_690 = arith.index_cast %add3A_689 : i32 to index
      %get3A_691 = arith.constant 464 : index
      %get3A_692 = tpu.vector_load %arg10[%get3A_690, %get3A_691] {strides = array<i32>} : memref<32x768xf32, #tpu.memory_space<vmem>>, vector<16xf32>,
      %mul3A_693 = arith.mulf %gather3A, %get3A_692 : vector<16xf32>
      %add3A_694 = arith.addf %broadcast_in_dim3A_687, %mul3A_693 : vector<16xf32>
      %add3A_695 = arith.constant 16 : i32
      %add3A_696 = arith.addi %add3A_695, %add3A_122 : i32
      %get3A_697 = arith.index_cast %add3A_696 : i32 to index
      %get3A_698 = arith.constant 464 : index
      %get3A_699 = tpu.vector_load %arg10[%get3A_697, %get3A_698] {strides = array<i32>} : memref<32x768xf32, #tpu.memory_space<vmem>>, vector<16xf32>,
      %mul3A_700 = arith.mulf %gather3A_136, %get3A_699 : vector<16xf32>
      %add3A_701 = arith.addf %add3A_694, %mul3A_700 : vector<16xf32>
      %swap3A_702 = arith.index_cast %add3A_122 : i32 to index
      %swap3A_703 = arith.constant 464 : index
      %swap3A_704 = tpu.vector_load %arg14[%swap3A_702, %swap3A_703] {strides = array<i32>} : memref<16x768xf32, #tpu.memory_space<vmem>>, vector<16xf32>,
      tpu.vector_store %arg14[%swap3A_702, %swap3A_703], %add3A_701 {strides = array<i32>} : memref<16x768xf32, #tpu.memory_space<vmem>>, vector<16xf32>,
      %broadcast_in_dim3A_705 = arith.constant 0.000000e+00 : f32
      %broadcast_in_dim3A_706 = vector.broadcast %broadcast_in_dim3A_705 : f32 to vector<16xf32>
      %add3A_707 = arith.constant 0 : i32
      %add3A_708 = arith.addi %add3A_707, %add3A_122 : i32
      %get3A_709 = arith.index_cast %add3A_708 : i32 to index
      %get3A_710 = arith.constant 480 : index
      %get3A_711 = tpu.vector_load %arg10[%get3A_709, %get3A_710] {strides = array<i32>} : memref<32x768xf32, #tpu.memory_space<vmem>>, vector<16xf32>,
      %mul3A_712 = arith.mulf %gather3A, %get3A_711 : vector<16xf32>
      %add3A_713 = arith.addf %broadcast_in_dim3A_706, %mul3A_712 : vector<16xf32>
      %add3A_714 = arith.constant 16 : i32
      %add3A_715 = arith.addi %add3A_714, %add3A_122 : i32
      %get3A_716 = arith.index_cast %add3A_715 : i32 to index
      %get3A_717 = arith.constant 480 : index
      %get3A_718 = tpu.vector_load %arg10[%get3A_716, %get3A_717] {strides = array<i32>} : memref<32x768xf32, #tpu.memory_space<vmem>>, vector<16xf32>,
      %mul3A_719 = arith.mulf %gather3A_136, %get3A_718 : vector<16xf32>
      %add3A_720 = arith.addf %add3A_713, %mul3A_719 : vector<16xf32>
      %swap3A_721 = arith.index_cast %add3A_122 : i32 to index
      %swap3A_722 = arith.constant 480 : index
      %swap3A_723 = tpu.vector_load %arg14[%swap3A_721, %swap3A_722] {strides = array<i32>} : memref<16x768xf32, #tpu.memory_space<vmem>>, vector<16xf32>,
      tpu.vector_store %arg14[%swap3A_721, %swap3A_722], %add3A_720 {strides = array<i32>} : memref<16x768xf32, #tpu.memory_space<vmem>>, vector<16xf32>,
      %broadcast_in_dim3A_724 = arith.constant 0.000000e+00 : f32
      %broadcast_in_dim3A_725 = vector.broadcast %broadcast_in_dim3A_724 : f32 to vector<16xf32>
      %add3A_726 = arith.constant 0 : i32
      %add3A_727 = arith.addi %add3A_726, %add3A_122 : i32
      %get3A_728 = arith.index_cast %add3A_727 : i32 to index
      %get3A_729 = arith.constant 496 : index
      %get3A_730 = tpu.vector_load %arg10[%get3A_728, %get3A_729] {strides = array<i32>} : memref<32x768xf32, #tpu.memory_space<vmem>>, vector<16xf32>,
      %mul3A_731 = arith.mulf %gather3A, %get3A_730 : vector<16xf32>
      %add3A_732 = arith.addf %broadcast_in_dim3A_725, %mul3A_731 : vector<16xf32>
      %add3A_733 = arith.constant 16 : i32
      %add3A_734 = arith.addi %add3A_733, %add3A_122 : i32
      %get3A_735 = arith.index_cast %add3A_734 : i32 to index
      %get3A_736 = arith.constant 496 : index
      %get3A_737 = tpu.vector_load %arg10[%get3A_735, %get3A_736] {strides = array<i32>} : memref<32x768xf32, #tpu.memory_space<vmem>>, vector<16xf32>,
      %mul3A_738 = arith.mulf %gather3A_136, %get3A_737 : vector<16xf32>
      %add3A_739 = arith.addf %add3A_732, %mul3A_738 : vector<16xf32>
      %swap3A_740 = arith.index_cast %add3A_122 : i32 to index
      %swap3A_741 = arith.constant 496 : index
      %swap3A_742 = tpu.vector_load %arg14[%swap3A_740, %swap3A_741] {strides = array<i32>} : memref<16x768xf32, #tpu.memory_space<vmem>>, vector<16xf32>,
      tpu.vector_store %arg14[%swap3A_740, %swap3A_741], %add3A_739 {strides = array<i32>} : memref<16x768xf32, #tpu.memory_space<vmem>>, vector<16xf32>,
      %broadcast_in_dim3A_743 = arith.constant 0.000000e+00 : f32
      %broadcast_in_dim3A_744 = vector.broadcast %broadcast_in_dim3A_743 : f32 to vector<16xf32>
      %add3A_745 = arith.constant 0 : i32
      %add3A_746 = arith.addi %add3A_745, %add3A_122 : i32
      %get3A_747 = arith.index_cast %add3A_746 : i32 to index
      %get3A_748 = arith.constant 512 : index
      %get3A_749 = tpu.vector_load %arg10[%get3A_747, %get3A_748] {strides = array<i32>} : memref<32x768xf32, #tpu.memory_space<vmem>>, vector<16xf32>,
      %mul3A_750 = arith.mulf %gather3A, %get3A_749 : vector<16xf32>
      %add3A_751 = arith.addf %broadcast_in_dim3A_744, %mul3A_750 : vector<16xf32>
      %add3A_752 = arith.constant 16 : i32
      %add3A_753 = arith.addi %add3A_752, %add3A_122 : i32
      %get3A_754 = arith.index_cast %add3A_753 : i32 to index
      %get3A_755 = arith.constant 512 : index
      %get3A_756 = tpu.vector_load %arg10[%get3A_754, %get3A_755] {strides = array<i32>} : memref<32x768xf32, #tpu.memory_space<vmem>>, vector<16xf32>,
      %mul3A_757 = arith.mulf %gather3A_136, %get3A_756 : vector<16xf32>
      %add3A_758 = arith.addf %add3A_751, %mul3A_757 : vector<16xf32>
      %swap3A_759 = arith.index_cast %add3A_122 : i32 to index
      %swap3A_760 = arith.constant 512 : index
      %swap3A_761 = tpu.vector_load %arg14[%swap3A_759, %swap3A_760] {strides = array<i32>} : memref<16x768xf32, #tpu.memory_space<vmem>>, vector<16xf32>,
      tpu.vector_store %arg14[%swap3A_759, %swap3A_760], %add3A_758 {strides = array<i32>} : memref<16x768xf32, #tpu.memory_space<vmem>>, vector<16xf32>,
      %broadcast_in_dim3A_762 = arith.constant 0.000000e+00 : f32
      %broadcast_in_dim3A_763 = vector.broadcast %broadcast_in_dim3A_762 : f32 to vector<16xf32>
      %add3A_764 = arith.constant 0 : i32
      %add3A_765 = arith.addi %add3A_764, %add3A_122 : i32
      %get3A_766 = arith.index_cast %add3A_765 : i32 to index
      %get3A_767 = arith.constant 528 : index
      %get3A_768 = tpu.vector_load %arg10[%get3A_766, %get3A_767] {strides = array<i32>} : memref<32x768xf32, #tpu.memory_space<vmem>>, vector<16xf32>,
      %mul3A_769 = arith.mulf %gather3A, %get3A_768 : vector<16xf32>
      %add3A_770 = arith.addf %broadcast_in_dim3A_763, %mul3A_769 : vector<16xf32>
      %add3A_771 = arith.constant 16 : i32
      %add3A_772 = arith.addi %add3A_771, %add3A_122 : i32
      %get3A_773 = arith.index_cast %add3A_772 : i32 to index
      %get3A_774 = arith.constant 528 : index
      %get3A_775 = tpu.vector_load %arg10[%get3A_773, %get3A_774] {strides = array<i32>} : memref<32x768xf32, #tpu.memory_space<vmem>>, vector<16xf32>,
      %mul3A_776 = arith.mulf %gather3A_136, %get3A_775 : vector<16xf32>
      %add3A_777 = arith.addf %add3A_770, %mul3A_776 : vector<16xf32>
      %swap3A_778 = arith.index_cast %add3A_122 : i32 to index
      %swap3A_779 = arith.constant 528 : index
      %swap3A_780 = tpu.vector_load %arg14[%swap3A_778, %swap3A_779] {strides = array<i32>} : memref<16x768xf32, #tpu.memory_space<vmem>>, vector<16xf32>,
      tpu.vector_store %arg14[%swap3A_778, %swap3A_779], %add3A_777 {strides = array<i32>} : memref<16x768xf32, #tpu.memory_space<vmem>>, vector<16xf32>,
      %broadcast_in_dim3A_781 = arith.constant 0.000000e+00 : f32
      %broadcast_in_dim3A_782 = vector.broadcast %broadcast_in_dim3A_781 : f32 to vector<16xf32>
      %add3A_783 = arith.constant 0 : i32
      %add3A_784 = arith.addi %add3A_783, %add3A_122 : i32
      %get3A_785 = arith.index_cast %add3A_784 : i32 to index
      %get3A_786 = arith.constant 544 : index
      %get3A_787 = tpu.vector_load %arg10[%get3A_785, %get3A_786] {strides = array<i32>} : memref<32x768xf32, #tpu.memory_space<vmem>>, vector<16xf32>,
      %mul3A_788 = arith.mulf %gather3A, %get3A_787 : vector<16xf32>
      %add3A_789 = arith.addf %broadcast_in_dim3A_782, %mul3A_788 : vector<16xf32>
      %add3A_790 = arith.constant 16 : i32
      %add3A_791 = arith.addi %add3A_790, %add3A_122 : i32
      %get3A_792 = arith.index_cast %add3A_791 : i32 to index
      %get3A_793 = arith.constant 544 : index
      %get3A_794 = tpu.vector_load %arg10[%get3A_792, %get3A_793] {strides = array<i32>} : memref<32x768xf32, #tpu.memory_space<vmem>>, vector<16xf32>,
      %mul3A_795 = arith.mulf %gather3A_136, %get3A_794 : vector<16xf32>
      %add3A_796 = arith.addf %add3A_789, %mul3A_795 : vector<16xf32>
      %swap3A_797 = arith.index_cast %add3A_122 : i32 to index
      %swap3A_798 = arith.constant 544 : index
      %swap3A_799 = tpu.vector_load %arg14[%swap3A_797, %swap3A_798] {strides = array<i32>} : memref<16x768xf32, #tpu.memory_space<vmem>>, vector<16xf32>,
      tpu.vector_store %arg14[%swap3A_797, %swap3A_798], %add3A_796 {strides = array<i32>} : memref<16x768xf32, #tpu.memory_space<vmem>>, vector<16xf32>,
      %broadcast_in_dim3A_800 = arith.constant 0.000000e+00 : f32
      %broadcast_in_dim3A_801 = vector.broadcast %broadcast_in_dim3A_800 : f32 to vector<16xf32>
      %add3A_802 = arith.constant 0 : i32
      %add3A_803 = arith.addi %add3A_802, %add3A_122 : i32
      %get3A_804 = arith.index_cast %add3A_803 : i32 to index
      %get3A_805 = arith.constant 560 : index
      %get3A_806 = tpu.vector_load %arg10[%get3A_804, %get3A_805] {strides = array<i32>} : memref<32x768xf32, #tpu.memory_space<vmem>>, vector<16xf32>,
      %mul3A_807 = arith.mulf %gather3A, %get3A_806 : vector<16xf32>
      %add3A_808 = arith.addf %broadcast_in_dim3A_801, %mul3A_807 : vector<16xf32>
      %add3A_809 = arith.constant 16 : i32
      %add3A_810 = arith.addi %add3A_809, %add3A_122 : i32
      %get3A_811 = arith.index_cast %add3A_810 : i32 to index
      %get3A_812 = arith.constant 560 : index
      %get3A_813 = tpu.vector_load %arg10[%get3A_811, %get3A_812] {strides = array<i32>} : memref<32x768xf32, #tpu.memory_space<vmem>>, vector<16xf32>,
      %mul3A_814 = arith.mulf %gather3A_136, %get3A_813 : vector<16xf32>
      %add3A_815 = arith.addf %add3A_808, %mul3A_814 : vector<16xf32>
      %swap3A_816 = arith.index_cast %add3A_122 : i32 to index
      %swap3A_817 = arith.constant 560 : index
      %swap3A_818 = tpu.vector_load %arg14[%swap3A_816, %swap3A_817] {strides = array<i32>} : memref<16x768xf32, #tpu.memory_space<vmem>>, vector<16xf32>,
      tpu.vector_store %arg14[%swap3A_816, %swap3A_817], %add3A_815 {strides = array<i32>} : memref<16x768xf32, #tpu.memory_space<vmem>>, vector<16xf32>,
      %broadcast_in_dim3A_819 = arith.constant 0.000000e+00 : f32
      %broadcast_in_dim3A_820 = vector.broadcast %broadcast_in_dim3A_819 : f32 to vector<16xf32>
      %add3A_821 = arith.constant 0 : i32
      %add3A_822 = arith.addi %add3A_821, %add3A_122 : i32
      %get3A_823 = arith.index_cast %add3A_822 : i32 to index
      %get3A_824 = arith.constant 576 : index
      %get3A_825 = tpu.vector_load %arg10[%get3A_823, %get3A_824] {strides = array<i32>} : memref<32x768xf32, #tpu.memory_space<vmem>>, vector<16xf32>,
      %mul3A_826 = arith.mulf %gather3A, %get3A_825 : vector<16xf32>
      %add3A_827 = arith.addf %broadcast_in_dim3A_820, %mul3A_826 : vector<16xf32>
      %add3A_828 = arith.constant 16 : i32
      %add3A_829 = arith.addi %add3A_828, %add3A_122 : i32
      %get3A_830 = arith.index_cast %add3A_829 : i32 to index
      %get3A_831 = arith.constant 576 : index
      %get3A_832 = tpu.vector_load %arg10[%get3A_830, %get3A_831] {strides = array<i32>} : memref<32x768xf32, #tpu.memory_space<vmem>>, vector<16xf32>,
      %mul3A_833 = arith.mulf %gather3A_136, %get3A_832 : vector<16xf32>
      %add3A_834 = arith.addf %add3A_827, %mul3A_833 : vector<16xf32>
      %swap3A_835 = arith.index_cast %add3A_122 : i32 to index
      %swap3A_836 = arith.constant 576 : index
      %swap3A_837 = tpu.vector_load %arg14[%swap3A_835, %swap3A_836] {strides = array<i32>} : memref<16x768xf32, #tpu.memory_space<vmem>>, vector<16xf32>,
      tpu.vector_store %arg14[%swap3A_835, %swap3A_836], %add3A_834 {strides = array<i32>} : memref<16x768xf32, #tpu.memory_space<vmem>>, vector<16xf32>,
      %broadcast_in_dim3A_838 = arith.constant 0.000000e+00 : f32
      %broadcast_in_dim3A_839 = vector.broadcast %broadcast_in_dim3A_838 : f32 to vector<16xf32>
      %add3A_840 = arith.constant 0 : i32
      %add3A_841 = arith.addi %add3A_840, %add3A_122 : i32
      %get3A_842 = arith.index_cast %add3A_841 : i32 to index
      %get3A_843 = arith.constant 592 : index
      %get3A_844 = tpu.vector_load %arg10[%get3A_842, %get3A_843] {strides = array<i32>} : memref<32x768xf32, #tpu.memory_space<vmem>>, vector<16xf32>,
      %mul3A_845 = arith.mulf %gather3A, %get3A_844 : vector<16xf32>
      %add3A_846 = arith.addf %broadcast_in_dim3A_839, %mul3A_845 : vector<16xf32>
      %add3A_847 = arith.constant 16 : i32
      %add3A_848 = arith.addi %add3A_847, %add3A_122 : i32
      %get3A_849 = arith.index_cast %add3A_848 : i32 to index
      %get3A_850 = arith.constant 592 : index
      %get3A_851 = tpu.vector_load %arg10[%get3A_849, %get3A_850] {strides = array<i32>} : memref<32x768xf32, #tpu.memory_space<vmem>>, vector<16xf32>,
      %mul3A_852 = arith.mulf %gather3A_136, %get3A_851 : vector<16xf32>
      %add3A_853 = arith.addf %add3A_846, %mul3A_852 : vector<16xf32>
      %swap3A_854 = arith.index_cast %add3A_122 : i32 to index
      %swap3A_855 = arith.constant 592 : index
      %swap3A_856 = tpu.vector_load %arg14[%swap3A_854, %swap3A_855] {strides = array<i32>} : memref<16x768xf32, #tpu.memory_space<vmem>>, vector<16xf32>,
      tpu.vector_store %arg14[%swap3A_854, %swap3A_855], %add3A_853 {strides = array<i32>} : memref<16x768xf32, #tpu.memory_space<vmem>>, vector<16xf32>,
      %broadcast_in_dim3A_857 = arith.constant 0.000000e+00 : f32
      %broadcast_in_dim3A_858 = vector.broadcast %broadcast_in_dim3A_857 : f32 to vector<16xf32>
      %add3A_859 = arith.constant 0 : i32
      %add3A_860 = arith.addi %add3A_859, %add3A_122 : i32
      %get3A_861 = arith.index_cast %add3A_860 : i32 to index
      %get3A_862 = arith.constant 608 : index
      %get3A_863 = tpu.vector_load %arg10[%get3A_861, %get3A_862] {strides = array<i32>} : memref<32x768xf32, #tpu.memory_space<vmem>>, vector<16xf32>,
      %mul3A_864 = arith.mulf %gather3A, %get3A_863 : vector<16xf32>
      %add3A_865 = arith.addf %broadcast_in_dim3A_858, %mul3A_864 : vector<16xf32>
      %add3A_866 = arith.constant 16 : i32
      %add3A_867 = arith.addi %add3A_866, %add3A_122 : i32
      %get3A_868 = arith.index_cast %add3A_867 : i32 to index
      %get3A_869 = arith.constant 608 : index
      %get3A_870 = tpu.vector_load %arg10[%get3A_868, %get3A_869] {strides = array<i32>} : memref<32x768xf32, #tpu.memory_space<vmem>>, vector<16xf32>,
      %mul3A_871 = arith.mulf %gather3A_136, %get3A_870 : vector<16xf32>
      %add3A_872 = arith.addf %add3A_865, %mul3A_871 : vector<16xf32>
      %swap3A_873 = arith.index_cast %add3A_122 : i32 to index
      %swap3A_874 = arith.constant 608 : index
      %swap3A_875 = tpu.vector_load %arg14[%swap3A_873, %swap3A_874] {strides = array<i32>} : memref<16x768xf32, #tpu.memory_space<vmem>>, vector<16xf32>,
      tpu.vector_store %arg14[%swap3A_873, %swap3A_874], %add3A_872 {strides = array<i32>} : memref<16x768xf32, #tpu.memory_space<vmem>>, vector<16xf32>,
      %broadcast_in_dim3A_876 = arith.constant 0.000000e+00 : f32
      %broadcast_in_dim3A_877 = vector.broadcast %broadcast_in_dim3A_876 : f32 to vector<16xf32>
      %add3A_878 = arith.constant 0 : i32
      %add3A_879 = arith.addi %add3A_878, %add3A_122 : i32
      %get3A_880 = arith.index_cast %add3A_879 : i32 to index
      %get3A_881 = arith.constant 624 : index
      %get3A_882 = tpu.vector_load %arg10[%get3A_880, %get3A_881] {strides = array<i32>} : memref<32x768xf32, #tpu.memory_space<vmem>>, vector<16xf32>,
      %mul3A_883 = arith.mulf %gather3A, %get3A_882 : vector<16xf32>
      %add3A_884 = arith.addf %broadcast_in_dim3A_877, %mul3A_883 : vector<16xf32>
      %add3A_885 = arith.constant 16 : i32
      %add3A_886 = arith.addi %add3A_885, %add3A_122 : i32
      %get3A_887 = arith.index_cast %add3A_886 : i32 to index
      %get3A_888 = arith.constant 624 : index
      %get3A_889 = tpu.vector_load %arg10[%get3A_887, %get3A_888] {strides = array<i32>} : memref<32x768xf32, #tpu.memory_space<vmem>>, vector<16xf32>,
      %mul3A_890 = arith.mulf %gather3A_136, %get3A_889 : vector<16xf32>
      %add3A_891 = arith.addf %add3A_884, %mul3A_890 : vector<16xf32>
      %swap3A_892 = arith.index_cast %add3A_122 : i32 to index
      %swap3A_893 = arith.constant 624 : index
      %swap3A_894 = tpu.vector_load %arg14[%swap3A_892, %swap3A_893] {strides = array<i32>} : memref<16x768xf32, #tpu.memory_space<vmem>>, vector<16xf32>,
      tpu.vector_store %arg14[%swap3A_892, %swap3A_893], %add3A_891 {strides = array<i32>} : memref<16x768xf32, #tpu.memory_space<vmem>>, vector<16xf32>,
      %broadcast_in_dim3A_895 = arith.constant 0.000000e+00 : f32
      %broadcast_in_dim3A_896 = vector.broadcast %broadcast_in_dim3A_895 : f32 to vector<16xf32>
      %add3A_897 = arith.constant 0 : i32
      %add3A_898 = arith.addi %add3A_897, %add3A_122 : i32
      %get3A_899 = arith.index_cast %add3A_898 : i32 to index
      %get3A_900 = arith.constant 640 : index
      %get3A_901 = tpu.vector_load %arg10[%get3A_899, %get3A_900] {strides = array<i32>} : memref<32x768xf32, #tpu.memory_space<vmem>>, vector<16xf32>,
      %mul3A_902 = arith.mulf %gather3A, %get3A_901 : vector<16xf32>
      %add3A_903 = arith.addf %broadcast_in_dim3A_896, %mul3A_902 : vector<16xf32>
      %add3A_904 = arith.constant 16 : i32
      %add3A_905 = arith.addi %add3A_904, %add3A_122 : i32
      %get3A_906 = arith.index_cast %add3A_905 : i32 to index
      %get3A_907 = arith.constant 640 : index
      %get3A_908 = tpu.vector_load %arg10[%get3A_906, %get3A_907] {strides = array<i32>} : memref<32x768xf32, #tpu.memory_space<vmem>>, vector<16xf32>,
      %mul3A_909 = arith.mulf %gather3A_136, %get3A_908 : vector<16xf32>
      %add3A_910 = arith.addf %add3A_903, %mul3A_909 : vector<16xf32>
      %swap3A_911 = arith.index_cast %add3A_122 : i32 to index
      %swap3A_912 = arith.constant 640 : index
      %swap3A_913 = tpu.vector_load %arg14[%swap3A_911, %swap3A_912] {strides = array<i32>} : memref<16x768xf32, #tpu.memory_space<vmem>>, vector<16xf32>,
      tpu.vector_store %arg14[%swap3A_911, %swap3A_912], %add3A_910 {strides = array<i32>} : memref<16x768xf32, #tpu.memory_space<vmem>>, vector<16xf32>,
      %broadcast_in_dim3A_914 = arith.constant 0.000000e+00 : f32
      %broadcast_in_dim3A_915 = vector.broadcast %broadcast_in_dim3A_914 : f32 to vector<16xf32>
      %add3A_916 = arith.constant 0 : i32
      %add3A_917 = arith.addi %add3A_916, %add3A_122 : i32
      %get3A_918 = arith.index_cast %add3A_917 : i32 to index
      %get3A_919 = arith.constant 656 : index
      %get3A_920 = tpu.vector_load %arg10[%get3A_918, %get3A_919] {strides = array<i32>} : memref<32x768xf32, #tpu.memory_space<vmem>>, vector<16xf32>,
      %mul3A_921 = arith.mulf %gather3A, %get3A_920 : vector<16xf32>
      %add3A_922 = arith.addf %broadcast_in_dim3A_915, %mul3A_921 : vector<16xf32>
      %add3A_923 = arith.constant 16 : i32
      %add3A_924 = arith.addi %add3A_923, %add3A_122 : i32
      %get3A_925 = arith.index_cast %add3A_924 : i32 to index
      %get3A_926 = arith.constant 656 : index
      %get3A_927 = tpu.vector_load %arg10[%get3A_925, %get3A_926] {strides = array<i32>} : memref<32x768xf32, #tpu.memory_space<vmem>>, vector<16xf32>,
      %mul3A_928 = arith.mulf %gather3A_136, %get3A_927 : vector<16xf32>
      %add3A_929 = arith.addf %add3A_922, %mul3A_928 : vector<16xf32>
      %swap3A_930 = arith.index_cast %add3A_122 : i32 to index
      %swap3A_931 = arith.constant 656 : index
      %swap3A_932 = tpu.vector_load %arg14[%swap3A_930, %swap3A_931] {strides = array<i32>} : memref<16x768xf32, #tpu.memory_space<vmem>>, vector<16xf32>,
      tpu.vector_store %arg14[%swap3A_930, %swap3A_931], %add3A_929 {strides = array<i32>} : memref<16x768xf32, #tpu.memory_space<vmem>>, vector<16xf32>,
      %broadcast_in_dim3A_933 = arith.constant 0.000000e+00 : f32
      %broadcast_in_dim3A_934 = vector.broadcast %broadcast_in_dim3A_933 : f32 to vector<16xf32>
      %add3A_935 = arith.constant 0 : i32
      %add3A_936 = arith.addi %add3A_935, %add3A_122 : i32
      %get3A_937 = arith.index_cast %add3A_936 : i32 to index
      %get3A_938 = arith.constant 672 : index
      %get3A_939 = tpu.vector_load %arg10[%get3A_937, %get3A_938] {strides = array<i32>} : memref<32x768xf32, #tpu.memory_space<vmem>>, vector<16xf32>,
      %mul3A_940 = arith.mulf %gather3A, %get3A_939 : vector<16xf32>
      %add3A_941 = arith.addf %broadcast_in_dim3A_934, %mul3A_940 : vector<16xf32>
      %add3A_942 = arith.constant 16 : i32
      %add3A_943 = arith.addi %add3A_942, %add3A_122 : i32
      %get3A_944 = arith.index_cast %add3A_943 : i32 to index
      %get3A_945 = arith.constant 672 : index
      %get3A_946 = tpu.vector_load %arg10[%get3A_944, %get3A_945] {strides = array<i32>} : memref<32x768xf32, #tpu.memory_space<vmem>>, vector<16xf32>,
      %mul3A_947 = arith.mulf %gather3A_136, %get3A_946 : vector<16xf32>
      %add3A_948 = arith.addf %add3A_941, %mul3A_947 : vector<16xf32>
      %swap3A_949 = arith.index_cast %add3A_122 : i32 to index
      %swap3A_950 = arith.constant 672 : index
      %swap3A_951 = tpu.vector_load %arg14[%swap3A_949, %swap3A_950] {strides = array<i32>} : memref<16x768xf32, #tpu.memory_space<vmem>>, vector<16xf32>,
      tpu.vector_store %arg14[%swap3A_949, %swap3A_950], %add3A_948 {strides = array<i32>} : memref<16x768xf32, #tpu.memory_space<vmem>>, vector<16xf32>,
      %broadcast_in_dim3A_952 = arith.constant 0.000000e+00 : f32
      %broadcast_in_dim3A_953 = vector.broadcast %broadcast_in_dim3A_952 : f32 to vector<16xf32>
      %add3A_954 = arith.constant 0 : i32
      %add3A_955 = arith.addi %add3A_954, %add3A_122 : i32
      %get3A_956 = arith.index_cast %add3A_955 : i32 to index
      %get3A_957 = arith.constant 688 : index
      %get3A_958 = tpu.vector_load %arg10[%get3A_956, %get3A_957] {strides = array<i32>} : memref<32x768xf32, #tpu.memory_space<vmem>>, vector<16xf32>,
      %mul3A_959 = arith.mulf %gather3A, %get3A_958 : vector<16xf32>
      %add3A_960 = arith.addf %broadcast_in_dim3A_953, %mul3A_959 : vector<16xf32>
      %add3A_961 = arith.constant 16 : i32
      %add3A_962 = arith.addi %add3A_961, %add3A_122 : i32
      %get3A_963 = arith.index_cast %add3A_962 : i32 to index
      %get3A_964 = arith.constant 688 : index
      %get3A_965 = tpu.vector_load %arg10[%get3A_963, %get3A_964] {strides = array<i32>} : memref<32x768xf32, #tpu.memory_space<vmem>>, vector<16xf32>,
      %mul3A_966 = arith.mulf %gather3A_136, %get3A_965 : vector<16xf32>
      %add3A_967 = arith.addf %add3A_960, %mul3A_966 : vector<16xf32>
      %swap3A_968 = arith.index_cast %add3A_122 : i32 to index
      %swap3A_969 = arith.constant 688 : index
      %swap3A_970 = tpu.vector_load %arg14[%swap3A_968, %swap3A_969] {strides = array<i32>} : memref<16x768xf32, #tpu.memory_space<vmem>>, vector<16xf32>,
      tpu.vector_store %arg14[%swap3A_968, %swap3A_969], %add3A_967 {strides = array<i32>} : memref<16x768xf32, #tpu.memory_space<vmem>>, vector<16xf32>,
      %broadcast_in_dim3A_971 = arith.constant 0.000000e+00 : f32
      %broadcast_in_dim3A_972 = vector.broadcast %broadcast_in_dim3A_971 : f32 to vector<16xf32>
      %add3A_973 = arith.constant 0 : i32
      %add3A_974 = arith.addi %add3A_973, %add3A_122 : i32
      %get3A_975 = arith.index_cast %add3A_974 : i32 to index
      %get3A_976 = arith.constant 704 : index
      %get3A_977 = tpu.vector_load %arg10[%get3A_975, %get3A_976] {strides = array<i32>} : memref<32x768xf32, #tpu.memory_space<vmem>>, vector<16xf32>,
      %mul3A_978 = arith.mulf %gather3A, %get3A_977 : vector<16xf32>
      %add3A_979 = arith.addf %broadcast_in_dim3A_972, %mul3A_978 : vector<16xf32>
      %add3A_980 = arith.constant 16 : i32
      %add3A_981 = arith.addi %add3A_980, %add3A_122 : i32
      %get3A_982 = arith.index_cast %add3A_981 : i32 to index
      %get3A_983 = arith.constant 704 : index
      %get3A_984 = tpu.vector_load %arg10[%get3A_982, %get3A_983] {strides = array<i32>} : memref<32x768xf32, #tpu.memory_space<vmem>>, vector<16xf32>,
      %mul3A_985 = arith.mulf %gather3A_136, %get3A_984 : vector<16xf32>
      %add3A_986 = arith.addf %add3A_979, %mul3A_985 : vector<16xf32>
      %swap3A_987 = arith.index_cast %add3A_122 : i32 to index
      %swap3A_988 = arith.constant 704 : index
      %swap3A_989 = tpu.vector_load %arg14[%swap3A_987, %swap3A_988] {strides = array<i32>} : memref<16x768xf32, #tpu.memory_space<vmem>>, vector<16xf32>,
      tpu.vector_store %arg14[%swap3A_987, %swap3A_988], %add3A_986 {strides = array<i32>} : memref<16x768xf32, #tpu.memory_space<vmem>>, vector<16xf32>,
      %broadcast_in_dim3A_990 = arith.constant 0.000000e+00 : f32
      %broadcast_in_dim3A_991 = vector.broadcast %broadcast_in_dim3A_990 : f32 to vector<16xf32>
      %add3A_992 = arith.constant 0 : i32
      %add3A_993 = arith.addi %add3A_992, %add3A_122 : i32
      %get3A_994 = arith.index_cast %add3A_993 : i32 to index
      %get3A_995 = arith.constant 720 : index
      %get3A_996 = tpu.vector_load %arg10[%get3A_994, %get3A_995] {strides = array<i32>} : memref<32x768xf32, #tpu.memory_space<vmem>>, vector<16xf32>,
      %mul3A_997 = arith.mulf %gather3A, %get3A_996 : vector<16xf32>
      %add3A_998 = arith.addf %broadcast_in_dim3A_991, %mul3A_997 : vector<16xf32>
      %add3A_999 = arith.constant 16 : i32
      %add3A_1000 = arith.addi %add3A_999, %add3A_122 : i32
      %get3A_1001 = arith.index_cast %add3A_1000 : i32 to index
      %get3A_1002 = arith.constant 720 : index
      %get3A_1003 = tpu.vector_load %arg10[%get3A_1001, %get3A_1002] {strides = array<i32>} : memref<32x768xf32, #tpu.memory_space<vmem>>, vector<16xf32>,
      %mul3A_1004 = arith.mulf %gather3A_136, %get3A_1003 : vector<16xf32>
      %add3A_1005 = arith.addf %add3A_998, %mul3A_1004 : vector<16xf32>
      %swap3A_1006 = arith.index_cast %add3A_122 : i32 to index
      %swap3A_1007 = arith.constant 720 : index
      %swap3A_1008 = tpu.vector_load %arg14[%swap3A_1006, %swap3A_1007] {strides = array<i32>} : memref<16x768xf32, #tpu.memory_space<vmem>>, vector<16xf32>,
      tpu.vector_store %arg14[%swap3A_1006, %swap3A_1007], %add3A_1005 {strides = array<i32>} : memref<16x768xf32, #tpu.memory_space<vmem>>, vector<16xf32>,
      %broadcast_in_dim3A_1009 = arith.constant 0.000000e+00 : f32
      %broadcast_in_dim3A_1010 = vector.broadcast %broadcast_in_dim3A_1009 : f32 to vector<16xf32>
      %add3A_1011 = arith.constant 0 : i32
      %add3A_1012 = arith.addi %add3A_1011, %add3A_122 : i32
      %get3A_1013 = arith.index_cast %add3A_1012 : i32 to index
      %get3A_1014 = arith.constant 736 : index
      %get3A_1015 = tpu.vector_load %arg10[%get3A_1013, %get3A_1014] {strides = array<i32>} : memref<32x768xf32, #tpu.memory_space<vmem>>, vector<16xf32>,
      %mul3A_1016 = arith.mulf %gather3A, %get3A_1015 : vector<16xf32>
      %add3A_1017 = arith.addf %broadcast_in_dim3A_1010, %mul3A_1016 : vector<16xf32>
      %add3A_1018 = arith.constant 16 : i32
      %add3A_1019 = arith.addi %add3A_1018, %add3A_122 : i32
      %get3A_1020 = arith.index_cast %add3A_1019 : i32 to index
      %get3A_1021 = arith.constant 736 : index
      %get3A_1022 = tpu.vector_load %arg10[%get3A_1020, %get3A_1021] {strides = array<i32>} : memref<32x768xf32, #tpu.memory_space<vmem>>, vector<16xf32>,
      %mul3A_1023 = arith.mulf %gather3A_136, %get3A_1022 : vector<16xf32>
      %add3A_1024 = arith.addf %add3A_1017, %mul3A_1023 : vector<16xf32>
      %swap3A_1025 = arith.index_cast %add3A_122 : i32 to index
      %swap3A_1026 = arith.constant 736 : index
      %swap3A_1027 = tpu.vector_load %arg14[%swap3A_1025, %swap3A_1026] {strides = array<i32>} : memref<16x768xf32, #tpu.memory_space<vmem>>, vector<16xf32>,
      tpu.vector_store %arg14[%swap3A_1025, %swap3A_1026], %add3A_1024 {strides = array<i32>} : memref<16x768xf32, #tpu.memory_space<vmem>>, vector<16xf32>,
      %broadcast_in_dim3A_1028 = arith.constant 0.000000e+00 : f32
      %broadcast_in_dim3A_1029 = vector.broadcast %broadcast_in_dim3A_1028 : f32 to vector<16xf32>
      %add3A_1030 = arith.constant 0 : i32
      %add3A_1031 = arith.addi %add3A_1030, %add3A_122 : i32
      %get3A_1032 = arith.index_cast %add3A_1031 : i32 to index
      %get3A_1033 = arith.constant 752 : index
      %get3A_1034 = tpu.vector_load %arg10[%get3A_1032, %get3A_1033] {strides = array<i32>} : memref<32x768xf32, #tpu.memory_space<vmem>>, vector<16xf32>,
      %mul3A_1035 = arith.mulf %gather3A, %get3A_1034 : vector<16xf32>
      %add3A_1036 = arith.addf %broadcast_in_dim3A_1029, %mul3A_1035 : vector<16xf32>
      %add3A_1037 = arith.constant 16 : i32
      %add3A_1038 = arith.addi %add3A_1037, %add3A_122 : i32
      %get3A_1039 = arith.index_cast %add3A_1038 : i32 to index
      %get3A_1040 = arith.constant 752 : index
      %get3A_1041 = tpu.vector_load %arg10[%get3A_1039, %get3A_1040] {strides = array<i32>} : memref<32x768xf32, #tpu.memory_space<vmem>>, vector<16xf32>,
      %mul3A_1042 = arith.mulf %gather3A_136, %get3A_1041 : vector<16xf32>
      %add3A_1043 = arith.addf %add3A_1036, %mul3A_1042 : vector<16xf32>
      %swap3A_1044 = arith.index_cast %add3A_122 : i32 to index
      %swap3A_1045 = arith.constant 752 : index
      %swap3A_1046 = tpu.vector_load %arg14[%swap3A_1044, %swap3A_1045] {strides = array<i32>} : memref<16x768xf32, #tpu.memory_space<vmem>>, vector<16xf32>,
      tpu.vector_store %arg14[%swap3A_1044, %swap3A_1045], %add3A_1043 {strides = array<i32>} : memref<16x768xf32, #tpu.memory_space<vmem>>, vector<16xf32>,
    }
    %scan3A_103 = arith.constant 16 : i32
    %add3A_104 = arith.constant 48 : i32
    %add3A_105 = arith.addi %mul3A_2, %add3A_104 : i32
    %dma_start3A_106 = arith.constant 0 : i32
    %dma_start3A_107 = tpu.memref_slice %arg5[%add3A_105, %dma_start3A_106] : memref<2048x768xf32, #tpu.memory_space<hbm>> -> memref<16x768xf32, #tpu.memory_space<hbm>>
    %dma_start3A_108 = arith.constant 0 : i32
    %dma_start3A_109 = tpu.memref_slice %arg5[%add3A_105, %dma_start3A_108] : memref<2048x768xf32, #tpu.memory_space<hbm>> -> memref<16x768xf32, #tpu.memory_space<hbm>>
    tpu.enqueue_dma source(%arg14 : memref<16x768xf32, #tpu.memory_space<vmem>>) target(%dma_start3A_109 : memref<16x768xf32, #tpu.memory_space<hbm>>) target_semaphore(%arg16 : memref<!tpu.dma_semaphore, #tpu.memory_space<semaphore_mem>>)
    %dma_wait3A_110 = arith.constant 0 : i32
    %dma_wait3A_111 = tpu.memref_slice %arg5[%add3A_87, %dma_wait3A_110] : memref<2048x768xf32, #tpu.memory_space<hbm>> -> memref<16x768xf32, #tpu.memory_space<hbm>>
    %dma_wait3A_112 = arith.constant 0 : i32
    %dma_wait3A_113 = tpu.memref_slice %arg5[%add3A_87, %dma_wait3A_112] : memref<2048x768xf32, #tpu.memory_space<hbm>> -> memref<16x768xf32, #tpu.memory_space<hbm>>
    tpu.wait_dma2 semaphore(%arg16 : memref<!tpu.dma_semaphore, #tpu.memory_space<semaphore_mem>>) src(%arg13 : memref<16x768xf32, #tpu.memory_space<vmem>>) dst(%dma_wait3A_113 : memref<16x768xf32, #tpu.memory_space<hbm>>)
    %dma_wait3A_114 = arith.constant 0 : i32
    %dma_wait3A_115 = tpu.memref_slice %arg5[%add3A_105, %dma_wait3A_114] : memref<2048x768xf32, #tpu.memory_space<hbm>> -> memref<16x768xf32, #tpu.memory_space<hbm>>
    %dma_wait3A_116 = arith.constant 0 : i32
    %dma_wait3A_117 = tpu.memref_slice %arg5[%add3A_105, %dma_wait3A_116] : memref<2048x768xf32, #tpu.memory_space<hbm>> -> memref<16x768xf32, #tpu.memory_space<hbm>>
    tpu.wait_dma2 semaphore(%arg16 : memref<!tpu.dma_semaphore, #tpu.memory_space<semaphore_mem>>) src(%arg14 : memref<16x768xf32, #tpu.memory_space<vmem>>) dst(%dma_wait3A_117 : memref<16x768xf32, #tpu.memory_space<hbm>>)
    return
  }
}

module attributes {stable_mosaic.version = 14 : i64} {
  func.func @body(%arg0: i32, %arg1: memref<4x23xi32, #tpu.memory_space<smem>>, %arg2: memref<256x768xf32, #tpu.memory_space<vmem>>, %arg3: memref<1x768x768xf32, #tpu.memory_space<vmem>>, %arg4: memref<256x768xf32, #tpu.memory_space<vmem>>) attributes {dimension_semantics = [#tpu.dimension_semantics<arbitrary>], iteration_bounds = array<i64: 23>, scalar_prefetch = 1 : i64, scratch_operands = 0 : i64, tpu.core_type = #tpu.core_type<tc>, window_params = [{transform_indices = @transform_0, window_bounds = array<i64: 256, 768>}, {transform_indices = @transform_1, window_bounds = array<i64: 1, 768, 768>}, {transform_indices = @transform_2, window_bounds = array<i64: 256, 768>}]} {
    %get3A = arith.constant 2 : index
    %get3A_0 = arith.index_cast %arg0 : i32 to index
    %get3A_1 = memref.load %arg1[%get3A, %get3A_0] : memref<4x23xi32, #tpu.memory_space<smem>>
    %get3A_2 = arith.constant 3 : index
    %get3A_3 = arith.index_cast %arg0 : i32 to index
    %get3A_4 = memref.load %arg1[%get3A_2, %get3A_3] : memref<4x23xi32, #tpu.memory_space<smem>>
    %iota3A = tpu.iota {dimensions = array<i32: 0>} : vector<256x1xi32>
    %ge3A = vector.broadcast %get3A_1 : i32 to vector<256x1xi32>
    %ge3A_5 = arith.cmpi sge, %iota3A, %ge3A : vector<256x1xi32>
    %lt3A = vector.broadcast %get3A_4 : i32 to vector<256x1xi32>
    %lt3A_6 = arith.cmpi slt, %iota3A, %lt3A : vector<256x1xi32>
    %and3A = arith.andi %ge3A_5, %lt3A_6 : vector<256x1xi1>
    %get3A_7 = arith.constant 0 : index
    %get3A_8 = arith.constant 0 : index
    %get3A_9 = vector.load %arg2[%get3A_7, %get3A_8] : memref<256x768xf32, #tpu.memory_space<vmem>>, vector<256x768xf32>
    %jit3A = arith.constant 0.000000e+00 : f32
    %broadcast_in_dim3A = vector.shape_cast %and3A : vector<256x1xi1> to vector<256x1xi1>
    %broadcast_in_dim3A_10 = vector.broadcast %broadcast_in_dim3A : vector<256x1xi1> to vector<256x768xi1>
    %broadcast_in_dim3A_11 = vector.broadcast %jit3A : f32 to vector<256x768xf32>
    %select_n3A = arith.select %broadcast_in_dim3A_10, %get3A_9, %broadcast_in_dim3A_11 : vector<256x768xi1>, vector<256x768xf32>
    %get3A_12 = arith.constant 0 : index
    %get3A_13 = arith.constant 0 : index
    %get3A_14 = arith.constant 0 : index
    %get3A_15 = vector.load %arg3[%get3A_12, %get3A_13, %get3A_14] : memref<1x768x768xf32, #tpu.memory_space<vmem>>, vector<1x768x768xf32>
    %get3A_16 = vector.shape_cast %get3A_15 : vector<1x768x768xf32> to vector<768x768xf32>
    %dot_general3A = arith.constant dense<0.000000e+00> : vector<256x768xf32>
    %dot_general3A_17 = tpu.matmul %select_n3A, %get3A_16, %dot_general3A {dimension_numbers = #tpu.dot_dimension_numbers<[1], [0], [0], [1], [0, 0, 1, 1], [], []>, transpose_lhs_hint = false} : vector<256x768xf32>, vector<768x768xf32>, vector<256x768xf32> -> vector<256x768xf32>
    %eq3A = arith.constant 0 : i32
    %eq3A_18 = arith.cmpi eq, %arg0, %eq3A : i32
    %get3A_19 = arith.constant 0 : index
    %get3A_20 = arith.index_cast %arg0 : i32 to index
    %get3A_21 = memref.load %arg1[%get3A_19, %get3A_20] : memref<4x23xi32, #tpu.memory_space<smem>>
    %sub3A = arith.constant 1 : i32
    %sub3A_22 = arith.subi %arg0, %sub3A : i32
    %max3A = arith.constant 0 : i32
    %max3A_23 = arith.maxsi %sub3A_22, %max3A : i32
    %get3A_24 = arith.constant 0 : index
    %get3A_25 = arith.index_cast %max3A_23 : i32 to index
    %get3A_26 = memref.load %arg1[%get3A_24, %get3A_25] : memref<4x23xi32, #tpu.memory_space<smem>>
    %ne3A = arith.cmpi ne, %get3A_21, %get3A_26 : i32
    %or3A = arith.ori %eq3A_18, %ne3A : i1
    %convert_element_type3A = arith.extui %or3A : i1 to i32
    %cond3A = arith.constant 0 : i32
    %cond3A_27 = arith.cmpi ne, %convert_element_type3A, %cond3A : i32
    scf.if %cond3A_27 {
      %swap3A = arith.constant 0 : index
      %swap3A_32 = arith.constant 0 : index
      %swap3A_33 = vector.load %arg4[%swap3A, %swap3A_32] : memref<256x768xf32, #tpu.memory_space<vmem>>, vector<256x768xf32>
      tpu.vector_store %arg4[%swap3A, %swap3A_32], %dot_general3A_17 {strides = array<i32>} : memref<256x768xf32, #tpu.memory_space<vmem>>, vector<256x768xf32>,
    } else {
    }
    %not3A = arith.constant true
    %not3A_28 = arith.xori %or3A, %not3A : i1
    %convert_element_type3A_29 = arith.extui %not3A_28 : i1 to i32
    %cond3A_30 = arith.constant 0 : i32
    %cond3A_31 = arith.cmpi ne, %convert_element_type3A_29, %cond3A_30 : i32
    scf.if %cond3A_31 {
      %get3A_32 = arith.constant 0 : index
      %get3A_33 = arith.constant 0 : index
      %get3A_34 = vector.load %arg4[%get3A_32, %get3A_33] : memref<256x768xf32, #tpu.memory_space<vmem>>, vector<256x768xf32>
      %add3A = arith.addf %get3A_34, %dot_general3A_17 : vector<256x768xf32>
      %swap3A = arith.constant 0 : index
      %swap3A_35 = arith.constant 0 : index
      %swap3A_36 = vector.load %arg4[%swap3A, %swap3A_35] : memref<256x768xf32, #tpu.memory_space<vmem>>, vector<256x768xf32>
      tpu.vector_store %arg4[%swap3A, %swap3A_35], %add3A {strides = array<i32>} : memref<256x768xf32, #tpu.memory_space<vmem>>, vector<256x768xf32>,
    } else {
    }
    return
  }
  func.func @transform_0(%arg0: i32, %arg1: memref<4x23xi32, #tpu.memory_space<smem>>) -> (i32, i32) {
    %get3A = arith.constant 0 : index
    %get3A_0 = arith.index_cast %arg0 : i32 to index
    %get3A_1 = memref.load %arg1[%get3A, %get3A_0] : memref<4x23xi32, #tpu.memory_space<smem>>
    %c0_i32 = arith.constant 0 : i32
    %c0_i32_2 = arith.constant 0 : i32
    return %get3A_1, %c0_i32 : i32, i32
  }
  func.func @transform_1(%arg0: i32, %arg1: memref<4x23xi32, #tpu.memory_space<smem>>) -> (i32, i32, i32) {
    %get3A = arith.constant 1 : index
    %get3A_0 = arith.index_cast %arg0 : i32 to index
    %get3A_1 = memref.load %arg1[%get3A, %get3A_0] : memref<4x23xi32, #tpu.memory_space<smem>>
    %c0_i32 = arith.constant 0 : i32
    %c0_i32_2 = arith.constant 0 : i32
    %c0_i32_3 = arith.constant 0 : i32
    return %get3A_1, %c0_i32, %c0_i32_2 : i32, i32, i32
  }
  func.func @transform_2(%arg0: i32, %arg1: memref<4x23xi32, #tpu.memory_space<smem>>) -> (i32, i32) {
    %get3A = arith.constant 0 : index
    %get3A_0 = arith.index_cast %arg0 : i32 to index
    %get3A_1 = memref.load %arg1[%get3A, %get3A_0] : memref<4x23xi32, #tpu.memory_space<smem>>
    %c0_i32 = arith.constant 0 : i32
    %c0_i32_2 = arith.constant 0 : i32
    return %get3A_1, %c0_i32 : i32, i32
  }
}

</mosaic_0001>

<sc_bundles>
// kernel: kernel.5.cloned.1.call-start
scs
__scs_entry_jumppad:
0x0: {  	(pc) =	sbr.rel $0x88, $3  }
0x1: {  	(tag) =	ssettag $0x0;
	lr =	simm.s32 $0x1  }
0x2: {  	[smem:$0x3F9C] =	sst lr;
	_ =	strace $0xD0000000  }
0x3: {  	_ = 	snop  }
0x4: {  	_ = 	snop  }
0x5: {  	_ = 	snop  }
0x6: {  	_ = 	snop  }
0x7: {  	_ = 	snop  }
__scs_overlays_trampoline_lowered:
0x8: {  	[smem:$0x3FAB] =	sst s0  }
0x9: {  	[smem:$0x3FAC] =	sst s1  }
0xa: {  	[smem:$0x3FAD] =	sst s2  }
0xb: {  	[smem:$0x3FAE] =	sst s3  }
0xc: {  	[smem:$0x3FAF] =	sst s4  }
0xd: {  	[smem:$0x3FB0] =	sst s5  }
0xe: {  	[smem:$0x3FB1] =	sst s6  }
0xf: {  	[smem:$0x3FB2] =	sst s7  }
0x10: {  	[smem:$0x3FB3] =	sst s8  }
0x11: {  	[smem:$0x3FB4] =	sst s9;
	s0 =	simm.s32 @!p0 $0x0  }
0x12: {  	s1 =	sld [smem:$0x3F9A];
	s0 =	simm.s32 @p0 $0x1  }
0x13: {  	[smem:$0x3FB5] =	sst s0;
	s0 =	simm.s32 @!p1 $0x0  }
0x14: {  	s2 =	sld [smem:$0x3F99];
	s0 =	simm.s32 @p1 $0x1  }
0x15: {  	[smem:$0x3FB6] =	sst s0;
	s0 =	simm.s32 @!p2 $0x0  }
0x16: {  	s3 =	sld [smem:$0x3FDB];
	s0 =	simm.s32 @p2 $0x1  }
0x17: {  	s4 =	simm.s32 $0x1BF5;
	[smem:$0x3FB8] =	sst s0  }
0x18: {  	s0 =	sld [smem:$0x3F9B];
	_ =	swait.ge [sflag:s4], $0x0  }
0x19: {  	s7 =	sld [smem:$0x3F9C]  }
0x1a: {  	s8 =	sadd.s32 $0xFFFFE003, lr  }
0x1b: {  	s9 =	sadd.s32 $0xFFFFFEF7, lr;
	s5 =	simm.s32 $0xFFFFFFFF;
	p2 =	slt.u32 s8, $0xFFFFF086  }
0x1c: {  	p1 =	slt.u32 s9, $0xF7A;
	s5 =	simm.s32 @!p2 $0x0  }
0x1d: {  	s5 =	simm.s32 @p1 $0x1;
	p0 =	seq.s32 s7, s2  }
0x1e: {  	s7 =	smul.u32 @!p0 $0xF7A, s2;
	p2 =	seq.s32 @!p0 s5, $0x0  }
0x1f: {  	s9 =	smul.u32 $0xF7A, s1;
	s8 =	simm.s32 @!p0 $0x1BF5;
	p2 =	por !p2, p0  }
0x20: {  	[sflag:s8] =	ssyncset.s32 @!p0 $0xFFFFF086;
	s6 =	sadd.s32 @!p0 s3, s7;
	s7 =	simm.s32 @!p0 $0x108  }
0x21: {  	s3 =	sadd.s32 s3, s9;
	s6 =	sadd.s32 @!p0 $0x88, s6;
	s7 =	simm.s32 @p2 $0x1082  }
0x22: {  	[simem:s7], [sflag:s8] =	dma.local @!p0 [hbm:s6], $0xF7A  }
0x23: {  	s9 =	sor.u32 $0xD0000000, s2;
	s6 =	simm.s32 $0x108;
	_ =	swait.ge @!p0 [sflag:s8], $0x0  }
0x24: {  	s3 =	sadd.s32 $0x88, s3;
	s6 =	simm.s32 @!p1 $0x1082;
	[sflag:s4] =	ssyncset.s32 $0xFFFFF086  }
0x25: {  	[simem:s6], [sflag:s4] =	dma.local [hbm:s3], $0xF7A  }
0x26: {  	[smem:$0x3F9C] =	sst s1;
	(tag) =	ssettag s2;
	_ =	strace s9  }
0x27: {  	s1 =	sld [smem:$0x3FAC]  }
0x28: {  	s2 =	sld [smem:$0x3FAD]  }
0x29: {  	s4 =	sld [smem:$0x3FAF]  }
0x2a: {  	p0 =	seq.s32 s5, $0x0;
	s5 =	sld [smem:$0x3FB0]  }
0x2b: {  	s6 =	sld [smem:$0x3FB1]  }
0x2c: {  	s7 =	sld [smem:$0x3FB2]  }
0x2d: {  	s3 =	simm.s32 $0x108;
	s8 =	sld [smem:$0x3FB3]  }
0x2e: {  	s3 =	simm.s32 @!p0 $0x1082;
	s9 =	sld [smem:$0x3FB4]  }
0x2f: {  	lr =	sadd.s32 s0, s3;
	s0 =	sld [smem:$0x3FAB]  }
0x30: {  	s3 =	sld [smem:$0x3FAE]  }
0x31: {  	[smem:$0x3FB7] =	sst s10  }
0x32: {  	s10 =	sld [smem:$0x3FB5];
	_ =	sdelay $0x3  }
0x33: {  	p0 =	seq.s32 s10, $0x1;
	s10 =	sld [smem:$0x3FB7];
	_ =	sdelay $0x3  }
0x34: {  	[smem:$0x3FB7] =	sst s10  }
0x35: {  	s10 =	sld [smem:$0x3FB6];
	_ =	sdelay $0x3  }
0x36: {  	p1 =	seq.s32 s10, $0x1;
	s10 =	sld [smem:$0x3FB7];
	_ =	sdelay $0x3  }
0x37: {  	[smem:$0x3FB7] =	sst s10  }
0x38: {  	s10 =	sld [smem:$0x3FB8]  }
0x39: {  	_ = 	snop;
	(pc) =	sbr.ind lr, $3  }
0x3a: {  	_ = 	snop  }
0x3b: {  	_ = 	snop  }
0x3c: {  	p2 =	seq.s32 s10, $0x1;
	s10 =	sld [smem:$0x3FB7]  }
0x3d: {  	_ =	shalt  }
0x3e: {  	_ =	shalt  }
0x3f: {  	_ =	shalt  }
0x40: {  	_ =	shalt  }
0x41: {  	_ =	shalt  }
0x42: {  	_ =	shalt  }
0x43: {  	_ =	shalt  }
0x44: {  	_ =	shalt  }
0x45: {  	_ =	shalt  }
0x46: {  	_ =	shalt  }
0x47: {  	_ =	shalt  }
0x48: {  	_ =	shalt  }
0x49: {  	_ =	shalt  }
0x4a: {  	_ =	shalt  }
0x4b: {  	_ =	shalt  }
0x4c: {  	_ =	shalt  }
0x4d: {  	_ =	shalt  }
0x4e: {  	_ =	shalt  }
0x4f: {  	_ =	shalt  }
0x50: {  	_ =	shalt  }
0x51: {  	_ =	shalt  }
0x52: {  	_ =	shalt  }
0x53: {  	_ =	shalt  }
0x54: {  	_ =	shalt  }
0x55: {  	_ =	shalt  }
0x56: {  	_ =	shalt  }
0x57: {  	_ =	shalt  }
0x58: {  	_ =	shalt  }
0x59: {  	_ =	shalt  }
0x5a: {  	_ =	shalt  }
0x5b: {  	_ =	shalt  }
0x5c: {  	_ =	shalt  }
0x5d: {  	_ =	shalt  }
0x5e: {  	_ =	shalt  }
0x5f: {  	_ =	shalt  }
0x60: {  	_ =	shalt  }
0x61: {  	_ =	shalt  }
0x62: {  	_ =	shalt  }
0x63: {  	_ =	shalt  }
0x64: {  	_ =	shalt  }
0x65: {  	_ =	shalt  }
0x66: {  	_ =	shalt  }
0x67: {  	_ =	shalt  }
0x68: {  	_ =	shalt  }
0x69: {  	_ =	shalt  }
0x6a: {  	_ =	shalt  }
0x6b: {  	_ =	shalt  }
0x6c: {  	_ =	shalt  }
0x6d: {  	_ =	shalt  }
0x6e: {  	_ =	shalt  }
0x6f: {  	_ =	shalt  }
0x70: {  	_ =	shalt  }
0x71: {  	_ =	shalt  }
0x72: {  	_ =	shalt  }
0x73: {  	_ =	shalt  }
0x74: {  	_ =	shalt  }
0x75: {  	_ =	shalt  }
0x76: {  	_ =	shalt  }
0x77: {  	_ =	shalt  }
0x78: {  	_ =	shalt  }
0x79: {  	_ =	shalt  }
0x7a: {  	_ =	shalt  }
0x7b: {  	_ =	shalt  }
0x7c: {  	_ =	shalt  }
0x7d: {  	_ =	shalt  }
0x7e: {  	_ =	shalt  }
0x7f: {  	_ =	shalt  }
0x80: {  	_ =	shalt  }
0x81: {  	_ =	shalt  }
0x82: {  	_ =	shalt  }
0x83: {  	_ =	shalt  }
0x84: {  	_ =	shalt  }
0x85: {  	_ =	shalt  }
0x86: {  	_ =	shalt  }
0x87: {  	_ =	shalt  }
.Lfunc_end0:
.L_simem_size_0:
called_computation_lowered:
.L_overlay_start_0:
0x88: {  	s2 =	sld [smem:$0x3FD9]  }
0x89: {  	s3 =	sld [smem:$0x3FFE];
	_ =	sdelay $0x1  }
0x8a: {  	s1 =	srdreg.scid  }
0x8b: {  	s0 =	sand.u32 $0x1, s1  }
0x8c: {  	s17 =	sshll.u32 s0, $0xA;
	s2 =	sadd.s32 s3, s2  }
0x8d: {  	s2 =	sadd.s32 s2, s17  }
0x8e: {  	[smem:$0x3FC3] =	sst s2  }
0x8f: {  	_ = 	snop  }
0x90: {  	s2 =	sld [smem:$0x3FC9]  }
0x91: {  	s18 =	sld [smem:$0x3FC7];
	(tm) =	ssettm $0x1  }
0x92: {  	s4 =	sld [smem:$0x3FFB];
	_ =	sdelay $0x3  }
0x93: {  	_ =	strace s4  }
0x94: {  	s4 =	sld [smem:$0x3FFC];
	_ =	sdelay $0x3  }
0x95: {  	_ =	strace s4  }
0x96: {  	s4 =	sld [smem:$0x3FFD];
	_ =	sdelay $0x3  }
0x97: {  	_ =	strace s4  }
0x98: {  	_ =	strace $0x8FFFFFFF  }
0x99: {  	s19 =	sld [smem:$0x3FDB];
	_ =	sdelay $0x1  }
0x9a: {  	s5 =	simm.s32 $_scs_section_size  }
0x9b: {  	s6 =	simm.s32 $_size__tile_overlayer_lowered;
	s7 =	simm.s32 $_tile_overlayer_lowered  }
0x9c: {  	s22 =	simm.s32 $0x1BFF;
	s21 =	sshll.u32 s7, $0x1;
	s4 =	sadd.s32 s5, s19  }
0x9d: {  	s8 =	simm.s32 $0x0;
	s20 =	sshll.u32 s6, $0x1;
	s6 =	sadd.s32 s21, s4  }
0x9e: {  	[timem:s8], [sflag:s22] =	dma.local [hbm:s6], s20  }
0x9f: {  	_ =	swait.ge [sflag:s22], s20  }
0xa0: {  	s5 =	ssub.s32 $0x0, s20;
	[sflag:s22] =	ssyncset.done $0x0  }
0xa1: {  	[sflag:s22] =	ssyncadd.s32 s5;
	_ =	sdelay $0x1  }
0xa2: {  	s23 =	simm.s32 $0x1B8B  }
0xa3: {  	_ =	swait.ge [sflag:s23], $0x1  }
0xa4: {  	[sflag:s23] =	ssyncset.done $0x0  }
0xa5: {  	s25 =	simm.s32 $0x1B8E;
	s24 =	sld [smem:$0x3FFE];
	[sflag:s23] =	ssyncadd.s32 $0xFFFFFFFF  }
0xa6: {  	s26 =	simm.s32 $execute0_lowered;
	[smem:$0x3FD2] =	sst s25  }
0xa7: {  	s6 =	sshll.u32 s26, $0x1;
	_ =	strace $0x80000046;
	[dreg:$0x1] =	wrdreg $0xFFFFFFFF  }
0xa8: {  	s28 =	simm.s32 $_size_execute0_lowered;
	s4 =	sadd.s32 s4, s6;
	[dreg:$0x0] =	wrdreg $0x0  }
0xa9: {  	s6 =	sshll.u32 s28, $0x1;
	[dreg:$0x2] =	wrdreg s4  }
0xaa: {  	[dreg:$0x3] =	wrdreg s6  }
0xab: {  	[dreg:$0x4] =	wrdreg $0xC0  }
0xac: {  	_ =	task [dreg:s8], $0x5FFFF  }
0xad: {  	[dreg:$0x1] =	wrdreg $0xFFFFFFFF  }
0xae: {  	[dreg:$0x0] =	wrdreg $0x60  }
0xaf: {  	[dreg:$0x2] =	wrdreg s18  }
0xb0: {  	[dreg:$0x3] =	wrdreg s2  }
0xb1: {  	[dreg:$0x4] =	wrdreg s24  }
0xb2: {  	[dreg:$0x5] =	wrdreg $0x9  }
0xb3: {  	_ =	task.clear_ibuf [dreg:s8], $0x6FFFF;
	_ =	strace $0x90000046  }
0xb4: {  	s29 =	simm.s32 $0x9;
	_ =	strace $0x80000048  }
0xb5: {  	_ =	swait.ge [sflag:s29], $0x1  }
0xb6: {  	[sflag:s29] =	ssyncadd.s32 $0xFFFFFFFF  }
0xb7: {  	_ =	strace $0x90000048  }
0xb8: {  	_ =	sfence  }
0xb9: {  	s30 =	sld [smem:$0x0];
	_ =	sdelay $0x2  }
0xba: {  	s31 =	sshll.u32 s1, $0xD;
	s1 =	sshrl.u32 s1, $0x2  }
0xbb: {  	s3 =	sand.u32 $0x4000, s31;
	s1 =	sadd.s32 s1, s30  }
0xbc: {  	s0 =	sor.u32 s3, s0;
	s1 =	sshll.u32 s1, $0x11  }
0xbd: {  	s0 =	sor.u32 s1, s0  }
0xbe: {  	s0 =	sadd.s32 $0x8F2B, s0  }
0xbf: {  	[sflag:s0] =	ssyncadd.remote.s32 $0x1  }
0xc0: {  	_ =	sfence.sel $0xFFFF  }
0xc1: {  	[dreg:$0x0] =	wrdreg $0xFFFFFFFF;
	(pc) =	sbr.abs _section_cstart, $3  }
0xc2: {  	[dreg:$0x1] =	wrdreg $0xFFFFFFFF  }
0xc3: {  	_ =	task.clear_ibuf [dreg:s8], $0x2FFFF;
	_ =	strace $0x9FFFFFFF  }
0xc4: {  	(tm) =	ssettm $0x7FFFFFFF  }
0xc5: {  	_ =	shalt  }
tec
execute0_lowered:
.L_overlay_start_1:
0x0: {  	(tag) =	ssettag $0x1  }
0x1: {  	s0 =	rddreg [dreg:$0x1]  }
0x2: {  	s1 =	rddreg [dreg:$0x2]  }
0x3: {  	s3 =	simm.s32 $0x0;
	s2 =	srdreg.scid;
	s4 =	stileid.u32  }
0x4: {  	s13 =	simm.s32 $0x1000;
	s15 =	simm.s32 $0x1;
	s16 =	simm.s32 $0x0  }
0x5: {  	s21 =	simm.s32 $0x3900;
	s22 =	simm.s32 $0x4100;
	s23 =	simm.s32 $0x4900  }
0x6: {  	s28 =	simm.s32 $0x6900;
	s29 =	simm.s32 $0x7100;
	s30 =	simm.s32 $0x7900  }
0x7: {  	s31 =	simm.s32 $0x8100;
	s12 =	simm.s32 $0x1100;
	s14 =	simm.s32 $0xA100  }
0x8: {  	s10 =	simm.s32 $0xC100;
	s11 =	simm.s32 $0xC900;
	[smem:$0x7FF] =	sst s3  }
0x9: {  	s2 =	sand.u32 $0x1, s2;
	s4 =	sshll.u32 s4, $0x1;
	s9 =	sadd.s32 $0x1800, s1  }
0xa: {  	_ =	strace $0x80000047;
	s5 =	sor.u32 s2, s4;
	s2 =	ssub.s32 $0x2, s2  }
0xb: {  	s4 =	sadd.s32 $0x1600, s1;
	s6 =	sshll.u32 s5, $0x3;
	s8 =	smul.u32 $0x1800, s5  }
0xc: {  	s7 =	sshrl.u32 s2, $0x1;
	s5 =	sshll.u32 s5, $0x7;
	s6 =	sadd.s32 s6, s1  }
0xd: {  	s2 =	ssub.s32 s2, s7;
	v0 =	vmov s5;
	s5 =	simm.s32 $0xA900;
	s0 =	sadd.s32 s0, s8  }
0xe: {  	s7 =	simm.s32 $0xB900;
	s24 =	sadd.s32 $0x61600, s6;
	[dreg:$0x4] =	wrdreg s0  }
0xf: {  	s25 =	sadd.s32 $0x61700, s6;
	s8 =	sadd.s32 $0x1700, s1;
	[dreg:$0x5] =	wrdreg s24  }
0x10: {  	v1 =	vlaneseq.u32;
	v2 =	vimm.s32 $0x0;
	s26 =	smax.u32 s2, $0x1;
	s2 =	simm.s32 $0x9100;
	[dreg:$0x6] =	wrdreg s25  }
0x11: {  	v3 =	vimm.s32 $0xFFFFFFFE;
	vm0 =	vmmov $0xffff;
	v5 =	vshrl.u32 v1, $0x3;
	s6 =	simm.s32 $0xB100;
	[dreg:$0x7] =	wrdreg s26;
	s0 =	simm.s32 $0x1100  }
0x12: {  	v4 =	vand.u32 $0x7, v1;
	v6 =	vor.u32 $0x8, v1;
	v5 =	vmul.u32 $0x8, v5;
	s24 =	simm.s32 $0x5100;
	s25 =	simm.s32 $0x5900;
	s26 =	simm.s32 $0x6100  }
.LBB2_1:
0x13: {  	s17 =	rddreg [dreg:$0x4]  }
0x14: {  	[tilespmem:s0], [sflag:$0x1] =	stream.linear.gather [hbm4b:s17+s3], $0xC000, $0x38;
	[tilespmem:$0xD100] =	vst v63  }
0x15: {  	s20 =	rddreg [dreg:$0x0];
	s1 =	simm.s32 $0x2  }
0x16: {  	[tilespmem:s3], [sflag:$0x2] =	stream.linear.gather [hbm4b:s20+s3], $0x1000, $0x38;
	[tilespmem:$0xD100] =	vst v63  }
0x17: {  	_ =	swait.ge [sflag:s1], $0x1000  }
0x18: {  	s18 =	simm.s32 $0x20;
	[sflag:s1] =	ssyncset.done $0x0  }
0x19: {  	s19 =	simm.s32 $0x0;
	s17 =	simm.s32 $0xFFFFFFFC;
	[sflag:s1] =	ssyncadd.s32 $0xFFFFF000  }
.LBB2_2:
0x1a: {  	v7 =	vld [tilespmem:s18+$0xFFFFFFE0];
	_ =	sdelay $0x4  }
0x1b: {  	v7 =	vsub.s32 v7, v0  }
0x1c: {  	vm1 =	vlt.u32 v7, $0x80  }
0x1d: {  	v7 =	vnsel vm1, $0x0, v7  }
0x1e: {  	v8 =	vshrl.u32 v7, $0x1F  }
0x1f: {  	v8 =	vadd.s32 v8, v7  }
0x20: {  	v8 =	vshra.s32 v8, $0x1  }
0x21: {  	v9 =	vshll.u32 v8, $0x1  }
0x22: {  	vm3 =	vlt.s32 v7, $0x1;
	vm2 =	vne.s32 v7, v9  }
0x23: {  	vm2 =	vmand vm3, vm2  }
0x24: {  	v7 =	vsub.s32 v7, v9;
	v57 =	vsel vm2, $0xFFFFFFFF, v2  }
0x25: {  	v7 =	vshll.u32 v7, $0x7;
	v8 =	vadd.s32 v57, v8  }
0x26: {  	v7 =	vand.u32 $0x80, v7;
	v9 =	vand.u32 $0xFFFFFF80, v8  }
0x27: {  	v8 =	vand.u32 $0x7F, v8;
	v7 =	vadd.s32 v7, v9  }
0x28: {  	v7 =	vor.u32 v8, v7;
	_ =	sdelay $0x3  }
0x29: {  	v8 =	vor.u32 s19, v1  }
0x2a: {  	[tilespmem:v7+s13+$0x0] =	vst.idx.msk vm1, v8  }
0x2b: {  	v7 =	vld [tilespmem:s18+$0xFFFFFFF0];
	_ =	sdelay $0x4  }
0x2c: {  	v7 =	vsub.s32 v7, v0  }
0x2d: {  	vm1 =	vlt.u32 v7, $0x80  }
0x2e: {  	v7 =	vnsel vm1, $0x0, v7  }
0x2f: {  	v8 =	vshrl.u32 v7, $0x1F  }
0x30: {  	v8 =	vadd.s32 v8, v7  }
0x31: {  	v58 =	vand.u32 $0xFFFFFFFE, v8  }
0x32: {  	vm3 =	vlt.s32 v7, $0x1;
	vm2 =	vne.s32 v7, v58  }
0x33: {  	vm2 =	vmand vm3, vm2  }
0x34: {  	v8 =	vshra.s32 v8, $0x1;
	v7 =	vsub.s32 v7, v3;
	v59 =	vsel vm2, $0xFFFFFFFF, v2  }
0x35: {  	v7 =	vshll.u32 v7, $0x7;
	v8 =	vadd.s32 v59, v8  }
0x36: {  	v7 =	vand.u32 $0x80, v7;
	v9 =	vand.u32 $0xFFFFFF80, v8  }
0x37: {  	v8 =	vand.u32 $0x7F, v8;
	v7 =	vadd.s32 v7, v9  }
0x38: {  	v7 =	vor.u32 v8, v7;
	_ =	sdelay $0x2  }
0x39: {  	s20 =	sadd.s32 $0x10, s19  }
0x3a: {  	v8 =	vor.u32 s20, v1  }
0x3b: {  	[tilespmem:v7+s13+$0x0] =	vst.idx.msk vm1, v8  }
0x3c: {  	v7 =	vld [tilespmem:s18+$0x0];
	_ =	sdelay $0x4  }
0x3d: {  	v7 =	vsub.s32 v7, v0  }
0x3e: {  	vm1 =	vlt.u32 v7, $0x80  }
0x3f: {  	v7 =	vnsel vm1, $0x0, v7  }
0x40: {  	v8 =	vshrl.u32 v7, $0x1F  }
0x41: {  	v8 =	vadd.s32 v8, v7  }
0x42: {  	v60 =	vand.u32 $0xFFFFFFFE, v8  }
0x43: {  	vm3 =	vlt.s32 v7, $0x1;
	vm2 =	vne.s32 v7, v60  }
0x44: {  	vm2 =	vmand vm3, vm2  }
0x45: {  	v8 =	vshra.s32 v8, $0x1;
	v7 =	vsub.s32 v7, v3;
	v61 =	vsel vm2, $0xFFFFFFFF, v2  }
0x46: {  	v7 =	vshll.u32 v7, $0x7;
	v8 =	vadd.s32 v61, v8  }
0x47: {  	v7 =	vand.u32 $0x80, v7;
	v9 =	vand.u32 $0xFFFFFF80, v8  }
0x48: {  	v8 =	vand.u32 $0x7F, v8;
	v7 =	vadd.s32 v7, v9  }
0x49: {  	v7 =	vor.u32 v8, v7;
	_ =	sdelay $0x2  }
0x4a: {  	s1 =	sadd.s32 $0x20, s19  }
0x4b: {  	v8 =	vor.u32 s1, v1  }
0x4c: {  	[tilespmem:v7+s13+$0x0] =	vst.idx.msk vm1, v8  }
0x4d: {  	v7 =	vld [tilespmem:s18+$0x10];
	_ =	sdelay $0x4  }
0x4e: {  	v7 =	vsub.s32 v7, v0  }
0x4f: {  	vm1 =	vlt.u32 v7, $0x80  }
0x50: {  	v7 =	vnsel vm1, $0x0, v7  }
0x51: {  	v8 =	vshrl.u32 v7, $0x1F  }
0x52: {  	v8 =	vadd.s32 v8, v7  }
0x53: {  	v62 =	vand.u32 $0xFFFFFFFE, v8  }
0x54: {  	vm3 =	vlt.s32 v7, $0x1;
	vm2 =	vne.s32 v7, v62  }
0x55: {  	vm2 =	vmand vm3, vm2  }
0x56: {  	v8 =	vshra.s32 v8, $0x1;
	v7 =	vsub.s32 v7, v3;
	v63 =	vsel vm2, $0xFFFFFFFF, v2  }
0x57: {  	v7 =	vshll.u32 v7, $0x7;
	v8 =	vadd.s32 v63, v8  }
0x58: {  	v7 =	vand.u32 $0x80, v7;
	v9 =	vand.u32 $0xFFFFFF80, v8  }
0x59: {  	s17 =	sadd.s32 $0x4, s17;
	v8 =	vand.u32 $0x7F, v8;
	v7 =	vadd.s32 v7, v9  }
0x5a: {  	p0 =	slt.u32 s17, $0xFC;
	v7 =	vor.u32 v8, v7  }
.Ltmp0:
0x5b: {  	_ = 	snop;
	(pc) =	sbr.rel @p0 .LBB2_2-.Ltmp0, $4  }
0x5c: {  	_ = 	snop  }
0x5d: {  	s1 =	sadd.s32 $0x30, s19  }
0x5e: {  	v8 =	vor.u32 s1, v1  }
0x5f: {  	s19 =	sadd.s32 $0x40, s19;
	s18 =	sadd.s32 $0x40, s18;
	[tilespmem:v7+s13+$0x0] =	vst.idx.msk vm1, v8  }
0x60: {  	s17 =	rddreg [dreg:$0x5]  }
0x61: {  	[hbm4b:s17+s3] =	stream.linear.scatter [tilespmem:s13], [sflag:$0x1], $0x40, $0x38;
	[tilespmem:$0xD100] =	vst v63  }
0x62: {  	s19 =	rddreg [dreg:$0x6];
	s18 =	simm.s32 $0x1080  }
0x63: {  	[hbm4b:s19+s3] =	stream.linear.scatter [tilespmem:s18], [sflag:$0x1], $0x40, $0x38;
	[tilespmem:$0xD100] =	vst v63  }
0x64: {  	_ =	swait.ge [sflag:s15], $0xC000  }
0x65: {  	[sflag:s15] =	ssyncset.done $0x0  }
0x66: {  	[sflag:s15] =	ssyncadd.s32 $0xFFFF4000  }
0x67: {  	v7 =	vld [tilespmem:$0x1000];
	_ =	sdelay $0x4  }
0x68: {  	v8 =	vshrl.u32 v7, $0x3  }
0x69: {  	v8 =	vmul.u32 $0x30, v8  }
0x6a: {  	v7 =	vand.u32 $0x7, v7  }
0x6b: {  	v7 =	vor.u32 v7, v8  }
0x6c: {  	v8 =	vperm.xlane v7, v4;
	_ =	sdelay $0x1  }
0x6d: {  	v8 =	vadd.s32 v5, v8;
	_ =	sdelay $0x3  }
0x6e: {  	v7 =	vperm.xlane v7, v6  }
0x6f: {  	[hbm4b:s4+s3] =	stream.indirect_vreg.scatter [tilespmem:s0], [sflag:$0x1], $0x80, v8, vm0, $0xb8;
	[tilespmem:$0xD100] =	vst v63  }
0x70: {  	s17 =	simm.s32 $0x1900;
	v7 =	vadd.s32 v5, v7  }
0x71: {  	[hbm4b:s8+s3] =	stream.indirect_vreg.scatter [tilespmem:s17], [sflag:$0x1], $0x80, v8, vm0, $0xb8;
	[tilespmem:$0xD100] =	vst v63  }
0x72: {  	s18 =	simm.s32 $0x2100  }
0x73: {  	[hbm4b:s9+s3] =	stream.indirect_vreg.scatter [tilespmem:s18], [sflag:$0x1], $0x80, v8, vm0, $0xb8;
	[tilespmem:$0xD100] =	vst v63  }
0x74: {  	s19 =	simm.s32 $0x2900  }
0x75: {  	[hbm4b:s4+s3] =	stream.indirect_vreg.scatter [tilespmem:s19], [sflag:$0x1], $0x80, v7, vm0, $0xb8;
	[tilespmem:$0xD100] =	vst v63  }
0x76: {  	s20 =	simm.s32 $0x3100  }
0x77: {  	[hbm4b:s8+s3] =	stream.indirect_vreg.scatter [tilespmem:s20], [sflag:$0x1], $0x80, v7, vm0, $0xb8;
	[tilespmem:$0xD100] =	vst v63  }
0x78: {  	_ = 	snop  }
0x79: {  	[hbm4b:s9+s3] =	stream.indirect_vreg.scatter [tilespmem:s21], [sflag:$0x1], $0x80, v7, vm0, $0xb8;
	[tilespmem:$0xD100] =	vst v63  }
0x7a: {  	v7 =	vld [tilespmem:$0x1010];
	_ =	sdelay $0x4  }
0x7b: {  	v8 =	vshrl.u32 v7, $0x3  }
0x7c: {  	v8 =	vmul.u32 $0x30, v8  }
0x7d: {  	v7 =	vand.u32 $0x7, v7  }
0x7e: {  	v7 =	vor.u32 v7, v8  }
0x7f: {  	v8 =	vperm.xlane v7, v4;
	_ =	sdelay $0x1  }
0x80: {  	v8 =	vadd.s32 v5, v8;
	_ =	sdelay $0x3  }
0x81: {  	v7 =	vperm.xlane v7, v6  }
0x82: {  	[hbm4b:s4+s3] =	stream.indirect_vreg.scatter [tilespmem:s22], [sflag:$0x1], $0x80, v8, vm0, $0xb8;
	[tilespmem:$0xD100] =	vst v63  }
0x83: {  	v7 =	vadd.s32 v5, v7  }
0x84: {  	[hbm4b:s8+s3] =	stream.indirect_vreg.scatter [tilespmem:s23], [sflag:$0x1], $0x80, v8, vm0, $0xb8;
	[tilespmem:$0xD100] =	vst v63  }
0x85: {  	_ = 	snop  }
0x86: {  	[hbm4b:s9+s3] =	stream.indirect_vreg.scatter [tilespmem:s24], [sflag:$0x1], $0x80, v8, vm0, $0xb8;
	[tilespmem:$0xD100] =	vst v63  }
0x87: {  	_ = 	snop  }
0x88: {  	[hbm4b:s4+s3] =	stream.indirect_vreg.scatter [tilespmem:s25], [sflag:$0x1], $0x80, v7, vm0, $0xb8;
	[tilespmem:$0xD100] =	vst v63  }
0x89: {  	_ = 	snop  }
0x8a: {  	[hbm4b:s8+s3] =	stream.indirect_vreg.scatter [tilespmem:s26], [sflag:$0x1], $0x80, v7, vm0, $0xb8;
	[tilespmem:$0xD100] =	vst v63  }
0x8b: {  	_ = 	snop  }
0x8c: {  	[hbm4b:s9+s3] =	stream.indirect_vreg.scatter [tilespmem:s28], [sflag:$0x1], $0x80, v7, vm0, $0xb8;
	[tilespmem:$0xD100] =	vst v63  }
0x8d: {  	v7 =	vld [tilespmem:$0x1020];
	_ =	sdelay $0x4  }
0x8e: {  	v8 =	vshrl.u32 v7, $0x3  }
0x8f: {  	v8 =	vmul.u32 $0x30, v8  }
0x90: {  	v7 =	vand.u32 $0x7, v7  }
0x91: {  	v7 =	vor.u32 v7, v8  }
0x92: {  	v8 =	vperm.xlane v7, v4;
	_ =	sdelay $0x1  }
0x93: {  	v8 =	vadd.s32 v5, v8;
	_ =	sdelay $0x3  }
0x94: {  	v7 =	vperm.xlane v7, v6  }
0x95: {  	[hbm4b:s4+s3] =	stream.indirect_vreg.scatter [tilespmem:s29], [sflag:$0x1], $0x80, v8, vm0, $0xb8;
	[tilespmem:$0xD100] =	vst v63  }
0x96: {  	v7 =	vadd.s32 v5, v7  }
0x97: {  	[hbm4b:s8+s3] =	stream.indirect_vreg.scatter [tilespmem:s30], [sflag:$0x1], $0x80, v8, vm0, $0xb8;
	[tilespmem:$0xD100] =	vst v63  }
0x98: {  	_ = 	snop  }
0x99: {  	[hbm4b:s9+s3] =	stream.indirect_vreg.scatter [tilespmem:s31], [sflag:$0x1], $0x80, v8, vm0, $0xb8;
	[tilespmem:$0xD100] =	vst v63  }
0x9a: {  	s0 =	simm.s32 $0x8900  }
0x9b: {  	[hbm4b:s4+s3] =	stream.indirect_vreg.scatter [tilespmem:s0], [sflag:$0x1], $0x80, v7, vm0, $0xb8;
	[tilespmem:$0xD100] =	vst v63  }
0x9c: {  	_ = 	snop  }
0x9d: {  	[hbm4b:s8+s3] =	stream.indirect_vreg.scatter [tilespmem:s2], [sflag:$0x1], $0x80, v7, vm0, $0xb8;
	[tilespmem:$0xD100] =	vst v63  }
0x9e: {  	s1 =	simm.s32 $0x9900  }
0x9f: {  	[hbm4b:s9+s3] =	stream.indirect_vreg.scatter [tilespmem:s1], [sflag:$0x1], $0x80, v7, vm0, $0xb8;
	[tilespmem:$0xD100] =	vst v63  }
0xa0: {  	v7 =	vld [tilespmem:$0x1030];
	_ =	sdelay $0x4  }
0xa1: {  	v8 =	vshrl.u32 v7, $0x3  }
0xa2: {  	v8 =	vmul.u32 $0x30, v8  }
0xa3: {  	v7 =	vand.u32 $0x7, v7  }
0xa4: {  	v7 =	vor.u32 v7, v8  }
0xa5: {  	v8 =	vperm.xlane v7, v4;
	_ =	sdelay $0x1  }
0xa6: {  	v8 =	vadd.s32 v5, v8;
	_ =	sdelay $0x3  }
0xa7: {  	v7 =	vperm.xlane v7, v6  }
0xa8: {  	[hbm4b:s4+s3] =	stream.indirect_vreg.scatter [tilespmem:s14], [sflag:$0x1], $0x80, v8, vm0, $0xb8;
	[tilespmem:$0xD100] =	vst v63  }
0xa9: {  	v7 =	vadd.s32 v5, v7  }
0xaa: {  	[hbm4b:s8+s3] =	stream.indirect_vreg.scatter [tilespmem:s5], [sflag:$0x1], $0x80, v8, vm0, $0xb8;
	[tilespmem:$0xD100] =	vst v63  }
0xab: {  	_ = 	snop  }
0xac: {  	[hbm4b:s9+s3] =	stream.indirect_vreg.scatter [tilespmem:s6], [sflag:$0x1], $0x80, v8, vm0, $0xb8;
	[tilespmem:$0xD100] =	vst v63  }
0xad: {  	_ = 	snop  }
0xae: {  	[hbm4b:s4+s3] =	stream.indirect_vreg.scatter [tilespmem:s7], [sflag:$0x1], $0x80, v7, vm0, $0xb8;
	[tilespmem:$0xD100] =	vst v63  }
0xaf: {  	_ = 	snop  }
0xb0: {  	[hbm4b:s8+s3] =	stream.indirect_vreg.scatter [tilespmem:s10], [sflag:$0x1], $0x80, v7, vm0, $0xb8;
	[tilespmem:$0xD100] =	vst v63  }
0xb1: {  	_ = 	snop  }
0xb2: {  	[hbm4b:s9+s3] =	stream.indirect_vreg.scatter [tilespmem:s11], [sflag:$0x1], $0x80, v7, vm0, $0xb8;
	[tilespmem:$0xD100] =	vst v63  }
0xb3: {  	v7 =	vld [tilespmem:$0x1080];
	_ =	sdelay $0x4  }
0xb4: {  	v8 =	vshrl.u32 v7, $0x3  }
0xb5: {  	v8 =	vmul.u32 $0x30, v8  }
0xb6: {  	v7 =	vand.u32 $0x7, v7  }
0xb7: {  	v7 =	vor.u32 v7, v8  }
0xb8: {  	v8 =	vperm.xlane v7, v4;
	_ =	sdelay $0x1  }
0xb9: {  	v8 =	vadd.s32 v5, v8;
	_ =	sdelay $0x3  }
0xba: {  	v7 =	vperm.xlane v7, v6  }
0xbb: {  	[hbm4b:s4+s3] =	stream.indirect_vreg.scatter [tilespmem:s12], [sflag:$0x1], $0x80, v8, vm0, $0xb8;
	[tilespmem:$0xD100] =	vst v63  }
0xbc: {  	v7 =	vadd.s32 v5, v7  }
0xbd: {  	[hbm4b:s8+s3] =	stream.indirect_vreg.scatter [tilespmem:s17], [sflag:$0x1], $0x80, v8, vm0, $0xb8;
	[tilespmem:$0xD100] =	vst v63  }
0xbe: {  	_ = 	snop  }
0xbf: {  	[hbm4b:s9+s3] =	stream.indirect_vreg.scatter [tilespmem:s18], [sflag:$0x1], $0x80, v8, vm0, $0xb8;
	[tilespmem:$0xD100] =	vst v63  }
0xc0: {  	_ = 	snop  }
0xc1: {  	[hbm4b:s4+s3] =	stream.indirect_vreg.scatter [tilespmem:s19], [sflag:$0x1], $0x80, v7, vm0, $0xb8;
	[tilespmem:$0xD100] =	vst v63  }
0xc2: {  	_ = 	snop  }
0xc3: {  	[hbm4b:s8+s3] =	stream.indirect_vreg.scatter [tilespmem:s20], [sflag:$0x1], $0x80, v7, vm0, $0xb8;
	[tilespmem:$0xD100] =	vst v63  }
0xc4: {  	_ = 	snop  }
0xc5: {  	[hbm4b:s9+s3] =	stream.indirect_vreg.scatter [tilespmem:s21], [sflag:$0x1], $0x80, v7, vm0, $0xb8;
	[tilespmem:$0xD100] =	vst v63  }
0xc6: {  	v7 =	vld [tilespmem:$0x1090];
	_ =	sdelay $0x4  }
0xc7: {  	v8 =	vshrl.u32 v7, $0x3  }
0xc8: {  	v8 =	vmul.u32 $0x30, v8  }
0xc9: {  	v7 =	vand.u32 $0x7, v7  }
0xca: {  	v7 =	vor.u32 v7, v8  }
0xcb: {  	v8 =	vperm.xlane v7, v4;
	_ =	sdelay $0x1  }
0xcc: {  	v8 =	vadd.s32 v5, v8;
	_ =	sdelay $0x3  }
0xcd: {  	v7 =	vperm.xlane v7, v6  }
0xce: {  	[hbm4b:s4+s3] =	stream.indirect_vreg.scatter [tilespmem:s22], [sflag:$0x1], $0x80, v8, vm0, $0xb8;
	[tilespmem:$0xD100] =	vst v63  }
0xcf: {  	v7 =	vadd.s32 v5, v7  }
0xd0: {  	[hbm4b:s8+s3] =	stream.indirect_vreg.scatter [tilespmem:s23], [sflag:$0x1], $0x80, v8, vm0, $0xb8;
	[tilespmem:$0xD100] =	vst v63  }
0xd1: {  	_ = 	snop  }
0xd2: {  	[hbm4b:s9+s3] =	stream.indirect_vreg.scatter [tilespmem:s24], [sflag:$0x1], $0x80, v8, vm0, $0xb8;
	[tilespmem:$0xD100] =	vst v63  }
0xd3: {  	_ = 	snop  }
0xd4: {  	[hbm4b:s4+s3] =	stream.indirect_vreg.scatter [tilespmem:s25], [sflag:$0x1], $0x80, v7, vm0, $0xb8;
	[tilespmem:$0xD100] =	vst v63  }
0xd5: {  	_ = 	snop  }
0xd6: {  	[hbm4b:s8+s3] =	stream.indirect_vreg.scatter [tilespmem:s26], [sflag:$0x1], $0x80, v7, vm0, $0xb8;
	[tilespmem:$0xD100] =	vst v63  }
0xd7: {  	_ = 	snop  }
0xd8: {  	[hbm4b:s9+s3] =	stream.indirect_vreg.scatter [tilespmem:s28], [sflag:$0x1], $0x80, v7, vm0, $0xb8;
	[tilespmem:$0xD100] =	vst v63  }
0xd9: {  	v7 =	vld [tilespmem:$0x10A0];
	_ =	sdelay $0x4  }
0xda: {  	v8 =	vshrl.u32 v7, $0x3  }
0xdb: {  	v8 =	vmul.u32 $0x30, v8  }
0xdc: {  	v7 =	vand.u32 $0x7, v7  }
0xdd: {  	v7 =	vor.u32 v7, v8  }
0xde: {  	v8 =	vperm.xlane v7, v4;
	_ =	sdelay $0x1  }
0xdf: {  	v8 =	vadd.s32 v5, v8;
	_ =	sdelay $0x3  }
0xe0: {  	v7 =	vperm.xlane v7, v6  }
0xe1: {  	[hbm4b:s4+s3] =	stream.indirect_vreg.scatter [tilespmem:s29], [sflag:$0x1], $0x80, v8, vm0, $0xb8;
	[tilespmem:$0xD100] =	vst v63  }
0xe2: {  	v7 =	vadd.s32 v5, v7  }
0xe3: {  	[hbm4b:s8+s3] =	stream.indirect_vreg.scatter [tilespmem:s30], [sflag:$0x1], $0x80, v8, vm0, $0xb8;
	[tilespmem:$0xD100] =	vst v63  }
0xe4: {  	_ = 	snop  }
0xe5: {  	[hbm4b:s9+s3] =	stream.indirect_vreg.scatter [tilespmem:s31], [sflag:$0x1], $0x80, v8, vm0, $0xb8;
	[tilespmem:$0xD100] =	vst v63  }
0xe6: {  	_ = 	snop  }
0xe7: {  	[hbm4b:s4+s3] =	stream.indirect_vreg.scatter [tilespmem:s0], [sflag:$0x1], $0x80, v7, vm0, $0xb8;
	[tilespmem:$0xD100] =	vst v63  }
0xe8: {  	_ = 	snop  }
0xe9: {  	[hbm4b:s8+s3] =	stream.indirect_vreg.scatter [tilespmem:s2], [sflag:$0x1], $0x80, v7, vm0, $0xb8;
	[tilespmem:$0xD100] =	vst v63  }
0xea: {  	_ = 	snop  }
0xeb: {  	[hbm4b:s9+s3] =	stream.indirect_vreg.scatter [tilespmem:s1], [sflag:$0x1], $0x80, v7, vm0, $0xb8;
	[tilespmem:$0xD100] =	vst v63  }
0xec: {  	v7 =	vld [tilespmem:$0x10B0];
	_ =	sdelay $0x4  }
0xed: {  	v8 =	vshrl.u32 v7, $0x3  }
0xee: {  	v8 =	vmul.u32 $0x30, v8  }
0xef: {  	v7 =	vand.u32 $0x7, v7  }
0xf0: {  	v7 =	vor.u32 v7, v8  }
0xf1: {  	v8 =	vperm.xlane v7, v4;
	_ =	sdelay $0x1  }
0xf2: {  	v8 =	vadd.s32 v5, v8;
	_ =	sdelay $0x3  }
0xf3: {  	v7 =	vperm.xlane v7, v6  }
0xf4: {  	[hbm4b:s4+s3] =	stream.indirect_vreg.scatter [tilespmem:s14], [sflag:$0x1], $0x80, v8, vm0, $0xb8;
	[tilespmem:$0xD100] =	vst v63  }
0xf5: {  	v7 =	vadd.s32 v5, v7  }
0xf6: {  	[hbm4b:s8+s3] =	stream.indirect_vreg.scatter [tilespmem:s5], [sflag:$0x1], $0x80, v8, vm0, $0xb8;
	[tilespmem:$0xD100] =	vst v63  }
0xf7: {  	_ = 	snop  }
0xf8: {  	[hbm4b:s9+s3] =	stream.indirect_vreg.scatter [tilespmem:s6], [sflag:$0x1], $0x80, v8, vm0, $0xb8;
	[tilespmem:$0xD100] =	vst v63  }
0xf9: {  	_ = 	snop  }
0xfa: {  	[hbm4b:s4+s3] =	stream.indirect_vreg.scatter [tilespmem:s7], [sflag:$0x1], $0x80, v7, vm0, $0xb8;
	[tilespmem:$0xD100] =	vst v63  }
0xfb: {  	_ = 	snop  }
0xfc: {  	[hbm4b:s8+s3] =	stream.indirect_vreg.scatter [tilespmem:s10], [sflag:$0x1], $0x80, v7, vm0, $0xb8;
	[tilespmem:$0xD100] =	vst v63  }
0xfd: {  	_ = 	snop  }
0xfe: {  	[hbm4b:s9+s3] =	stream.indirect_vreg.scatter [tilespmem:s11], [sflag:$0x1], $0x80, v7, vm0, $0xb8;
	[tilespmem:$0xD100] =	vst v63  }
0xff: {  	_ =	swait.ge [sflag:s15], $0x40  }
0x100: {  	[sflag:s15] =	ssyncset.done $0x0  }
0x101: {  	[sflag:s15] =	ssyncadd.s32 $0xFFFFFFC0  }
0x102: {  	_ =	swait.ge [sflag:s15], $0x40  }
0x103: {  	[sflag:s15] =	ssyncset.done $0x0  }
0x104: {  	[sflag:s15] =	ssyncadd.s32 $0xFFFFFFC0  }
0x105: {  	_ =	swait.ge [sflag:s15], $0xC000  }
0x106: {  	[sflag:s15] =	ssyncset.done $0x0  }
0x107: {  	[sflag:s15] =	ssyncadd.s32 $0xFFFF4000  }
0x108: {  	_ =	swait.ge [sflag:s15], $0xC000  }
0x109: {  	s16 =	sadd.s32 $0x1, s16;
	s20 =	rddreg [dreg:$0x7]  }
0x10a: {  	p0 =	sne.s32 s16, s20  }
.Ltmp1:
0x10b: {  	_ = 	snop;
	(pc) =	sbr.rel @p0 .LBB2_1-.Ltmp1, $3  }
0x10c: {  	_ =	sdelay $0x1  }
0x10d: {  	[sflag:s15] =	ssyncset.done $0x0  }
0x10e: {  	s0 =	simm.s32 $0x1100;
	[sflag:s15] =	ssyncadd.s32 $0xFFFF4000  }
0x10f: {  	_ =	sfence.sel $0x180000  }
0x110: {  	[bflag:$0x0] =	sbarrier.arrive $0xFFFF  }
0x111: {  	_ =	strace $0x90000047  }
0x112: {  	s0 =	stileid.u32;
	[bflag:$0x2] =	sbarrier.arrive $0xFFFF  }
0x113: {  	p0 =	sne.s32 s0, $0x0;
	s0 =	rddreg [dreg:$0x3]  }
0x114: {  	s0 =	sadd.s32 @!p0 $0x100000, s0  }
0x115: {  	[sflag:s0] =	ssyncadd.tile.s32 @!p0 $0x1;
	_ =	shalt  }
.Lfunc_end2:
_tile_overlayer_lowered:
.L_overlay_start_2:
0x116: {  	(tag) =	ssettag $0x2  }
0x117: {  	s0 =	rddreg [dreg:$0x0];
	s2 =	stileid.u32  }
0x118: {  	s1 =	rddreg [dreg:$0x1];
	p0 =	sne.s32 s2, $0x0  }
0x119: {  	s3 =	rddreg [dreg:$0x2];
	[bflag:$0x3] =	sbarrier.arrive $0xFFFF;
	s2 =	simm.s32 @!p0 $0x1C02  }
0x11a: {  	[timem:s3], [sflag:s2] =	dma.local @!p0 [hbm:s0], s1  }
0x11b: {  	s0 =	simm.s32 @!p0 $0x2  }
0x11c: {  	_ =	swait.ge @!p0 [sflag:s0], s1  }
0x11d: {  	s1 =	ssub.s32 @!p0 $0x0, s1;
	[sflag:s0] =	ssyncset.done @!p0 $0x0  }
0x11e: {  	[sflag:s0] =	ssyncadd.s32 @!p0 s1  }
0x11f: {  	[bflag:$0x3] =	sbarrier.arrive $0xFFFF  }
0x120: {  	_ =	shalt  }

// kernel: kernel.8.cloned.1.call-start
scs
__scs_entry_jumppad:
0x0: {  	(pc) =	sbr.rel $0x88, $3  }
0x1: {  	(tag) =	ssettag $0x0;
	lr =	simm.s32 $0x1  }
0x2: {  	[smem:$0x3F9C] =	sst lr;
	_ =	strace $0xD0000000  }
0x3: {  	_ = 	snop  }
0x4: {  	_ = 	snop  }
0x5: {  	_ = 	snop  }
0x6: {  	_ = 	snop  }
0x7: {  	_ = 	snop  }
__scs_overlays_trampoline_lowered:
0x8: {  	[smem:$0x3FAB] =	sst s0  }
0x9: {  	[smem:$0x3FAC] =	sst s1  }
0xa: {  	[smem:$0x3FAD] =	sst s2  }
0xb: {  	[smem:$0x3FAE] =	sst s3  }
0xc: {  	[smem:$0x3FAF] =	sst s4  }
0xd: {  	[smem:$0x3FB0] =	sst s5  }
0xe: {  	[smem:$0x3FB1] =	sst s6  }
0xf: {  	[smem:$0x3FB2] =	sst s7  }
0x10: {  	[smem:$0x3FB3] =	sst s8  }
0x11: {  	[smem:$0x3FB4] =	sst s9;
	s0 =	simm.s32 @!p0 $0x0  }
0x12: {  	s1 =	sld [smem:$0x3F9A];
	s0 =	simm.s32 @p0 $0x1  }
0x13: {  	[smem:$0x3FB5] =	sst s0;
	s0 =	simm.s32 @!p1 $0x0  }
0x14: {  	s2 =	sld [smem:$0x3F99];
	s0 =	simm.s32 @p1 $0x1  }
0x15: {  	[smem:$0x3FB6] =	sst s0;
	s0 =	simm.s32 @!p2 $0x0  }
0x16: {  	s3 =	sld [smem:$0x3FDB];
	s0 =	simm.s32 @p2 $0x1  }
0x17: {  	s4 =	simm.s32 $0x1BF5;
	[smem:$0x3FB8] =	sst s0  }
0x18: {  	s0 =	sld [smem:$0x3F9B];
	_ =	swait.ge [sflag:s4], $0x0  }
0x19: {  	s7 =	sld [smem:$0x3F9C]  }
0x1a: {  	s8 =	sadd.s32 $0xFFFFE003, lr  }
0x1b: {  	s9 =	sadd.s32 $0xFFFFFEF7, lr;
	s5 =	simm.s32 $0xFFFFFFFF;
	p2 =	slt.u32 s8, $0xFFFFF086  }
0x1c: {  	p1 =	slt.u32 s9, $0xF7A;
	s5 =	simm.s32 @!p2 $0x0  }
0x1d: {  	s5 =	simm.s32 @p1 $0x1;
	p0 =	seq.s32 s7, s2  }
0x1e: {  	s7 =	smul.u32 @!p0 $0xF7A, s2;
	p2 =	seq.s32 @!p0 s5, $0x0  }
0x1f: {  	s9 =	smul.u32 $0xF7A, s1;
	s8 =	simm.s32 @!p0 $0x1BF5;
	p2 =	por !p2, p0  }
0x20: {  	[sflag:s8] =	ssyncset.s32 @!p0 $0xFFFFF086;
	s6 =	sadd.s32 @!p0 s3, s7;
	s7 =	simm.s32 @!p0 $0x108  }
0x21: {  	s3 =	sadd.s32 s3, s9;
	s6 =	sadd.s32 @!p0 $0x88, s6;
	s7 =	simm.s32 @p2 $0x1082  }
0x22: {  	[simem:s7], [sflag:s8] =	dma.local @!p0 [hbm:s6], $0xF7A  }
0x23: {  	s9 =	sor.u32 $0xD0000000, s2;
	s6 =	simm.s32 $0x108;
	_ =	swait.ge @!p0 [sflag:s8], $0x0  }
0x24: {  	s3 =	sadd.s32 $0x88, s3;
	s6 =	simm.s32 @!p1 $0x1082;
	[sflag:s4] =	ssyncset.s32 $0xFFFFF086  }
0x25: {  	[simem:s6], [sflag:s4] =	dma.local [hbm:s3], $0xF7A  }
0x26: {  	[smem:$0x3F9C] =	sst s1;
	(tag) =	ssettag s2;
	_ =	strace s9  }
0x27: {  	s1 =	sld [smem:$0x3FAC]  }
0x28: {  	s2 =	sld [smem:$0x3FAD]  }
0x29: {  	s4 =	sld [smem:$0x3FAF]  }
0x2a: {  	p0 =	seq.s32 s5, $0x0;
	s5 =	sld [smem:$0x3FB0]  }
0x2b: {  	s6 =	sld [smem:$0x3FB1]  }
0x2c: {  	s7 =	sld [smem:$0x3FB2]  }
0x2d: {  	s3 =	simm.s32 $0x108;
	s8 =	sld [smem:$0x3FB3]  }
0x2e: {  	s3 =	simm.s32 @!p0 $0x1082;
	s9 =	sld [smem:$0x3FB4]  }
0x2f: {  	lr =	sadd.s32 s0, s3;
	s0 =	sld [smem:$0x3FAB]  }
0x30: {  	s3 =	sld [smem:$0x3FAE]  }
0x31: {  	[smem:$0x3FB7] =	sst s10  }
0x32: {  	s10 =	sld [smem:$0x3FB5];
	_ =	sdelay $0x3  }
0x33: {  	p0 =	seq.s32 s10, $0x1;
	s10 =	sld [smem:$0x3FB7];
	_ =	sdelay $0x3  }
0x34: {  	[smem:$0x3FB7] =	sst s10  }
0x35: {  	s10 =	sld [smem:$0x3FB6];
	_ =	sdelay $0x3  }
0x36: {  	p1 =	seq.s32 s10, $0x1;
	s10 =	sld [smem:$0x3FB7];
	_ =	sdelay $0x3  }
0x37: {  	[smem:$0x3FB7] =	sst s10  }
0x38: {  	s10 =	sld [smem:$0x3FB8]  }
0x39: {  	_ = 	snop;
	(pc) =	sbr.ind lr, $3  }
0x3a: {  	_ = 	snop  }
0x3b: {  	_ = 	snop  }
0x3c: {  	p2 =	seq.s32 s10, $0x1;
	s10 =	sld [smem:$0x3FB7]  }
0x3d: {  	_ =	shalt  }
0x3e: {  	_ =	shalt  }
0x3f: {  	_ =	shalt  }
0x40: {  	_ =	shalt  }
0x41: {  	_ =	shalt  }
0x42: {  	_ =	shalt  }
0x43: {  	_ =	shalt  }
0x44: {  	_ =	shalt  }
0x45: {  	_ =	shalt  }
0x46: {  	_ =	shalt  }
0x47: {  	_ =	shalt  }
0x48: {  	_ =	shalt  }
0x49: {  	_ =	shalt  }
0x4a: {  	_ =	shalt  }
0x4b: {  	_ =	shalt  }
0x4c: {  	_ =	shalt  }
0x4d: {  	_ =	shalt  }
0x4e: {  	_ =	shalt  }
0x4f: {  	_ =	shalt  }
0x50: {  	_ =	shalt  }
0x51: {  	_ =	shalt  }
0x52: {  	_ =	shalt  }
0x53: {  	_ =	shalt  }
0x54: {  	_ =	shalt  }
0x55: {  	_ =	shalt  }
0x56: {  	_ =	shalt  }
0x57: {  	_ =	shalt  }
0x58: {  	_ =	shalt  }
0x59: {  	_ =	shalt  }
0x5a: {  	_ =	shalt  }
0x5b: {  	_ =	shalt  }
0x5c: {  	_ =	shalt  }
0x5d: {  	_ =	shalt  }
0x5e: {  	_ =	shalt  }
0x5f: {  	_ =	shalt  }
0x60: {  	_ =	shalt  }
0x61: {  	_ =	shalt  }
0x62: {  	_ =	shalt  }
0x63: {  	_ =	shalt  }
0x64: {  	_ =	shalt  }
0x65: {  	_ =	shalt  }
0x66: {  	_ =	shalt  }
0x67: {  	_ =	shalt  }
0x68: {  	_ =	shalt  }
0x69: {  	_ =	shalt  }
0x6a: {  	_ =	shalt  }
0x6b: {  	_ =	shalt  }
0x6c: {  	_ =	shalt  }
0x6d: {  	_ =	shalt  }
0x6e: {  	_ =	shalt  }
0x6f: {  	_ =	shalt  }
0x70: {  	_ =	shalt  }
0x71: {  	_ =	shalt  }
0x72: {  	_ =	shalt  }
0x73: {  	_ =	shalt  }
0x74: {  	_ =	shalt  }
0x75: {  	_ =	shalt  }
0x76: {  	_ =	shalt  }
0x77: {  	_ =	shalt  }
0x78: {  	_ =	shalt  }
0x79: {  	_ =	shalt  }
0x7a: {  	_ =	shalt  }
0x7b: {  	_ =	shalt  }
0x7c: {  	_ =	shalt  }
0x7d: {  	_ =	shalt  }
0x7e: {  	_ =	shalt  }
0x7f: {  	_ =	shalt  }
0x80: {  	_ =	shalt  }
0x81: {  	_ =	shalt  }
0x82: {  	_ =	shalt  }
0x83: {  	_ =	shalt  }
0x84: {  	_ =	shalt  }
0x85: {  	_ =	shalt  }
0x86: {  	_ =	shalt  }
0x87: {  	_ =	shalt  }
.Lfunc_end0:
.L_simem_size_0:
called_computation.1_lowered:
.L_overlay_start_0:
0x88: {  	s2 =	sld [smem:$0x3FD9]  }
0x89: {  	s3 =	sld [smem:$0x3FFE];
	_ =	sdelay $0x1  }
0x8a: {  	s1 =	srdreg.scid  }
0x8b: {  	s0 =	sand.u32 $0x1, s1  }
0x8c: {  	s17 =	sshll.u32 s0, $0xA;
	s2 =	sadd.s32 s3, s2  }
0x8d: {  	s2 =	sadd.s32 s2, s17  }
0x8e: {  	[smem:$0x3FC3] =	sst s2  }
0x8f: {  	_ = 	snop  }
0x90: {  	s2 =	sld [smem:$0x3FD0];
	(tm) =	ssettm $0x1  }
0x91: {  	s18 =	sld [smem:$0x3FFB];
	_ =	sdelay $0x3  }
0x92: {  	_ =	strace s18  }
0x93: {  	s3 =	sld [smem:$0x3FFC];
	_ =	sdelay $0x3  }
0x94: {  	_ =	strace s3  }
0x95: {  	s3 =	sld [smem:$0x3FFD];
	_ =	sdelay $0x3  }
0x96: {  	_ =	strace s3  }
0x97: {  	_ =	strace $0x8FFFFFFF  }
0x98: {  	s19 =	sld [smem:$0x3FDB];
	_ =	sdelay $0x1  }
0x99: {  	s4 =	simm.s32 $_scs_section_size  }
0x9a: {  	s5 =	simm.s32 $_size__tile_overlayer_lowered;
	s6 =	simm.s32 $_tile_overlayer_lowered  }
0x9b: {  	s22 =	simm.s32 $0x1BFF;
	s21 =	sshll.u32 s6, $0x1;
	s3 =	sadd.s32 s4, s19  }
0x9c: {  	s7 =	simm.s32 $0x0;
	s20 =	sshll.u32 s5, $0x1;
	s5 =	sadd.s32 s21, s3  }
0x9d: {  	[timem:s7], [sflag:s22] =	dma.local [hbm:s5], s20  }
0x9e: {  	_ =	swait.ge [sflag:s22], s20  }
0x9f: {  	s4 =	ssub.s32 $0x0, s20;
	[sflag:s22] =	ssyncset.done $0x0  }
0xa0: {  	[sflag:s22] =	ssyncadd.s32 s4;
	_ =	sdelay $0x1  }
0xa1: {  	s23 =	simm.s32 $0x1B8B  }
0xa2: {  	_ =	swait.ge [sflag:s23], $0x1  }
0xa3: {  	[sflag:s23] =	ssyncset.done $0x0  }
0xa4: {  	s25 =	simm.s32 $0x1B8E;
	s24 =	sld [smem:$0x3FFE];
	[sflag:s23] =	ssyncadd.s32 $0xFFFFFFFF  }
0xa5: {  	s26 =	simm.s32 $execute0_lowered;
	[smem:$0x3FD2] =	sst s25  }
0xa6: {  	s5 =	sshll.u32 s26, $0x1;
	_ =	strace $0x80000049;
	[dreg:$0x1] =	wrdreg $0xFFFFFFFF  }
0xa7: {  	s28 =	simm.s32 $_size_execute0_lowered;
	s3 =	sadd.s32 s3, s5;
	[dreg:$0x0] =	wrdreg $0x0  }
0xa8: {  	s5 =	sshll.u32 s28, $0x1;
	[dreg:$0x2] =	wrdreg s3  }
0xa9: {  	[dreg:$0x3] =	wrdreg s5  }
0xaa: {  	[dreg:$0x4] =	wrdreg $0xC0  }
0xab: {  	_ =	task [dreg:s7], $0x5FFFF  }
0xac: {  	[dreg:$0x1] =	wrdreg $0xFFFFFFFF  }
0xad: {  	[dreg:$0x0] =	wrdreg $0x60  }
0xae: {  	[dreg:$0x2] =	wrdreg s24  }
0xaf: {  	[dreg:$0x3] =	wrdreg s2  }
0xb0: {  	[dreg:$0x4] =	wrdreg $0x9  }
0xb1: {  	_ =	task.clear_ibuf [dreg:s7], $0x5FFFF;
	_ =	strace $0x90000049  }
0xb2: {  	s29 =	simm.s32 $0x9;
	_ =	strace $0x8000004B  }
0xb3: {  	_ =	swait.ge [sflag:s29], $0x1  }
0xb4: {  	[sflag:s29] =	ssyncadd.s32 $0xFFFFFFFF  }
0xb5: {  	_ =	strace $0x9000004B  }
0xb6: {  	_ =	sfence  }
0xb7: {  	s30 =	sld [smem:$0x0];
	_ =	sdelay $0x2  }
0xb8: {  	s31 =	sshll.u32 s1, $0xD;
	s1 =	sshrl.u32 s1, $0x2  }
0xb9: {  	s3 =	sand.u32 $0x4000, s31;
	s1 =	sadd.s32 s1, s30  }
0xba: {  	s0 =	sor.u32 s3, s0;
	s1 =	sshll.u32 s1, $0x11  }
0xbb: {  	s0 =	sor.u32 s1, s0  }
0xbc: {  	s0 =	sadd.s32 $0x8F2B, s0  }
0xbd: {  	[sflag:s0] =	ssyncadd.remote.s32 $0x1  }
0xbe: {  	_ =	sfence.sel $0xFFFF  }
0xbf: {  	[dreg:$0x0] =	wrdreg $0xFFFFFFFF;
	(pc) =	sbr.abs _section_cstart, $3  }
0xc0: {  	[dreg:$0x1] =	wrdreg $0xFFFFFFFF  }
0xc1: {  	_ =	task.clear_ibuf [dreg:s7], $0x2FFFF;
	_ =	strace $0x9FFFFFFF  }
0xc2: {  	(tm) =	ssettm $0x7FFFFFFF  }
0xc3: {  	_ =	shalt  }
tec
execute0_lowered:
.L_overlay_start_1:
0x0: {  	(tag) =	ssettag $0x1  }
0x1: {  	s0 =	rddreg [dreg:$0x0]  }
0x2: {  	s1 =	rddreg [dreg:$0x1]  }
0x3: {  	s3 =	srdreg.scid;
	s4 =	stileid.u32;
	s2 =	simm.s32 $0x0  }
0x4: {  	s20 =	simm.s32 $0x180;
	s21 =	simm.s32 $0x3;
	s10 =	simm.s32 $0x10  }
0x5: {  	s22 =	simm.s32 $0x5200;
	s23 =	simm.s32 $0x5A00;
	s24 =	simm.s32 $0x12200  }
0x6: {  	s3 =	sand.u32 $0x1, s3;
	s4 =	sshll.u32 s4, $0x1;
	[smem:$0x7FF] =	sst s2  }
0x7: {  	s6 =	sadd.s32 $0x61600, s0;
	s4 =	sor.u32 s3, s4;
	_ =	strace $0x8000004A  }
0x8: {  	s7 =	ssub.s32 $0x2, s3;
	s3 =	sadd.s32 $0x1600, s0;
	s5 =	sshll.u32 s4, $0x4  }
0x9: {  	s8 =	sshrl.u32 s7, $0x1;
	s9 =	sshll.u32 s4, $0x3;
	s28 =	smul.u32 $0x1800, s4  }
0xa: {  	s5 =	sadd.s32 s5, s0;
	s19 =	ssub.s32 s7, s8;
	s7 =	sadd.s32 $0x1700, s0  }
0xb: {  	s11 =	sor.u32 $0x2, s9;
	s8 =	sadd.s32 $0x1800, s0;
	s30 =	sor.u32 $0x4, s9  }
0xc: {  	s5 =	sadd.s32 $0x61800, s5;
	s26 =	sadd.s32 s6, s11;
	s16 =	smul.u32 $0x300, s11  }
0xd: {  	s11 =	sadd.s32 s6, s30;
	s4 =	smul.u32 $0x300, s30;
	s13 =	sadd.s32 s1, s28  }
0xe: {  	s19 =	smax.u32 s19, $0x1;
	[dreg:$0x3] =	wrdreg s5;
	s5 =	sadd.s32 s6, s9  }
0xf: {  	[dreg:$0x5] =	wrdreg s26;
	s9 =	sor.u32 $0x6, s9;
	s26 =	simm.s32 $0x0  }
0x10: {  	s25 =	sadd.s32 $0x100, s5;
	s29 =	sadd.s32 $0x102, s5;
	s12 =	sadd.s32 $0x104, s5  }
0x11: {  	s31 =	smul.u32 $0x300, s9;
	s14 =	sadd.s32 s6, s9;
	s15 =	sadd.s32 $0x106, s5  }
0x12: {  	v2 =	vlaneseq.u32;
	s16 =	sadd.s32 s1, s16;
	s17 =	sadd.s32 s1, s4;
	[dreg:$0x4] =	wrdreg s25  }
0x13: {  	vm0 =	vmmov $0xffff;
	v1 =	vshrl.u32 v2, $0x3;
	s4 =	simm.s32 $0x1;
	s6 =	simm.s32 $0x2;
	[dreg:$0x6] =	wrdreg s29  }
0x14: {  	v0 =	vand.u32 $0x7, v2;
	v2 =	vor.u32 $0x8, v2;
	v1 =	vmul.u32 $0x8, v1;
	s25 =	simm.s32 $0x15200;
	s18 =	sadd.s32 s1, s31;
	s1 =	simm.s32 $0x4A00  }
.LBB2_1:
0x15: {  	s0 =	rddreg [dreg:$0x3]  }
0x16: {  	[tilespmem:s20], [sflag:$0x3] =	stream.linear.gather [hbm4b:s0+s2], $0x80, $0x38;
	[tilespmem:$0x18200] =	vst v63  }
0x17: {  	_ =	swait.ge [sflag:s21], $0x80  }
0x18: {  	[sflag:s21] =	ssyncset.done $0x0  }
0x19: {  	[sflag:s21] =	ssyncadd.s32 $0xFFFFFF80  }
0x1a: {  	[tilespmem:s2], [sflag:$0x3] =	stream.linear.gather [hbm4b:s5+s2], $0x10, $0x38;
	[tilespmem:$0x18200] =	vst v63  }
0x1b: {  	_ =	swait.ge [sflag:s21], $0x10  }
0x1c: {  	[sflag:s21] =	ssyncset.done $0x0  }
0x1d: {  	s31 =	rddreg [dreg:$0x4];
	[sflag:s21] =	ssyncadd.s32 $0xFFFFFFF0  }
0x1e: {  	[tilespmem:s10], [sflag:$0x3] =	stream.linear.gather [hbm4b:s31+s2], $0x10, $0x38;
	[tilespmem:$0x18200] =	vst v63  }
0x1f: {  	_ =	swait.ge [sflag:s21], $0x10  }
0x20: {  	[sflag:s21] =	ssyncset.done $0x0  }
0x21: {  	[sflag:s21] =	ssyncadd.s32 $0xFFFFFFF0  }
0x22: {  	v3 =	vld [tilespmem:$0x0];
	_ =	sdelay $0x4  }
0x23: {  	v4 =	vshrl.u32 v3, $0x3  }
0x24: {  	v4 =	vmul.u32 $0x30, v4  }
0x25: {  	v3 =	vand.u32 $0x7, v3  }
0x26: {  	v3 =	vor.u32 v3, v4  }
0x27: {  	v4 =	vperm.xlane v3, v0;
	_ =	sdelay $0x1  }
0x28: {  	v4 =	vadd.s32 v1, v4;
	_ =	sdelay $0x3  }
0x29: {  	s9 =	simm.s32 $0x200;
	v3 =	vperm.xlane v3, v2  }
0x2a: {  	[tilespmem:s9], [sflag:$0x1] =	stream.indirect_vreg.gather [hbm4b:s3+s2], $0x80, v4, vm0, $0xb8;
	[tilespmem:$0x18200] =	vst v63  }
0x2b: {  	s31 =	simm.s32 $0xA00;
	v3 =	vadd.s32 v1, v3  }
0x2c: {  	[tilespmem:s31], [sflag:$0x1] =	stream.indirect_vreg.gather [hbm4b:s7+s2], $0x80, v4, vm0, $0xb8;
	[tilespmem:$0x18200] =	vst v63  }
0x2d: {  	s9 =	simm.s32 $0x1200  }
0x2e: {  	[tilespmem:s9], [sflag:$0x1] =	stream.indirect_vreg.gather [hbm4b:s8+s2], $0x80, v4, vm0, $0xb8;
	[tilespmem:$0x18200] =	vst v63  }
0x2f: {  	s31 =	simm.s32 $0x1A00  }
0x30: {  	[tilespmem:s31], [sflag:$0x1] =	stream.indirect_vreg.gather [hbm4b:s3+s2], $0x80, v3, vm0, $0xb8;
	[tilespmem:$0x18200] =	vst v63  }
0x31: {  	s9 =	simm.s32 $0x2200  }
0x32: {  	[tilespmem:s9], [sflag:$0x1] =	stream.indirect_vreg.gather [hbm4b:s7+s2], $0x80, v3, vm0, $0xb8;
	[tilespmem:$0x18200] =	vst v63  }
0x33: {  	s31 =	simm.s32 $0x2A00  }
0x34: {  	[tilespmem:s31], [sflag:$0x1] =	stream.indirect_vreg.gather [hbm4b:s8+s2], $0x80, v3, vm0, $0xb8;
	[tilespmem:$0x18200] =	vst v63  }
0x35: {  	v3 =	vld [tilespmem:$0x10];
	_ =	sdelay $0x4  }
0x36: {  	v59 =	vshrl.u32 v3, $0x3  }
0x37: {  	v4 =	vmul.u32 $0x30, v59  }
0x38: {  	v3 =	vand.u32 $0x7, v3  }
0x39: {  	v3 =	vor.u32 v3, v4  }
0x3a: {  	v4 =	vperm.xlane v3, v0;
	_ =	sdelay $0x1  }
0x3b: {  	v4 =	vadd.s32 v1, v4;
	_ =	sdelay $0x3  }
0x3c: {  	s9 =	simm.s32 $0x3200;
	v3 =	vperm.xlane v3, v2  }
0x3d: {  	[tilespmem:s9], [sflag:$0x1] =	stream.indirect_vreg.gather [hbm4b:s3+s2], $0x80, v4, vm0, $0xb8;
	[tilespmem:$0x18200] =	vst v63  }
0x3e: {  	s31 =	simm.s32 $0x3A00;
	v3 =	vadd.s32 v1, v3  }
0x3f: {  	[tilespmem:s31], [sflag:$0x1] =	stream.indirect_vreg.gather [hbm4b:s7+s2], $0x80, v4, vm0, $0xb8;
	[tilespmem:$0x18200] =	vst v63  }
0x40: {  	s9 =	simm.s32 $0x4200  }
0x41: {  	[tilespmem:s9], [sflag:$0x1] =	stream.indirect_vreg.gather [hbm4b:s8+s2], $0x80, v4, vm0, $0xb8;
	[tilespmem:$0x18200] =	vst v63  }
0x42: {  	_ = 	snop  }
0x43: {  	[tilespmem:s1], [sflag:$0x1] =	stream.indirect_vreg.gather [hbm4b:s3+s2], $0x80, v3, vm0, $0xb8;
	[tilespmem:$0x18200] =	vst v63  }
0x44: {  	_ = 	snop  }
0x45: {  	[tilespmem:s22], [sflag:$0x1] =	stream.indirect_vreg.gather [hbm4b:s7+s2], $0x80, v3, vm0, $0xb8;
	[tilespmem:$0x18200] =	vst v63  }
0x46: {  	_ = 	snop  }
0x47: {  	[tilespmem:s23], [sflag:$0x1] =	stream.indirect_vreg.gather [hbm4b:s8+s2], $0x80, v3, vm0, $0xb8;
	[tilespmem:$0x18200] =	vst v63  }
0x48: {  	s31 =	rddreg [dreg:$0x5];
	s9 =	simm.s32 $0x80  }
0x49: {  	[tilespmem:s9], [sflag:$0x3] =	stream.linear.gather [hbm4b:s31+s2], $0x10, $0x38;
	[tilespmem:$0x18200] =	vst v63  }
0x4a: {  	_ =	swait.ge [sflag:s21], $0x10  }
0x4b: {  	[sflag:s21] =	ssyncset.done $0x0  }
0x4c: {  	s31 =	simm.s32 $0x90;
	s9 =	rddreg [dreg:$0x6];
	[sflag:s21] =	ssyncadd.s32 $0xFFFFFFF0  }
0x4d: {  	[tilespmem:s31], [sflag:$0x3] =	stream.linear.gather [hbm4b:s9+s2], $0x10, $0x38;
	[tilespmem:$0x18200] =	vst v63  }
0x4e: {  	_ =	swait.ge [sflag:s21], $0x10  }
0x4f: {  	[sflag:s21] =	ssyncset.done $0x0  }
0x50: {  	[sflag:s21] =	ssyncadd.s32 $0xFFFFFFF0  }
0x51: {  	v3 =	vld [tilespmem:$0x80];
	_ =	sdelay $0x4  }
0x52: {  	v60 =	vshrl.u32 v3, $0x3  }
0x53: {  	v4 =	vmul.u32 $0x30, v60  }
0x54: {  	v3 =	vand.u32 $0x7, v3  }
0x55: {  	v3 =	vor.u32 v3, v4  }
0x56: {  	v4 =	vperm.xlane v3, v0;
	_ =	sdelay $0x1  }
0x57: {  	v4 =	vadd.s32 v1, v4;
	_ =	sdelay $0x3  }
0x58: {  	s9 =	simm.s32 $0x6200;
	v3 =	vperm.xlane v3, v2  }
0x59: {  	[tilespmem:s9], [sflag:$0x1] =	stream.indirect_vreg.gather [hbm4b:s3+s2], $0x80, v4, vm0, $0xb8;
	[tilespmem:$0x18200] =	vst v63  }
0x5a: {  	s31 =	simm.s32 $0x6A00;
	v3 =	vadd.s32 v1, v3  }
0x5b: {  	[tilespmem:s31], [sflag:$0x1] =	stream.indirect_vreg.gather [hbm4b:s7+s2], $0x80, v4, vm0, $0xb8;
	[tilespmem:$0x18200] =	vst v63  }
0x5c: {  	s9 =	simm.s32 $0x7200  }
0x5d: {  	[tilespmem:s9], [sflag:$0x1] =	stream.indirect_vreg.gather [hbm4b:s8+s2], $0x80, v4, vm0, $0xb8;
	[tilespmem:$0x18200] =	vst v63  }
0x5e: {  	s31 =	simm.s32 $0x7A00  }
0x5f: {  	[tilespmem:s31], [sflag:$0x1] =	stream.indirect_vreg.gather [hbm4b:s3+s2], $0x80, v3, vm0, $0xb8;
	[tilespmem:$0x18200] =	vst v63  }
0x60: {  	s9 =	simm.s32 $0x8200  }
0x61: {  	[tilespmem:s9], [sflag:$0x1] =	stream.indirect_vreg.gather [hbm4b:s7+s2], $0x80, v3, vm0, $0xb8;
	[tilespmem:$0x18200] =	vst v63  }
0x62: {  	s31 =	simm.s32 $0x8A00  }
0x63: {  	[tilespmem:s31], [sflag:$0x1] =	stream.indirect_vreg.gather [hbm4b:s8+s2], $0x80, v3, vm0, $0xb8;
	[tilespmem:$0x18200] =	vst v63  }
0x64: {  	v3 =	vld [tilespmem:$0x90];
	_ =	sdelay $0x4  }
0x65: {  	v61 =	vshrl.u32 v3, $0x3  }
0x66: {  	v4 =	vmul.u32 $0x30, v61  }
0x67: {  	v3 =	vand.u32 $0x7, v3  }
0x68: {  	v3 =	vor.u32 v3, v4  }
0x69: {  	v4 =	vperm.xlane v3, v0;
	_ =	sdelay $0x1  }
0x6a: {  	v4 =	vadd.s32 v1, v4;
	_ =	sdelay $0x3  }
0x6b: {  	s9 =	simm.s32 $0x9200;
	v3 =	vperm.xlane v3, v2  }
0x6c: {  	[tilespmem:s9], [sflag:$0x1] =	stream.indirect_vreg.gather [hbm4b:s3+s2], $0x80, v4, vm0, $0xb8;
	[tilespmem:$0x18200] =	vst v63  }
0x6d: {  	s31 =	simm.s32 $0x9A00;
	v3 =	vadd.s32 v1, v3  }
0x6e: {  	[tilespmem:s31], [sflag:$0x1] =	stream.indirect_vreg.gather [hbm4b:s7+s2], $0x80, v4, vm0, $0xb8;
	[tilespmem:$0x18200] =	vst v63  }
0x6f: {  	s9 =	simm.s32 $0xA200  }
0x70: {  	[tilespmem:s9], [sflag:$0x1] =	stream.indirect_vreg.gather [hbm4b:s8+s2], $0x80, v4, vm0, $0xb8;
	[tilespmem:$0x18200] =	vst v63  }
0x71: {  	s31 =	simm.s32 $0xAA00  }
0x72: {  	[tilespmem:s31], [sflag:$0x1] =	stream.indirect_vreg.gather [hbm4b:s3+s2], $0x80, v3, vm0, $0xb8;
	[tilespmem:$0x18200] =	vst v63  }
0x73: {  	s9 =	simm.s32 $0xB200  }
0x74: {  	[tilespmem:s9], [sflag:$0x1] =	stream.indirect_vreg.gather [hbm4b:s7+s2], $0x80, v3, vm0, $0xb8;
	[tilespmem:$0x18200] =	vst v63  }
0x75: {  	s31 =	simm.s32 $0xBA00  }
0x76: {  	[tilespmem:s31], [sflag:$0x1] =	stream.indirect_vreg.gather [hbm4b:s8+s2], $0x80, v3, vm0, $0xb8;
	[tilespmem:$0x18200] =	vst v63  }
0x77: {  	s9 =	simm.s32 $0x100  }
0x78: {  	[tilespmem:s9], [sflag:$0x3] =	stream.linear.gather [hbm4b:s11+s2], $0x10, $0x38;
	[tilespmem:$0x18200] =	vst v63  }
0x79: {  	_ =	swait.ge [sflag:s21], $0x10  }
0x7a: {  	[sflag:s21] =	ssyncset.done $0x0  }
0x7b: {  	s31 =	simm.s32 $0x110;
	[sflag:s21] =	ssyncadd.s32 $0xFFFFFFF0  }
0x7c: {  	[tilespmem:s31], [sflag:$0x3] =	stream.linear.gather [hbm4b:s12+s2], $0x10, $0x38;
	[tilespmem:$0x18200] =	vst v63  }
0x7d: {  	_ =	swait.ge [sflag:s21], $0x10  }
0x7e: {  	[sflag:s21] =	ssyncset.done $0x0  }
0x7f: {  	[sflag:s21] =	ssyncadd.s32 $0xFFFFFFF0  }
0x80: {  	v3 =	vld [tilespmem:$0x100];
	_ =	sdelay $0x4  }
0x81: {  	v62 =	vshrl.u32 v3, $0x3  }
0x82: {  	v4 =	vmul.u32 $0x30, v62  }
0x83: {  	v3 =	vand.u32 $0x7, v3  }
0x84: {  	v3 =	vor.u32 v3, v4  }
0x85: {  	v4 =	vperm.xlane v3, v0;
	_ =	sdelay $0x1  }
0x86: {  	v4 =	vadd.s32 v1, v4;
	_ =	sdelay $0x3  }
0x87: {  	s9 =	simm.s32 $0xC200;
	v3 =	vperm.xlane v3, v2  }
0x88: {  	[tilespmem:s9], [sflag:$0x1] =	stream.indirect_vreg.gather [hbm4b:s3+s2], $0x80, v4, vm0, $0xb8;
	[tilespmem:$0x18200] =	vst v63  }
0x89: {  	s31 =	simm.s32 $0xCA00;
	v3 =	vadd.s32 v1, v3  }
0x8a: {  	[tilespmem:s31], [sflag:$0x1] =	stream.indirect_vreg.gather [hbm4b:s7+s2], $0x80, v4, vm0, $0xb8;
	[tilespmem:$0x18200] =	vst v63  }
0x8b: {  	s9 =	simm.s32 $0xD200  }
0x8c: {  	[tilespmem:s9], [sflag:$0x1] =	stream.indirect_vreg.gather [hbm4b:s8+s2], $0x80, v4, vm0, $0xb8;
	[tilespmem:$0x18200] =	vst v63  }
0x8d: {  	s31 =	simm.s32 $0xDA00  }
0x8e: {  	[tilespmem:s31], [sflag:$0x1] =	stream.indirect_vreg.gather [hbm4b:s3+s2], $0x80, v3, vm0, $0xb8;
	[tilespmem:$0x18200] =	vst v63  }
0x8f: {  	s9 =	simm.s32 $0xE200  }
0x90: {  	[tilespmem:s9], [sflag:$0x1] =	stream.indirect_vreg.gather [hbm4b:s7+s2], $0x80, v3, vm0, $0xb8;
	[tilespmem:$0x18200] =	vst v63  }
0x91: {  	s31 =	simm.s32 $0xEA00  }
0x92: {  	[tilespmem:s31], [sflag:$0x1] =	stream.indirect_vreg.gather [hbm4b:s8+s2], $0x80, v3, vm0, $0xb8;
	[tilespmem:$0x18200] =	vst v63  }
0x93: {  	v3 =	vld [tilespmem:$0x110];
	_ =	sdelay $0x4  }
0x94: {  	v63 =	vshrl.u32 v3, $0x3  }
0x95: {  	v4 =	vmul.u32 $0x30, v63  }
0x96: {  	v3 =	vand.u32 $0x7, v3  }
0x97: {  	v3 =	vor.u32 v3, v4  }
0x98: {  	v4 =	vperm.xlane v3, v0;
	_ =	sdelay $0x1  }
0x99: {  	v4 =	vadd.s32 v1, v4;
	_ =	sdelay $0x3  }
0x9a: {  	s9 =	simm.s32 $0xF200;
	v3 =	vperm.xlane v3, v2  }
0x9b: {  	[tilespmem:s9], [sflag:$0x1] =	stream.indirect_vreg.gather [hbm4b:s3+s2], $0x80, v4, vm0, $0xb8;
	[tilespmem:$0x18200] =	vst v63  }
0x9c: {  	s31 =	simm.s32 $0xFA00;
	v3 =	vadd.s32 v1, v3  }
0x9d: {  	[tilespmem:s31], [sflag:$0x1] =	stream.indirect_vreg.gather [hbm4b:s7+s2], $0x80, v4, vm0, $0xb8;
	[tilespmem:$0x18200] =	vst v63  }
0x9e: {  	s9 =	simm.s32 $0x10200  }
0x9f: {  	[tilespmem:s9], [sflag:$0x1] =	stream.indirect_vreg.gather [hbm4b:s8+s2], $0x80, v4, vm0, $0xb8;
	[tilespmem:$0x18200] =	vst v63  }
0xa0: {  	s31 =	simm.s32 $0x10A00  }
0xa1: {  	[tilespmem:s31], [sflag:$0x1] =	stream.indirect_vreg.gather [hbm4b:s3+s2], $0x80, v3, vm0, $0xb8;
	[tilespmem:$0x18200] =	vst v63  }
0xa2: {  	s9 =	simm.s32 $0x11200  }
0xa3: {  	[tilespmem:s9], [sflag:$0x1] =	stream.indirect_vreg.gather [hbm4b:s7+s2], $0x80, v3, vm0, $0xb8;
	[tilespmem:$0x18200] =	vst v63  }
0xa4: {  	s31 =	simm.s32 $0x11A00  }
0xa5: {  	[tilespmem:s31], [sflag:$0x1] =	stream.indirect_vreg.gather [hbm4b:s8+s2], $0x80, v3, vm0, $0xb8;
	[tilespmem:$0x18200] =	vst v63  }
0xa6: {  	_ =	swait.ge [sflag:s4], $0x6000  }
0xa7: {  	s28 =	simm.s32 $0x0;
	[sflag:s4] =	ssyncset.done $0x0  }
0xa8: {  	s29 =	simm.s32 $0x0;
	s30 =	simm.s32 $0x0;
	[sflag:s4] =	ssyncadd.s32 $0xFFFFA000  }
.LBB2_2:
0xa9: {  	s31 =	sshrl.u32 s30, $0x3  }
0xaa: {  	s31 =	smul.u32 $0x1800, s31  }
0xab: {  	s9 =	sadd.s32 $0x1, s28;
	s0 =	sand.u32 $0x380, s29  }
0xac: {  	v4 =	vmov s9;
	s9 =	sor.u32 s0, s31  }
0xad: {  	v5 =	vld [tilespmem:s9+$0x200]  }
0xae: {  	v6 =	vld [tilespmem:s9+$0x3200]  }
0xaf: {  	v7 =	vld [tilespmem:s9+$0x210]  }
0xb0: {  	v8 =	vld [tilespmem:s9+$0x3210]  }
0xb1: {  	v9 =	vld [tilespmem:s9+$0x220]  }
0xb2: {  	v10 =	vld [tilespmem:s9+$0x3220]  }
0xb3: {  	v11 =	vld [tilespmem:s9+$0x230]  }
0xb4: {  	v12 =	vld [tilespmem:s9+$0x3230]  }
0xb5: {  	v13 =	vld [tilespmem:s9+$0x240]  }
0xb6: {  	v14 =	vld [tilespmem:s9+$0x3240]  }
0xb7: {  	v15 =	vld [tilespmem:s9+$0x250]  }
0xb8: {  	v16 =	vld [tilespmem:s9+$0x3250]  }
0xb9: {  	v17 =	vld [tilespmem:s9+$0x260]  }
0xba: {  	v18 =	vld [tilespmem:s9+$0x3260]  }
0xbb: {  	v19 =	vld [tilespmem:s9+$0x270]  }
0xbc: {  	v20 =	vld [tilespmem:s9+$0x3270]  }
0xbd: {  	v21 =	vld [tilespmem:s9+$0x600]  }
0xbe: {  	v22 =	vld [tilespmem:s9+$0x3600]  }
0xbf: {  	v23 =	vld [tilespmem:s9+$0x610]  }
0xc0: {  	v24 =	vld [tilespmem:s9+$0x3610]  }
0xc1: {  	v25 =	vld [tilespmem:s9+$0x620]  }
0xc2: {  	v26 =	vld [tilespmem:s9+$0x3620]  }
0xc3: {  	v27 =	vld [tilespmem:s9+$0x630]  }
0xc4: {  	v28 =	vld [tilespmem:s9+$0x3630]  }
0xc5: {  	v3 =	vmov s28;
	v29 =	vld [tilespmem:s9+$0x640]  }
0xc6: {  	v3 =	vand.u32 $0xFFFFFFFE, v3;
	v4 =	vld.idx.msk [tilespmem:v4+s20+$0x0], $0xffff  }
0xc7: {  	v3 =	vbroadcast v3, $0x0;
	v30 =	vld [tilespmem:s9+$0x3640]  }
0xc8: {  	v31 =	vld [tilespmem:s9+$0x650]  }
0xc9: {  	v32 =	vld [tilespmem:s9+$0x3650]  }
0xca: {  	v33 =	vld [tilespmem:s9+$0x660]  }
0xcb: {  	v34 =	vld [tilespmem:s9+$0x3660];
	v6 =	vmul.f32 v6, v4  }
0xcc: {  	v35 =	vld [tilespmem:s9+$0x670];
	v8 =	vmul.f32 v8, v4;
	v10 =	vmul.f32 v10, v4  }
0xcd: {  	v3 =	vld.idx.msk [tilespmem:v3+s20+$0x0], $0xffff;
	v12 =	vmul.f32 v12, v4;
	v14 =	vmul.f32 v14, v4  }
0xce: {  	v36 =	vld [tilespmem:s9+$0x3670];
	v16 =	vmul.f32 v16, v4;
	v18 =	vmul.f32 v18, v4  }
0xcf: {  	v37 =	vld [tilespmem:s9+$0xA00];
	v20 =	vmul.f32 v20, v4;
	v22 =	vmul.f32 v22, v4  }
0xd0: {  	v38 =	vld [tilespmem:s9+$0x3A00];
	v24 =	vmul.f32 v24, v4;
	v26 =	vmul.f32 v26, v4  }
0xd1: {  	v39 =	vld [tilespmem:s9+$0x3A10];
	v28 =	vmul.f32 v28, v4;
	v30 =	vmul.f32 v30, v4  }
0xd2: {  	v40 =	vld [tilespmem:s9+$0xA20];
	v58 =	vmul.f32 v32, v4;
	v5 =	vmul.f32 v5, v3  }
0xd3: {  	v41 =	vld [tilespmem:s9+$0xA40];
	v7 =	vmul.f32 v7, v3;
	v9 =	vmul.f32 v9, v3  }
0xd4: {  	v47 =	vld [tilespmem:s9+$0xA50];
	v60 =	vmul.f32 v11, v3;
	v13 =	vmul.f32 v13, v3  }
0xd5: {  	v48 =	vld [tilespmem:s9+$0x3A50];
	v62 =	vmul.f32 v15, v3;
	v43 =	vmul.f32 v17, v3  }
0xd6: {  	v42 =	vld [tilespmem:s9+$0xA60];
	v19 =	vmul.f32 v19, v3;
	v46 =	vmul.f32 v23, v3  }
0xd7: {  	v52 =	vld [tilespmem:s9+$0xA70];
	v25 =	vmul.f32 v25, v3;
	v5 =	vadd.f32 $0.0e+00, v5;
	v59 =	vadd.f32 $0.0e+00, v7  }
0xd8: {  	v32 =	vld [tilespmem:s9+$0x3E10];
	v51 =	vmul.f32 v29, v3;
	v9 =	vadd.f32 $0.0e+00, v9;
	v7 =	vadd.f32 $0.0e+00, v60  }
0xd9: {  	v11 =	vld [tilespmem:s9+$0xA10];
	v31 =	vmul.f32 v31, v3;
	v63 =	vadd.f32 $0.0e+00, v13;
	v13 =	vadd.f32 $0.0e+00, v43  }
0xda: {  	v15 =	vld [tilespmem:s9+$0xA30];
	v57 =	vmul.f32 v35, v3;
	v45 =	vadd.f32 $0.0e+00, v19;
	v19 =	vadd.f32 $0.0e+00, v46  }
0xdb: {  	v38 =	vmul.f32 v38, v4;
	v17 =	vld [tilespmem:s9+$0x3A30];
	v50 =	vadd.f32 $0.0e+00, v25;
	v25 =	vadd.f32 $0.0e+00, v51  }
0xdc: {  	v44 =	vmul.f32 v21, v3;
	v29 =	vld [tilespmem:s9+$0x3A70];
	v56 =	vadd.f32 $0.0e+00, v31;
	v60 =	vadd.f32 $0.0e+00, v57  }
0xdd: {  	v54 =	vmul.f32 v33, v3;
	v33 =	vld [tilespmem:s9+$0x3E30];
	v5 =	vadd.f32 v6, v5;
	v6 =	vadd.f32 v8, v59  }
0xde: {  	v49 =	vmul.f32 v27, v3;
	v27 =	vld [tilespmem:s9+$0x1200];
	v61 =	vadd.f32 v10, v9;
	v7 =	vadd.f32 v12, v7  }
0xdf: {  	v39 =	vmul.f32 v39, v4;
	v43 =	vld [tilespmem:s9+$0xE00];
	v9 =	vadd.f32 $0.0e+00, v62;
	v12 =	vadd.f32 v14, v63  }
0xe0: {  	v48 =	vmul.f32 v48, v4;
	v10 =	vld [tilespmem:s9+$0x3A20];
	v13 =	vadd.f32 v18, v13;
	v14 =	vadd.f32 $0.0e+00, v44;
	[tilespmem:s9+$0x12200] =	vst v5  }
0xe1: {  	v52 =	vmul.f32 v52, v3;
	v18 =	vadd.f32 v20, v45;
	v53 =	vadd.f32 v26, v50;
	v26 =	vld [tilespmem:s9+$0x3E00];
	[tilespmem:s9+$0x12210] =	vst v6  }
0xe2: {  	v46 =	vmul.f32 v47, v3;
	v19 =	vadd.f32 v24, v19;
	v55 =	vadd.f32 v30, v25;
	v30 =	vld [tilespmem:s9+$0xE10];
	[tilespmem:s9+$0x12220] =	vst v61  }
0xe3: {  	v20 =	vadd.f32 $0.0e+00, v49;
	v59 =	vmul.f32 v34, v4;
	v62 =	vmul.f32 v37, v3;
	v34 =	vld [tilespmem:s9+$0xE20];
	[tilespmem:s9+$0x12230] =	vst v7  }
0xe4: {  	v24 =	vadd.f32 $0.0e+00, v54;
	v37 =	vmul.f32 v40, v3;
	v44 =	vld [tilespmem:s9+$0xE40];
	v45 =	vmul.f32 v41, v3;
	[tilespmem:s9+$0x12240] =	vst v12  }
0xe5: {  	v8 =	vadd.f32 v58, v56;
	v49 =	vmul.f32 v42, v3;
	v50 =	vld [tilespmem:s9+$0xE60];
	v11 =	vmul.f32 v11, v3;
	[tilespmem:s9+$0x12260] =	vst v13  }
0xe6: {  	v56 =	vld [tilespmem:s9+$0xE70];
	v15 =	vmul.f32 v15, v3;
	v9 =	vadd.f32 v16, v9;
	v14 =	vadd.f32 v22, v14;
	[tilespmem:s9+$0x12270] =	vst v18  }
0xe7: {  	v41 =	vld [tilespmem:s9+$0x4210];
	v47 =	vmul.f32 v17, v4;
	v20 =	vadd.f32 v28, v20;
	v63 =	vadd.f32 v59, v24;
	[tilespmem:s9+$0x12610] =	vst v19  }
0xe8: {  	v17 =	vld [tilespmem:s9+$0x3E50];
	v61 =	vmul.f32 v36, v4;
	v36 =	vadd.f32 $0.0e+00, v62;
	v40 =	vadd.f32 $0.0e+00, v37;
	[tilespmem:s9+$0x12620] =	vst v53  }
0xe9: {  	v23 =	vmul.f32 v27, v3;
	v16 =	vld [tilespmem:s9+$0x3A40];
	v13 =	vadd.f32 $0.0e+00, v45;
	v18 =	vadd.f32 $0.0e+00, v46;
	[tilespmem:s9+$0x12640] =	vst v55  }
0xea: {  	v58 =	vmul.f32 v29, v4;
	v22 =	vld [tilespmem:s9+$0x3A60];
	[tilespmem:s9+$0x12650] =	vst v8;
	v54 =	vadd.f32 $0.0e+00, v49;
	v11 =	vadd.f32 $0.0e+00, v11  }
0xeb: {  	v24 =	vld [tilespmem:s9+$0x3E20];
	v15 =	vadd.f32 $0.0e+00, v15;
	v55 =	vmul.f32 v43, v3;
	v29 =	vadd.f32 $0.0e+00, v23;
	[tilespmem:s9+$0x12250] =	vst v9  }
0xec: {  	v28 =	vld [tilespmem:s9+$0xE30];
	v43 =	vmul.f32 v33, v4;
	v7 =	vadd.f32 v61, v60;
	[tilespmem:s9+$0x12600] =	vst v14;
	v9 =	vadd.f32 v38, v36  }
0xed: {  	v19 =	vld [tilespmem:s9+$0xE50];
	[tilespmem:s9+$0x12630] =	vst v20;
	v53 =	vadd.f32 v48, v18;
	v10 =	vmul.f32 v10, v4;
	v60 =	vmul.f32 v26, v4  }
0xee: {  	v14 =	vld [tilespmem:s9+$0x3E40];
	[tilespmem:s9+$0x12660] =	vst v63;
	v11 =	vadd.f32 v39, v11;
	v61 =	vmul.f32 v30, v3;
	v35 =	vmul.f32 v34, v3  }
0xef: {  	v36 =	vld [tilespmem:s9+$0x4200];
	v5 =	vadd.f32 v47, v15;
	v25 =	vmul.f32 v44, v3;
	v50 =	vmul.f32 v50, v3;
	[tilespmem:s9+$0x12670] =	vst v7  }
0xf0: {  	v48 =	vld [tilespmem:s9+$0x4220];
	v59 =	vadd.f32 $0.0e+00, v55;
	v34 =	vmul.f32 v41, v4;
	[tilespmem:s9+$0x12A50] =	vst v53;
	v53 =	vmul.f32 v56, v3  }
0xf1: {  	v15 =	vld [tilespmem:s9+$0x3E60];
	[tilespmem:s9+$0x12A00] =	vst v9;
	v55 =	vmul.f32 v17, v4;
	v10 =	vadd.f32 v10, v40;
	v16 =	vmul.f32 v16, v4  }
0xf2: {  	v39 =	vld [tilespmem:s9+$0x1210];
	v57 =	vmul.f32 v22, v4;
	[tilespmem:s9+$0x12A10] =	vst v11;
	v7 =	vadd.f32 v60, v59;
	v37 =	vadd.f32 $0.0e+00, v61  }
0xf3: {  	v44 =	vld [tilespmem:s9+$0x1220];
	v38 =	vmul.f32 v28, v3;
	[tilespmem:s9+$0x12A30] =	vst v5;
	v49 =	vadd.f32 $0.0e+00, v25;
	v56 =	vadd.f32 $0.0e+00, v50  }
0xf4: {  	v22 =	vld [tilespmem:s9+$0x3E70];
	v40 =	vmul.f32 v32, v4;
	v59 =	vadd.f32 $0.0e+00, v53;
	v51 =	vadd.f32 v16, v13;
	[tilespmem:s9+$0x12A20] =	vst v10  }
0xf5: {  	v47 =	vmul.f32 v19, v3;
	v61 =	vld [tilespmem:s9+$0x4240];
	v13 =	vadd.f32 $0.0e+00, v52;
	v62 =	vadd.f32 v57, v54;
	[tilespmem:s9+$0x12E00] =	vst v7  }
0xf6: {  	v24 =	vmul.f32 v24, v4;
	v32 =	vld [tilespmem:s9+$0x1260];
	v42 =	vadd.f32 $0.0e+00, v38;
	v45 =	vadd.f32 v40, v37;
	[tilespmem:s9+$0x12A40] =	vst v51  }
0xf7: {  	v52 =	vmul.f32 v14, v4;
	v11 =	vadd.f32 $0.0e+00, v47;
	v54 =	vld [tilespmem:s9+$0x4230];
	v63 =	vadd.f32 v58, v13;
	[tilespmem:s9+$0x12A60] =	vst v62  }
0xf8: {  	v57 =	vld [tilespmem:s9+$0x1240];
	v30 =	vmul.f32 v36, v4;
	v36 =	vmul.f32 v48, v4;
	v5 =	vadd.f32 v43, v42;
	[tilespmem:s9+$0x12E10] =	vst v45  }
0xf9: {  	v25 =	vmul.f32 v39, v3;
	v39 =	vld [tilespmem:s9+$0x4260];
	v13 =	vadd.f32 $0.0e+00, v35;
	v58 =	vadd.f32 v52, v49;
	[tilespmem:s9+$0x12A70] =	vst v63  }
0xfa: {  	v15 =	vmul.f32 v15, v4;
	v27 =	vmul.f32 v44, v3;
	v51 =	vld [tilespmem:s9+$0x1230];
	v62 =	vadd.f32 v55, v11;
	[tilespmem:s9+$0x12E30] =	vst v5  }
0xfb: {  	v35 =	vld [tilespmem:s9+$0x1270];
	v60 =	vmul.f32 v22, v4;
	v33 =	vadd.f32 $0.0e+00, v25;
	v46 =	vadd.f32 v24, v13;
	[tilespmem:s9+$0x12E40] =	vst v58  }
0xfc: {  	v10 =	vadd.f32 $0.0e+00, v27;
	v45 =	vmul.f32 v61, v4;
	v63 =	vadd.f32 v15, v56;
	v24 =	vld [tilespmem:s9+$0x1250];
	[tilespmem:s9+$0x12E50] =	vst v62  }
0xfd: {  	v41 =	vld [tilespmem:s9+$0x4270];
	v5 =	vadd.f32 v30, v29;
	v8 =	vadd.f32 v60, v59;
	v40 =	vmul.f32 v57, v3;
	[tilespmem:s9+$0x12E20] =	vst v46  }
0xfe: {  	v28 =	vld [tilespmem:s9+$0x4250];
	v38 =	vmul.f32 v54, v4;
	v7 =	vadd.f32 v34, v33;
	[tilespmem:s9+$0x12E60] =	vst v63;
	v46 =	vmul.f32 v32, v3  }
0xff: {  	v6 =	vadd.f32 v36, v10;
	[tilespmem:s9+$0x13200] =	vst v5;
	v31 =	vmul.f32 v51, v3;
	v44 =	vadd.f32 $0.0e+00, v40  }
0x100: {  	[tilespmem:s9+$0x12E70] =	vst v8;
	v49 =	vmul.f32 v35, v3;
	v51 =	vmul.f32 v39, v4;
	v50 =	vadd.f32 $0.0e+00, v46  }
0x101: {  	[tilespmem:s9+$0x13210] =	vst v7;
	v37 =	vadd.f32 $0.0e+00, v31;
	v43 =	vmul.f32 v24, v3;
	v5 =	vadd.f32 v45, v44  }
0x102: {  	v53 =	vmul.f32 v41, v4;
	[tilespmem:s9+$0x13220] =	vst v6;
	v52 =	vadd.f32 $0.0e+00, v49;
	v54 =	vadd.f32 v51, v50  }
0x103: {  	v48 =	vmul.f32 v28, v4;
	v42 =	vadd.f32 v38, v37;
	v47 =	vadd.f32 $0.0e+00, v43;
	[tilespmem:s9+$0x13240] =	vst v5  }
0x104: {  	v55 =	vadd.f32 v53, v52;
	[tilespmem:s9+$0x13260] =	vst v54  }
0x105: {  	[tilespmem:s9+$0x13230] =	vst v42;
	v7 =	vadd.f32 v48, v47  }
0x106: {  	s31 =	sor.u32 s31, s29;
	v56 =	vld [tilespmem:s9+$0x1600];
	[tilespmem:s9+$0x13270] =	vst v55  }
0x107: {  	s31 =	sor.u32 $0x4400, s31;
	[tilespmem:s9+$0x13250] =	vst v7  }
0x108: {  	v6 =	vld [tilespmem:s31+$0x200];
	_ =	sdelay $0x2  }
0x109: {  	v5 =	vmul.f32 v56, v3;
	_ =	sdelay $0x1  }
0x10a: {  	v5 =	vadd.f32 $0.0e+00, v5;
	v6 =	vmul.f32 v6, v4;
	_ =	sdelay $0x1  }
0x10b: {  	v5 =	vadd.f32 v6, v5  }
0x10c: {  	v57 =	vld [tilespmem:s9+$0x1610]  }
0x10d: {  	[tilespmem:s9+$0x13600] =	vst v5  }
0x10e: {  	v5 =	vld [tilespmem:s31+$0x210];
	_ =	sdelay $0x2  }
0x10f: {  	v6 =	vmul.f32 v57, v3;
	_ =	sdelay $0x1  }
0x110: {  	v6 =	vadd.f32 $0.0e+00, v6;
	v5 =	vmul.f32 v5, v4;
	_ =	sdelay $0x1  }
0x111: {  	v5 =	vadd.f32 v5, v6  }
0x112: {  	v58 =	vld [tilespmem:s9+$0x1620]  }
0x113: {  	[tilespmem:s9+$0x13610] =	vst v5  }
0x114: {  	v5 =	vld [tilespmem:s31+$0x220];
	_ =	sdelay $0x2  }
0x115: {  	v6 =	vmul.f32 v58, v3;
	_ =	sdelay $0x1  }
0x116: {  	v6 =	vadd.f32 $0.0e+00, v6;
	v5 =	vmul.f32 v5, v4;
	_ =	sdelay $0x1  }
0x117: {  	v5 =	vadd.f32 v5, v6  }
0x118: {  	v59 =	vld [tilespmem:s9+$0x1630]  }
0x119: {  	[tilespmem:s9+$0x13620] =	vst v5  }
0x11a: {  	v5 =	vld [tilespmem:s31+$0x230];
	_ =	sdelay $0x2  }
0x11b: {  	v6 =	vmul.f32 v59, v3;
	_ =	sdelay $0x1  }
0x11c: {  	v6 =	vadd.f32 $0.0e+00, v6;
	v5 =	vmul.f32 v5, v4;
	_ =	sdelay $0x1  }
0x11d: {  	v5 =	vadd.f32 v5, v6  }
0x11e: {  	v60 =	vld [tilespmem:s9+$0x1640]  }
0x11f: {  	[tilespmem:s9+$0x13630] =	vst v5  }
0x120: {  	v5 =	vld [tilespmem:s31+$0x240];
	_ =	sdelay $0x2  }
0x121: {  	v6 =	vmul.f32 v60, v3;
	_ =	sdelay $0x1  }
0x122: {  	v6 =	vadd.f32 $0.0e+00, v6;
	v5 =	vmul.f32 v5, v4;
	_ =	sdelay $0x1  }
0x123: {  	v5 =	vadd.f32 v5, v6  }
0x124: {  	v61 =	vld [tilespmem:s9+$0x1650]  }
0x125: {  	[tilespmem:s9+$0x13640] =	vst v5  }
0x126: {  	v5 =	vld [tilespmem:s31+$0x250];
	_ =	sdelay $0x2  }
0x127: {  	v6 =	vmul.f32 v61, v3;
	_ =	sdelay $0x1  }
0x128: {  	v6 =	vadd.f32 $0.0e+00, v6;
	v5 =	vmul.f32 v5, v4;
	_ =	sdelay $0x1  }
0x129: {  	v5 =	vadd.f32 v5, v6  }
0x12a: {  	v62 =	vld [tilespmem:s9+$0x1660]  }
0x12b: {  	[tilespmem:s9+$0x13650] =	vst v5  }
0x12c: {  	v5 =	vld [tilespmem:s31+$0x260];
	_ =	sdelay $0x2  }
0x12d: {  	v6 =	vmul.f32 v62, v3;
	_ =	sdelay $0x1  }
0x12e: {  	v6 =	vadd.f32 $0.0e+00, v6;
	v5 =	vmul.f32 v5, v4;
	_ =	sdelay $0x1  }
0x12f: {  	v5 =	vadd.f32 v5, v6  }
0x130: {  	v63 =	vld [tilespmem:s9+$0x1670]  }
0x131: {  	[tilespmem:s9+$0x13660] =	vst v5  }
0x132: {  	v5 =	vld [tilespmem:s31+$0x270];
	_ =	sdelay $0x2  }
0x133: {  	v3 =	vmul.f32 v63, v3  }
0x134: {  	p0 =	sne.s32 s30, $0xF  }
.Ltmp0:
0x135: {  	v3 =	vadd.f32 $0.0e+00, v3;
	v4 =	vmul.f32 v5, v4;
	(pc) =	sbr.rel @p0 .LBB2_2-.Ltmp0, $3  }
0x136: {  	_ = 	snop  }
0x137: {  	v3 =	vadd.f32 v4, v3;
	_ =	sdelay $0x1  }
0x138: {  	s28 =	sadd.s32 $0x2, s28;
	s30 =	sadd.s32 $0x1, s30;
	s29 =	sadd.s32 $0x80, s29;
	[tilespmem:s9+$0x13670] =	vst v3  }
0x139: {  	s28 =	simm.s32 $0x0  }
0x13a: {  	[hbm4b:s13+s28] =	stream.linear.scatter [tilespmem:s24], [sflag:$0x2], $0x3000, $0x38;
	[tilespmem:$0x18200] =	vst v63  }
0x13b: {  	_ = 	snop  }
0x13c: {  	[tilespmem:s28], [sflag:$0x3] =	stream.linear.gather [hbm4b:s14+s28], $0x10, $0x38;
	[tilespmem:$0x18200] =	vst v63  }
0x13d: {  	_ =	swait.ge [sflag:s21], $0x10  }
0x13e: {  	[sflag:s21] =	ssyncset.done $0x0  }
0x13f: {  	[sflag:s21] =	ssyncadd.s32 $0xFFFFFFF0  }
0x140: {  	[tilespmem:s10], [sflag:$0x3] =	stream.linear.gather [hbm4b:s15+s28], $0x10, $0x38;
	[tilespmem:$0x18200] =	vst v63  }
0x141: {  	_ =	swait.ge [sflag:s21], $0x10  }
0x142: {  	[sflag:s21] =	ssyncset.done $0x0  }
0x143: {  	[sflag:s21] =	ssyncadd.s32 $0xFFFFFFF0  }
0x144: {  	v3 =	vld [tilespmem:$0x0];
	_ =	sdelay $0x4  }
0x145: {  	v4 =	vshrl.u32 v3, $0x3  }
0x146: {  	v4 =	vmul.u32 $0x30, v4  }
0x147: {  	v3 =	vand.u32 $0x7, v3  }
0x148: {  	v3 =	vor.u32 v3, v4  }
0x149: {  	v4 =	vperm.xlane v3, v0;
	_ =	sdelay $0x1  }
0x14a: {  	v4 =	vadd.s32 v1, v4;
	_ =	sdelay $0x3  }
0x14b: {  	s0 =	simm.s32 $0x200;
	v3 =	vperm.xlane v3, v2  }
0x14c: {  	[tilespmem:s0], [sflag:$0x1] =	stream.indirect_vreg.gather [hbm4b:s3+s28], $0x80, v4, vm0, $0xb8;
	[tilespmem:$0x18200] =	vst v63  }
0x14d: {  	s10 =	simm.s32 $0xA00;
	v3 =	vadd.s32 v1, v3  }
0x14e: {  	[tilespmem:s10], [sflag:$0x1] =	stream.indirect_vreg.gather [hbm4b:s7+s28], $0x80, v4, vm0, $0xb8;
	[tilespmem:$0x18200] =	vst v63  }
0x14f: {  	s31 =	simm.s32 $0x1200  }
0x150: {  	[tilespmem:s31], [sflag:$0x1] =	stream.indirect_vreg.gather [hbm4b:s8+s28], $0x80, v4, vm0, $0xb8;
	[tilespmem:$0x18200] =	vst v63  }
0x151: {  	s9 =	simm.s32 $0x1A00  }
0x152: {  	[tilespmem:s9], [sflag:$0x1] =	stream.indirect_vreg.gather [hbm4b:s3+s28], $0x80, v3, vm0, $0xb8;
	[tilespmem:$0x18200] =	vst v63  }
0x153: {  	s10 =	simm.s32 $0x2200  }
0x154: {  	[tilespmem:s10], [sflag:$0x1] =	stream.indirect_vreg.gather [hbm4b:s7+s28], $0x80, v3, vm0, $0xb8;
	[tilespmem:$0x18200] =	vst v63  }
0x155: {  	s31 =	simm.s32 $0x2A00  }
0x156: {  	[tilespmem:s31], [sflag:$0x1] =	stream.indirect_vreg.gather [hbm4b:s8+s28], $0x80, v3, vm0, $0xb8;
	[tilespmem:$0x18200] =	vst v63  }
0x157: {  	v3 =	vld [tilespmem:$0x10];
	_ =	sdelay $0x4  }
0x158: {  	v63 =	vshrl.u32 v3, $0x3  }
0x159: {  	v4 =	vmul.u32 $0x30, v63  }
0x15a: {  	v3 =	vand.u32 $0x7, v3  }
0x15b: {  	v3 =	vor.u32 v3, v4  }
0x15c: {  	v4 =	vperm.xlane v3, v0;
	_ =	sdelay $0x1  }
0x15d: {  	v4 =	vadd.s32 v1, v4;
	_ =	sdelay $0x3  }
0x15e: {  	s9 =	simm.s32 $0x3200;
	v3 =	vperm.xlane v3, v2  }
0x15f: {  	[tilespmem:s9], [sflag:$0x1] =	stream.indirect_vreg.gather [hbm4b:s3+s28], $0x80, v4, vm0, $0xb8;
	[tilespmem:$0x18200] =	vst v63  }
0x160: {  	s10 =	simm.s32 $0x3A00;
	v3 =	vadd.s32 v1, v3  }
0x161: {  	[tilespmem:s10], [sflag:$0x1] =	stream.indirect_vreg.gather [hbm4b:s7+s28], $0x80, v4, vm0, $0xb8;
	[tilespmem:$0x18200] =	vst v63  }
0x162: {  	s31 =	simm.s32 $0x4200  }
0x163: {  	[tilespmem:s31], [sflag:$0x1] =	stream.indirect_vreg.gather [hbm4b:s8+s28], $0x80, v4, vm0, $0xb8;
	[tilespmem:$0x18200] =	vst v63  }
0x164: {  	_ = 	snop  }
0x165: {  	[tilespmem:s1], [sflag:$0x1] =	stream.indirect_vreg.gather [hbm4b:s3+s28], $0x80, v3, vm0, $0xb8;
	[tilespmem:$0x18200] =	vst v63  }
0x166: {  	_ = 	snop  }
0x167: {  	[tilespmem:s22], [sflag:$0x1] =	stream.indirect_vreg.gather [hbm4b:s7+s28], $0x80, v3, vm0, $0xb8;
	[tilespmem:$0x18200] =	vst v63  }
0x168: {  	_ = 	snop  }
0x169: {  	[tilespmem:s23], [sflag:$0x1] =	stream.indirect_vreg.gather [hbm4b:s8+s28], $0x80, v3, vm0, $0xb8;
	[tilespmem:$0x18200] =	vst v63  }
0x16a: {  	_ =	swait.ge [sflag:s4], $0x6000  }
0x16b: {  	[sflag:s4] =	ssyncset.done $0x0  }
0x16c: {  	s29 =	simm.s32 $0x21;
	s30 =	simm.s32 $0x0;
	[sflag:s4] =	ssyncadd.s32 $0xFFFFA000  }
.LBB2_4:
0x16d: {  	s9 =	sadd.s32 $0xFFFFFFFF, s29  }
0x16e: {  	v3 =	vmov s9  }
0x16f: {  	v3 =	vand.u32 $0xFFFFFFFE, v3  }
0x170: {  	v3 =	vbroadcast v3, $0x0  }
0x171: {  	s31 =	sshrl.u32 s30, $0x3  }
0x172: {  	s0 =	sadd.s32 $0x10, s30;
	v4 =	vmov s29;
	s31 =	smul.u32 $0x1800, s31  }
0x173: {  	s9 =	sshrl.u32 s0, $0x3;
	s0 =	sand.u32 $0x380, s28  }
0x174: {  	s10 =	smul.u32 $0x6000, s9;
	s9 =	sor.u32 s0, s31  }
0x175: {  	v5 =	vld [tilespmem:s9+$0x6200]  }
0x176: {  	s10 =	sshra.s32 s10, $0x2;
	v3 =	vld.idx.msk [tilespmem:v3+s20+$0x0], $0xffff  }
0x177: {  	v4 =	vld.idx.msk [tilespmem:v4+s20+$0x0], $0xffff;
	s10 =	sor.u32 s0, s10  }
0x178: {  	v6 =	vld [tilespmem:s10+$0x6200];
	_ =	sdelay $0x2  }
0x179: {  	v5 =	vmul.f32 v5, v3;
	_ =	sdelay $0x1  }
0x17a: {  	v6 =	vmul.f32 v6, v4;
	v5 =	vadd.f32 $0.0e+00, v5;
	_ =	sdelay $0x1  }
0x17b: {  	v5 =	vadd.f32 v6, v5  }
0x17c: {  	v17 =	vld [tilespmem:s9+$0x6210]  }
0x17d: {  	[tilespmem:s9+$0x15200] =	vst v5  }
0x17e: {  	v5 =	vld [tilespmem:s10+$0x6210];
	_ =	sdelay $0x2  }
0x17f: {  	v6 =	vmul.f32 v17, v3;
	_ =	sdelay $0x1  }
0x180: {  	v6 =	vadd.f32 $0.0e+00, v6;
	v5 =	vmul.f32 v5, v4;
	_ =	sdelay $0x1  }
0x181: {  	v5 =	vadd.f32 v5, v6  }
0x182: {  	v18 =	vld [tilespmem:s9+$0x6220]  }
0x183: {  	[tilespmem:s9+$0x15210] =	vst v5  }
0x184: {  	v5 =	vld [tilespmem:s10+$0x6220];
	_ =	sdelay $0x2  }
0x185: {  	v6 =	vmul.f32 v18, v3;
	_ =	sdelay $0x1  }
0x186: {  	v6 =	vadd.f32 $0.0e+00, v6;
	v5 =	vmul.f32 v5, v4;
	_ =	sdelay $0x1  }
0x187: {  	v5 =	vadd.f32 v5, v6  }
0x188: {  	v19 =	vld [tilespmem:s9+$0x6230]  }
0x189: {  	[tilespmem:s9+$0x15220] =	vst v5  }
0x18a: {  	v5 =	vld [tilespmem:s10+$0x6230];
	_ =	sdelay $0x2  }
0x18b: {  	v6 =	vmul.f32 v19, v3;
	_ =	sdelay $0x1  }
0x18c: {  	v6 =	vadd.f32 $0.0e+00, v6;
	v5 =	vmul.f32 v5, v4;
	_ =	sdelay $0x1  }
0x18d: {  	v5 =	vadd.f32 v5, v6  }
0x18e: {  	v20 =	vld [tilespmem:s9+$0x6240]  }
0x18f: {  	[tilespmem:s9+$0x15230] =	vst v5  }
0x190: {  	v5 =	vld [tilespmem:s10+$0x6240];
	_ =	sdelay $0x2  }
0x191: {  	v6 =	vmul.f32 v20, v3;
	_ =	sdelay $0x1  }
0x192: {  	v6 =	vadd.f32 $0.0e+00, v6;
	v5 =	vmul.f32 v5, v4;
	_ =	sdelay $0x1  }
0x193: {  	v5 =	vadd.f32 v5, v6  }
0x194: {  	v21 =	vld [tilespmem:s9+$0x6250]  }
0x195: {  	[tilespmem:s9+$0x15240] =	vst v5  }
0x196: {  	v5 =	vld [tilespmem:s10+$0x6250];
	_ =	sdelay $0x2  }
0x197: {  	v6 =	vmul.f32 v21, v3;
	_ =	sdelay $0x1  }
0x198: {  	v6 =	vadd.f32 $0.0e+00, v6;
	v5 =	vmul.f32 v5, v4;
	_ =	sdelay $0x1  }
0x199: {  	v5 =	vadd.f32 v5, v6  }
0x19a: {  	v22 =	vld [tilespmem:s9+$0x6260]  }
0x19b: {  	[tilespmem:s9+$0x15250] =	vst v5  }
0x19c: {  	v5 =	vld [tilespmem:s10+$0x6260];
	_ =	sdelay $0x2  }
0x19d: {  	v6 =	vmul.f32 v22, v3;
	_ =	sdelay $0x1  }
0x19e: {  	v6 =	vadd.f32 $0.0e+00, v6;
	v5 =	vmul.f32 v5, v4;
	_ =	sdelay $0x1  }
0x19f: {  	v5 =	vadd.f32 v5, v6  }
0x1a0: {  	v23 =	vld [tilespmem:s9+$0x6270]  }
0x1a1: {  	[tilespmem:s9+$0x15260] =	vst v5  }
0x1a2: {  	v5 =	vld [tilespmem:s10+$0x6270];
	_ =	sdelay $0x2  }
0x1a3: {  	v6 =	vmul.f32 v23, v3;
	_ =	sdelay $0x1  }
0x1a4: {  	v6 =	vadd.f32 $0.0e+00, v6;
	v5 =	vmul.f32 v5, v4;
	_ =	sdelay $0x1  }
0x1a5: {  	v5 =	vadd.f32 v5, v6  }
0x1a6: {  	v24 =	vld [tilespmem:s9+$0x6600]  }
0x1a7: {  	[tilespmem:s9+$0x15270] =	vst v5  }
0x1a8: {  	v5 =	vld [tilespmem:s10+$0x6600];
	_ =	sdelay $0x2  }
0x1a9: {  	v6 =	vmul.f32 v24, v3;
	_ =	sdelay $0x1  }
0x1aa: {  	v6 =	vadd.f32 $0.0e+00, v6;
	v5 =	vmul.f32 v5, v4;
	_ =	sdelay $0x1  }
0x1ab: {  	v5 =	vadd.f32 v5, v6  }
0x1ac: {  	v25 =	vld [tilespmem:s9+$0x6610]  }
0x1ad: {  	[tilespmem:s9+$0x15600] =	vst v5  }
0x1ae: {  	v5 =	vld [tilespmem:s10+$0x6610];
	_ =	sdelay $0x2  }
0x1af: {  	v6 =	vmul.f32 v25, v3;
	_ =	sdelay $0x1  }
0x1b0: {  	v6 =	vadd.f32 $0.0e+00, v6;
	v5 =	vmul.f32 v5, v4;
	_ =	sdelay $0x1  }
0x1b1: {  	v5 =	vadd.f32 v5, v6  }
0x1b2: {  	v26 =	vld [tilespmem:s9+$0x6620]  }
0x1b3: {  	[tilespmem:s9+$0x15610] =	vst v5  }
0x1b4: {  	v5 =	vld [tilespmem:s10+$0x6620];
	_ =	sdelay $0x2  }
0x1b5: {  	v6 =	vmul.f32 v26, v3;
	_ =	sdelay $0x1  }
0x1b6: {  	v6 =	vadd.f32 $0.0e+00, v6;
	v5 =	vmul.f32 v5, v4;
	_ =	sdelay $0x1  }
0x1b7: {  	v5 =	vadd.f32 v5, v6  }
0x1b8: {  	v27 =	vld [tilespmem:s9+$0x6630]  }
0x1b9: {  	[tilespmem:s9+$0x15620] =	vst v5  }
0x1ba: {  	v5 =	vld [tilespmem:s10+$0x6630];
	_ =	sdelay $0x2  }
0x1bb: {  	v6 =	vmul.f32 v27, v3;
	_ =	sdelay $0x1  }
0x1bc: {  	v6 =	vadd.f32 $0.0e+00, v6;
	v5 =	vmul.f32 v5, v4;
	_ =	sdelay $0x1  }
0x1bd: {  	v5 =	vadd.f32 v5, v6  }
0x1be: {  	v28 =	vld [tilespmem:s9+$0x6640]  }
0x1bf: {  	[tilespmem:s9+$0x15630] =	vst v5  }
0x1c0: {  	v5 =	vld [tilespmem:s10+$0x6640];
	_ =	sdelay $0x2  }
0x1c1: {  	v6 =	vmul.f32 v28, v3;
	_ =	sdelay $0x1  }
0x1c2: {  	v6 =	vadd.f32 $0.0e+00, v6;
	v5 =	vmul.f32 v5, v4;
	_ =	sdelay $0x1  }
0x1c3: {  	v5 =	vadd.f32 v5, v6  }
0x1c4: {  	v29 =	vld [tilespmem:s9+$0x6650]  }
0x1c5: {  	[tilespmem:s9+$0x15640] =	vst v5  }
0x1c6: {  	v5 =	vld [tilespmem:s10+$0x6650];
	_ =	sdelay $0x2  }
0x1c7: {  	v6 =	vmul.f32 v29, v3;
	_ =	sdelay $0x1  }
0x1c8: {  	v6 =	vadd.f32 $0.0e+00, v6;
	v5 =	vmul.f32 v5, v4;
	_ =	sdelay $0x1  }
0x1c9: {  	v5 =	vadd.f32 v5, v6  }
0x1ca: {  	v30 =	vld [tilespmem:s9+$0x6660]  }
0x1cb: {  	[tilespmem:s9+$0x15650] =	vst v5  }
0x1cc: {  	v5 =	vld [tilespmem:s10+$0x6660];
	_ =	sdelay $0x2  }
0x1cd: {  	v6 =	vmul.f32 v30, v3;
	_ =	sdelay $0x1  }
0x1ce: {  	v6 =	vadd.f32 $0.0e+00, v6;
	v5 =	vmul.f32 v5, v4;
	_ =	sdelay $0x1  }
0x1cf: {  	v5 =	vadd.f32 v5, v6  }
0x1d0: {  	v31 =	vld [tilespmem:s9+$0x6670]  }
0x1d1: {  	[tilespmem:s9+$0x15660] =	vst v5  }
0x1d2: {  	v5 =	vld [tilespmem:s10+$0x6670];
	_ =	sdelay $0x2  }
0x1d3: {  	v6 =	vmul.f32 v31, v3;
	_ =	sdelay $0x1  }
0x1d4: {  	v6 =	vadd.f32 $0.0e+00, v6;
	v5 =	vmul.f32 v5, v4;
	_ =	sdelay $0x1  }
0x1d5: {  	v5 =	vadd.f32 v5, v6  }
0x1d6: {  	v32 =	vld [tilespmem:s9+$0x6A00]  }
0x1d7: {  	[tilespmem:s9+$0x15670] =	vst v5  }
0x1d8: {  	v5 =	vld [tilespmem:s10+$0x6A00];
	_ =	sdelay $0x2  }
0x1d9: {  	v6 =	vmul.f32 v32, v3;
	_ =	sdelay $0x1  }
0x1da: {  	v6 =	vadd.f32 $0.0e+00, v6;
	v5 =	vmul.f32 v5, v4;
	_ =	sdelay $0x1  }
0x1db: {  	v5 =	vadd.f32 v5, v6  }
0x1dc: {  	v33 =	vld [tilespmem:s9+$0x6A10]  }
0x1dd: {  	[tilespmem:s9+$0x15A00] =	vst v5  }
0x1de: {  	v5 =	vld [tilespmem:s10+$0x6A10];
	_ =	sdelay $0x2  }
0x1df: {  	v6 =	vmul.f32 v33, v3;
	_ =	sdelay $0x1  }
0x1e0: {  	v6 =	vadd.f32 $0.0e+00, v6;
	v5 =	vmul.f32 v5, v4;
	_ =	sdelay $0x1  }
0x1e1: {  	v5 =	vadd.f32 v5, v6  }
0x1e2: {  	v34 =	vld [tilespmem:s9+$0x6A20]  }
0x1e3: {  	[tilespmem:s9+$0x15A10] =	vst v5  }
0x1e4: {  	v5 =	vld [tilespmem:s10+$0x6A20];
	_ =	sdelay $0x2  }
0x1e5: {  	v6 =	vmul.f32 v34, v3;
	_ =	sdelay $0x1  }
0x1e6: {  	v6 =	vadd.f32 $0.0e+00, v6;
	v5 =	vmul.f32 v5, v4;
	_ =	sdelay $0x1  }
0x1e7: {  	v5 =	vadd.f32 v5, v6  }
0x1e8: {  	v35 =	vld [tilespmem:s9+$0x6A30]  }
0x1e9: {  	[tilespmem:s9+$0x15A20] =	vst v5  }
0x1ea: {  	v5 =	vld [tilespmem:s10+$0x6A30];
	_ =	sdelay $0x2  }
0x1eb: {  	v6 =	vmul.f32 v35, v3;
	_ =	sdelay $0x1  }
0x1ec: {  	v6 =	vadd.f32 $0.0e+00, v6;
	v5 =	vmul.f32 v5, v4;
	_ =	sdelay $0x1  }
0x1ed: {  	v5 =	vadd.f32 v5, v6  }
0x1ee: {  	v36 =	vld [tilespmem:s9+$0x6A40]  }
0x1ef: {  	[tilespmem:s9+$0x15A30] =	vst v5  }
0x1f0: {  	v5 =	vld [tilespmem:s10+$0x6A40];
	_ =	sdelay $0x2  }
0x1f1: {  	v6 =	vmul.f32 v36, v3;
	_ =	sdelay $0x1  }
0x1f2: {  	v6 =	vadd.f32 $0.0e+00, v6;
	v5 =	vmul.f32 v5, v4;
	_ =	sdelay $0x1  }
0x1f3: {  	v5 =	vadd.f32 v5, v6  }
0x1f4: {  	v37 =	vld [tilespmem:s9+$0x6A50]  }
0x1f5: {  	[tilespmem:s9+$0x15A40] =	vst v5  }
0x1f6: {  	v5 =	vld [tilespmem:s10+$0x6A50];
	_ =	sdelay $0x2  }
0x1f7: {  	v6 =	vmul.f32 v37, v3;
	_ =	sdelay $0x1  }
0x1f8: {  	v6 =	vadd.f32 $0.0e+00, v6;
	v5 =	vmul.f32 v5, v4;
	_ =	sdelay $0x1  }
0x1f9: {  	v5 =	vadd.f32 v5, v6  }
0x1fa: {  	v38 =	vld [tilespmem:s9+$0x6A60]  }
0x1fb: {  	[tilespmem:s9+$0x15A50] =	vst v5  }
0x1fc: {  	v5 =	vld [tilespmem:s10+$0x6A60];
	_ =	sdelay $0x2  }
0x1fd: {  	v6 =	vmul.f32 v38, v3;
	_ =	sdelay $0x1  }
0x1fe: {  	v6 =	vadd.f32 $0.0e+00, v6;
	v5 =	vmul.f32 v5, v4;
	_ =	sdelay $0x1  }
0x1ff: {  	v5 =	vadd.f32 v5, v6  }
0x200: {  	v39 =	vld [tilespmem:s9+$0x6A70]  }
0x201: {  	[tilespmem:s9+$0x15A60] =	vst v5  }
0x202: {  	v5 =	vld [tilespmem:s10+$0x6A70];
	_ =	sdelay $0x2  }
0x203: {  	v6 =	vmul.f32 v39, v3;
	_ =	sdelay $0x1  }
0x204: {  	v6 =	vadd.f32 $0.0e+00, v6;
	v5 =	vmul.f32 v5, v4;
	_ =	sdelay $0x1  }
0x205: {  	v5 =	vadd.f32 v5, v6  }
0x206: {  	v40 =	vld [tilespmem:s9+$0x6E00]  }
0x207: {  	[tilespmem:s9+$0x15A70] =	vst v5  }
0x208: {  	v5 =	vld [tilespmem:s10+$0x6E00];
	_ =	sdelay $0x2  }
0x209: {  	v6 =	vmul.f32 v40, v3;
	_ =	sdelay $0x1  }
0x20a: {  	v6 =	vadd.f32 $0.0e+00, v6;
	v5 =	vmul.f32 v5, v4;
	_ =	sdelay $0x1  }
0x20b: {  	v5 =	vadd.f32 v5, v6  }
0x20c: {  	v41 =	vld [tilespmem:s9+$0x6E10]  }
0x20d: {  	[tilespmem:s9+$0x15E00] =	vst v5  }
0x20e: {  	v5 =	vld [tilespmem:s10+$0x6E10];
	_ =	sdelay $0x2  }
0x20f: {  	v6 =	vmul.f32 v41, v3;
	_ =	sdelay $0x1  }
0x210: {  	v6 =	vadd.f32 $0.0e+00, v6;
	v5 =	vmul.f32 v5, v4;
	_ =	sdelay $0x1  }
0x211: {  	v5 =	vadd.f32 v5, v6  }
0x212: {  	v42 =	vld [tilespmem:s9+$0x6E20]  }
0x213: {  	[tilespmem:s9+$0x15E10] =	vst v5  }
0x214: {  	v5 =	vld [tilespmem:s10+$0x6E20];
	_ =	sdelay $0x2  }
0x215: {  	v6 =	vmul.f32 v42, v3;
	_ =	sdelay $0x1  }
0x216: {  	v6 =	vadd.f32 $0.0e+00, v6;
	v5 =	vmul.f32 v5, v4;
	_ =	sdelay $0x1  }
0x217: {  	v5 =	vadd.f32 v5, v6  }
0x218: {  	v43 =	vld [tilespmem:s9+$0x6E30]  }
0x219: {  	[tilespmem:s9+$0x15E20] =	vst v5  }
0x21a: {  	v5 =	vld [tilespmem:s10+$0x6E30];
	_ =	sdelay $0x2  }
0x21b: {  	v6 =	vmul.f32 v43, v3;
	_ =	sdelay $0x1  }
0x21c: {  	v6 =	vadd.f32 $0.0e+00, v6;
	v5 =	vmul.f32 v5, v4;
	_ =	sdelay $0x1  }
0x21d: {  	v5 =	vadd.f32 v5, v6  }
0x21e: {  	v44 =	vld [tilespmem:s9+$0x6E40]  }
0x21f: {  	[tilespmem:s9+$0x15E30] =	vst v5  }
0x220: {  	v5 =	vld [tilespmem:s10+$0x6E40];
	_ =	sdelay $0x2  }
0x221: {  	v6 =	vmul.f32 v44, v3;
	_ =	sdelay $0x1  }
0x222: {  	v6 =	vadd.f32 $0.0e+00, v6;
	v5 =	vmul.f32 v5, v4;
	_ =	sdelay $0x1  }
0x223: {  	v5 =	vadd.f32 v5, v6  }
0x224: {  	v45 =	vld [tilespmem:s9+$0x6E50]  }
0x225: {  	[tilespmem:s9+$0x15E40] =	vst v5  }
0x226: {  	v5 =	vld [tilespmem:s10+$0x6E50];
	_ =	sdelay $0x2  }
0x227: {  	v6 =	vmul.f32 v45, v3;
	_ =	sdelay $0x1  }
0x228: {  	v6 =	vadd.f32 $0.0e+00, v6;
	v5 =	vmul.f32 v5, v4;
	_ =	sdelay $0x1  }
0x229: {  	v5 =	vadd.f32 v5, v6  }
0x22a: {  	v46 =	vld [tilespmem:s9+$0x6E60]  }
0x22b: {  	[tilespmem:s9+$0x15E50] =	vst v5  }
0x22c: {  	v5 =	vld [tilespmem:s10+$0x6E60];
	_ =	sdelay $0x2  }
0x22d: {  	v6 =	vmul.f32 v46, v3;
	_ =	sdelay $0x1  }
0x22e: {  	v6 =	vadd.f32 $0.0e+00, v6;
	v5 =	vmul.f32 v5, v4;
	_ =	sdelay $0x1  }
0x22f: {  	v5 =	vadd.f32 v5, v6  }
0x230: {  	v47 =	vld [tilespmem:s9+$0x6E70]  }
0x231: {  	[tilespmem:s9+$0x15E60] =	vst v5  }
0x232: {  	v5 =	vld [tilespmem:s10+$0x6E70];
	_ =	sdelay $0x2  }
0x233: {  	v6 =	vmul.f32 v47, v3;
	_ =	sdelay $0x1  }
0x234: {  	v6 =	vadd.f32 $0.0e+00, v6;
	v5 =	vmul.f32 v5, v4;
	_ =	sdelay $0x1  }
0x235: {  	v5 =	vadd.f32 v5, v6  }
0x236: {  	v48 =	vld [tilespmem:s9+$0x7200]  }
0x237: {  	[tilespmem:s9+$0x15E70] =	vst v5  }
0x238: {  	v5 =	vld [tilespmem:s10+$0x7200];
	_ =	sdelay $0x2  }
0x239: {  	v6 =	vmul.f32 v48, v3;
	_ =	sdelay $0x1  }
0x23a: {  	v6 =	vadd.f32 $0.0e+00, v6;
	v5 =	vmul.f32 v5, v4;
	_ =	sdelay $0x1  }
0x23b: {  	v5 =	vadd.f32 v5, v6  }
0x23c: {  	v49 =	vld [tilespmem:s9+$0x7210]  }
0x23d: {  	[tilespmem:s9+$0x16200] =	vst v5  }
0x23e: {  	v5 =	vld [tilespmem:s10+$0x7210];
	_ =	sdelay $0x2  }
0x23f: {  	v6 =	vmul.f32 v49, v3;
	_ =	sdelay $0x1  }
0x240: {  	v6 =	vadd.f32 $0.0e+00, v6;
	v5 =	vmul.f32 v5, v4;
	_ =	sdelay $0x1  }
0x241: {  	v5 =	vadd.f32 v5, v6  }
0x242: {  	v50 =	vld [tilespmem:s9+$0x7220]  }
0x243: {  	[tilespmem:s9+$0x16210] =	vst v5  }
0x244: {  	v5 =	vld [tilespmem:s10+$0x7220];
	_ =	sdelay $0x2  }
0x245: {  	v6 =	vmul.f32 v50, v3;
	_ =	sdelay $0x1  }
0x246: {  	v6 =	vadd.f32 $0.0e+00, v6;
	v5 =	vmul.f32 v5, v4;
	_ =	sdelay $0x1  }
0x247: {  	v5 =	vadd.f32 v5, v6  }
0x248: {  	v51 =	vld [tilespmem:s9+$0x7230]  }
0x249: {  	[tilespmem:s9+$0x16220] =	vst v5  }
0x24a: {  	v5 =	vld [tilespmem:s10+$0x7230];
	_ =	sdelay $0x2  }
0x24b: {  	v6 =	vmul.f32 v51, v3;
	_ =	sdelay $0x1  }
0x24c: {  	v6 =	vadd.f32 $0.0e+00, v6;
	v5 =	vmul.f32 v5, v4;
	_ =	sdelay $0x1  }
0x24d: {  	v5 =	vadd.f32 v5, v6  }
0x24e: {  	v52 =	vld [tilespmem:s9+$0x7240]  }
0x24f: {  	[tilespmem:s9+$0x16230] =	vst v5  }
0x250: {  	v5 =	vld [tilespmem:s10+$0x7240];
	_ =	sdelay $0x2  }
0x251: {  	v6 =	vmul.f32 v52, v3;
	_ =	sdelay $0x1  }
0x252: {  	v6 =	vadd.f32 $0.0e+00, v6;
	v5 =	vmul.f32 v5, v4;
	_ =	sdelay $0x1  }
0x253: {  	v5 =	vadd.f32 v5, v6  }
0x254: {  	v53 =	vld [tilespmem:s9+$0x7250]  }
0x255: {  	[tilespmem:s9+$0x16240] =	vst v5  }
0x256: {  	v5 =	vld [tilespmem:s10+$0x7250];
	_ =	sdelay $0x2  }
0x257: {  	v6 =	vmul.f32 v53, v3;
	_ =	sdelay $0x1  }
0x258: {  	v6 =	vadd.f32 $0.0e+00, v6;
	v5 =	vmul.f32 v5, v4;
	_ =	sdelay $0x1  }
0x259: {  	v5 =	vadd.f32 v5, v6  }
0x25a: {  	v54 =	vld [tilespmem:s9+$0x7260]  }
0x25b: {  	[tilespmem:s9+$0x16250] =	vst v5  }
0x25c: {  	v5 =	vld [tilespmem:s10+$0x7260];
	_ =	sdelay $0x2  }
0x25d: {  	v6 =	vmul.f32 v54, v3;
	_ =	sdelay $0x1  }
0x25e: {  	v6 =	vadd.f32 $0.0e+00, v6;
	v5 =	vmul.f32 v5, v4;
	_ =	sdelay $0x1  }
0x25f: {  	v5 =	vadd.f32 v5, v6  }
0x260: {  	v55 =	vld [tilespmem:s9+$0x7270]  }
0x261: {  	[tilespmem:s9+$0x16260] =	vst v5  }
0x262: {  	v5 =	vld [tilespmem:s10+$0x7270];
	_ =	sdelay $0x2  }
0x263: {  	v6 =	vmul.f32 v55, v3;
	_ =	sdelay $0x1  }
0x264: {  	v6 =	vadd.f32 $0.0e+00, v6;
	v5 =	vmul.f32 v5, v4;
	_ =	sdelay $0x1  }
0x265: {  	v5 =	vadd.f32 v5, v6  }
0x266: {  	v56 =	vld [tilespmem:s9+$0x7600]  }
0x267: {  	[tilespmem:s9+$0x16270] =	vst v5  }
0x268: {  	v5 =	vld [tilespmem:s10+$0x7600];
	_ =	sdelay $0x2  }
0x269: {  	v6 =	vmul.f32 v56, v3;
	_ =	sdelay $0x1  }
0x26a: {  	v6 =	vadd.f32 $0.0e+00, v6;
	v5 =	vmul.f32 v5, v4;
	_ =	sdelay $0x1  }
0x26b: {  	v5 =	vadd.f32 v5, v6  }
0x26c: {  	v57 =	vld [tilespmem:s9+$0x7610]  }
0x26d: {  	[tilespmem:s9+$0x16600] =	vst v5  }
0x26e: {  	v5 =	vld [tilespmem:s10+$0x7610];
	_ =	sdelay $0x2  }
0x26f: {  	v6 =	vmul.f32 v57, v3;
	_ =	sdelay $0x1  }
0x270: {  	v6 =	vadd.f32 $0.0e+00, v6;
	v5 =	vmul.f32 v5, v4;
	_ =	sdelay $0x1  }
0x271: {  	v5 =	vadd.f32 v5, v6  }
0x272: {  	v58 =	vld [tilespmem:s9+$0x7620]  }
0x273: {  	[tilespmem:s9+$0x16610] =	vst v5  }
0x274: {  	v5 =	vld [tilespmem:s10+$0x7620];
	_ =	sdelay $0x2  }
0x275: {  	v6 =	vmul.f32 v58, v3;
	_ =	sdelay $0x1  }
0x276: {  	v6 =	vadd.f32 $0.0e+00, v6;
	v5 =	vmul.f32 v5, v4;
	_ =	sdelay $0x1  }
0x277: {  	v5 =	vadd.f32 v5, v6  }
0x278: {  	v59 =	vld [tilespmem:s9+$0x7630]  }
0x279: {  	[tilespmem:s9+$0x16620] =	vst v5  }
0x27a: {  	v5 =	vld [tilespmem:s10+$0x7630];
	_ =	sdelay $0x2  }
0x27b: {  	v6 =	vmul.f32 v59, v3;
	_ =	sdelay $0x1  }
0x27c: {  	v6 =	vadd.f32 $0.0e+00, v6;
	v5 =	vmul.f32 v5, v4;
	_ =	sdelay $0x1  }
0x27d: {  	v5 =	vadd.f32 v5, v6  }
0x27e: {  	v60 =	vld [tilespmem:s9+$0x7640]  }
0x27f: {  	[tilespmem:s9+$0x16630] =	vst v5  }
0x280: {  	v5 =	vld [tilespmem:s10+$0x7640];
	_ =	sdelay $0x2  }
0x281: {  	v6 =	vmul.f32 v60, v3;
	_ =	sdelay $0x1  }
0x282: {  	v6 =	vadd.f32 $0.0e+00, v6;
	v5 =	vmul.f32 v5, v4;
	_ =	sdelay $0x1  }
0x283: {  	v5 =	vadd.f32 v5, v6  }
0x284: {  	v61 =	vld [tilespmem:s9+$0x7650]  }
0x285: {  	[tilespmem:s9+$0x16640] =	vst v5  }
0x286: {  	v5 =	vld [tilespmem:s10+$0x7650];
	_ =	sdelay $0x2  }
0x287: {  	v6 =	vmul.f32 v61, v3;
	_ =	sdelay $0x1  }
0x288: {  	v6 =	vadd.f32 $0.0e+00, v6;
	v5 =	vmul.f32 v5, v4;
	_ =	sdelay $0x1  }
0x289: {  	v5 =	vadd.f32 v5, v6  }
0x28a: {  	v62 =	vld [tilespmem:s9+$0x7660]  }
0x28b: {  	[tilespmem:s9+$0x16650] =	vst v5  }
0x28c: {  	v5 =	vld [tilespmem:s10+$0x7660];
	_ =	sdelay $0x2  }
0x28d: {  	v6 =	vmul.f32 v62, v3;
	_ =	sdelay $0x1  }
0x28e: {  	v6 =	vadd.f32 $0.0e+00, v6;
	v5 =	vmul.f32 v5, v4;
	_ =	sdelay $0x1  }
0x28f: {  	v5 =	vadd.f32 v5, v6  }
0x290: {  	v63 =	vld [tilespmem:s9+$0x7670]  }
0x291: {  	[tilespmem:s9+$0x16660] =	vst v5  }
0x292: {  	v5 =	vld [tilespmem:s10+$0x7670];
	_ =	sdelay $0x2  }
0x293: {  	v3 =	vmul.f32 v63, v3  }
0x294: {  	p0 =	sne.s32 s29, $0x3F  }
.Ltmp1:
0x295: {  	v3 =	vadd.f32 $0.0e+00, v3;
	v4 =	vmul.f32 v5, v4;
	(pc) =	sbr.rel @p0 .LBB2_4-.Ltmp1, $3  }
0x296: {  	_ = 	snop  }
0x297: {  	v3 =	vadd.f32 v4, v3;
	_ =	sdelay $0x1  }
0x298: {  	s30 =	sadd.s32 $0x1, s30;
	s29 =	sadd.s32 $0x2, s29;
	s28 =	sadd.s32 $0x80, s28;
	[tilespmem:s9+$0x16670] =	vst v3  }
0x299: {  	s28 =	simm.s32 $0x0  }
0x29a: {  	[hbm4b:s16+s28] =	stream.linear.scatter [tilespmem:s25], [sflag:$0x2], $0x3000, $0x38;
	[tilespmem:$0x18200] =	vst v63  }
0x29b: {  	_ =	swait.ge [sflag:s6], $0x3000  }
0x29c: {  	[sflag:s6] =	ssyncset.done $0x0  }
0x29d: {  	[sflag:s6] =	ssyncadd.s32 $0xFFFFD000  }
0x29e: {  	_ =	swait.ge [sflag:s4], $0x6000  }
0x29f: {  	[sflag:s4] =	ssyncset.done $0x0  }
0x2a0: {  	s29 =	simm.s32 $0x40;
	s30 =	simm.s32 $0x0;
	[sflag:s4] =	ssyncadd.s32 $0xFFFFA000  }
.LBB2_6:
0x2a1: {  	s9 =	sshrl.u32 s30, $0x3  }
0x2a2: {  	s31 =	smul.u32 $0x1800, s9  }
0x2a3: {  	s10 =	sand.u32 $0x380, s28  }
0x2a4: {  	s9 =	sor.u32 s10, s31  }
0x2a5: {  	v5 =	vld [tilespmem:s9+$0xC200]  }
0x2a6: {  	v6 =	vld [tilespmem:s9+$0xF200]  }
0x2a7: {  	v7 =	vld [tilespmem:s9+$0xC210]  }
0x2a8: {  	v8 =	vld [tilespmem:s9+$0xF210]  }
0x2a9: {  	v9 =	vld [tilespmem:s9+$0xC220]  }
0x2aa: {  	v10 =	vld [tilespmem:s9+$0xF220]  }
0x2ab: {  	v11 =	vld [tilespmem:s9+$0xC230]  }
0x2ac: {  	v12 =	vld [tilespmem:s9+$0xF230]  }
0x2ad: {  	v13 =	vld [tilespmem:s9+$0xC240]  }
0x2ae: {  	v14 =	vld [tilespmem:s9+$0xF240]  }
0x2af: {  	v15 =	vld [tilespmem:s9+$0xC250]  }
0x2b0: {  	v16 =	vld [tilespmem:s9+$0xF250]  }
0x2b1: {  	v17 =	vld [tilespmem:s9+$0xC260]  }
0x2b2: {  	v18 =	vld [tilespmem:s9+$0xF260]  }
0x2b3: {  	v19 =	vld [tilespmem:s9+$0xC270]  }
0x2b4: {  	v20 =	vld [tilespmem:s9+$0xF270]  }
0x2b5: {  	v21 =	vld [tilespmem:s9+$0xC600]  }
0x2b6: {  	v22 =	vld [tilespmem:s9+$0xF600]  }
0x2b7: {  	v23 =	vld [tilespmem:s9+$0xC610]  }
0x2b8: {  	s0 =	sadd.s32 $0x1, s29;
	v24 =	vld [tilespmem:s9+$0xF610]  }
0x2b9: {  	v4 =	vmov s0;
	v25 =	vld [tilespmem:s9+$0xC620]  }
0x2ba: {  	v26 =	vld [tilespmem:s9+$0xF620]  }
0x2bb: {  	v27 =	vld [tilespmem:s9+$0xC630]  }
0x2bc: {  	v28 =	vld [tilespmem:s9+$0xF630]  }
0x2bd: {  	v3 =	vmov s29;
	v29 =	vld [tilespmem:s9+$0xC640]  }
0x2be: {  	v3 =	vand.u32 $0xFFFFFFFE, v3;
	v4 =	vld.idx.msk [tilespmem:v4+s20+$0x0], $0xffff  }
0x2bf: {  	v3 =	vbroadcast v3, $0x0;
	v30 =	vld [tilespmem:s9+$0xF640]  }
0x2c0: {  	v31 =	vld [tilespmem:s9+$0xC650]  }
0x2c1: {  	v32 =	vld [tilespmem:s9+$0xF650]  }
0x2c2: {  	v33 =	vld [tilespmem:s9+$0xC660]  }
0x2c3: {  	v34 =	vld [tilespmem:s9+$0xF660];
	v6 =	vmul.f32 v6, v4  }
0x2c4: {  	v35 =	vld [tilespmem:s9+$0xC670];
	v8 =	vmul.f32 v8, v4;
	v10 =	vmul.f32 v10, v4  }
0x2c5: {  	v3 =	vld.idx.msk [tilespmem:v3+s20+$0x0], $0xffff;
	v12 =	vmul.f32 v12, v4;
	v14 =	vmul.f32 v14, v4  }
0x2c6: {  	v36 =	vld [tilespmem:s9+$0xF670];
	v16 =	vmul.f32 v16, v4;
	v18 =	vmul.f32 v18, v4  }
0x2c7: {  	v37 =	vld [tilespmem:s9+$0xCA00];
	v20 =	vmul.f32 v20, v4;
	v22 =	vmul.f32 v22, v4  }
0x2c8: {  	v38 =	vld [tilespmem:s9+$0xFA00];
	v24 =	vmul.f32 v24, v4;
	v26 =	vmul.f32 v26, v4  }
0x2c9: {  	v39 =	vld [tilespmem:s9+$0xFA10];
	v28 =	vmul.f32 v28, v4;
	v30 =	vmul.f32 v30, v4  }
0x2ca: {  	v40 =	vld [tilespmem:s9+$0xCA20];
	v58 =	vmul.f32 v32, v4;
	v5 =	vmul.f32 v5, v3  }
0x2cb: {  	v41 =	vld [tilespmem:s9+$0xCA40];
	v7 =	vmul.f32 v7, v3;
	v9 =	vmul.f32 v9, v3  }
0x2cc: {  	v47 =	vld [tilespmem:s9+$0xCA50];
	v60 =	vmul.f32 v11, v3;
	v13 =	vmul.f32 v13, v3  }
0x2cd: {  	v48 =	vld [tilespmem:s9+$0xFA50];
	v62 =	vmul.f32 v15, v3;
	v43 =	vmul.f32 v17, v3  }
0x2ce: {  	v42 =	vld [tilespmem:s9+$0xCA60];
	v19 =	vmul.f32 v19, v3;
	v46 =	vmul.f32 v23, v3  }
0x2cf: {  	v52 =	vld [tilespmem:s9+$0xCA70];
	v25 =	vmul.f32 v25, v3;
	v5 =	vadd.f32 $0.0e+00, v5;
	v59 =	vadd.f32 $0.0e+00, v7  }
0x2d0: {  	v32 =	vld [tilespmem:s9+$0xFE10];
	v51 =	vmul.f32 v29, v3;
	v9 =	vadd.f32 $0.0e+00, v9;
	v7 =	vadd.f32 $0.0e+00, v60  }
0x2d1: {  	v11 =	vld [tilespmem:s9+$0xCA10];
	v31 =	vmul.f32 v31, v3;
	v63 =	vadd.f32 $0.0e+00, v13;
	v13 =	vadd.f32 $0.0e+00, v43  }
0x2d2: {  	v15 =	vld [tilespmem:s9+$0xCA30];
	v57 =	vmul.f32 v35, v3;
	v45 =	vadd.f32 $0.0e+00, v19;
	v19 =	vadd.f32 $0.0e+00, v46  }
0x2d3: {  	v38 =	vmul.f32 v38, v4;
	v17 =	vld [tilespmem:s9+$0xFA30];
	v50 =	vadd.f32 $0.0e+00, v25;
	v25 =	vadd.f32 $0.0e+00, v51  }
0x2d4: {  	v44 =	vmul.f32 v21, v3;
	v29 =	vld [tilespmem:s9+$0xFA70];
	v56 =	vadd.f32 $0.0e+00, v31;
	v60 =	vadd.f32 $0.0e+00, v57  }
0x2d5: {  	v54 =	vmul.f32 v33, v3;
	v33 =	vld [tilespmem:s9+$0xFE30];
	v5 =	vadd.f32 v6, v5;
	v6 =	vadd.f32 v8, v59  }
0x2d6: {  	v49 =	vmul.f32 v27, v3;
	v27 =	vld [tilespmem:s9+$0xD200];
	v61 =	vadd.f32 v10, v9;
	v7 =	vadd.f32 v12, v7  }
0x2d7: {  	v39 =	vmul.f32 v39, v4;
	v43 =	vld [tilespmem:s9+$0xCE00];
	v9 =	vadd.f32 $0.0e+00, v62;
	v12 =	vadd.f32 v14, v63  }
0x2d8: {  	v48 =	vmul.f32 v48, v4;
	v10 =	vld [tilespmem:s9+$0xFA20];
	v13 =	vadd.f32 v18, v13;
	v14 =	vadd.f32 $0.0e+00, v44;
	[tilespmem:s9+$0x12200] =	vst v5  }
0x2d9: {  	v52 =	vmul.f32 v52, v3;
	v18 =	vadd.f32 v20, v45;
	v53 =	vadd.f32 v26, v50;
	v26 =	vld [tilespmem:s9+$0xFE00];
	[tilespmem:s9+$0x12210] =	vst v6  }
0x2da: {  	v46 =	vmul.f32 v47, v3;
	v19 =	vadd.f32 v24, v19;
	v55 =	vadd.f32 v30, v25;
	v30 =	vld [tilespmem:s9+$0xCE10];
	[tilespmem:s9+$0x12220] =	vst v61  }
0x2db: {  	v20 =	vadd.f32 $0.0e+00, v49;
	v59 =	vmul.f32 v34, v4;
	v62 =	vmul.f32 v37, v3;
	v34 =	vld [tilespmem:s9+$0xCE20];
	[tilespmem:s9+$0x12230] =	vst v7  }
0x2dc: {  	v24 =	vadd.f32 $0.0e+00, v54;
	v37 =	vmul.f32 v40, v3;
	v44 =	vld [tilespmem:s9+$0xCE40];
	v45 =	vmul.f32 v41, v3;
	[tilespmem:s9+$0x12240] =	vst v12  }
0x2dd: {  	v8 =	vadd.f32 v58, v56;
	v49 =	vmul.f32 v42, v3;
	v50 =	vld [tilespmem:s9+$0xCE60];
	v11 =	vmul.f32 v11, v3;
	[tilespmem:s9+$0x12260] =	vst v13  }
0x2de: {  	v56 =	vld [tilespmem:s9+$0xCE70];
	v15 =	vmul.f32 v15, v3;
	v9 =	vadd.f32 v16, v9;
	v14 =	vadd.f32 v22, v14;
	[tilespmem:s9+$0x12270] =	vst v18  }
0x2df: {  	v41 =	vld [tilespmem:s9+$0x10210];
	v47 =	vmul.f32 v17, v4;
	v20 =	vadd.f32 v28, v20;
	v63 =	vadd.f32 v59, v24;
	[tilespmem:s9+$0x12610] =	vst v19  }
0x2e0: {  	v17 =	vld [tilespmem:s9+$0xFE50];
	v61 =	vmul.f32 v36, v4;
	v36 =	vadd.f32 $0.0e+00, v62;
	v40 =	vadd.f32 $0.0e+00, v37;
	[tilespmem:s9+$0x12620] =	vst v53  }
0x2e1: {  	v23 =	vmul.f32 v27, v3;
	v16 =	vld [tilespmem:s9+$0xFA40];
	v13 =	vadd.f32 $0.0e+00, v45;
	v18 =	vadd.f32 $0.0e+00, v46;
	[tilespmem:s9+$0x12640] =	vst v55  }
0x2e2: {  	v58 =	vmul.f32 v29, v4;
	v22 =	vld [tilespmem:s9+$0xFA60];
	[tilespmem:s9+$0x12650] =	vst v8;
	v54 =	vadd.f32 $0.0e+00, v49;
	v11 =	vadd.f32 $0.0e+00, v11  }
0x2e3: {  	v24 =	vld [tilespmem:s9+$0xFE20];
	v15 =	vadd.f32 $0.0e+00, v15;
	v55 =	vmul.f32 v43, v3;
	v29 =	vadd.f32 $0.0e+00, v23;
	[tilespmem:s9+$0x12250] =	vst v9  }
0x2e4: {  	v28 =	vld [tilespmem:s9+$0xCE30];
	v43 =	vmul.f32 v33, v4;
	v7 =	vadd.f32 v61, v60;
	[tilespmem:s9+$0x12600] =	vst v14;
	v9 =	vadd.f32 v38, v36  }
0x2e5: {  	v19 =	vld [tilespmem:s9+$0xCE50];
	[tilespmem:s9+$0x12630] =	vst v20;
	v53 =	vadd.f32 v48, v18;
	v10 =	vmul.f32 v10, v4;
	v60 =	vmul.f32 v26, v4  }
0x2e6: {  	v14 =	vld [tilespmem:s9+$0xFE40];
	[tilespmem:s9+$0x12660] =	vst v63;
	v11 =	vadd.f32 v39, v11;
	v61 =	vmul.f32 v30, v3;
	v35 =	vmul.f32 v34, v3  }
0x2e7: {  	v36 =	vld [tilespmem:s9+$0x10200];
	v5 =	vadd.f32 v47, v15;
	v25 =	vmul.f32 v44, v3;
	v50 =	vmul.f32 v50, v3;
	[tilespmem:s9+$0x12670] =	vst v7  }
0x2e8: {  	v48 =	vld [tilespmem:s9+$0x10220];
	v59 =	vadd.f32 $0.0e+00, v55;
	v34 =	vmul.f32 v41, v4;
	[tilespmem:s9+$0x12A50] =	vst v53;
	v53 =	vmul.f32 v56, v3  }
0x2e9: {  	v15 =	vld [tilespmem:s9+$0xFE60];
	[tilespmem:s9+$0x12A00] =	vst v9;
	v55 =	vmul.f32 v17, v4;
	v10 =	vadd.f32 v10, v40;
	v16 =	vmul.f32 v16, v4  }
0x2ea: {  	v39 =	vld [tilespmem:s9+$0xD210];
	v57 =	vmul.f32 v22, v4;
	[tilespmem:s9+$0x12A10] =	vst v11;
	v7 =	vadd.f32 v60, v59;
	v37 =	vadd.f32 $0.0e+00, v61  }
0x2eb: {  	v44 =	vld [tilespmem:s9+$0xD220];
	v38 =	vmul.f32 v28, v3;
	[tilespmem:s9+$0x12A30] =	vst v5;
	v49 =	vadd.f32 $0.0e+00, v25;
	v56 =	vadd.f32 $0.0e+00, v50  }
0x2ec: {  	v22 =	vld [tilespmem:s9+$0xFE70];
	v40 =	vmul.f32 v32, v4;
	v59 =	vadd.f32 $0.0e+00, v53;
	v51 =	vadd.f32 v16, v13;
	[tilespmem:s9+$0x12A20] =	vst v10  }
0x2ed: {  	v47 =	vmul.f32 v19, v3;
	v61 =	vld [tilespmem:s9+$0x10240];
	v13 =	vadd.f32 $0.0e+00, v52;
	v62 =	vadd.f32 v57, v54;
	[tilespmem:s9+$0x12E00] =	vst v7  }
0x2ee: {  	v24 =	vmul.f32 v24, v4;
	v32 =	vld [tilespmem:s9+$0xD260];
	v42 =	vadd.f32 $0.0e+00, v38;
	v45 =	vadd.f32 v40, v37;
	[tilespmem:s9+$0x12A40] =	vst v51  }
0x2ef: {  	v52 =	vmul.f32 v14, v4;
	v11 =	vadd.f32 $0.0e+00, v47;
	v54 =	vld [tilespmem:s9+$0x10230];
	v63 =	vadd.f32 v58, v13;
	[tilespmem:s9+$0x12A60] =	vst v62  }
0x2f0: {  	v57 =	vld [tilespmem:s9+$0xD240];
	v30 =	vmul.f32 v36, v4;
	v36 =	vmul.f32 v48, v4;
	v5 =	vadd.f32 v43, v42;
	[tilespmem:s9+$0x12E10] =	vst v45  }
0x2f1: {  	v25 =	vmul.f32 v39, v3;
	v39 =	vld [tilespmem:s9+$0x10260];
	v13 =	vadd.f32 $0.0e+00, v35;
	v58 =	vadd.f32 v52, v49;
	[tilespmem:s9+$0x12A70] =	vst v63  }
0x2f2: {  	v15 =	vmul.f32 v15, v4;
	v27 =	vmul.f32 v44, v3;
	v51 =	vld [tilespmem:s9+$0xD230];
	v62 =	vadd.f32 v55, v11;
	[tilespmem:s9+$0x12E30] =	vst v5  }
0x2f3: {  	v35 =	vld [tilespmem:s9+$0xD270];
	v60 =	vmul.f32 v22, v4;
	v33 =	vadd.f32 $0.0e+00, v25;
	v46 =	vadd.f32 v24, v13;
	[tilespmem:s9+$0x12E40] =	vst v58  }
0x2f4: {  	v10 =	vadd.f32 $0.0e+00, v27;
	v45 =	vmul.f32 v61, v4;
	v63 =	vadd.f32 v15, v56;
	v24 =	vld [tilespmem:s9+$0xD250];
	[tilespmem:s9+$0x12E50] =	vst v62  }
0x2f5: {  	v41 =	vld [tilespmem:s9+$0x10270];
	v5 =	vadd.f32 v30, v29;
	v8 =	vadd.f32 v60, v59;
	v40 =	vmul.f32 v57, v3;
	[tilespmem:s9+$0x12E20] =	vst v46  }
0x2f6: {  	v28 =	vld [tilespmem:s9+$0x10250];
	v38 =	vmul.f32 v54, v4;
	v7 =	vadd.f32 v34, v33;
	[tilespmem:s9+$0x12E60] =	vst v63;
	v46 =	vmul.f32 v32, v3  }
0x2f7: {  	v6 =	vadd.f32 v36, v10;
	[tilespmem:s9+$0x13200] =	vst v5;
	v31 =	vmul.f32 v51, v3;
	v44 =	vadd.f32 $0.0e+00, v40  }
0x2f8: {  	[tilespmem:s9+$0x12E70] =	vst v8;
	v49 =	vmul.f32 v35, v3;
	v51 =	vmul.f32 v39, v4;
	v50 =	vadd.f32 $0.0e+00, v46  }
0x2f9: {  	[tilespmem:s9+$0x13210] =	vst v7;
	v37 =	vadd.f32 $0.0e+00, v31;
	v43 =	vmul.f32 v24, v3;
	v5 =	vadd.f32 v45, v44  }
0x2fa: {  	v53 =	vmul.f32 v41, v4;
	[tilespmem:s9+$0x13220] =	vst v6;
	v52 =	vadd.f32 $0.0e+00, v49;
	v54 =	vadd.f32 v51, v50  }
0x2fb: {  	v48 =	vmul.f32 v28, v4;
	v42 =	vadd.f32 v38, v37;
	v47 =	vadd.f32 $0.0e+00, v43;
	[tilespmem:s9+$0x13240] =	vst v5  }
0x2fc: {  	v55 =	vadd.f32 v53, v52;
	[tilespmem:s9+$0x13260] =	vst v54  }
0x2fd: {  	[tilespmem:s9+$0x13230] =	vst v42;
	v7 =	vadd.f32 v48, v47  }
0x2fe: {  	s31 =	sor.u32 s31, s28;
	v56 =	vld [tilespmem:s9+$0xD600];
	[tilespmem:s9+$0x13270] =	vst v55  }
0x2ff: {  	s0 =	sor.u32 $0x4400, s31;
	[tilespmem:s9+$0x13250] =	vst v7  }
0x300: {  	v6 =	vld [tilespmem:s0+$0xC200];
	_ =	sdelay $0x2  }
0x301: {  	v5 =	vmul.f32 v56, v3;
	_ =	sdelay $0x1  }
0x302: {  	v5 =	vadd.f32 $0.0e+00, v5;
	v6 =	vmul.f32 v6, v4;
	_ =	sdelay $0x1  }
0x303: {  	v5 =	vadd.f32 v6, v5  }
0x304: {  	v57 =	vld [tilespmem:s9+$0xD610]  }
0x305: {  	[tilespmem:s9+$0x13600] =	vst v5  }
0x306: {  	v5 =	vld [tilespmem:s0+$0xC210];
	_ =	sdelay $0x2  }
0x307: {  	v6 =	vmul.f32 v57, v3;
	_ =	sdelay $0x1  }
0x308: {  	v6 =	vadd.f32 $0.0e+00, v6;
	v5 =	vmul.f32 v5, v4;
	_ =	sdelay $0x1  }
0x309: {  	v5 =	vadd.f32 v5, v6  }
0x30a: {  	v58 =	vld [tilespmem:s9+$0xD620]  }
0x30b: {  	[tilespmem:s9+$0x13610] =	vst v5  }
0x30c: {  	v5 =	vld [tilespmem:s0+$0xC220];
	_ =	sdelay $0x2  }
0x30d: {  	v6 =	vmul.f32 v58, v3;
	_ =	sdelay $0x1  }
0x30e: {  	v6 =	vadd.f32 $0.0e+00, v6;
	v5 =	vmul.f32 v5, v4;
	_ =	sdelay $0x1  }
0x30f: {  	v5 =	vadd.f32 v5, v6  }
0x310: {  	v59 =	vld [tilespmem:s9+$0xD630]  }
0x311: {  	[tilespmem:s9+$0x13620] =	vst v5  }
0x312: {  	v5 =	vld [tilespmem:s0+$0xC230];
	_ =	sdelay $0x2  }
0x313: {  	v6 =	vmul.f32 v59, v3;
	_ =	sdelay $0x1  }
0x314: {  	v6 =	vadd.f32 $0.0e+00, v6;
	v5 =	vmul.f32 v5, v4;
	_ =	sdelay $0x1  }
0x315: {  	v5 =	vadd.f32 v5, v6  }
0x316: {  	v60 =	vld [tilespmem:s9+$0xD640]  }
0x317: {  	[tilespmem:s9+$0x13630] =	vst v5  }
0x318: {  	v5 =	vld [tilespmem:s0+$0xC240];
	_ =	sdelay $0x2  }
0x319: {  	v6 =	vmul.f32 v60, v3;
	_ =	sdelay $0x1  }
0x31a: {  	v6 =	vadd.f32 $0.0e+00, v6;
	v5 =	vmul.f32 v5, v4;
	_ =	sdelay $0x1  }
0x31b: {  	v5 =	vadd.f32 v5, v6  }
0x31c: {  	v61 =	vld [tilespmem:s9+$0xD650]  }
0x31d: {  	[tilespmem:s9+$0x13640] =	vst v5  }
0x31e: {  	v5 =	vld [tilespmem:s0+$0xC250];
	_ =	sdelay $0x2  }
0x31f: {  	v6 =	vmul.f32 v61, v3;
	_ =	sdelay $0x1  }
0x320: {  	v6 =	vadd.f32 $0.0e+00, v6;
	v5 =	vmul.f32 v5, v4;
	_ =	sdelay $0x1  }
0x321: {  	v5 =	vadd.f32 v5, v6  }
0x322: {  	v62 =	vld [tilespmem:s9+$0xD660]  }
0x323: {  	[tilespmem:s9+$0x13650] =	vst v5  }
0x324: {  	v5 =	vld [tilespmem:s0+$0xC260];
	_ =	sdelay $0x2  }
0x325: {  	v6 =	vmul.f32 v62, v3;
	_ =	sdelay $0x1  }
0x326: {  	v6 =	vadd.f32 $0.0e+00, v6;
	v5 =	vmul.f32 v5, v4;
	_ =	sdelay $0x1  }
0x327: {  	v5 =	vadd.f32 v5, v6  }
0x328: {  	v63 =	vld [tilespmem:s9+$0xD670]  }
0x329: {  	[tilespmem:s9+$0x13660] =	vst v5  }
0x32a: {  	v5 =	vld [tilespmem:s0+$0xC270];
	_ =	sdelay $0x2  }
0x32b: {  	v3 =	vmul.f32 v63, v3  }
0x32c: {  	p0 =	sne.s32 s29, $0x5E  }
.Ltmp2:
0x32d: {  	v3 =	vadd.f32 $0.0e+00, v3;
	v4 =	vmul.f32 v5, v4;
	(pc) =	sbr.rel @p0 .LBB2_6-.Ltmp2, $3  }
0x32e: {  	_ = 	snop  }
0x32f: {  	v3 =	vadd.f32 v4, v3;
	_ =	sdelay $0x1  }
0x330: {  	s30 =	sadd.s32 $0x1, s30;
	s29 =	sadd.s32 $0x2, s29;
	s28 =	sadd.s32 $0x80, s28;
	[tilespmem:s9+$0x13670] =	vst v3  }
0x331: {  	s28 =	simm.s32 $0x0  }
0x332: {  	[hbm4b:s17+s28] =	stream.linear.scatter [tilespmem:s24], [sflag:$0x2], $0x3000, $0x38;
	[tilespmem:$0x18200] =	vst v63  }
0x333: {  	_ =	swait.ge [sflag:s6], $0x3000  }
0x334: {  	[sflag:s6] =	ssyncset.done $0x0  }
0x335: {  	[sflag:s6] =	ssyncadd.s32 $0xFFFFD000  }
0x336: {  	_ =	swait.ge [sflag:s4], $0x6000  }
0x337: {  	[sflag:s4] =	ssyncset.done $0x0  }
0x338: {  	s29 =	simm.s32 $0x60;
	s30 =	simm.s32 $0x0;
	[sflag:s4] =	ssyncadd.s32 $0xFFFFA000  }
.LBB2_8:
0x339: {  	s9 =	sshrl.u32 s30, $0x3  }
0x33a: {  	s31 =	smul.u32 $0x1800, s9  }
0x33b: {  	s10 =	sand.u32 $0x380, s28  }
0x33c: {  	s9 =	sor.u32 s10, s31  }
0x33d: {  	v5 =	vld [tilespmem:s9+$0x200]  }
0x33e: {  	v6 =	vld [tilespmem:s9+$0x3200]  }
0x33f: {  	v7 =	vld [tilespmem:s9+$0x210]  }
0x340: {  	v8 =	vld [tilespmem:s9+$0x3210]  }
0x341: {  	v9 =	vld [tilespmem:s9+$0x220]  }
0x342: {  	v10 =	vld [tilespmem:s9+$0x3220]  }
0x343: {  	v11 =	vld [tilespmem:s9+$0x230]  }
0x344: {  	v12 =	vld [tilespmem:s9+$0x3230]  }
0x345: {  	v13 =	vld [tilespmem:s9+$0x240]  }
0x346: {  	v14 =	vld [tilespmem:s9+$0x3240]  }
0x347: {  	v15 =	vld [tilespmem:s9+$0x250]  }
0x348: {  	v16 =	vld [tilespmem:s9+$0x3250]  }
0x349: {  	v17 =	vld [tilespmem:s9+$0x260]  }
0x34a: {  	v18 =	vld [tilespmem:s9+$0x3260]  }
0x34b: {  	v19 =	vld [tilespmem:s9+$0x270]  }
0x34c: {  	v20 =	vld [tilespmem:s9+$0x3270]  }
0x34d: {  	v21 =	vld [tilespmem:s9+$0x600]  }
0x34e: {  	v22 =	vld [tilespmem:s9+$0x3600]  }
0x34f: {  	v23 =	vld [tilespmem:s9+$0x610]  }
0x350: {  	s0 =	sadd.s32 $0x1, s29;
	v24 =	vld [tilespmem:s9+$0x3610]  }
0x351: {  	v4 =	vmov s0;
	v25 =	vld [tilespmem:s9+$0x620]  }
0x352: {  	v26 =	vld [tilespmem:s9+$0x3620]  }
0x353: {  	v27 =	vld [tilespmem:s9+$0x630]  }
0x354: {  	v28 =	vld [tilespmem:s9+$0x3630]  }
0x355: {  	v3 =	vmov s29;
	v29 =	vld [tilespmem:s9+$0x640]  }
0x356: {  	v3 =	vand.u32 $0xFFFFFFFE, v3;
	v4 =	vld.idx.msk [tilespmem:v4+s20+$0x0], $0xffff  }
0x357: {  	v3 =	vbroadcast v3, $0x0;
	v30 =	vld [tilespmem:s9+$0x3640]  }
0x358: {  	v31 =	vld [tilespmem:s9+$0x650]  }
0x359: {  	v32 =	vld [tilespmem:s9+$0x3650]  }
0x35a: {  	v33 =	vld [tilespmem:s9+$0x660]  }
0x35b: {  	v34 =	vld [tilespmem:s9+$0x3660];
	v6 =	vmul.f32 v6, v4  }
0x35c: {  	v35 =	vld [tilespmem:s9+$0x670];
	v8 =	vmul.f32 v8, v4;
	v10 =	vmul.f32 v10, v4  }
0x35d: {  	v3 =	vld.idx.msk [tilespmem:v3+s20+$0x0], $0xffff;
	v12 =	vmul.f32 v12, v4;
	v14 =	vmul.f32 v14, v4  }
0x35e: {  	v36 =	vld [tilespmem:s9+$0x3670];
	v16 =	vmul.f32 v16, v4;
	v18 =	vmul.f32 v18, v4  }
0x35f: {  	v37 =	vld [tilespmem:s9+$0xA00];
	v20 =	vmul.f32 v20, v4;
	v22 =	vmul.f32 v22, v4  }
0x360: {  	v38 =	vld [tilespmem:s9+$0x3A00];
	v24 =	vmul.f32 v24, v4;
	v26 =	vmul.f32 v26, v4  }
0x361: {  	v39 =	vld [tilespmem:s9+$0x3A10];
	v28 =	vmul.f32 v28, v4;
	v30 =	vmul.f32 v30, v4  }
0x362: {  	v40 =	vld [tilespmem:s9+$0xA20];
	v58 =	vmul.f32 v32, v4;
	v5 =	vmul.f32 v5, v3  }
0x363: {  	v41 =	vld [tilespmem:s9+$0xA40];
	v7 =	vmul.f32 v7, v3;
	v9 =	vmul.f32 v9, v3  }
0x364: {  	v47 =	vld [tilespmem:s9+$0xA50];
	v60 =	vmul.f32 v11, v3;
	v13 =	vmul.f32 v13, v3  }
0x365: {  	v48 =	vld [tilespmem:s9+$0x3A50];
	v62 =	vmul.f32 v15, v3;
	v43 =	vmul.f32 v17, v3  }
0x366: {  	v42 =	vld [tilespmem:s9+$0xA60];
	v19 =	vmul.f32 v19, v3;
	v46 =	vmul.f32 v23, v3  }
0x367: {  	v52 =	vld [tilespmem:s9+$0xA70];
	v25 =	vmul.f32 v25, v3;
	v5 =	vadd.f32 $0.0e+00, v5;
	v59 =	vadd.f32 $0.0e+00, v7  }
0x368: {  	v32 =	vld [tilespmem:s9+$0x3E10];
	v51 =	vmul.f32 v29, v3;
	v9 =	vadd.f32 $0.0e+00, v9;
	v7 =	vadd.f32 $0.0e+00, v60  }
0x369: {  	v11 =	vld [tilespmem:s9+$0xA10];
	v31 =	vmul.f32 v31, v3;
	v63 =	vadd.f32 $0.0e+00, v13;
	v13 =	vadd.f32 $0.0e+00, v43  }
0x36a: {  	v15 =	vld [tilespmem:s9+$0xA30];
	v57 =	vmul.f32 v35, v3;
	v45 =	vadd.f32 $0.0e+00, v19;
	v19 =	vadd.f32 $0.0e+00, v46  }
0x36b: {  	v38 =	vmul.f32 v38, v4;
	v17 =	vld [tilespmem:s9+$0x3A30];
	v50 =	vadd.f32 $0.0e+00, v25;
	v25 =	vadd.f32 $0.0e+00, v51  }
0x36c: {  	v44 =	vmul.f32 v21, v3;
	v29 =	vld [tilespmem:s9+$0x3A70];
	v56 =	vadd.f32 $0.0e+00, v31;
	v60 =	vadd.f32 $0.0e+00, v57  }
0x36d: {  	v54 =	vmul.f32 v33, v3;
	v33 =	vld [tilespmem:s9+$0x3E30];
	v5 =	vadd.f32 v6, v5;
	v6 =	vadd.f32 v8, v59  }
0x36e: {  	v49 =	vmul.f32 v27, v3;
	v27 =	vld [tilespmem:s9+$0x1200];
	v61 =	vadd.f32 v10, v9;
	v7 =	vadd.f32 v12, v7  }
0x36f: {  	v39 =	vmul.f32 v39, v4;
	v43 =	vld [tilespmem:s9+$0xE00];
	v9 =	vadd.f32 $0.0e+00, v62;
	v12 =	vadd.f32 v14, v63  }
0x370: {  	v48 =	vmul.f32 v48, v4;
	v10 =	vld [tilespmem:s9+$0x3A20];
	v13 =	vadd.f32 v18, v13;
	v14 =	vadd.f32 $0.0e+00, v44;
	[tilespmem:s9+$0x15200] =	vst v5  }
0x371: {  	v52 =	vmul.f32 v52, v3;
	v18 =	vadd.f32 v20, v45;
	v53 =	vadd.f32 v26, v50;
	v26 =	vld [tilespmem:s9+$0x3E00];
	[tilespmem:s9+$0x15210] =	vst v6  }
0x372: {  	v46 =	vmul.f32 v47, v3;
	v19 =	vadd.f32 v24, v19;
	v55 =	vadd.f32 v30, v25;
	v30 =	vld [tilespmem:s9+$0xE10];
	[tilespmem:s9+$0x15220] =	vst v61  }
0x373: {  	v20 =	vadd.f32 $0.0e+00, v49;
	v59 =	vmul.f32 v34, v4;
	v62 =	vmul.f32 v37, v3;
	v34 =	vld [tilespmem:s9+$0xE20];
	[tilespmem:s9+$0x15230] =	vst v7  }
0x374: {  	v24 =	vadd.f32 $0.0e+00, v54;
	v37 =	vmul.f32 v40, v3;
	v44 =	vld [tilespmem:s9+$0xE40];
	v45 =	vmul.f32 v41, v3;
	[tilespmem:s9+$0x15240] =	vst v12  }
0x375: {  	v8 =	vadd.f32 v58, v56;
	v49 =	vmul.f32 v42, v3;
	v50 =	vld [tilespmem:s9+$0xE60];
	v11 =	vmul.f32 v11, v3;
	[tilespmem:s9+$0x15260] =	vst v13  }
0x376: {  	v56 =	vld [tilespmem:s9+$0xE70];
	v15 =	vmul.f32 v15, v3;
	v9 =	vadd.f32 v16, v9;
	v14 =	vadd.f32 v22, v14;
	[tilespmem:s9+$0x15270] =	vst v18  }
0x377: {  	v41 =	vld [tilespmem:s9+$0x4210];
	v47 =	vmul.f32 v17, v4;
	v20 =	vadd.f32 v28, v20;
	v63 =	vadd.f32 v59, v24;
	[tilespmem:s9+$0x15610] =	vst v19  }
0x378: {  	v17 =	vld [tilespmem:s9+$0x3E50];
	v61 =	vmul.f32 v36, v4;
	v36 =	vadd.f32 $0.0e+00, v62;
	v40 =	vadd.f32 $0.0e+00, v37;
	[tilespmem:s9+$0x15620] =	vst v53  }
0x379: {  	v23 =	vmul.f32 v27, v3;
	v16 =	vld [tilespmem:s9+$0x3A40];
	v13 =	vadd.f32 $0.0e+00, v45;
	v18 =	vadd.f32 $0.0e+00, v46;
	[tilespmem:s9+$0x15640] =	vst v55  }
0x37a: {  	v58 =	vmul.f32 v29, v4;
	v22 =	vld [tilespmem:s9+$0x3A60];
	[tilespmem:s9+$0x15650] =	vst v8;
	v54 =	vadd.f32 $0.0e+00, v49;
	v11 =	vadd.f32 $0.0e+00, v11  }
0x37b: {  	v24 =	vld [tilespmem:s9+$0x3E20];
	v15 =	vadd.f32 $0.0e+00, v15;
	v55 =	vmul.f32 v43, v3;
	v29 =	vadd.f32 $0.0e+00, v23;
	[tilespmem:s9+$0x15250] =	vst v9  }
0x37c: {  	v28 =	vld [tilespmem:s9+$0xE30];
	v43 =	vmul.f32 v33, v4;
	v7 =	vadd.f32 v61, v60;
	[tilespmem:s9+$0x15600] =	vst v14;
	v9 =	vadd.f32 v38, v36  }
0x37d: {  	v19 =	vld [tilespmem:s9+$0xE50];
	[tilespmem:s9+$0x15630] =	vst v20;
	v53 =	vadd.f32 v48, v18;
	v10 =	vmul.f32 v10, v4;
	v60 =	vmul.f32 v26, v4  }
0x37e: {  	v14 =	vld [tilespmem:s9+$0x3E40];
	[tilespmem:s9+$0x15660] =	vst v63;
	v11 =	vadd.f32 v39, v11;
	v61 =	vmul.f32 v30, v3;
	v35 =	vmul.f32 v34, v3  }
0x37f: {  	v36 =	vld [tilespmem:s9+$0x4200];
	v5 =	vadd.f32 v47, v15;
	v25 =	vmul.f32 v44, v3;
	v50 =	vmul.f32 v50, v3;
	[tilespmem:s9+$0x15670] =	vst v7  }
0x380: {  	v48 =	vld [tilespmem:s9+$0x4220];
	v59 =	vadd.f32 $0.0e+00, v55;
	v34 =	vmul.f32 v41, v4;
	[tilespmem:s9+$0x15A50] =	vst v53;
	v53 =	vmul.f32 v56, v3  }
0x381: {  	v15 =	vld [tilespmem:s9+$0x3E60];
	[tilespmem:s9+$0x15A00] =	vst v9;
	v55 =	vmul.f32 v17, v4;
	v10 =	vadd.f32 v10, v40;
	v16 =	vmul.f32 v16, v4  }
0x382: {  	v39 =	vld [tilespmem:s9+$0x1210];
	v57 =	vmul.f32 v22, v4;
	[tilespmem:s9+$0x15A10] =	vst v11;
	v7 =	vadd.f32 v60, v59;
	v37 =	vadd.f32 $0.0e+00, v61  }
0x383: {  	v44 =	vld [tilespmem:s9+$0x1220];
	v38 =	vmul.f32 v28, v3;
	[tilespmem:s9+$0x15A30] =	vst v5;
	v49 =	vadd.f32 $0.0e+00, v25;
	v56 =	vadd.f32 $0.0e+00, v50  }
0x384: {  	v22 =	vld [tilespmem:s9+$0x3E70];
	v40 =	vmul.f32 v32, v4;
	v59 =	vadd.f32 $0.0e+00, v53;
	v51 =	vadd.f32 v16, v13;
	[tilespmem:s9+$0x15A20] =	vst v10  }
0x385: {  	v47 =	vmul.f32 v19, v3;
	v61 =	vld [tilespmem:s9+$0x4240];
	v13 =	vadd.f32 $0.0e+00, v52;
	v62 =	vadd.f32 v57, v54;
	[tilespmem:s9+$0x15E00] =	vst v7  }
0x386: {  	v24 =	vmul.f32 v24, v4;
	v32 =	vld [tilespmem:s9+$0x1260];
	v42 =	vadd.f32 $0.0e+00, v38;
	v45 =	vadd.f32 v40, v37;
	[tilespmem:s9+$0x15A40] =	vst v51  }
0x387: {  	v52 =	vmul.f32 v14, v4;
	v11 =	vadd.f32 $0.0e+00, v47;
	v54 =	vld [tilespmem:s9+$0x4230];
	v63 =	vadd.f32 v58, v13;
	[tilespmem:s9+$0x15A60] =	vst v62  }
0x388: {  	v57 =	vld [tilespmem:s9+$0x1240];
	v30 =	vmul.f32 v36, v4;
	v36 =	vmul.f32 v48, v4;
	v5 =	vadd.f32 v43, v42;
	[tilespmem:s9+$0x15E10] =	vst v45  }
0x389: {  	v25 =	vmul.f32 v39, v3;
	v39 =	vld [tilespmem:s9+$0x4260];
	v13 =	vadd.f32 $0.0e+00, v35;
	v58 =	vadd.f32 v52, v49;
	[tilespmem:s9+$0x15A70] =	vst v63  }
0x38a: {  	v15 =	vmul.f32 v15, v4;
	v27 =	vmul.f32 v44, v3;
	v51 =	vld [tilespmem:s9+$0x1230];
	v62 =	vadd.f32 v55, v11;
	[tilespmem:s9+$0x15E30] =	vst v5  }
0x38b: {  	v35 =	vld [tilespmem:s9+$0x1270];
	v60 =	vmul.f32 v22, v4;
	v33 =	vadd.f32 $0.0e+00, v25;
	v46 =	vadd.f32 v24, v13;
	[tilespmem:s9+$0x15E40] =	vst v58  }
0x38c: {  	v10 =	vadd.f32 $0.0e+00, v27;
	v45 =	vmul.f32 v61, v4;
	v63 =	vadd.f32 v15, v56;
	v24 =	vld [tilespmem:s9+$0x1250];
	[tilespmem:s9+$0x15E50] =	vst v62  }
0x38d: {  	v41 =	vld [tilespmem:s9+$0x4270];
	v5 =	vadd.f32 v30, v29;
	v8 =	vadd.f32 v60, v59;
	v40 =	vmul.f32 v57, v3;
	[tilespmem:s9+$0x15E20] =	vst v46  }
0x38e: {  	v28 =	vld [tilespmem:s9+$0x4250];
	v38 =	vmul.f32 v54, v4;
	v7 =	vadd.f32 v34, v33;
	[tilespmem:s9+$0x15E60] =	vst v63;
	v46 =	vmul.f32 v32, v3  }
0x38f: {  	v6 =	vadd.f32 v36, v10;
	[tilespmem:s9+$0x16200] =	vst v5;
	v31 =	vmul.f32 v51, v3;
	v44 =	vadd.f32 $0.0e+00, v40  }
0x390: {  	[tilespmem:s9+$0x15E70] =	vst v8;
	v49 =	vmul.f32 v35, v3;
	v51 =	vmul.f32 v39, v4;
	v50 =	vadd.f32 $0.0e+00, v46  }
0x391: {  	[tilespmem:s9+$0x16210] =	vst v7;
	v37 =	vadd.f32 $0.0e+00, v31;
	v43 =	vmul.f32 v24, v3;
	v5 =	vadd.f32 v45, v44  }
0x392: {  	v53 =	vmul.f32 v41, v4;
	[tilespmem:s9+$0x16220] =	vst v6;
	v52 =	vadd.f32 $0.0e+00, v49;
	v54 =	vadd.f32 v51, v50  }
0x393: {  	v48 =	vmul.f32 v28, v4;
	v42 =	vadd.f32 v38, v37;
	v47 =	vadd.f32 $0.0e+00, v43;
	[tilespmem:s9+$0x16240] =	vst v5  }
0x394: {  	v55 =	vadd.f32 v53, v52;
	[tilespmem:s9+$0x16260] =	vst v54  }
0x395: {  	[tilespmem:s9+$0x16230] =	vst v42;
	v7 =	vadd.f32 v48, v47  }
0x396: {  	s31 =	sor.u32 s31, s28;
	v56 =	vld [tilespmem:s9+$0x1600];
	[tilespmem:s9+$0x16270] =	vst v55  }
0x397: {  	s0 =	sor.u32 $0x4400, s31;
	[tilespmem:s9+$0x16250] =	vst v7  }
0x398: {  	v6 =	vld [tilespmem:s0+$0x200];
	_ =	sdelay $0x2  }
0x399: {  	v5 =	vmul.f32 v56, v3;
	_ =	sdelay $0x1  }
0x39a: {  	v5 =	vadd.f32 $0.0e+00, v5;
	v6 =	vmul.f32 v6, v4;
	_ =	sdelay $0x1  }
0x39b: {  	v5 =	vadd.f32 v6, v5  }
0x39c: {  	v57 =	vld [tilespmem:s9+$0x1610]  }
0x39d: {  	[tilespmem:s9+$0x16600] =	vst v5  }
0x39e: {  	v5 =	vld [tilespmem:s0+$0x210];
	_ =	sdelay $0x2  }
0x39f: {  	v6 =	vmul.f32 v57, v3;
	_ =	sdelay $0x1  }
0x3a0: {  	v6 =	vadd.f32 $0.0e+00, v6;
	v5 =	vmul.f32 v5, v4;
	_ =	sdelay $0x1  }
0x3a1: {  	v5 =	vadd.f32 v5, v6  }
0x3a2: {  	v58 =	vld [tilespmem:s9+$0x1620]  }
0x3a3: {  	[tilespmem:s9+$0x16610] =	vst v5  }
0x3a4: {  	v5 =	vld [tilespmem:s0+$0x220];
	_ =	sdelay $0x2  }
0x3a5: {  	v6 =	vmul.f32 v58, v3;
	_ =	sdelay $0x1  }
0x3a6: {  	v6 =	vadd.f32 $0.0e+00, v6;
	v5 =	vmul.f32 v5, v4;
	_ =	sdelay $0x1  }
0x3a7: {  	v5 =	vadd.f32 v5, v6  }
0x3a8: {  	v59 =	vld [tilespmem:s9+$0x1630]  }
0x3a9: {  	[tilespmem:s9+$0x16620] =	vst v5  }
0x3aa: {  	v5 =	vld [tilespmem:s0+$0x230];
	_ =	sdelay $0x2  }
0x3ab: {  	v6 =	vmul.f32 v59, v3;
	_ =	sdelay $0x1  }
0x3ac: {  	v6 =	vadd.f32 $0.0e+00, v6;
	v5 =	vmul.f32 v5, v4;
	_ =	sdelay $0x1  }
0x3ad: {  	v5 =	vadd.f32 v5, v6  }
0x3ae: {  	v60 =	vld [tilespmem:s9+$0x1640]  }
0x3af: {  	[tilespmem:s9+$0x16630] =	vst v5  }
0x3b0: {  	v5 =	vld [tilespmem:s0+$0x240];
	_ =	sdelay $0x2  }
0x3b1: {  	v6 =	vmul.f32 v60, v3;
	_ =	sdelay $0x1  }
0x3b2: {  	v6 =	vadd.f32 $0.0e+00, v6;
	v5 =	vmul.f32 v5, v4;
	_ =	sdelay $0x1  }
0x3b3: {  	v5 =	vadd.f32 v5, v6  }
0x3b4: {  	v61 =	vld [tilespmem:s9+$0x1650]  }
0x3b5: {  	[tilespmem:s9+$0x16640] =	vst v5  }
0x3b6: {  	v5 =	vld [tilespmem:s0+$0x250];
	_ =	sdelay $0x2  }
0x3b7: {  	v6 =	vmul.f32 v61, v3;
	_ =	sdelay $0x1  }
0x3b8: {  	v6 =	vadd.f32 $0.0e+00, v6;
	v5 =	vmul.f32 v5, v4;
	_ =	sdelay $0x1  }
0x3b9: {  	v5 =	vadd.f32 v5, v6  }
0x3ba: {  	v62 =	vld [tilespmem:s9+$0x1660]  }
0x3bb: {  	[tilespmem:s9+$0x16650] =	vst v5  }
0x3bc: {  	v5 =	vld [tilespmem:s0+$0x260];
	_ =	sdelay $0x2  }
0x3bd: {  	v6 =	vmul.f32 v62, v3;
	_ =	sdelay $0x1  }
0x3be: {  	v6 =	vadd.f32 $0.0e+00, v6;
	v5 =	vmul.f32 v5, v4;
	_ =	sdelay $0x1  }
0x3bf: {  	v5 =	vadd.f32 v5, v6  }
0x3c0: {  	v63 =	vld [tilespmem:s9+$0x1670]  }
0x3c1: {  	[tilespmem:s9+$0x16660] =	vst v5  }
0x3c2: {  	v5 =	vld [tilespmem:s0+$0x270];
	_ =	sdelay $0x2  }
0x3c3: {  	v3 =	vmul.f32 v63, v3  }
0x3c4: {  	p0 =	sne.s32 s29, $0x7E  }
.Ltmp3:
0x3c5: {  	v3 =	vadd.f32 $0.0e+00, v3;
	v4 =	vmul.f32 v5, v4;
	(pc) =	sbr.rel @p0 .LBB2_8-.Ltmp3, $3  }
0x3c6: {  	_ = 	snop  }
0x3c7: {  	v3 =	vadd.f32 v4, v3;
	_ =	sdelay $0x1  }
0x3c8: {  	s30 =	sadd.s32 $0x1, s30;
	s29 =	sadd.s32 $0x2, s29;
	s28 =	sadd.s32 $0x80, s28;
	[tilespmem:s9+$0x16670] =	vst v3  }
0x3c9: {  	[hbm4b:s18+s2] =	stream.linear.scatter [tilespmem:s25], [sflag:$0x2], $0x3000, $0x38;
	[tilespmem:$0x18200] =	vst v63  }
0x3ca: {  	s26 =	sadd.s32 $0x1, s26  }
0x3cb: {  	_ =	swait.ge [sflag:s6], $0x3000;
	p0 =	sne.s32 s26, s19  }
.Ltmp4:
0x3cc: {  	[sflag:s6] =	ssyncset.done $0x0;
	(pc) =	sbr.rel @p0 .LBB2_1-.Ltmp4, $4  }
0x3cd: {  	[sflag:s6] =	ssyncadd.s32 $0xFFFFD000  }
0x3ce: {  	_ =	swait.ge [sflag:s6], $0x3000  }
0x3cf: {  	[sflag:s6] =	ssyncset.done $0x0  }
0x3d0: {  	s10 =	simm.s32 $0x10;
	[sflag:s6] =	ssyncadd.s32 $0xFFFFD000  }
0x3d1: {  	_ =	sfence.sel $0x180000  }
0x3d2: {  	[bflag:$0x0] =	sbarrier.arrive $0xFFFF  }
0x3d3: {  	_ =	strace $0x9000004A  }
0x3d4: {  	s0 =	stileid.u32;
	[bflag:$0x2] =	sbarrier.arrive $0xFFFF  }
0x3d5: {  	p0 =	sne.s32 s0, $0x0;
	s0 =	rddreg [dreg:$0x2]  }
0x3d6: {  	s0 =	sadd.s32 @!p0 $0x100000, s0  }
0x3d7: {  	[sflag:s0] =	ssyncadd.tile.s32 @!p0 $0x1;
	_ =	shalt  }
.Lfunc_end2:
_tile_overlayer_lowered:
.L_overlay_start_2:
0x3d8: {  	(tag) =	ssettag $0x2  }
0x3d9: {  	s0 =	rddreg [dreg:$0x0];
	s2 =	stileid.u32  }
0x3da: {  	s1 =	rddreg [dreg:$0x1];
	p0 =	sne.s32 s2, $0x0  }
0x3db: {  	s3 =	rddreg [dreg:$0x2];
	[bflag:$0x3] =	sbarrier.arrive $0xFFFF;
	s2 =	simm.s32 @!p0 $0x1C03  }
0x3dc: {  	[timem:s3], [sflag:s2] =	dma.local @!p0 [hbm:s0], s1  }
0x3dd: {  	s0 =	simm.s32 @!p0 $0x3  }
0x3de: {  	_ =	swait.ge @!p0 [sflag:s0], s1  }
0x3df: {  	s1 =	ssub.s32 @!p0 $0x0, s1;
	[sflag:s0] =	ssyncset.done @!p0 $0x0  }
0x3e0: {  	[sflag:s0] =	ssyncadd.s32 @!p0 s1  }
0x3e1: {  	[bflag:$0x3] =	sbarrier.arrive $0xFFFF  }
0x3e2: {  	_ =	shalt  }

</sc_bundles>
